<compile_context>
chip_gen: v7x
topology: tpu7x:2x2x1
jax: 0.10.2.dev20260603
libtpu: 0.0.44.dev20260713+nightly
codegen_flags: <defaults>
</compile_context>

<pallas_src>
import functools

import jax
import jax.numpy as jnp
from jax import lax
from jax.experimental import pallas as pl
from jax.experimental.pallas import tpu as pltpu
from jax.experimental.pallas import tpu_sc as plsc

N = 100000
D = 128
HIDDEN = 256
OUT = 10
S = 512

CHUNK = 128
NW = 32
SC_CHUNKS = 768
CPT = SC_CHUNKS // NW
SC_ROWS = SC_CHUNKS * CHUNK
TAIL = 2048
TAIL_BLK = SC_ROWS // TAIL
ROWS_PER_TILE_OUT = S // 16


NBUF = 7


def _seg_sum_sc(x, ids, zeros):
    mesh = plsc.VectorSubcoreMesh(core_axis_name="c", subcore_axis_name="s")

    @functools.partial(
        pl.kernel,
        out_type=jax.ShapeDtypeStruct((2, S, D), jnp.float32),
        mesh=mesh,
        scratch_types=[
            pltpu.VMEM((NBUF, CHUNK, D), jnp.float32),
            pltpu.VMEM((CPT, 1, CHUNK), jnp.int32),
            pltpu.VMEM_SHARED((S, D), jnp.float32),
            pltpu.SemaphoreType.DMA((NBUF,)),
            pltpu.SemaphoreType.DMA,
            pltpu.SemaphoreType.DMA((NBUF,)),
            pltpu.SemaphoreType.DMA,
        ],
    )
    def seg_kernel(x_hbm, ids_hbm, zeros_hbm, out_hbm,
                   rows_v, idx_v, acc_sh, rsems, isem, ssems, sem0):
        cid = lax.axis_index("c")
        sid = lax.axis_index("s")
        wid = sid * 2 + cid
        c0 = wid * CPT

        def issue(s):
            b = s % NBUF
            pltpu.async_copy(
                x_hbm.at[pl.ds(pl.multiple_of((c0 + s) * CHUNK, CHUNK),
                               CHUNK), :],
                rows_v.at[b], rsems.at[b])

        def wait_staged(s):
            b = s % NBUF
            pltpu.make_async_copy(
                x_hbm.at[pl.ds(0, CHUNK), :], rows_v.at[b], rsems.at[b]
            ).wait()

        def scatter(s):
            b = s % NBUF
            pltpu.async_copy(rows_v.at[b], acc_sh.at[idx_v.at[s, 0]],
                             ssems.at[b], add=True)

        def wait_scatter(s):
            b = s % NBUF
            pltpu.make_async_copy(rows_v.at[b], acc_sh.at[idx_v.at[s, 0]],
                                  ssems.at[b]).wait()

        row0 = sid * ROWS_PER_TILE_OUT
        zdesc = pltpu.async_copy(
            zeros_hbm.at[pl.ds(row0, ROWS_PER_TILE_OUT), :],
            acc_sh.at[pl.ds(row0, ROWS_PER_TILE_OUT), :], sem0)
        for s in range(CPT):
            pltpu.async_copy(
                ids_hbm.at[pl.ds(pl.multiple_of((c0 + s) * CHUNK, CHUNK),
                                 CHUNK)],
                idx_v.at[s, 0], isem)
        for s in range(NBUF):
            issue(s)
        for s in range(CPT):
            pltpu.make_async_copy(
                ids_hbm.at[pl.ds(0, CHUNK)], idx_v.at[s, 0], isem).wait()
        zdesc.wait()
        plsc.subcore_barrier()

        for s in range(CPT):
            wait_staged(s)
            scatter(s)
            prev = s - 1
            nxt = prev + NBUF
            if prev >= 0 and nxt < CPT:
                wait_scatter(prev)
                issue(nxt)

        for s in range(max(CPT - NBUF, 0), CPT):
            wait_scatter(s)

        plsc.subcore_barrier()

        pltpu.sync_copy(acc_sh.at[pl.ds(row0, ROWS_PER_TILE_OUT), :],
                        out_hbm.at[cid, pl.ds(row0, ROWS_PER_TILE_OUT), :])

    return seg_kernel(x, ids, zeros)


TC_BLOCK = 512
TC_BLOCKS = TAIL // TC_BLOCK
TC_BASE = SC_ROWS // TC_BLOCK


def _pool_tc(x, ids2d):

    def pool_kernel(ids_ref, x_ref, o_ref):
        j = pl.program_id(0)
        rows = x_ref[...]
        gidx = SC_ROWS + j * TC_BLOCK + lax.broadcasted_iota(
            jnp.int32, (TC_BLOCK, D), 0)
        rows = jnp.where(gidx < N, rows, 0.0)
        hi = rows.astype(jnp.bfloat16)
        lo = (rows - hi.astype(jnp.float32)).astype(jnp.bfloat16)
        ids = ids_ref[...]
        cidx = SC_ROWS + j * TC_BLOCK + lax.broadcasted_iota(
            jnp.int32, (1, TC_BLOCK), 1)
        ids = jnp.where(cidx < N, ids, S)
        seg = lax.broadcasted_iota(jnp.int32, (S, TC_BLOCK), 0)
        oneh = (ids == seg).astype(jnp.bfloat16)
        acc = (jnp.dot(oneh, hi, preferred_element_type=jnp.float32)
               + jnp.dot(oneh, lo, preferred_element_type=jnp.float32))

        @pl.when(j == 0)
        def _():
            o_ref[...] = acc

        @pl.when(j > 0)
        def _():
            o_ref[...] += acc

    return pl.pallas_call(
        pool_kernel,
        grid=(TC_BLOCKS,),
        in_specs=[
            pl.BlockSpec((1, TC_BLOCK), lambda j: (0, TC_BASE + j)),
            pl.BlockSpec((TC_BLOCK, D), lambda j: (TC_BASE + j, 0)),
        ],
        out_specs=pl.BlockSpec((S, D), lambda j: (0, 0)),
        out_shape=jax.ShapeDtypeStruct((S, D), jnp.float32),
    )(ids2d, x)


def _mlp_tc(sc_partials, tc_partial, W1, b1, W2, b2):

    def mlp_kernel(p_ref, t_ref, W1_ref, b1_ref, W2_ref, b2_ref, o_ref):
        pooled = p_ref[0] + p_ref[1] + t_ref[...]
        h = jnp.dot(pooled, W1_ref[...], preferred_element_type=jnp.float32)
        h = jnp.maximum(h + b1_ref[...][None, :], 0.0)
        logits = jnp.dot(h, W2_ref[...], preferred_element_type=jnp.float32)
        logits = logits + b2_ref[...][None, :]
        m = jnp.max(logits, axis=-1, keepdims=True)
        shifted = logits - m
        lse = jnp.log(jnp.sum(jnp.exp(shifted), axis=-1, keepdims=True))
        o_ref[...] = shifted - lse

    return pl.pallas_call(
        mlp_kernel,
        out_shape=jax.ShapeDtypeStruct((S, OUT), jnp.float32),
    )(sc_partials, tc_partial, W1, b1, W2, b2)


def kernel(x, batch, W1, b1, W2, b2):
    ids = batch.astype(jnp.int32)
    zeros = jnp.zeros((S, D), dtype=jnp.float32)
    sc_partials = _seg_sum_sc(x, ids, zeros)
    tc_partial = _pool_tc(x, ids.reshape(1, N))
    return _mlp_tc(sc_partials, tc_partial, W1, b1, W2, b2)

# --- scband reference (transcript-rebuilt; emitter-appended) ---
"""Pipeline reference for scband-sdgnn-c1-44925357916556 (READ-ONLY COPY).

The authoritative reference and input builder live on the scoring server;
editing this copy changes nothing except your own understanding.
"""

import jax, jax.numpy as jnp
import numpy as np

N = 100000
D = 128
HIDDEN = 256
OUT = 10
NUM_GRAPHS = 512


def setup_inputs(seed: int = 0) -> dict:
    key = jax.random.key(seed)
    k1, k2, k3, k4, k5, k6 = jax.random.split(key, 6)
    x = jax.random.normal(k1, (N, D), dtype=jnp.float32)
    batch = jnp.sort(jax.random.randint(k2, (N,), 0, NUM_GRAPHS, dtype=jnp.int64))
    # MLP decoder params: num_layers=2 -> Linear(D, HIDDEN), ReLU, Linear(HIDDEN, OUT)
    W1 = jax.random.normal(k3, (D, HIDDEN), dtype=jnp.float32) * (1.0 / np.sqrt(D))
    b1 = jnp.zeros((HIDDEN,), dtype=jnp.float32)
    W2 = jax.random.normal(k4, (HIDDEN, OUT), dtype=jnp.float32) * (1.0 / np.sqrt(HIDDEN))
    b2 = jnp.zeros((OUT,), dtype=jnp.float32)
    return {"x": x, "batch": batch, "W1": W1, "b1": b1, "W2": W2, "b2": b2}


def reference(x, batch, W1, b1, W2, b2):
    # global_add_pool: sum node features per graph id
    pooled = jax.ops.segment_sum(x, batch, num_segments=NUM_GRAPHS)
    # MLP decoder (dropout=0.0 / eval mode, batch_norm disabled in config)
    h = jnp.maximum(pooled @ W1 + b1, 0.0)
    logits = h @ W2 + b2
    return jax.nn.log_softmax(logits, axis=-1)

if __name__ == "__main__":
    import jax
    _d = setup_inputs()
    print(jax.jit(kernel)(*tuple(_d.values())))

</pallas_src>

<mosaic_0001>
#map = affine_map<(d0, d1) -> (0, 0)>
#map1 = affine_map<(d0, d1) -> (0)>
#map2 = affine_map<(d0, d1) -> (0, 0, 0)>
module attributes {stable_mosaic.version = 14 : i64} {
  func.func @seg_kernel(%arg0: i32, %arg1: i32, %arg2: memref<100000x128xf32, #tpu.memory_space<hbm>>, %arg3: memref<100000xi32, #tpu.memory_space<hbm>>, %arg4: memref<512x128xf32, #tpu.memory_space<hbm>>, %arg5: memref<2x512x128xf32, #tpu.memory_space<hbm>>, %arg6: memref<7x128x128xf32, #tpu.memory_space<vmem>>, %arg7: memref<24x1x128xi32, #tpu.memory_space<vmem>>, %arg8: memref<512x128xf32, #tpu.memory_space<vmem_shared>>, %arg9: memref<7x!tpu.dma_semaphore, #tpu.memory_space<semaphore_mem>>, %arg10: memref<!tpu.dma_semaphore, #tpu.memory_space<semaphore_mem>>, %arg11: memref<7x!tpu.dma_semaphore, #tpu.memory_space<semaphore_mem>>, %arg12: memref<!tpu.dma_semaphore, #tpu.memory_space<semaphore_mem>>) attributes {dimension_semantics = [#tpu.dimension_semantics<core_parallel>, #tpu.dimension_semantics<subcore_parallel>], iteration_bounds = array<i64: 2, 16>, scalar_prefetch = 0 : i64, scratch_operands = 7 : i64, tpu.core_type = #tpu.core_type<sc_vector_subcore>, window_params = [{transform_indices = #map}, {transform_indices = #map1}, {transform_indices = #map}, {transform_indices = #map2}]} {
    %mul3A = arith.constant 2 : i32
    %mul3A_0 = arith.muli %arg1, %mul3A : i32
    %add3A = arith.addi %mul3A_0, %arg0 : i32
    %mul3A_1 = arith.constant 24 : i32
    %mul3A_2 = arith.muli %add3A, %mul3A_1 : i32
    %mul3A_3 = arith.constant 32 : i32
    %mul3A_4 = arith.muli %arg1, %mul3A_3 : i32
    %dma_start3A = arith.constant 0 : i32
    %dma_start3A_5 = tpu.memref_slice %arg8[%mul3A_4, %dma_start3A] : memref<512x128xf32, #tpu.memory_space<vmem_shared>> -> memref<32x128xf32, #tpu.memory_space<vmem_shared>>
    %dma_start3A_6 = arith.constant 0 : i32
    %dma_start3A_7 = tpu.memref_slice %arg4[%mul3A_4, %dma_start3A_6] : memref<512x128xf32, #tpu.memory_space<hbm>> -> memref<32x128xf32, #tpu.memory_space<hbm>>
    tpu.enqueue_dma source(%dma_start3A_7 : memref<32x128xf32, #tpu.memory_space<hbm>>) target(%dma_start3A_5 : memref<32x128xf32, #tpu.memory_space<vmem_shared>>) target_semaphore(%arg12 : memref<!tpu.dma_semaphore, #tpu.memory_space<semaphore_mem>>)
    %add3A_8 = arith.constant 0 : i32
    %add3A_9 = arith.addi %mul3A_2, %add3A_8 : i32
    %mul3A_10 = arith.constant 128 : i32
    %mul3A_11 = arith.muli %add3A_9, %mul3A_10 : i32
    %multiple_of3A = tpu.assume_multiple %mul3A_11, 128 : i32
    %dma_start3A_12 = arith.constant 0 : i32
    %dma_start3A_13 = arith.constant 0 : i32
    %dma_start3A_14 = arith.constant 0 : i32
    %dma_start3A_15 = tpu.memref_slice %arg7[%dma_start3A_12, %dma_start3A_13, %dma_start3A_14] : memref<24x1x128xi32, #tpu.memory_space<vmem>> -> memref<1x1x128xi32, #tpu.memory_space<vmem>>
    %dma_start3A_16 = tpu.memref_squeeze %dma_start3A_15 : memref<1x1x128xi32, #tpu.memory_space<vmem>> -> memref<128xi32, #tpu.memory_space<vmem>>
    %dma_start3A_17 = tpu.memref_slice %arg3[%multiple_of3A] : memref<100000xi32, #tpu.memory_space<hbm>> -> memref<128xi32, #tpu.memory_space<hbm>>
    %dma_start3A_18 = arith.constant 0 : i32
    %dma_start3A_19 = tpu.memref_slice %arg7[%dma_start3A_12, %dma_start3A_13, %dma_start3A_18] : memref<24x1x128xi32, #tpu.memory_space<vmem>> -> memref<1x1x128xi32, #tpu.memory_space<vmem>>
    %dma_start3A_20 = tpu.memref_squeeze %dma_start3A_19 : memref<1x1x128xi32, #tpu.memory_space<vmem>> -> memref<128xi32, #tpu.memory_space<vmem>>
    %dma_start3A_21 = tpu.memref_slice %arg3[%multiple_of3A] : memref<100000xi32, #tpu.memory_space<hbm>> -> memref<128xi32, #tpu.memory_space<hbm>>
    tpu.enqueue_dma source(%dma_start3A_21 : memref<128xi32, #tpu.memory_space<hbm>>) target(%dma_start3A_20 : memref<128xi32, #tpu.memory_space<vmem>>) target_semaphore(%arg10 : memref<!tpu.dma_semaphore, #tpu.memory_space<semaphore_mem>>)
    %add3A_22 = arith.constant 1 : i32
    %add3A_23 = arith.addi %mul3A_2, %add3A_22 : i32
    %mul3A_24 = arith.constant 128 : i32
    %mul3A_25 = arith.muli %add3A_23, %mul3A_24 : i32
    %multiple_of3A_26 = tpu.assume_multiple %mul3A_25, 128 : i32
    %dma_start3A_27 = arith.constant 1 : i32
    %dma_start3A_28 = arith.constant 0 : i32
    %dma_start3A_29 = arith.constant 0 : i32
    %dma_start3A_30 = tpu.memref_slice %arg7[%dma_start3A_27, %dma_start3A_28, %dma_start3A_29] : memref<24x1x128xi32, #tpu.memory_space<vmem>> -> memref<1x1x128xi32, #tpu.memory_space<vmem>>
    %dma_start3A_31 = tpu.memref_squeeze %dma_start3A_30 : memref<1x1x128xi32, #tpu.memory_space<vmem>> -> memref<128xi32, #tpu.memory_space<vmem>>
    %dma_start3A_32 = tpu.memref_slice %arg3[%multiple_of3A_26] : memref<100000xi32, #tpu.memory_space<hbm>> -> memref<128xi32, #tpu.memory_space<hbm>>
    %dma_start3A_33 = arith.constant 0 : i32
    %dma_start3A_34 = tpu.memref_slice %arg7[%dma_start3A_27, %dma_start3A_28, %dma_start3A_33] : memref<24x1x128xi32, #tpu.memory_space<vmem>> -> memref<1x1x128xi32, #tpu.memory_space<vmem>>
    %dma_start3A_35 = tpu.memref_squeeze %dma_start3A_34 : memref<1x1x128xi32, #tpu.memory_space<vmem>> -> memref<128xi32, #tpu.memory_space<vmem>>
    %dma_start3A_36 = tpu.memref_slice %arg3[%multiple_of3A_26] : memref<100000xi32, #tpu.memory_space<hbm>> -> memref<128xi32, #tpu.memory_space<hbm>>
    tpu.enqueue_dma source(%dma_start3A_36 : memref<128xi32, #tpu.memory_space<hbm>>) target(%dma_start3A_35 : memref<128xi32, #tpu.memory_space<vmem>>) target_semaphore(%arg10 : memref<!tpu.dma_semaphore, #tpu.memory_space<semaphore_mem>>)
    %add3A_37 = arith.constant 2 : i32
    %add3A_38 = arith.addi %mul3A_2, %add3A_37 : i32
    %mul3A_39 = arith.constant 128 : i32
    %mul3A_40 = arith.muli %add3A_38, %mul3A_39 : i32
    %multiple_of3A_41 = tpu.assume_multiple %mul3A_40, 128 : i32
    %dma_start3A_42 = arith.constant 2 : i32
    %dma_start3A_43 = arith.constant 0 : i32
    %dma_start3A_44 = arith.constant 0 : i32
    %dma_start3A_45 = tpu.memref_slice %arg7[%dma_start3A_42, %dma_start3A_43, %dma_start3A_44] : memref<24x1x128xi32, #tpu.memory_space<vmem>> -> memref<1x1x128xi32, #tpu.memory_space<vmem>>
    %dma_start3A_46 = tpu.memref_squeeze %dma_start3A_45 : memref<1x1x128xi32, #tpu.memory_space<vmem>> -> memref<128xi32, #tpu.memory_space<vmem>>
    %dma_start3A_47 = tpu.memref_slice %arg3[%multiple_of3A_41] : memref<100000xi32, #tpu.memory_space<hbm>> -> memref<128xi32, #tpu.memory_space<hbm>>
    %dma_start3A_48 = arith.constant 0 : i32
    %dma_start3A_49 = tpu.memref_slice %arg7[%dma_start3A_42, %dma_start3A_43, %dma_start3A_48] : memref<24x1x128xi32, #tpu.memory_space<vmem>> -> memref<1x1x128xi32, #tpu.memory_space<vmem>>
    %dma_start3A_50 = tpu.memref_squeeze %dma_start3A_49 : memref<1x1x128xi32, #tpu.memory_space<vmem>> -> memref<128xi32, #tpu.memory_space<vmem>>
    %dma_start3A_51 = tpu.memref_slice %arg3[%multiple_of3A_41] : memref<100000xi32, #tpu.memory_space<hbm>> -> memref<128xi32, #tpu.memory_space<hbm>>
    tpu.enqueue_dma source(%dma_start3A_51 : memref<128xi32, #tpu.memory_space<hbm>>) target(%dma_start3A_50 : memref<128xi32, #tpu.memory_space<vmem>>) target_semaphore(%arg10 : memref<!tpu.dma_semaphore, #tpu.memory_space<semaphore_mem>>)
    %add3A_52 = arith.constant 3 : i32
    %add3A_53 = arith.addi %mul3A_2, %add3A_52 : i32
    %mul3A_54 = arith.constant 128 : i32
    %mul3A_55 = arith.muli %add3A_53, %mul3A_54 : i32
    %multiple_of3A_56 = tpu.assume_multiple %mul3A_55, 128 : i32
    %dma_start3A_57 = arith.constant 3 : i32
    %dma_start3A_58 = arith.constant 0 : i32
    %dma_start3A_59 = arith.constant 0 : i32
    %dma_start3A_60 = tpu.memref_slice %arg7[%dma_start3A_57, %dma_start3A_58, %dma_start3A_59] : memref<24x1x128xi32, #tpu.memory_space<vmem>> -> memref<1x1x128xi32, #tpu.memory_space<vmem>>
    %dma_start3A_61 = tpu.memref_squeeze %dma_start3A_60 : memref<1x1x128xi32, #tpu.memory_space<vmem>> -> memref<128xi32, #tpu.memory_space<vmem>>
    %dma_start3A_62 = tpu.memref_slice %arg3[%multiple_of3A_56] : memref<100000xi32, #tpu.memory_space<hbm>> -> memref<128xi32, #tpu.memory_space<hbm>>
    %dma_start3A_63 = arith.constant 0 : i32
    %dma_start3A_64 = tpu.memref_slice %arg7[%dma_start3A_57, %dma_start3A_58, %dma_start3A_63] : memref<24x1x128xi32, #tpu.memory_space<vmem>> -> memref<1x1x128xi32, #tpu.memory_space<vmem>>
    %dma_start3A_65 = tpu.memref_squeeze %dma_start3A_64 : memref<1x1x128xi32, #tpu.memory_space<vmem>> -> memref<128xi32, #tpu.memory_space<vmem>>
    %dma_start3A_66 = tpu.memref_slice %arg3[%multiple_of3A_56] : memref<100000xi32, #tpu.memory_space<hbm>> -> memref<128xi32, #tpu.memory_space<hbm>>
    tpu.enqueue_dma source(%dma_start3A_66 : memref<128xi32, #tpu.memory_space<hbm>>) target(%dma_start3A_65 : memref<128xi32, #tpu.memory_space<vmem>>) target_semaphore(%arg10 : memref<!tpu.dma_semaphore, #tpu.memory_space<semaphore_mem>>)
    %add3A_67 = arith.constant 4 : i32
    %add3A_68 = arith.addi %mul3A_2, %add3A_67 : i32
    %mul3A_69 = arith.constant 128 : i32
    %mul3A_70 = arith.muli %add3A_68, %mul3A_69 : i32
    %multiple_of3A_71 = tpu.assume_multiple %mul3A_70, 128 : i32
    %dma_start3A_72 = arith.constant 4 : i32
    %dma_start3A_73 = arith.constant 0 : i32
    %dma_start3A_74 = arith.constant 0 : i32
    %dma_start3A_75 = tpu.memref_slice %arg7[%dma_start3A_72, %dma_start3A_73, %dma_start3A_74] : memref<24x1x128xi32, #tpu.memory_space<vmem>> -> memref<1x1x128xi32, #tpu.memory_space<vmem>>
    %dma_start3A_76 = tpu.memref_squeeze %dma_start3A_75 : memref<1x1x128xi32, #tpu.memory_space<vmem>> -> memref<128xi32, #tpu.memory_space<vmem>>
    %dma_start3A_77 = tpu.memref_slice %arg3[%multiple_of3A_71] : memref<100000xi32, #tpu.memory_space<hbm>> -> memref<128xi32, #tpu.memory_space<hbm>>
    %dma_start3A_78 = arith.constant 0 : i32
    %dma_start3A_79 = tpu.memref_slice %arg7[%dma_start3A_72, %dma_start3A_73, %dma_start3A_78] : memref<24x1x128xi32, #tpu.memory_space<vmem>> -> memref<1x1x128xi32, #tpu.memory_space<vmem>>
    %dma_start3A_80 = tpu.memref_squeeze %dma_start3A_79 : memref<1x1x128xi32, #tpu.memory_space<vmem>> -> memref<128xi32, #tpu.memory_space<vmem>>
    %dma_start3A_81 = tpu.memref_slice %arg3[%multiple_of3A_71] : memref<100000xi32, #tpu.memory_space<hbm>> -> memref<128xi32, #tpu.memory_space<hbm>>
    tpu.enqueue_dma source(%dma_start3A_81 : memref<128xi32, #tpu.memory_space<hbm>>) target(%dma_start3A_80 : memref<128xi32, #tpu.memory_space<vmem>>) target_semaphore(%arg10 : memref<!tpu.dma_semaphore, #tpu.memory_space<semaphore_mem>>)
    %add3A_82 = arith.constant 5 : i32
    %add3A_83 = arith.addi %mul3A_2, %add3A_82 : i32
    %mul3A_84 = arith.constant 128 : i32
    %mul3A_85 = arith.muli %add3A_83, %mul3A_84 : i32
    %multiple_of3A_86 = tpu.assume_multiple %mul3A_85, 128 : i32
    %dma_start3A_87 = arith.constant 5 : i32
    %dma_start3A_88 = arith.constant 0 : i32
    %dma_start3A_89 = arith.constant 0 : i32
    %dma_start3A_90 = tpu.memref_slice %arg7[%dma_start3A_87, %dma_start3A_88, %dma_start3A_89] : memref<24x1x128xi32, #tpu.memory_space<vmem>> -> memref<1x1x128xi32, #tpu.memory_space<vmem>>
    %dma_start3A_91 = tpu.memref_squeeze %dma_start3A_90 : memref<1x1x128xi32, #tpu.memory_space<vmem>> -> memref<128xi32, #tpu.memory_space<vmem>>
    %dma_start3A_92 = tpu.memref_slice %arg3[%multiple_of3A_86] : memref<100000xi32, #tpu.memory_space<hbm>> -> memref<128xi32, #tpu.memory_space<hbm>>
    %dma_start3A_93 = arith.constant 0 : i32
    %dma_start3A_94 = tpu.memref_slice %arg7[%dma_start3A_87, %dma_start3A_88, %dma_start3A_93] : memref<24x1x128xi32, #tpu.memory_space<vmem>> -> memref<1x1x128xi32, #tpu.memory_space<vmem>>
    %dma_start3A_95 = tpu.memref_squeeze %dma_start3A_94 : memref<1x1x128xi32, #tpu.memory_space<vmem>> -> memref<128xi32, #tpu.memory_space<vmem>>
    %dma_start3A_96 = tpu.memref_slice %arg3[%multiple_of3A_86] : memref<100000xi32, #tpu.memory_space<hbm>> -> memref<128xi32, #tpu.memory_space<hbm>>
    tpu.enqueue_dma source(%dma_start3A_96 : memref<128xi32, #tpu.memory_space<hbm>>) target(%dma_start3A_95 : memref<128xi32, #tpu.memory_space<vmem>>) target_semaphore(%arg10 : memref<!tpu.dma_semaphore, #tpu.memory_space<semaphore_mem>>)
    %add3A_97 = arith.constant 6 : i32
    %add3A_98 = arith.addi %mul3A_2, %add3A_97 : i32
    %mul3A_99 = arith.constant 128 : i32
    %mul3A_100 = arith.muli %add3A_98, %mul3A_99 : i32
    %multiple_of3A_101 = tpu.assume_multiple %mul3A_100, 128 : i32
    %dma_start3A_102 = arith.constant 6 : i32
    %dma_start3A_103 = arith.constant 0 : i32
    %dma_start3A_104 = arith.constant 0 : i32
    %dma_start3A_105 = tpu.memref_slice %arg7[%dma_start3A_102, %dma_start3A_103, %dma_start3A_104] : memref<24x1x128xi32, #tpu.memory_space<vmem>> -> memref<1x1x128xi32, #tpu.memory_space<vmem>>
    %dma_start3A_106 = tpu.memref_squeeze %dma_start3A_105 : memref<1x1x128xi32, #tpu.memory_space<vmem>> -> memref<128xi32, #tpu.memory_space<vmem>>
    %dma_start3A_107 = tpu.memref_slice %arg3[%multiple_of3A_101] : memref<100000xi32, #tpu.memory_space<hbm>> -> memref<128xi32, #tpu.memory_space<hbm>>
    %dma_start3A_108 = arith.constant 0 : i32
    %dma_start3A_109 = tpu.memref_slice %arg7[%dma_start3A_102, %dma_start3A_103, %dma_start3A_108] : memref<24x1x128xi32, #tpu.memory_space<vmem>> -> memref<1x1x128xi32, #tpu.memory_space<vmem>>
    %dma_start3A_110 = tpu.memref_squeeze %dma_start3A_109 : memref<1x1x128xi32, #tpu.memory_space<vmem>> -> memref<128xi32, #tpu.memory_space<vmem>>
    %dma_start3A_111 = tpu.memref_slice %arg3[%multiple_of3A_101] : memref<100000xi32, #tpu.memory_space<hbm>> -> memref<128xi32, #tpu.memory_space<hbm>>
    tpu.enqueue_dma source(%dma_start3A_111 : memref<128xi32, #tpu.memory_space<hbm>>) target(%dma_start3A_110 : memref<128xi32, #tpu.memory_space<vmem>>) target_semaphore(%arg10 : memref<!tpu.dma_semaphore, #tpu.memory_space<semaphore_mem>>)
    %add3A_112 = arith.constant 7 : i32
    %add3A_113 = arith.addi %mul3A_2, %add3A_112 : i32
    %mul3A_114 = arith.constant 128 : i32
    %mul3A_115 = arith.muli %add3A_113, %mul3A_114 : i32
    %multiple_of3A_116 = tpu.assume_multiple %mul3A_115, 128 : i32
    %dma_start3A_117 = arith.constant 7 : i32
    %dma_start3A_118 = arith.constant 0 : i32
    %dma_start3A_119 = arith.constant 0 : i32
    %dma_start3A_120 = tpu.memref_slice %arg7[%dma_start3A_117, %dma_start3A_118, %dma_start3A_119] : memref<24x1x128xi32, #tpu.memory_space<vmem>> -> memref<1x1x128xi32, #tpu.memory_space<vmem>>
    %dma_start3A_121 = tpu.memref_squeeze %dma_start3A_120 : memref<1x1x128xi32, #tpu.memory_space<vmem>> -> memref<128xi32, #tpu.memory_space<vmem>>
    %dma_start3A_122 = tpu.memref_slice %arg3[%multiple_of3A_116] : memref<100000xi32, #tpu.memory_space<hbm>> -> memref<128xi32, #tpu.memory_space<hbm>>
    %dma_start3A_123 = arith.constant 0 : i32
    %dma_start3A_124 = tpu.memref_slice %arg7[%dma_start3A_117, %dma_start3A_118, %dma_start3A_123] : memref<24x1x128xi32, #tpu.memory_space<vmem>> -> memref<1x1x128xi32, #tpu.memory_space<vmem>>
    %dma_start3A_125 = tpu.memref_squeeze %dma_start3A_124 : memref<1x1x128xi32, #tpu.memory_space<vmem>> -> memref<128xi32, #tpu.memory_space<vmem>>
    %dma_start3A_126 = tpu.memref_slice %arg3[%multiple_of3A_116] : memref<100000xi32, #tpu.memory_space<hbm>> -> memref<128xi32, #tpu.memory_space<hbm>>
    tpu.enqueue_dma source(%dma_start3A_126 : memref<128xi32, #tpu.memory_space<hbm>>) target(%dma_start3A_125 : memref<128xi32, #tpu.memory_space<vmem>>) target_semaphore(%arg10 : memref<!tpu.dma_semaphore, #tpu.memory_space<semaphore_mem>>)
    %add3A_127 = arith.constant 8 : i32
    %add3A_128 = arith.addi %mul3A_2, %add3A_127 : i32
    %mul3A_129 = arith.constant 128 : i32
    %mul3A_130 = arith.muli %add3A_128, %mul3A_129 : i32
    %multiple_of3A_131 = tpu.assume_multiple %mul3A_130, 128 : i32
    %dma_start3A_132 = arith.constant 8 : i32
    %dma_start3A_133 = arith.constant 0 : i32
    %dma_start3A_134 = arith.constant 0 : i32
    %dma_start3A_135 = tpu.memref_slice %arg7[%dma_start3A_132, %dma_start3A_133, %dma_start3A_134] : memref<24x1x128xi32, #tpu.memory_space<vmem>> -> memref<1x1x128xi32, #tpu.memory_space<vmem>>
    %dma_start3A_136 = tpu.memref_squeeze %dma_start3A_135 : memref<1x1x128xi32, #tpu.memory_space<vmem>> -> memref<128xi32, #tpu.memory_space<vmem>>
    %dma_start3A_137 = tpu.memref_slice %arg3[%multiple_of3A_131] : memref<100000xi32, #tpu.memory_space<hbm>> -> memref<128xi32, #tpu.memory_space<hbm>>
    %dma_start3A_138 = arith.constant 0 : i32
    %dma_start3A_139 = tpu.memref_slice %arg7[%dma_start3A_132, %dma_start3A_133, %dma_start3A_138] : memref<24x1x128xi32, #tpu.memory_space<vmem>> -> memref<1x1x128xi32, #tpu.memory_space<vmem>>
    %dma_start3A_140 = tpu.memref_squeeze %dma_start3A_139 : memref<1x1x128xi32, #tpu.memory_space<vmem>> -> memref<128xi32, #tpu.memory_space<vmem>>
    %dma_start3A_141 = tpu.memref_slice %arg3[%multiple_of3A_131] : memref<100000xi32, #tpu.memory_space<hbm>> -> memref<128xi32, #tpu.memory_space<hbm>>
    tpu.enqueue_dma source(%dma_start3A_141 : memref<128xi32, #tpu.memory_space<hbm>>) target(%dma_start3A_140 : memref<128xi32, #tpu.memory_space<vmem>>) target_semaphore(%arg10 : memref<!tpu.dma_semaphore, #tpu.memory_space<semaphore_mem>>)
    %add3A_142 = arith.constant 9 : i32
    %add3A_143 = arith.addi %mul3A_2, %add3A_142 : i32
    %mul3A_144 = arith.constant 128 : i32
    %mul3A_145 = arith.muli %add3A_143, %mul3A_144 : i32
    %multiple_of3A_146 = tpu.assume_multiple %mul3A_145, 128 : i32
    %dma_start3A_147 = arith.constant 9 : i32
    %dma_start3A_148 = arith.constant 0 : i32
    %dma_start3A_149 = arith.constant 0 : i32
    %dma_start3A_150 = tpu.memref_slice %arg7[%dma_start3A_147, %dma_start3A_148, %dma_start3A_149] : memref<24x1x128xi32, #tpu.memory_space<vmem>> -> memref<1x1x128xi32, #tpu.memory_space<vmem>>
    %dma_start3A_151 = tpu.memref_squeeze %dma_start3A_150 : memref<1x1x128xi32, #tpu.memory_space<vmem>> -> memref<128xi32, #tpu.memory_space<vmem>>
    %dma_start3A_152 = tpu.memref_slice %arg3[%multiple_of3A_146] : memref<100000xi32, #tpu.memory_space<hbm>> -> memref<128xi32, #tpu.memory_space<hbm>>
    %dma_start3A_153 = arith.constant 0 : i32
    %dma_start3A_154 = tpu.memref_slice %arg7[%dma_start3A_147, %dma_start3A_148, %dma_start3A_153] : memref<24x1x128xi32, #tpu.memory_space<vmem>> -> memref<1x1x128xi32, #tpu.memory_space<vmem>>
    %dma_start3A_155 = tpu.memref_squeeze %dma_start3A_154 : memref<1x1x128xi32, #tpu.memory_space<vmem>> -> memref<128xi32, #tpu.memory_space<vmem>>
    %dma_start3A_156 = tpu.memref_slice %arg3[%multiple_of3A_146] : memref<100000xi32, #tpu.memory_space<hbm>> -> memref<128xi32, #tpu.memory_space<hbm>>
    tpu.enqueue_dma source(%dma_start3A_156 : memref<128xi32, #tpu.memory_space<hbm>>) target(%dma_start3A_155 : memref<128xi32, #tpu.memory_space<vmem>>) target_semaphore(%arg10 : memref<!tpu.dma_semaphore, #tpu.memory_space<semaphore_mem>>)
    %add3A_157 = arith.constant 10 : i32
    %add3A_158 = arith.addi %mul3A_2, %add3A_157 : i32
    %mul3A_159 = arith.constant 128 : i32
    %mul3A_160 = arith.muli %add3A_158, %mul3A_159 : i32
    %multiple_of3A_161 = tpu.assume_multiple %mul3A_160, 128 : i32
    %dma_start3A_162 = arith.constant 10 : i32
    %dma_start3A_163 = arith.constant 0 : i32
    %dma_start3A_164 = arith.constant 0 : i32
    %dma_start3A_165 = tpu.memref_slice %arg7[%dma_start3A_162, %dma_start3A_163, %dma_start3A_164] : memref<24x1x128xi32, #tpu.memory_space<vmem>> -> memref<1x1x128xi32, #tpu.memory_space<vmem>>
    %dma_start3A_166 = tpu.memref_squeeze %dma_start3A_165 : memref<1x1x128xi32, #tpu.memory_space<vmem>> -> memref<128xi32, #tpu.memory_space<vmem>>
    %dma_start3A_167 = tpu.memref_slice %arg3[%multiple_of3A_161] : memref<100000xi32, #tpu.memory_space<hbm>> -> memref<128xi32, #tpu.memory_space<hbm>>
    %dma_start3A_168 = arith.constant 0 : i32
    %dma_start3A_169 = tpu.memref_slice %arg7[%dma_start3A_162, %dma_start3A_163, %dma_start3A_168] : memref<24x1x128xi32, #tpu.memory_space<vmem>> -> memref<1x1x128xi32, #tpu.memory_space<vmem>>
    %dma_start3A_170 = tpu.memref_squeeze %dma_start3A_169 : memref<1x1x128xi32, #tpu.memory_space<vmem>> -> memref<128xi32, #tpu.memory_space<vmem>>
    %dma_start3A_171 = tpu.memref_slice %arg3[%multiple_of3A_161] : memref<100000xi32, #tpu.memory_space<hbm>> -> memref<128xi32, #tpu.memory_space<hbm>>
    tpu.enqueue_dma source(%dma_start3A_171 : memref<128xi32, #tpu.memory_space<hbm>>) target(%dma_start3A_170 : memref<128xi32, #tpu.memory_space<vmem>>) target_semaphore(%arg10 : memref<!tpu.dma_semaphore, #tpu.memory_space<semaphore_mem>>)
    %add3A_172 = arith.constant 11 : i32
    %add3A_173 = arith.addi %mul3A_2, %add3A_172 : i32
    %mul3A_174 = arith.constant 128 : i32
    %mul3A_175 = arith.muli %add3A_173, %mul3A_174 : i32
    %multiple_of3A_176 = tpu.assume_multiple %mul3A_175, 128 : i32
    %dma_start3A_177 = arith.constant 11 : i32
    %dma_start3A_178 = arith.constant 0 : i32
    %dma_start3A_179 = arith.constant 0 : i32
    %dma_start3A_180 = tpu.memref_slice %arg7[%dma_start3A_177, %dma_start3A_178, %dma_start3A_179] : memref<24x1x128xi32, #tpu.memory_space<vmem>> -> memref<1x1x128xi32, #tpu.memory_space<vmem>>
    %dma_start3A_181 = tpu.memref_squeeze %dma_start3A_180 : memref<1x1x128xi32, #tpu.memory_space<vmem>> -> memref<128xi32, #tpu.memory_space<vmem>>
    %dma_start3A_182 = tpu.memref_slice %arg3[%multiple_of3A_176] : memref<100000xi32, #tpu.memory_space<hbm>> -> memref<128xi32, #tpu.memory_space<hbm>>
    %dma_start3A_183 = arith.constant 0 : i32
    %dma_start3A_184 = tpu.memref_slice %arg7[%dma_start3A_177, %dma_start3A_178, %dma_start3A_183] : memref<24x1x128xi32, #tpu.memory_space<vmem>> -> memref<1x1x128xi32, #tpu.memory_space<vmem>>
    %dma_start3A_185 = tpu.memref_squeeze %dma_start3A_184 : memref<1x1x128xi32, #tpu.memory_space<vmem>> -> memref<128xi32, #tpu.memory_space<vmem>>
    %dma_start3A_186 = tpu.memref_slice %arg3[%multiple_of3A_176] : memref<100000xi32, #tpu.memory_space<hbm>> -> memref<128xi32, #tpu.memory_space<hbm>>
    tpu.enqueue_dma source(%dma_start3A_186 : memref<128xi32, #tpu.memory_space<hbm>>) target(%dma_start3A_185 : memref<128xi32, #tpu.memory_space<vmem>>) target_semaphore(%arg10 : memref<!tpu.dma_semaphore, #tpu.memory_space<semaphore_mem>>)
    %add3A_187 = arith.constant 12 : i32
    %add3A_188 = arith.addi %mul3A_2, %add3A_187 : i32
    %mul3A_189 = arith.constant 128 : i32
    %mul3A_190 = arith.muli %add3A_188, %mul3A_189 : i32
    %multiple_of3A_191 = tpu.assume_multiple %mul3A_190, 128 : i32
    %dma_start3A_192 = arith.constant 12 : i32
    %dma_start3A_193 = arith.constant 0 : i32
    %dma_start3A_194 = arith.constant 0 : i32
    %dma_start3A_195 = tpu.memref_slice %arg7[%dma_start3A_192, %dma_start3A_193, %dma_start3A_194] : memref<24x1x128xi32, #tpu.memory_space<vmem>> -> memref<1x1x128xi32, #tpu.memory_space<vmem>>
    %dma_start3A_196 = tpu.memref_squeeze %dma_start3A_195 : memref<1x1x128xi32, #tpu.memory_space<vmem>> -> memref<128xi32, #tpu.memory_space<vmem>>
    %dma_start3A_197 = tpu.memref_slice %arg3[%multiple_of3A_191] : memref<100000xi32, #tpu.memory_space<hbm>> -> memref<128xi32, #tpu.memory_space<hbm>>
    %dma_start3A_198 = arith.constant 0 : i32
    %dma_start3A_199 = tpu.memref_slice %arg7[%dma_start3A_192, %dma_start3A_193, %dma_start3A_198] : memref<24x1x128xi32, #tpu.memory_space<vmem>> -> memref<1x1x128xi32, #tpu.memory_space<vmem>>
    %dma_start3A_200 = tpu.memref_squeeze %dma_start3A_199 : memref<1x1x128xi32, #tpu.memory_space<vmem>> -> memref<128xi32, #tpu.memory_space<vmem>>
    %dma_start3A_201 = tpu.memref_slice %arg3[%multiple_of3A_191] : memref<100000xi32, #tpu.memory_space<hbm>> -> memref<128xi32, #tpu.memory_space<hbm>>
    tpu.enqueue_dma source(%dma_start3A_201 : memref<128xi32, #tpu.memory_space<hbm>>) target(%dma_start3A_200 : memref<128xi32, #tpu.memory_space<vmem>>) target_semaphore(%arg10 : memref<!tpu.dma_semaphore, #tpu.memory_space<semaphore_mem>>)
    %add3A_202 = arith.constant 13 : i32
    %add3A_203 = arith.addi %mul3A_2, %add3A_202 : i32
    %mul3A_204 = arith.constant 128 : i32
    %mul3A_205 = arith.muli %add3A_203, %mul3A_204 : i32
    %multiple_of3A_206 = tpu.assume_multiple %mul3A_205, 128 : i32
    %dma_start3A_207 = arith.constant 13 : i32
    %dma_start3A_208 = arith.constant 0 : i32
    %dma_start3A_209 = arith.constant 0 : i32
    %dma_start3A_210 = tpu.memref_slice %arg7[%dma_start3A_207, %dma_start3A_208, %dma_start3A_209] : memref<24x1x128xi32, #tpu.memory_space<vmem>> -> memref<1x1x128xi32, #tpu.memory_space<vmem>>
    %dma_start3A_211 = tpu.memref_squeeze %dma_start3A_210 : memref<1x1x128xi32, #tpu.memory_space<vmem>> -> memref<128xi32, #tpu.memory_space<vmem>>
    %dma_start3A_212 = tpu.memref_slice %arg3[%multiple_of3A_206] : memref<100000xi32, #tpu.memory_space<hbm>> -> memref<128xi32, #tpu.memory_space<hbm>>
    %dma_start3A_213 = arith.constant 0 : i32
    %dma_start3A_214 = tpu.memref_slice %arg7[%dma_start3A_207, %dma_start3A_208, %dma_start3A_213] : memref<24x1x128xi32, #tpu.memory_space<vmem>> -> memref<1x1x128xi32, #tpu.memory_space<vmem>>
    %dma_start3A_215 = tpu.memref_squeeze %dma_start3A_214 : memref<1x1x128xi32, #tpu.memory_space<vmem>> -> memref<128xi32, #tpu.memory_space<vmem>>
    %dma_start3A_216 = tpu.memref_slice %arg3[%multiple_of3A_206] : memref<100000xi32, #tpu.memory_space<hbm>> -> memref<128xi32, #tpu.memory_space<hbm>>
    tpu.enqueue_dma source(%dma_start3A_216 : memref<128xi32, #tpu.memory_space<hbm>>) target(%dma_start3A_215 : memref<128xi32, #tpu.memory_space<vmem>>) target_semaphore(%arg10 : memref<!tpu.dma_semaphore, #tpu.memory_space<semaphore_mem>>)
    %add3A_217 = arith.constant 14 : i32
    %add3A_218 = arith.addi %mul3A_2, %add3A_217 : i32
    %mul3A_219 = arith.constant 128 : i32
    %mul3A_220 = arith.muli %add3A_218, %mul3A_219 : i32
    %multiple_of3A_221 = tpu.assume_multiple %mul3A_220, 128 : i32
    %dma_start3A_222 = arith.constant 14 : i32
    %dma_start3A_223 = arith.constant 0 : i32
    %dma_start3A_224 = arith.constant 0 : i32
    %dma_start3A_225 = tpu.memref_slice %arg7[%dma_start3A_222, %dma_start3A_223, %dma_start3A_224] : memref<24x1x128xi32, #tpu.memory_space<vmem>> -> memref<1x1x128xi32, #tpu.memory_space<vmem>>
    %dma_start3A_226 = tpu.memref_squeeze %dma_start3A_225 : memref<1x1x128xi32, #tpu.memory_space<vmem>> -> memref<128xi32, #tpu.memory_space<vmem>>
    %dma_start3A_227 = tpu.memref_slice %arg3[%multiple_of3A_221] : memref<100000xi32, #tpu.memory_space<hbm>> -> memref<128xi32, #tpu.memory_space<hbm>>
    %dma_start3A_228 = arith.constant 0 : i32
    %dma_start3A_229 = tpu.memref_slice %arg7[%dma_start3A_222, %dma_start3A_223, %dma_start3A_228] : memref<24x1x128xi32, #tpu.memory_space<vmem>> -> memref<1x1x128xi32, #tpu.memory_space<vmem>>
    %dma_start3A_230 = tpu.memref_squeeze %dma_start3A_229 : memref<1x1x128xi32, #tpu.memory_space<vmem>> -> memref<128xi32, #tpu.memory_space<vmem>>
    %dma_start3A_231 = tpu.memref_slice %arg3[%multiple_of3A_221] : memref<100000xi32, #tpu.memory_space<hbm>> -> memref<128xi32, #tpu.memory_space<hbm>>
    tpu.enqueue_dma source(%dma_start3A_231 : memref<128xi32, #tpu.memory_space<hbm>>) target(%dma_start3A_230 : memref<128xi32, #tpu.memory_space<vmem>>) target_semaphore(%arg10 : memref<!tpu.dma_semaphore, #tpu.memory_space<semaphore_mem>>)
    %add3A_232 = arith.constant 15 : i32
    %add3A_233 = arith.addi %mul3A_2, %add3A_232 : i32
    %mul3A_234 = arith.constant 128 : i32
    %mul3A_235 = arith.muli %add3A_233, %mul3A_234 : i32
    %multiple_of3A_236 = tpu.assume_multiple %mul3A_235, 128 : i32
    %dma_start3A_237 = arith.constant 15 : i32
    %dma_start3A_238 = arith.constant 0 : i32
    %dma_start3A_239 = arith.constant 0 : i32
    %dma_start3A_240 = tpu.memref_slice %arg7[%dma_start3A_237, %dma_start3A_238, %dma_start3A_239] : memref<24x1x128xi32, #tpu.memory_space<vmem>> -> memref<1x1x128xi32, #tpu.memory_space<vmem>>
    %dma_start3A_241 = tpu.memref_squeeze %dma_start3A_240 : memref<1x1x128xi32, #tpu.memory_space<vmem>> -> memref<128xi32, #tpu.memory_space<vmem>>
    %dma_start3A_242 = tpu.memref_slice %arg3[%multiple_of3A_236] : memref<100000xi32, #tpu.memory_space<hbm>> -> memref<128xi32, #tpu.memory_space<hbm>>
    %dma_start3A_243 = arith.constant 0 : i32
    %dma_start3A_244 = tpu.memref_slice %arg7[%dma_start3A_237, %dma_start3A_238, %dma_start3A_243] : memref<24x1x128xi32, #tpu.memory_space<vmem>> -> memref<1x1x128xi32, #tpu.memory_space<vmem>>
    %dma_start3A_245 = tpu.memref_squeeze %dma_start3A_244 : memref<1x1x128xi32, #tpu.memory_space<vmem>> -> memref<128xi32, #tpu.memory_space<vmem>>
    %dma_start3A_246 = tpu.memref_slice %arg3[%multiple_of3A_236] : memref<100000xi32, #tpu.memory_space<hbm>> -> memref<128xi32, #tpu.memory_space<hbm>>
    tpu.enqueue_dma source(%dma_start3A_246 : memref<128xi32, #tpu.memory_space<hbm>>) target(%dma_start3A_245 : memref<128xi32, #tpu.memory_space<vmem>>) target_semaphore(%arg10 : memref<!tpu.dma_semaphore, #tpu.memory_space<semaphore_mem>>)
    %add3A_247 = arith.constant 16 : i32
    %add3A_248 = arith.addi %mul3A_2, %add3A_247 : i32
    %mul3A_249 = arith.constant 128 : i32
    %mul3A_250 = arith.muli %add3A_248, %mul3A_249 : i32
    %multiple_of3A_251 = tpu.assume_multiple %mul3A_250, 128 : i32
    %dma_start3A_252 = arith.constant 16 : i32
    %dma_start3A_253 = arith.constant 0 : i32
    %dma_start3A_254 = arith.constant 0 : i32
    %dma_start3A_255 = tpu.memref_slice %arg7[%dma_start3A_252, %dma_start3A_253, %dma_start3A_254] : memref<24x1x128xi32, #tpu.memory_space<vmem>> -> memref<1x1x128xi32, #tpu.memory_space<vmem>>
    %dma_start3A_256 = tpu.memref_squeeze %dma_start3A_255 : memref<1x1x128xi32, #tpu.memory_space<vmem>> -> memref<128xi32, #tpu.memory_space<vmem>>
    %dma_start3A_257 = tpu.memref_slice %arg3[%multiple_of3A_251] : memref<100000xi32, #tpu.memory_space<hbm>> -> memref<128xi32, #tpu.memory_space<hbm>>
    %dma_start3A_258 = arith.constant 0 : i32
    %dma_start3A_259 = tpu.memref_slice %arg7[%dma_start3A_252, %dma_start3A_253, %dma_start3A_258] : memref<24x1x128xi32, #tpu.memory_space<vmem>> -> memref<1x1x128xi32, #tpu.memory_space<vmem>>
    %dma_start3A_260 = tpu.memref_squeeze %dma_start3A_259 : memref<1x1x128xi32, #tpu.memory_space<vmem>> -> memref<128xi32, #tpu.memory_space<vmem>>
    %dma_start3A_261 = tpu.memref_slice %arg3[%multiple_of3A_251] : memref<100000xi32, #tpu.memory_space<hbm>> -> memref<128xi32, #tpu.memory_space<hbm>>
    tpu.enqueue_dma source(%dma_start3A_261 : memref<128xi32, #tpu.memory_space<hbm>>) target(%dma_start3A_260 : memref<128xi32, #tpu.memory_space<vmem>>) target_semaphore(%arg10 : memref<!tpu.dma_semaphore, #tpu.memory_space<semaphore_mem>>)
    %add3A_262 = arith.constant 17 : i32
    %add3A_263 = arith.addi %mul3A_2, %add3A_262 : i32
    %mul3A_264 = arith.constant 128 : i32
    %mul3A_265 = arith.muli %add3A_263, %mul3A_264 : i32
    %multiple_of3A_266 = tpu.assume_multiple %mul3A_265, 128 : i32
    %dma_start3A_267 = arith.constant 17 : i32
    %dma_start3A_268 = arith.constant 0 : i32
    %dma_start3A_269 = arith.constant 0 : i32
    %dma_start3A_270 = tpu.memref_slice %arg7[%dma_start3A_267, %dma_start3A_268, %dma_start3A_269] : memref<24x1x128xi32, #tpu.memory_space<vmem>> -> memref<1x1x128xi32, #tpu.memory_space<vmem>>
    %dma_start3A_271 = tpu.memref_squeeze %dma_start3A_270 : memref<1x1x128xi32, #tpu.memory_space<vmem>> -> memref<128xi32, #tpu.memory_space<vmem>>
    %dma_start3A_272 = tpu.memref_slice %arg3[%multiple_of3A_266] : memref<100000xi32, #tpu.memory_space<hbm>> -> memref<128xi32, #tpu.memory_space<hbm>>
    %dma_start3A_273 = arith.constant 0 : i32
    %dma_start3A_274 = tpu.memref_slice %arg7[%dma_start3A_267, %dma_start3A_268, %dma_start3A_273] : memref<24x1x128xi32, #tpu.memory_space<vmem>> -> memref<1x1x128xi32, #tpu.memory_space<vmem>>
    %dma_start3A_275 = tpu.memref_squeeze %dma_start3A_274 : memref<1x1x128xi32, #tpu.memory_space<vmem>> -> memref<128xi32, #tpu.memory_space<vmem>>
    %dma_start3A_276 = tpu.memref_slice %arg3[%multiple_of3A_266] : memref<100000xi32, #tpu.memory_space<hbm>> -> memref<128xi32, #tpu.memory_space<hbm>>
    tpu.enqueue_dma source(%dma_start3A_276 : memref<128xi32, #tpu.memory_space<hbm>>) target(%dma_start3A_275 : memref<128xi32, #tpu.memory_space<vmem>>) target_semaphore(%arg10 : memref<!tpu.dma_semaphore, #tpu.memory_space<semaphore_mem>>)
    %add3A_277 = arith.constant 18 : i32
    %add3A_278 = arith.addi %mul3A_2, %add3A_277 : i32
    %mul3A_279 = arith.constant 128 : i32
    %mul3A_280 = arith.muli %add3A_278, %mul3A_279 : i32
    %multiple_of3A_281 = tpu.assume_multiple %mul3A_280, 128 : i32
    %dma_start3A_282 = arith.constant 18 : i32
    %dma_start3A_283 = arith.constant 0 : i32
    %dma_start3A_284 = arith.constant 0 : i32
    %dma_start3A_285 = tpu.memref_slice %arg7[%dma_start3A_282, %dma_start3A_283, %dma_start3A_284] : memref<24x1x128xi32, #tpu.memory_space<vmem>> -> memref<1x1x128xi32, #tpu.memory_space<vmem>>
    %dma_start3A_286 = tpu.memref_squeeze %dma_start3A_285 : memref<1x1x128xi32, #tpu.memory_space<vmem>> -> memref<128xi32, #tpu.memory_space<vmem>>
    %dma_start3A_287 = tpu.memref_slice %arg3[%multiple_of3A_281] : memref<100000xi32, #tpu.memory_space<hbm>> -> memref<128xi32, #tpu.memory_space<hbm>>
    %dma_start3A_288 = arith.constant 0 : i32
    %dma_start3A_289 = tpu.memref_slice %arg7[%dma_start3A_282, %dma_start3A_283, %dma_start3A_288] : memref<24x1x128xi32, #tpu.memory_space<vmem>> -> memref<1x1x128xi32, #tpu.memory_space<vmem>>
    %dma_start3A_290 = tpu.memref_squeeze %dma_start3A_289 : memref<1x1x128xi32, #tpu.memory_space<vmem>> -> memref<128xi32, #tpu.memory_space<vmem>>
    %dma_start3A_291 = tpu.memref_slice %arg3[%multiple_of3A_281] : memref<100000xi32, #tpu.memory_space<hbm>> -> memref<128xi32, #tpu.memory_space<hbm>>
    tpu.enqueue_dma source(%dma_start3A_291 : memref<128xi32, #tpu.memory_space<hbm>>) target(%dma_start3A_290 : memref<128xi32, #tpu.memory_space<vmem>>) target_semaphore(%arg10 : memref<!tpu.dma_semaphore, #tpu.memory_space<semaphore_mem>>)
    %add3A_292 = arith.constant 19 : i32
    %add3A_293 = arith.addi %mul3A_2, %add3A_292 : i32
    %mul3A_294 = arith.constant 128 : i32
    %mul3A_295 = arith.muli %add3A_293, %mul3A_294 : i32
    %multiple_of3A_296 = tpu.assume_multiple %mul3A_295, 128 : i32
    %dma_start3A_297 = arith.constant 19 : i32
    %dma_start3A_298 = arith.constant 0 : i32
    %dma_start3A_299 = arith.constant 0 : i32
    %dma_start3A_300 = tpu.memref_slice %arg7[%dma_start3A_297, %dma_start3A_298, %dma_start3A_299] : memref<24x1x128xi32, #tpu.memory_space<vmem>> -> memref<1x1x128xi32, #tpu.memory_space<vmem>>
    %dma_start3A_301 = tpu.memref_squeeze %dma_start3A_300 : memref<1x1x128xi32, #tpu.memory_space<vmem>> -> memref<128xi32, #tpu.memory_space<vmem>>
    %dma_start3A_302 = tpu.memref_slice %arg3[%multiple_of3A_296] : memref<100000xi32, #tpu.memory_space<hbm>> -> memref<128xi32, #tpu.memory_space<hbm>>
    %dma_start3A_303 = arith.constant 0 : i32
    %dma_start3A_304 = tpu.memref_slice %arg7[%dma_start3A_297, %dma_start3A_298, %dma_start3A_303] : memref<24x1x128xi32, #tpu.memory_space<vmem>> -> memref<1x1x128xi32, #tpu.memory_space<vmem>>
    %dma_start3A_305 = tpu.memref_squeeze %dma_start3A_304 : memref<1x1x128xi32, #tpu.memory_space<vmem>> -> memref<128xi32, #tpu.memory_space<vmem>>
    %dma_start3A_306 = tpu.memref_slice %arg3[%multiple_of3A_296] : memref<100000xi32, #tpu.memory_space<hbm>> -> memref<128xi32, #tpu.memory_space<hbm>>
    tpu.enqueue_dma source(%dma_start3A_306 : memref<128xi32, #tpu.memory_space<hbm>>) target(%dma_start3A_305 : memref<128xi32, #tpu.memory_space<vmem>>) target_semaphore(%arg10 : memref<!tpu.dma_semaphore, #tpu.memory_space<semaphore_mem>>)
    %add3A_307 = arith.constant 20 : i32
    %add3A_308 = arith.addi %mul3A_2, %add3A_307 : i32
    %mul3A_309 = arith.constant 128 : i32
    %mul3A_310 = arith.muli %add3A_308, %mul3A_309 : i32
    %multiple_of3A_311 = tpu.assume_multiple %mul3A_310, 128 : i32
    %dma_start3A_312 = arith.constant 20 : i32
    %dma_start3A_313 = arith.constant 0 : i32
    %dma_start3A_314 = arith.constant 0 : i32
    %dma_start3A_315 = tpu.memref_slice %arg7[%dma_start3A_312, %dma_start3A_313, %dma_start3A_314] : memref<24x1x128xi32, #tpu.memory_space<vmem>> -> memref<1x1x128xi32, #tpu.memory_space<vmem>>
    %dma_start3A_316 = tpu.memref_squeeze %dma_start3A_315 : memref<1x1x128xi32, #tpu.memory_space<vmem>> -> memref<128xi32, #tpu.memory_space<vmem>>
    %dma_start3A_317 = tpu.memref_slice %arg3[%multiple_of3A_311] : memref<100000xi32, #tpu.memory_space<hbm>> -> memref<128xi32, #tpu.memory_space<hbm>>
    %dma_start3A_318 = arith.constant 0 : i32
    %dma_start3A_319 = tpu.memref_slice %arg7[%dma_start3A_312, %dma_start3A_313, %dma_start3A_318] : memref<24x1x128xi32, #tpu.memory_space<vmem>> -> memref<1x1x128xi32, #tpu.memory_space<vmem>>
    %dma_start3A_320 = tpu.memref_squeeze %dma_start3A_319 : memref<1x1x128xi32, #tpu.memory_space<vmem>> -> memref<128xi32, #tpu.memory_space<vmem>>
    %dma_start3A_321 = tpu.memref_slice %arg3[%multiple_of3A_311] : memref<100000xi32, #tpu.memory_space<hbm>> -> memref<128xi32, #tpu.memory_space<hbm>>
    tpu.enqueue_dma source(%dma_start3A_321 : memref<128xi32, #tpu.memory_space<hbm>>) target(%dma_start3A_320 : memref<128xi32, #tpu.memory_space<vmem>>) target_semaphore(%arg10 : memref<!tpu.dma_semaphore, #tpu.memory_space<semaphore_mem>>)
    %add3A_322 = arith.constant 21 : i32
    %add3A_323 = arith.addi %mul3A_2, %add3A_322 : i32
    %mul3A_324 = arith.constant 128 : i32
    %mul3A_325 = arith.muli %add3A_323, %mul3A_324 : i32
    %multiple_of3A_326 = tpu.assume_multiple %mul3A_325, 128 : i32
    %dma_start3A_327 = arith.constant 21 : i32
    %dma_start3A_328 = arith.constant 0 : i32
    %dma_start3A_329 = arith.constant 0 : i32
    %dma_start3A_330 = tpu.memref_slice %arg7[%dma_start3A_327, %dma_start3A_328, %dma_start3A_329] : memref<24x1x128xi32, #tpu.memory_space<vmem>> -> memref<1x1x128xi32, #tpu.memory_space<vmem>>
    %dma_start3A_331 = tpu.memref_squeeze %dma_start3A_330 : memref<1x1x128xi32, #tpu.memory_space<vmem>> -> memref<128xi32, #tpu.memory_space<vmem>>
    %dma_start3A_332 = tpu.memref_slice %arg3[%multiple_of3A_326] : memref<100000xi32, #tpu.memory_space<hbm>> -> memref<128xi32, #tpu.memory_space<hbm>>
    %dma_start3A_333 = arith.constant 0 : i32
    %dma_start3A_334 = tpu.memref_slice %arg7[%dma_start3A_327, %dma_start3A_328, %dma_start3A_333] : memref<24x1x128xi32, #tpu.memory_space<vmem>> -> memref<1x1x128xi32, #tpu.memory_space<vmem>>
    %dma_start3A_335 = tpu.memref_squeeze %dma_start3A_334 : memref<1x1x128xi32, #tpu.memory_space<vmem>> -> memref<128xi32, #tpu.memory_space<vmem>>
    %dma_start3A_336 = tpu.memref_slice %arg3[%multiple_of3A_326] : memref<100000xi32, #tpu.memory_space<hbm>> -> memref<128xi32, #tpu.memory_space<hbm>>
    tpu.enqueue_dma source(%dma_start3A_336 : memref<128xi32, #tpu.memory_space<hbm>>) target(%dma_start3A_335 : memref<128xi32, #tpu.memory_space<vmem>>) target_semaphore(%arg10 : memref<!tpu.dma_semaphore, #tpu.memory_space<semaphore_mem>>)
    %add3A_337 = arith.constant 22 : i32
    %add3A_338 = arith.addi %mul3A_2, %add3A_337 : i32
    %mul3A_339 = arith.constant 128 : i32
    %mul3A_340 = arith.muli %add3A_338, %mul3A_339 : i32
    %multiple_of3A_341 = tpu.assume_multiple %mul3A_340, 128 : i32
    %dma_start3A_342 = arith.constant 22 : i32
    %dma_start3A_343 = arith.constant 0 : i32
    %dma_start3A_344 = arith.constant 0 : i32
    %dma_start3A_345 = tpu.memref_slice %arg7[%dma_start3A_342, %dma_start3A_343, %dma_start3A_344] : memref<24x1x128xi32, #tpu.memory_space<vmem>> -> memref<1x1x128xi32, #tpu.memory_space<vmem>>
    %dma_start3A_346 = tpu.memref_squeeze %dma_start3A_345 : memref<1x1x128xi32, #tpu.memory_space<vmem>> -> memref<128xi32, #tpu.memory_space<vmem>>
    %dma_start3A_347 = tpu.memref_slice %arg3[%multiple_of3A_341] : memref<100000xi32, #tpu.memory_space<hbm>> -> memref<128xi32, #tpu.memory_space<hbm>>
    %dma_start3A_348 = arith.constant 0 : i32
    %dma_start3A_349 = tpu.memref_slice %arg7[%dma_start3A_342, %dma_start3A_343, %dma_start3A_348] : memref<24x1x128xi32, #tpu.memory_space<vmem>> -> memref<1x1x128xi32, #tpu.memory_space<vmem>>
    %dma_start3A_350 = tpu.memref_squeeze %dma_start3A_349 : memref<1x1x128xi32, #tpu.memory_space<vmem>> -> memref<128xi32, #tpu.memory_space<vmem>>
    %dma_start3A_351 = tpu.memref_slice %arg3[%multiple_of3A_341] : memref<100000xi32, #tpu.memory_space<hbm>> -> memref<128xi32, #tpu.memory_space<hbm>>
    tpu.enqueue_dma source(%dma_start3A_351 : memref<128xi32, #tpu.memory_space<hbm>>) target(%dma_start3A_350 : memref<128xi32, #tpu.memory_space<vmem>>) target_semaphore(%arg10 : memref<!tpu.dma_semaphore, #tpu.memory_space<semaphore_mem>>)
    %add3A_352 = arith.constant 23 : i32
    %add3A_353 = arith.addi %mul3A_2, %add3A_352 : i32
    %mul3A_354 = arith.constant 128 : i32
    %mul3A_355 = arith.muli %add3A_353, %mul3A_354 : i32
    %multiple_of3A_356 = tpu.assume_multiple %mul3A_355, 128 : i32
    %dma_start3A_357 = arith.constant 23 : i32
    %dma_start3A_358 = arith.constant 0 : i32
    %dma_start3A_359 = arith.constant 0 : i32
    %dma_start3A_360 = tpu.memref_slice %arg7[%dma_start3A_357, %dma_start3A_358, %dma_start3A_359] : memref<24x1x128xi32, #tpu.memory_space<vmem>> -> memref<1x1x128xi32, #tpu.memory_space<vmem>>
    %dma_start3A_361 = tpu.memref_squeeze %dma_start3A_360 : memref<1x1x128xi32, #tpu.memory_space<vmem>> -> memref<128xi32, #tpu.memory_space<vmem>>
    %dma_start3A_362 = tpu.memref_slice %arg3[%multiple_of3A_356] : memref<100000xi32, #tpu.memory_space<hbm>> -> memref<128xi32, #tpu.memory_space<hbm>>
    %dma_start3A_363 = arith.constant 0 : i32
    %dma_start3A_364 = tpu.memref_slice %arg7[%dma_start3A_357, %dma_start3A_358, %dma_start3A_363] : memref<24x1x128xi32, #tpu.memory_space<vmem>> -> memref<1x1x128xi32, #tpu.memory_space<vmem>>
    %dma_start3A_365 = tpu.memref_squeeze %dma_start3A_364 : memref<1x1x128xi32, #tpu.memory_space<vmem>> -> memref<128xi32, #tpu.memory_space<vmem>>
    %dma_start3A_366 = tpu.memref_slice %arg3[%multiple_of3A_356] : memref<100000xi32, #tpu.memory_space<hbm>> -> memref<128xi32, #tpu.memory_space<hbm>>
    tpu.enqueue_dma source(%dma_start3A_366 : memref<128xi32, #tpu.memory_space<hbm>>) target(%dma_start3A_365 : memref<128xi32, #tpu.memory_space<vmem>>) target_semaphore(%arg10 : memref<!tpu.dma_semaphore, #tpu.memory_space<semaphore_mem>>)
    %add3A_367 = arith.constant 0 : i32
    %add3A_368 = arith.addi %mul3A_2, %add3A_367 : i32
    %mul3A_369 = arith.constant 128 : i32
    %mul3A_370 = arith.muli %add3A_368, %mul3A_369 : i32
    %multiple_of3A_371 = tpu.assume_multiple %mul3A_370, 128 : i32
    %dma_start3A_372 = arith.constant 0 : i32
    %dma_start3A_373 = arith.constant 0 : i32
    %dma_start3A_374 = arith.constant 0 : i32
    %dma_start3A_375 = arith.constant 0 : i32
    %dma_start3A_376 = tpu.memref_slice %arg6[%dma_start3A_372, %dma_start3A_374, %dma_start3A_375] : memref<7x128x128xf32, #tpu.memory_space<vmem>> -> memref<1x128x128xf32, #tpu.memory_space<vmem>>
    %dma_start3A_377 = tpu.memref_squeeze %dma_start3A_376 : memref<1x128x128xf32, #tpu.memory_space<vmem>> -> memref<128x128xf32, #tpu.memory_space<vmem>>
    %dma_start3A_378 = arith.constant 0 : i32
    %dma_start3A_379 = tpu.memref_slice %arg2[%multiple_of3A_371, %dma_start3A_378] : memref<100000x128xf32, #tpu.memory_space<hbm>> -> memref<128x128xf32, #tpu.memory_space<hbm>>
    %dma_start3A_380 = tpu.memref_slice %arg9[%dma_start3A_373] : memref<7x!tpu.dma_semaphore, #tpu.memory_space<semaphore_mem>> -> memref<1x!tpu.dma_semaphore, #tpu.memory_space<semaphore_mem>>
    %dma_start3A_381 = tpu.memref_squeeze %dma_start3A_380 : memref<1x!tpu.dma_semaphore, #tpu.memory_space<semaphore_mem>> -> memref<!tpu.dma_semaphore, #tpu.memory_space<semaphore_mem>>
    %dma_start3A_382 = arith.constant 0 : i32
    %dma_start3A_383 = arith.constant 0 : i32
    %dma_start3A_384 = tpu.memref_slice %arg6[%dma_start3A_372, %dma_start3A_382, %dma_start3A_383] : memref<7x128x128xf32, #tpu.memory_space<vmem>> -> memref<1x128x128xf32, #tpu.memory_space<vmem>>
    %dma_start3A_385 = tpu.memref_squeeze %dma_start3A_384 : memref<1x128x128xf32, #tpu.memory_space<vmem>> -> memref<128x128xf32, #tpu.memory_space<vmem>>
    %dma_start3A_386 = arith.constant 0 : i32
    %dma_start3A_387 = tpu.memref_slice %arg2[%multiple_of3A_371, %dma_start3A_386] : memref<100000x128xf32, #tpu.memory_space<hbm>> -> memref<128x128xf32, #tpu.memory_space<hbm>>
    tpu.enqueue_dma source(%dma_start3A_387 : memref<128x128xf32, #tpu.memory_space<hbm>>) target(%dma_start3A_385 : memref<128x128xf32, #tpu.memory_space<vmem>>) target_semaphore(%dma_start3A_381 : memref<!tpu.dma_semaphore, #tpu.memory_space<semaphore_mem>>)
    %add3A_388 = arith.constant 1 : i32
    %add3A_389 = arith.addi %mul3A_2, %add3A_388 : i32
    %mul3A_390 = arith.constant 128 : i32
    %mul3A_391 = arith.muli %add3A_389, %mul3A_390 : i32
    %multiple_of3A_392 = tpu.assume_multiple %mul3A_391, 128 : i32
    %dma_start3A_393 = arith.constant 1 : i32
    %dma_start3A_394 = arith.constant 1 : i32
    %dma_start3A_395 = arith.constant 0 : i32
    %dma_start3A_396 = arith.constant 0 : i32
    %dma_start3A_397 = tpu.memref_slice %arg6[%dma_start3A_393, %dma_start3A_395, %dma_start3A_396] : memref<7x128x128xf32, #tpu.memory_space<vmem>> -> memref<1x128x128xf32, #tpu.memory_space<vmem>>
    %dma_start3A_398 = tpu.memref_squeeze %dma_start3A_397 : memref<1x128x128xf32, #tpu.memory_space<vmem>> -> memref<128x128xf32, #tpu.memory_space<vmem>>
    %dma_start3A_399 = arith.constant 0 : i32
    %dma_start3A_400 = tpu.memref_slice %arg2[%multiple_of3A_392, %dma_start3A_399] : memref<100000x128xf32, #tpu.memory_space<hbm>> -> memref<128x128xf32, #tpu.memory_space<hbm>>
    %dma_start3A_401 = tpu.memref_slice %arg9[%dma_start3A_394] : memref<7x!tpu.dma_semaphore, #tpu.memory_space<semaphore_mem>> -> memref<1x!tpu.dma_semaphore, #tpu.memory_space<semaphore_mem>>
    %dma_start3A_402 = tpu.memref_squeeze %dma_start3A_401 : memref<1x!tpu.dma_semaphore, #tpu.memory_space<semaphore_mem>> -> memref<!tpu.dma_semaphore, #tpu.memory_space<semaphore_mem>>
    %dma_start3A_403 = arith.constant 0 : i32
    %dma_start3A_404 = arith.constant 0 : i32
    %dma_start3A_405 = tpu.memref_slice %arg6[%dma_start3A_393, %dma_start3A_403, %dma_start3A_404] : memref<7x128x128xf32, #tpu.memory_space<vmem>> -> memref<1x128x128xf32, #tpu.memory_space<vmem>>
    %dma_start3A_406 = tpu.memref_squeeze %dma_start3A_405 : memref<1x128x128xf32, #tpu.memory_space<vmem>> -> memref<128x128xf32, #tpu.memory_space<vmem>>
    %dma_start3A_407 = arith.constant 0 : i32
    %dma_start3A_408 = tpu.memref_slice %arg2[%multiple_of3A_392, %dma_start3A_407] : memref<100000x128xf32, #tpu.memory_space<hbm>> -> memref<128x128xf32, #tpu.memory_space<hbm>>
    tpu.enqueue_dma source(%dma_start3A_408 : memref<128x128xf32, #tpu.memory_space<hbm>>) target(%dma_start3A_406 : memref<128x128xf32, #tpu.memory_space<vmem>>) target_semaphore(%dma_start3A_402 : memref<!tpu.dma_semaphore, #tpu.memory_space<semaphore_mem>>)
    %add3A_409 = arith.constant 2 : i32
    %add3A_410 = arith.addi %mul3A_2, %add3A_409 : i32
    %mul3A_411 = arith.constant 128 : i32
    %mul3A_412 = arith.muli %add3A_410, %mul3A_411 : i32
    %multiple_of3A_413 = tpu.assume_multiple %mul3A_412, 128 : i32
    %dma_start3A_414 = arith.constant 2 : i32
    %dma_start3A_415 = arith.constant 2 : i32
    %dma_start3A_416 = arith.constant 0 : i32
    %dma_start3A_417 = arith.constant 0 : i32
    %dma_start3A_418 = tpu.memref_slice %arg6[%dma_start3A_414, %dma_start3A_416, %dma_start3A_417] : memref<7x128x128xf32, #tpu.memory_space<vmem>> -> memref<1x128x128xf32, #tpu.memory_space<vmem>>
    %dma_start3A_419 = tpu.memref_squeeze %dma_start3A_418 : memref<1x128x128xf32, #tpu.memory_space<vmem>> -> memref<128x128xf32, #tpu.memory_space<vmem>>
    %dma_start3A_420 = arith.constant 0 : i32
    %dma_start3A_421 = tpu.memref_slice %arg2[%multiple_of3A_413, %dma_start3A_420] : memref<100000x128xf32, #tpu.memory_space<hbm>> -> memref<128x128xf32, #tpu.memory_space<hbm>>
    %dma_start3A_422 = tpu.memref_slice %arg9[%dma_start3A_415] : memref<7x!tpu.dma_semaphore, #tpu.memory_space<semaphore_mem>> -> memref<1x!tpu.dma_semaphore, #tpu.memory_space<semaphore_mem>>
    %dma_start3A_423 = tpu.memref_squeeze %dma_start3A_422 : memref<1x!tpu.dma_semaphore, #tpu.memory_space<semaphore_mem>> -> memref<!tpu.dma_semaphore, #tpu.memory_space<semaphore_mem>>
    %dma_start3A_424 = arith.constant 0 : i32
    %dma_start3A_425 = arith.constant 0 : i32
    %dma_start3A_426 = tpu.memref_slice %arg6[%dma_start3A_414, %dma_start3A_424, %dma_start3A_425] : memref<7x128x128xf32, #tpu.memory_space<vmem>> -> memref<1x128x128xf32, #tpu.memory_space<vmem>>
    %dma_start3A_427 = tpu.memref_squeeze %dma_start3A_426 : memref<1x128x128xf32, #tpu.memory_space<vmem>> -> memref<128x128xf32, #tpu.memory_space<vmem>>
    %dma_start3A_428 = arith.constant 0 : i32
    %dma_start3A_429 = tpu.memref_slice %arg2[%multiple_of3A_413, %dma_start3A_428] : memref<100000x128xf32, #tpu.memory_space<hbm>> -> memref<128x128xf32, #tpu.memory_space<hbm>>
    tpu.enqueue_dma source(%dma_start3A_429 : memref<128x128xf32, #tpu.memory_space<hbm>>) target(%dma_start3A_427 : memref<128x128xf32, #tpu.memory_space<vmem>>) target_semaphore(%dma_start3A_423 : memref<!tpu.dma_semaphore, #tpu.memory_space<semaphore_mem>>)
    %add3A_430 = arith.constant 3 : i32
    %add3A_431 = arith.addi %mul3A_2, %add3A_430 : i32
    %mul3A_432 = arith.constant 128 : i32
    %mul3A_433 = arith.muli %add3A_431, %mul3A_432 : i32
    %multiple_of3A_434 = tpu.assume_multiple %mul3A_433, 128 : i32
    %dma_start3A_435 = arith.constant 3 : i32
    %dma_start3A_436 = arith.constant 3 : i32
    %dma_start3A_437 = arith.constant 0 : i32
    %dma_start3A_438 = arith.constant 0 : i32
    %dma_start3A_439 = tpu.memref_slice %arg6[%dma_start3A_435, %dma_start3A_437, %dma_start3A_438] : memref<7x128x128xf32, #tpu.memory_space<vmem>> -> memref<1x128x128xf32, #tpu.memory_space<vmem>>
    %dma_start3A_440 = tpu.memref_squeeze %dma_start3A_439 : memref<1x128x128xf32, #tpu.memory_space<vmem>> -> memref<128x128xf32, #tpu.memory_space<vmem>>
    %dma_start3A_441 = arith.constant 0 : i32
    %dma_start3A_442 = tpu.memref_slice %arg2[%multiple_of3A_434, %dma_start3A_441] : memref<100000x128xf32, #tpu.memory_space<hbm>> -> memref<128x128xf32, #tpu.memory_space<hbm>>
    %dma_start3A_443 = tpu.memref_slice %arg9[%dma_start3A_436] : memref<7x!tpu.dma_semaphore, #tpu.memory_space<semaphore_mem>> -> memref<1x!tpu.dma_semaphore, #tpu.memory_space<semaphore_mem>>
    %dma_start3A_444 = tpu.memref_squeeze %dma_start3A_443 : memref<1x!tpu.dma_semaphore, #tpu.memory_space<semaphore_mem>> -> memref<!tpu.dma_semaphore, #tpu.memory_space<semaphore_mem>>
    %dma_start3A_445 = arith.constant 0 : i32
    %dma_start3A_446 = arith.constant 0 : i32
    %dma_start3A_447 = tpu.memref_slice %arg6[%dma_start3A_435, %dma_start3A_445, %dma_start3A_446] : memref<7x128x128xf32, #tpu.memory_space<vmem>> -> memref<1x128x128xf32, #tpu.memory_space<vmem>>
    %dma_start3A_448 = tpu.memref_squeeze %dma_start3A_447 : memref<1x128x128xf32, #tpu.memory_space<vmem>> -> memref<128x128xf32, #tpu.memory_space<vmem>>
    %dma_start3A_449 = arith.constant 0 : i32
    %dma_start3A_450 = tpu.memref_slice %arg2[%multiple_of3A_434, %dma_start3A_449] : memref<100000x128xf32, #tpu.memory_space<hbm>> -> memref<128x128xf32, #tpu.memory_space<hbm>>
    tpu.enqueue_dma source(%dma_start3A_450 : memref<128x128xf32, #tpu.memory_space<hbm>>) target(%dma_start3A_448 : memref<128x128xf32, #tpu.memory_space<vmem>>) target_semaphore(%dma_start3A_444 : memref<!tpu.dma_semaphore, #tpu.memory_space<semaphore_mem>>)
    %add3A_451 = arith.constant 4 : i32
    %add3A_452 = arith.addi %mul3A_2, %add3A_451 : i32
    %mul3A_453 = arith.constant 128 : i32
    %mul3A_454 = arith.muli %add3A_452, %mul3A_453 : i32
    %multiple_of3A_455 = tpu.assume_multiple %mul3A_454, 128 : i32
    %dma_start3A_456 = arith.constant 4 : i32
    %dma_start3A_457 = arith.constant 4 : i32
    %dma_start3A_458 = arith.constant 0 : i32
    %dma_start3A_459 = arith.constant 0 : i32
    %dma_start3A_460 = tpu.memref_slice %arg6[%dma_start3A_456, %dma_start3A_458, %dma_start3A_459] : memref<7x128x128xf32, #tpu.memory_space<vmem>> -> memref<1x128x128xf32, #tpu.memory_space<vmem>>
    %dma_start3A_461 = tpu.memref_squeeze %dma_start3A_460 : memref<1x128x128xf32, #tpu.memory_space<vmem>> -> memref<128x128xf32, #tpu.memory_space<vmem>>
    %dma_start3A_462 = arith.constant 0 : i32
    %dma_start3A_463 = tpu.memref_slice %arg2[%multiple_of3A_455, %dma_start3A_462] : memref<100000x128xf32, #tpu.memory_space<hbm>> -> memref<128x128xf32, #tpu.memory_space<hbm>>
    %dma_start3A_464 = tpu.memref_slice %arg9[%dma_start3A_457] : memref<7x!tpu.dma_semaphore, #tpu.memory_space<semaphore_mem>> -> memref<1x!tpu.dma_semaphore, #tpu.memory_space<semaphore_mem>>
    %dma_start3A_465 = tpu.memref_squeeze %dma_start3A_464 : memref<1x!tpu.dma_semaphore, #tpu.memory_space<semaphore_mem>> -> memref<!tpu.dma_semaphore, #tpu.memory_space<semaphore_mem>>
    %dma_start3A_466 = arith.constant 0 : i32
    %dma_start3A_467 = arith.constant 0 : i32
    %dma_start3A_468 = tpu.memref_slice %arg6[%dma_start3A_456, %dma_start3A_466, %dma_start3A_467] : memref<7x128x128xf32, #tpu.memory_space<vmem>> -> memref<1x128x128xf32, #tpu.memory_space<vmem>>
    %dma_start3A_469 = tpu.memref_squeeze %dma_start3A_468 : memref<1x128x128xf32, #tpu.memory_space<vmem>> -> memref<128x128xf32, #tpu.memory_space<vmem>>
    %dma_start3A_470 = arith.constant 0 : i32
    %dma_start3A_471 = tpu.memref_slice %arg2[%multiple_of3A_455, %dma_start3A_470] : memref<100000x128xf32, #tpu.memory_space<hbm>> -> memref<128x128xf32, #tpu.memory_space<hbm>>
    tpu.enqueue_dma source(%dma_start3A_471 : memref<128x128xf32, #tpu.memory_space<hbm>>) target(%dma_start3A_469 : memref<128x128xf32, #tpu.memory_space<vmem>>) target_semaphore(%dma_start3A_465 : memref<!tpu.dma_semaphore, #tpu.memory_space<semaphore_mem>>)
    %add3A_472 = arith.constant 5 : i32
    %add3A_473 = arith.addi %mul3A_2, %add3A_472 : i32
    %mul3A_474 = arith.constant 128 : i32
    %mul3A_475 = arith.muli %add3A_473, %mul3A_474 : i32
    %multiple_of3A_476 = tpu.assume_multiple %mul3A_475, 128 : i32
    %dma_start3A_477 = arith.constant 5 : i32
    %dma_start3A_478 = arith.constant 5 : i32
    %dma_start3A_479 = arith.constant 0 : i32
    %dma_start3A_480 = arith.constant 0 : i32
    %dma_start3A_481 = tpu.memref_slice %arg6[%dma_start3A_477, %dma_start3A_479, %dma_start3A_480] : memref<7x128x128xf32, #tpu.memory_space<vmem>> -> memref<1x128x128xf32, #tpu.memory_space<vmem>>
    %dma_start3A_482 = tpu.memref_squeeze %dma_start3A_481 : memref<1x128x128xf32, #tpu.memory_space<vmem>> -> memref<128x128xf32, #tpu.memory_space<vmem>>
    %dma_start3A_483 = arith.constant 0 : i32
    %dma_start3A_484 = tpu.memref_slice %arg2[%multiple_of3A_476, %dma_start3A_483] : memref<100000x128xf32, #tpu.memory_space<hbm>> -> memref<128x128xf32, #tpu.memory_space<hbm>>
    %dma_start3A_485 = tpu.memref_slice %arg9[%dma_start3A_478] : memref<7x!tpu.dma_semaphore, #tpu.memory_space<semaphore_mem>> -> memref<1x!tpu.dma_semaphore, #tpu.memory_space<semaphore_mem>>
    %dma_start3A_486 = tpu.memref_squeeze %dma_start3A_485 : memref<1x!tpu.dma_semaphore, #tpu.memory_space<semaphore_mem>> -> memref<!tpu.dma_semaphore, #tpu.memory_space<semaphore_mem>>
    %dma_start3A_487 = arith.constant 0 : i32
    %dma_start3A_488 = arith.constant 0 : i32
    %dma_start3A_489 = tpu.memref_slice %arg6[%dma_start3A_477, %dma_start3A_487, %dma_start3A_488] : memref<7x128x128xf32, #tpu.memory_space<vmem>> -> memref<1x128x128xf32, #tpu.memory_space<vmem>>
    %dma_start3A_490 = tpu.memref_squeeze %dma_start3A_489 : memref<1x128x128xf32, #tpu.memory_space<vmem>> -> memref<128x128xf32, #tpu.memory_space<vmem>>
    %dma_start3A_491 = arith.constant 0 : i32
    %dma_start3A_492 = tpu.memref_slice %arg2[%multiple_of3A_476, %dma_start3A_491] : memref<100000x128xf32, #tpu.memory_space<hbm>> -> memref<128x128xf32, #tpu.memory_space<hbm>>
    tpu.enqueue_dma source(%dma_start3A_492 : memref<128x128xf32, #tpu.memory_space<hbm>>) target(%dma_start3A_490 : memref<128x128xf32, #tpu.memory_space<vmem>>) target_semaphore(%dma_start3A_486 : memref<!tpu.dma_semaphore, #tpu.memory_space<semaphore_mem>>)
    %add3A_493 = arith.constant 6 : i32
    %add3A_494 = arith.addi %mul3A_2, %add3A_493 : i32
    %mul3A_495 = arith.constant 128 : i32
    %mul3A_496 = arith.muli %add3A_494, %mul3A_495 : i32
    %multiple_of3A_497 = tpu.assume_multiple %mul3A_496, 128 : i32
    %dma_start3A_498 = arith.constant 6 : i32
    %dma_start3A_499 = arith.constant 6 : i32
    %dma_start3A_500 = arith.constant 0 : i32
    %dma_start3A_501 = arith.constant 0 : i32
    %dma_start3A_502 = tpu.memref_slice %arg6[%dma_start3A_498, %dma_start3A_500, %dma_start3A_501] : memref<7x128x128xf32, #tpu.memory_space<vmem>> -> memref<1x128x128xf32, #tpu.memory_space<vmem>>
    %dma_start3A_503 = tpu.memref_squeeze %dma_start3A_502 : memref<1x128x128xf32, #tpu.memory_space<vmem>> -> memref<128x128xf32, #tpu.memory_space<vmem>>
    %dma_start3A_504 = arith.constant 0 : i32
    %dma_start3A_505 = tpu.memref_slice %arg2[%multiple_of3A_497, %dma_start3A_504] : memref<100000x128xf32, #tpu.memory_space<hbm>> -> memref<128x128xf32, #tpu.memory_space<hbm>>
    %dma_start3A_506 = tpu.memref_slice %arg9[%dma_start3A_499] : memref<7x!tpu.dma_semaphore, #tpu.memory_space<semaphore_mem>> -> memref<1x!tpu.dma_semaphore, #tpu.memory_space<semaphore_mem>>
    %dma_start3A_507 = tpu.memref_squeeze %dma_start3A_506 : memref<1x!tpu.dma_semaphore, #tpu.memory_space<semaphore_mem>> -> memref<!tpu.dma_semaphore, #tpu.memory_space<semaphore_mem>>
    %dma_start3A_508 = arith.constant 0 : i32
    %dma_start3A_509 = arith.constant 0 : i32
    %dma_start3A_510 = tpu.memref_slice %arg6[%dma_start3A_498, %dma_start3A_508, %dma_start3A_509] : memref<7x128x128xf32, #tpu.memory_space<vmem>> -> memref<1x128x128xf32, #tpu.memory_space<vmem>>
    %dma_start3A_511 = tpu.memref_squeeze %dma_start3A_510 : memref<1x128x128xf32, #tpu.memory_space<vmem>> -> memref<128x128xf32, #tpu.memory_space<vmem>>
    %dma_start3A_512 = arith.constant 0 : i32
    %dma_start3A_513 = tpu.memref_slice %arg2[%multiple_of3A_497, %dma_start3A_512] : memref<100000x128xf32, #tpu.memory_space<hbm>> -> memref<128x128xf32, #tpu.memory_space<hbm>>
    tpu.enqueue_dma source(%dma_start3A_513 : memref<128x128xf32, #tpu.memory_space<hbm>>) target(%dma_start3A_511 : memref<128x128xf32, #tpu.memory_space<vmem>>) target_semaphore(%dma_start3A_507 : memref<!tpu.dma_semaphore, #tpu.memory_space<semaphore_mem>>)
    %dma_wait3A = arith.constant 0 : i32
    %dma_wait3A_514 = arith.constant 0 : i32
    %dma_wait3A_515 = arith.constant 0 : i32
    %dma_wait3A_516 = tpu.memref_slice %arg7[%dma_wait3A, %dma_wait3A_514, %dma_wait3A_515] : memref<24x1x128xi32, #tpu.memory_space<vmem>> -> memref<1x1x128xi32, #tpu.memory_space<vmem>>
    %dma_wait3A_517 = tpu.memref_squeeze %dma_wait3A_516 : memref<1x1x128xi32, #tpu.memory_space<vmem>> -> memref<128xi32, #tpu.memory_space<vmem>>
    %dma_wait3A_518 = arith.constant 0 : i32
    %dma_wait3A_519 = tpu.memref_slice %arg3[%dma_wait3A_518] : memref<100000xi32, #tpu.memory_space<hbm>> -> memref<128xi32, #tpu.memory_space<hbm>>
    %dma_wait3A_520 = arith.constant 0 : i32
    %dma_wait3A_521 = tpu.memref_slice %arg7[%dma_wait3A, %dma_wait3A_514, %dma_wait3A_520] : memref<24x1x128xi32, #tpu.memory_space<vmem>> -> memref<1x1x128xi32, #tpu.memory_space<vmem>>
    %dma_wait3A_522 = tpu.memref_squeeze %dma_wait3A_521 : memref<1x1x128xi32, #tpu.memory_space<vmem>> -> memref<128xi32, #tpu.memory_space<vmem>>
    %dma_wait3A_523 = arith.constant 0 : i32
    %dma_wait3A_524 = tpu.memref_slice %arg3[%dma_wait3A_523] : memref<100000xi32, #tpu.memory_space<hbm>> -> memref<128xi32, #tpu.memory_space<hbm>>
    tpu.wait_dma2 semaphore(%arg10 : memref<!tpu.dma_semaphore, #tpu.memory_space<semaphore_mem>>) src(%dma_wait3A_524 : memref<128xi32, #tpu.memory_space<hbm>>) dst(%dma_wait3A_522 : memref<128xi32, #tpu.memory_space<vmem>>)
    %dma_wait3A_525 = arith.constant 1 : i32
    %dma_wait3A_526 = arith.constant 0 : i32
    %dma_wait3A_527 = arith.constant 0 : i32
    %dma_wait3A_528 = tpu.memref_slice %arg7[%dma_wait3A_525, %dma_wait3A_526, %dma_wait3A_527] : memref<24x1x128xi32, #tpu.memory_space<vmem>> -> memref<1x1x128xi32, #tpu.memory_space<vmem>>
    %dma_wait3A_529 = tpu.memref_squeeze %dma_wait3A_528 : memref<1x1x128xi32, #tpu.memory_space<vmem>> -> memref<128xi32, #tpu.memory_space<vmem>>
    %dma_wait3A_530 = arith.constant 0 : i32
    %dma_wait3A_531 = tpu.memref_slice %arg3[%dma_wait3A_530] : memref<100000xi32, #tpu.memory_space<hbm>> -> memref<128xi32, #tpu.memory_space<hbm>>
    %dma_wait3A_532 = arith.constant 0 : i32
    %dma_wait3A_533 = tpu.memref_slice %arg7[%dma_wait3A_525, %dma_wait3A_526, %dma_wait3A_532] : memref<24x1x128xi32, #tpu.memory_space<vmem>> -> memref<1x1x128xi32, #tpu.memory_space<vmem>>
    %dma_wait3A_534 = tpu.memref_squeeze %dma_wait3A_533 : memref<1x1x128xi32, #tpu.memory_space<vmem>> -> memref<128xi32, #tpu.memory_space<vmem>>
    %dma_wait3A_535 = arith.constant 0 : i32
    %dma_wait3A_536 = tpu.memref_slice %arg3[%dma_wait3A_535] : memref<100000xi32, #tpu.memory_space<hbm>> -> memref<128xi32, #tpu.memory_space<hbm>>
    tpu.wait_dma2 semaphore(%arg10 : memref<!tpu.dma_semaphore, #tpu.memory_space<semaphore_mem>>) src(%dma_wait3A_536 : memref<128xi32, #tpu.memory_space<hbm>>) dst(%dma_wait3A_534 : memref<128xi32, #tpu.memory_space<vmem>>)
    %dma_wait3A_537 = arith.constant 2 : i32
    %dma_wait3A_538 = arith.constant 0 : i32
    %dma_wait3A_539 = arith.constant 0 : i32
    %dma_wait3A_540 = tpu.memref_slice %arg7[%dma_wait3A_537, %dma_wait3A_538, %dma_wait3A_539] : memref<24x1x128xi32, #tpu.memory_space<vmem>> -> memref<1x1x128xi32, #tpu.memory_space<vmem>>
    %dma_wait3A_541 = tpu.memref_squeeze %dma_wait3A_540 : memref<1x1x128xi32, #tpu.memory_space<vmem>> -> memref<128xi32, #tpu.memory_space<vmem>>
    %dma_wait3A_542 = arith.constant 0 : i32
    %dma_wait3A_543 = tpu.memref_slice %arg3[%dma_wait3A_542] : memref<100000xi32, #tpu.memory_space<hbm>> -> memref<128xi32, #tpu.memory_space<hbm>>
    %dma_wait3A_544 = arith.constant 0 : i32
    %dma_wait3A_545 = tpu.memref_slice %arg7[%dma_wait3A_537, %dma_wait3A_538, %dma_wait3A_544] : memref<24x1x128xi32, #tpu.memory_space<vmem>> -> memref<1x1x128xi32, #tpu.memory_space<vmem>>
    %dma_wait3A_546 = tpu.memref_squeeze %dma_wait3A_545 : memref<1x1x128xi32, #tpu.memory_space<vmem>> -> memref<128xi32, #tpu.memory_space<vmem>>
    %dma_wait3A_547 = arith.constant 0 : i32
    %dma_wait3A_548 = tpu.memref_slice %arg3[%dma_wait3A_547] : memref<100000xi32, #tpu.memory_space<hbm>> -> memref<128xi32, #tpu.memory_space<hbm>>
    tpu.wait_dma2 semaphore(%arg10 : memref<!tpu.dma_semaphore, #tpu.memory_space<semaphore_mem>>) src(%dma_wait3A_548 : memref<128xi32, #tpu.memory_space<hbm>>) dst(%dma_wait3A_546 : memref<128xi32, #tpu.memory_space<vmem>>)
    %dma_wait3A_549 = arith.constant 3 : i32
    %dma_wait3A_550 = arith.constant 0 : i32
    %dma_wait3A_551 = arith.constant 0 : i32
    %dma_wait3A_552 = tpu.memref_slice %arg7[%dma_wait3A_549, %dma_wait3A_550, %dma_wait3A_551] : memref<24x1x128xi32, #tpu.memory_space<vmem>> -> memref<1x1x128xi32, #tpu.memory_space<vmem>>
    %dma_wait3A_553 = tpu.memref_squeeze %dma_wait3A_552 : memref<1x1x128xi32, #tpu.memory_space<vmem>> -> memref<128xi32, #tpu.memory_space<vmem>>
    %dma_wait3A_554 = arith.constant 0 : i32
    %dma_wait3A_555 = tpu.memref_slice %arg3[%dma_wait3A_554] : memref<100000xi32, #tpu.memory_space<hbm>> -> memref<128xi32, #tpu.memory_space<hbm>>
    %dma_wait3A_556 = arith.constant 0 : i32
    %dma_wait3A_557 = tpu.memref_slice %arg7[%dma_wait3A_549, %dma_wait3A_550, %dma_wait3A_556] : memref<24x1x128xi32, #tpu.memory_space<vmem>> -> memref<1x1x128xi32, #tpu.memory_space<vmem>>
    %dma_wait3A_558 = tpu.memref_squeeze %dma_wait3A_557 : memref<1x1x128xi32, #tpu.memory_space<vmem>> -> memref<128xi32, #tpu.memory_space<vmem>>
    %dma_wait3A_559 = arith.constant 0 : i32
    %dma_wait3A_560 = tpu.memref_slice %arg3[%dma_wait3A_559] : memref<100000xi32, #tpu.memory_space<hbm>> -> memref<128xi32, #tpu.memory_space<hbm>>
    tpu.wait_dma2 semaphore(%arg10 : memref<!tpu.dma_semaphore, #tpu.memory_space<semaphore_mem>>) src(%dma_wait3A_560 : memref<128xi32, #tpu.memory_space<hbm>>) dst(%dma_wait3A_558 : memref<128xi32, #tpu.memory_space<vmem>>)
    %dma_wait3A_561 = arith.constant 4 : i32
    %dma_wait3A_562 = arith.constant 0 : i32
    %dma_wait3A_563 = arith.constant 0 : i32
    %dma_wait3A_564 = tpu.memref_slice %arg7[%dma_wait3A_561, %dma_wait3A_562, %dma_wait3A_563] : memref<24x1x128xi32, #tpu.memory_space<vmem>> -> memref<1x1x128xi32, #tpu.memory_space<vmem>>
    %dma_wait3A_565 = tpu.memref_squeeze %dma_wait3A_564 : memref<1x1x128xi32, #tpu.memory_space<vmem>> -> memref<128xi32, #tpu.memory_space<vmem>>
    %dma_wait3A_566 = arith.constant 0 : i32
    %dma_wait3A_567 = tpu.memref_slice %arg3[%dma_wait3A_566] : memref<100000xi32, #tpu.memory_space<hbm>> -> memref<128xi32, #tpu.memory_space<hbm>>
    %dma_wait3A_568 = arith.constant 0 : i32
    %dma_wait3A_569 = tpu.memref_slice %arg7[%dma_wait3A_561, %dma_wait3A_562, %dma_wait3A_568] : memref<24x1x128xi32, #tpu.memory_space<vmem>> -> memref<1x1x128xi32, #tpu.memory_space<vmem>>
    %dma_wait3A_570 = tpu.memref_squeeze %dma_wait3A_569 : memref<1x1x128xi32, #tpu.memory_space<vmem>> -> memref<128xi32, #tpu.memory_space<vmem>>
    %dma_wait3A_571 = arith.constant 0 : i32
    %dma_wait3A_572 = tpu.memref_slice %arg3[%dma_wait3A_571] : memref<100000xi32, #tpu.memory_space<hbm>> -> memref<128xi32, #tpu.memory_space<hbm>>
    tpu.wait_dma2 semaphore(%arg10 : memref<!tpu.dma_semaphore, #tpu.memory_space<semaphore_mem>>) src(%dma_wait3A_572 : memref<128xi32, #tpu.memory_space<hbm>>) dst(%dma_wait3A_570 : memref<128xi32, #tpu.memory_space<vmem>>)
    %dma_wait3A_573 = arith.constant 5 : i32
    %dma_wait3A_574 = arith.constant 0 : i32
    %dma_wait3A_575 = arith.constant 0 : i32
    %dma_wait3A_576 = tpu.memref_slice %arg7[%dma_wait3A_573, %dma_wait3A_574, %dma_wait3A_575] : memref<24x1x128xi32, #tpu.memory_space<vmem>> -> memref<1x1x128xi32, #tpu.memory_space<vmem>>
    %dma_wait3A_577 = tpu.memref_squeeze %dma_wait3A_576 : memref<1x1x128xi32, #tpu.memory_space<vmem>> -> memref<128xi32, #tpu.memory_space<vmem>>
    %dma_wait3A_578 = arith.constant 0 : i32
    %dma_wait3A_579 = tpu.memref_slice %arg3[%dma_wait3A_578] : memref<100000xi32, #tpu.memory_space<hbm>> -> memref<128xi32, #tpu.memory_space<hbm>>
    %dma_wait3A_580 = arith.constant 0 : i32
    %dma_wait3A_581 = tpu.memref_slice %arg7[%dma_wait3A_573, %dma_wait3A_574, %dma_wait3A_580] : memref<24x1x128xi32, #tpu.memory_space<vmem>> -> memref<1x1x128xi32, #tpu.memory_space<vmem>>
    %dma_wait3A_582 = tpu.memref_squeeze %dma_wait3A_581 : memref<1x1x128xi32, #tpu.memory_space<vmem>> -> memref<128xi32, #tpu.memory_space<vmem>>
    %dma_wait3A_583 = arith.constant 0 : i32
    %dma_wait3A_584 = tpu.memref_slice %arg3[%dma_wait3A_583] : memref<100000xi32, #tpu.memory_space<hbm>> -> memref<128xi32, #tpu.memory_space<hbm>>
    tpu.wait_dma2 semaphore(%arg10 : memref<!tpu.dma_semaphore, #tpu.memory_space<semaphore_mem>>) src(%dma_wait3A_584 : memref<128xi32, #tpu.memory_space<hbm>>) dst(%dma_wait3A_582 : memref<128xi32, #tpu.memory_space<vmem>>)
    %dma_wait3A_585 = arith.constant 6 : i32
    %dma_wait3A_586 = arith.constant 0 : i32
    %dma_wait3A_587 = arith.constant 0 : i32
    %dma_wait3A_588 = tpu.memref_slice %arg7[%dma_wait3A_585, %dma_wait3A_586, %dma_wait3A_587] : memref<24x1x128xi32, #tpu.memory_space<vmem>> -> memref<1x1x128xi32, #tpu.memory_space<vmem>>
    %dma_wait3A_589 = tpu.memref_squeeze %dma_wait3A_588 : memref<1x1x128xi32, #tpu.memory_space<vmem>> -> memref<128xi32, #tpu.memory_space<vmem>>
    %dma_wait3A_590 = arith.constant 0 : i32
    %dma_wait3A_591 = tpu.memref_slice %arg3[%dma_wait3A_590] : memref<100000xi32, #tpu.memory_space<hbm>> -> memref<128xi32, #tpu.memory_space<hbm>>
    %dma_wait3A_592 = arith.constant 0 : i32
    %dma_wait3A_593 = tpu.memref_slice %arg7[%dma_wait3A_585, %dma_wait3A_586, %dma_wait3A_592] : memref<24x1x128xi32, #tpu.memory_space<vmem>> -> memref<1x1x128xi32, #tpu.memory_space<vmem>>
    %dma_wait3A_594 = tpu.memref_squeeze %dma_wait3A_593 : memref<1x1x128xi32, #tpu.memory_space<vmem>> -> memref<128xi32, #tpu.memory_space<vmem>>
    %dma_wait3A_595 = arith.constant 0 : i32
    %dma_wait3A_596 = tpu.memref_slice %arg3[%dma_wait3A_595] : memref<100000xi32, #tpu.memory_space<hbm>> -> memref<128xi32, #tpu.memory_space<hbm>>
    tpu.wait_dma2 semaphore(%arg10 : memref<!tpu.dma_semaphore, #tpu.memory_space<semaphore_mem>>) src(%dma_wait3A_596 : memref<128xi32, #tpu.memory_space<hbm>>) dst(%dma_wait3A_594 : memref<128xi32, #tpu.memory_space<vmem>>)
    %dma_wait3A_597 = arith.constant 7 : i32
    %dma_wait3A_598 = arith.constant 0 : i32
    %dma_wait3A_599 = arith.constant 0 : i32
    %dma_wait3A_600 = tpu.memref_slice %arg7[%dma_wait3A_597, %dma_wait3A_598, %dma_wait3A_599] : memref<24x1x128xi32, #tpu.memory_space<vmem>> -> memref<1x1x128xi32, #tpu.memory_space<vmem>>
    %dma_wait3A_601 = tpu.memref_squeeze %dma_wait3A_600 : memref<1x1x128xi32, #tpu.memory_space<vmem>> -> memref<128xi32, #tpu.memory_space<vmem>>
    %dma_wait3A_602 = arith.constant 0 : i32
    %dma_wait3A_603 = tpu.memref_slice %arg3[%dma_wait3A_602] : memref<100000xi32, #tpu.memory_space<hbm>> -> memref<128xi32, #tpu.memory_space<hbm>>
    %dma_wait3A_604 = arith.constant 0 : i32
    %dma_wait3A_605 = tpu.memref_slice %arg7[%dma_wait3A_597, %dma_wait3A_598, %dma_wait3A_604] : memref<24x1x128xi32, #tpu.memory_space<vmem>> -> memref<1x1x128xi32, #tpu.memory_space<vmem>>
    %dma_wait3A_606 = tpu.memref_squeeze %dma_wait3A_605 : memref<1x1x128xi32, #tpu.memory_space<vmem>> -> memref<128xi32, #tpu.memory_space<vmem>>
    %dma_wait3A_607 = arith.constant 0 : i32
    %dma_wait3A_608 = tpu.memref_slice %arg3[%dma_wait3A_607] : memref<100000xi32, #tpu.memory_space<hbm>> -> memref<128xi32, #tpu.memory_space<hbm>>
    tpu.wait_dma2 semaphore(%arg10 : memref<!tpu.dma_semaphore, #tpu.memory_space<semaphore_mem>>) src(%dma_wait3A_608 : memref<128xi32, #tpu.memory_space<hbm>>) dst(%dma_wait3A_606 : memref<128xi32, #tpu.memory_space<vmem>>)
    %dma_wait3A_609 = arith.constant 8 : i32
    %dma_wait3A_610 = arith.constant 0 : i32
    %dma_wait3A_611 = arith.constant 0 : i32
    %dma_wait3A_612 = tpu.memref_slice %arg7[%dma_wait3A_609, %dma_wait3A_610, %dma_wait3A_611] : memref<24x1x128xi32, #tpu.memory_space<vmem>> -> memref<1x1x128xi32, #tpu.memory_space<vmem>>
    %dma_wait3A_613 = tpu.memref_squeeze %dma_wait3A_612 : memref<1x1x128xi32, #tpu.memory_space<vmem>> -> memref<128xi32, #tpu.memory_space<vmem>>
    %dma_wait3A_614 = arith.constant 0 : i32
    %dma_wait3A_615 = tpu.memref_slice %arg3[%dma_wait3A_614] : memref<100000xi32, #tpu.memory_space<hbm>> -> memref<128xi32, #tpu.memory_space<hbm>>
    %dma_wait3A_616 = arith.constant 0 : i32
    %dma_wait3A_617 = tpu.memref_slice %arg7[%dma_wait3A_609, %dma_wait3A_610, %dma_wait3A_616] : memref<24x1x128xi32, #tpu.memory_space<vmem>> -> memref<1x1x128xi32, #tpu.memory_space<vmem>>
    %dma_wait3A_618 = tpu.memref_squeeze %dma_wait3A_617 : memref<1x1x128xi32, #tpu.memory_space<vmem>> -> memref<128xi32, #tpu.memory_space<vmem>>
    %dma_wait3A_619 = arith.constant 0 : i32
    %dma_wait3A_620 = tpu.memref_slice %arg3[%dma_wait3A_619] : memref<100000xi32, #tpu.memory_space<hbm>> -> memref<128xi32, #tpu.memory_space<hbm>>
    tpu.wait_dma2 semaphore(%arg10 : memref<!tpu.dma_semaphore, #tpu.memory_space<semaphore_mem>>) src(%dma_wait3A_620 : memref<128xi32, #tpu.memory_space<hbm>>) dst(%dma_wait3A_618 : memref<128xi32, #tpu.memory_space<vmem>>)
    %dma_wait3A_621 = arith.constant 9 : i32
    %dma_wait3A_622 = arith.constant 0 : i32
    %dma_wait3A_623 = arith.constant 0 : i32
    %dma_wait3A_624 = tpu.memref_slice %arg7[%dma_wait3A_621, %dma_wait3A_622, %dma_wait3A_623] : memref<24x1x128xi32, #tpu.memory_space<vmem>> -> memref<1x1x128xi32, #tpu.memory_space<vmem>>
    %dma_wait3A_625 = tpu.memref_squeeze %dma_wait3A_624 : memref<1x1x128xi32, #tpu.memory_space<vmem>> -> memref<128xi32, #tpu.memory_space<vmem>>
    %dma_wait3A_626 = arith.constant 0 : i32
    %dma_wait3A_627 = tpu.memref_slice %arg3[%dma_wait3A_626] : memref<100000xi32, #tpu.memory_space<hbm>> -> memref<128xi32, #tpu.memory_space<hbm>>
    %dma_wait3A_628 = arith.constant 0 : i32
    %dma_wait3A_629 = tpu.memref_slice %arg7[%dma_wait3A_621, %dma_wait3A_622, %dma_wait3A_628] : memref<24x1x128xi32, #tpu.memory_space<vmem>> -> memref<1x1x128xi32, #tpu.memory_space<vmem>>
    %dma_wait3A_630 = tpu.memref_squeeze %dma_wait3A_629 : memref<1x1x128xi32, #tpu.memory_space<vmem>> -> memref<128xi32, #tpu.memory_space<vmem>>
    %dma_wait3A_631 = arith.constant 0 : i32
    %dma_wait3A_632 = tpu.memref_slice %arg3[%dma_wait3A_631] : memref<100000xi32, #tpu.memory_space<hbm>> -> memref<128xi32, #tpu.memory_space<hbm>>
    tpu.wait_dma2 semaphore(%arg10 : memref<!tpu.dma_semaphore, #tpu.memory_space<semaphore_mem>>) src(%dma_wait3A_632 : memref<128xi32, #tpu.memory_space<hbm>>) dst(%dma_wait3A_630 : memref<128xi32, #tpu.memory_space<vmem>>)
    %dma_wait3A_633 = arith.constant 10 : i32
    %dma_wait3A_634 = arith.constant 0 : i32
    %dma_wait3A_635 = arith.constant 0 : i32
    %dma_wait3A_636 = tpu.memref_slice %arg7[%dma_wait3A_633, %dma_wait3A_634, %dma_wait3A_635] : memref<24x1x128xi32, #tpu.memory_space<vmem>> -> memref<1x1x128xi32, #tpu.memory_space<vmem>>
    %dma_wait3A_637 = tpu.memref_squeeze %dma_wait3A_636 : memref<1x1x128xi32, #tpu.memory_space<vmem>> -> memref<128xi32, #tpu.memory_space<vmem>>
    %dma_wait3A_638 = arith.constant 0 : i32
    %dma_wait3A_639 = tpu.memref_slice %arg3[%dma_wait3A_638] : memref<100000xi32, #tpu.memory_space<hbm>> -> memref<128xi32, #tpu.memory_space<hbm>>
    %dma_wait3A_640 = arith.constant 0 : i32
    %dma_wait3A_641 = tpu.memref_slice %arg7[%dma_wait3A_633, %dma_wait3A_634, %dma_wait3A_640] : memref<24x1x128xi32, #tpu.memory_space<vmem>> -> memref<1x1x128xi32, #tpu.memory_space<vmem>>
    %dma_wait3A_642 = tpu.memref_squeeze %dma_wait3A_641 : memref<1x1x128xi32, #tpu.memory_space<vmem>> -> memref<128xi32, #tpu.memory_space<vmem>>
    %dma_wait3A_643 = arith.constant 0 : i32
    %dma_wait3A_644 = tpu.memref_slice %arg3[%dma_wait3A_643] : memref<100000xi32, #tpu.memory_space<hbm>> -> memref<128xi32, #tpu.memory_space<hbm>>
    tpu.wait_dma2 semaphore(%arg10 : memref<!tpu.dma_semaphore, #tpu.memory_space<semaphore_mem>>) src(%dma_wait3A_644 : memref<128xi32, #tpu.memory_space<hbm>>) dst(%dma_wait3A_642 : memref<128xi32, #tpu.memory_space<vmem>>)
    %dma_wait3A_645 = arith.constant 11 : i32
    %dma_wait3A_646 = arith.constant 0 : i32
    %dma_wait3A_647 = arith.constant 0 : i32
    %dma_wait3A_648 = tpu.memref_slice %arg7[%dma_wait3A_645, %dma_wait3A_646, %dma_wait3A_647] : memref<24x1x128xi32, #tpu.memory_space<vmem>> -> memref<1x1x128xi32, #tpu.memory_space<vmem>>
    %dma_wait3A_649 = tpu.memref_squeeze %dma_wait3A_648 : memref<1x1x128xi32, #tpu.memory_space<vmem>> -> memref<128xi32, #tpu.memory_space<vmem>>
    %dma_wait3A_650 = arith.constant 0 : i32
    %dma_wait3A_651 = tpu.memref_slice %arg3[%dma_wait3A_650] : memref<100000xi32, #tpu.memory_space<hbm>> -> memref<128xi32, #tpu.memory_space<hbm>>
    %dma_wait3A_652 = arith.constant 0 : i32
    %dma_wait3A_653 = tpu.memref_slice %arg7[%dma_wait3A_645, %dma_wait3A_646, %dma_wait3A_652] : memref<24x1x128xi32, #tpu.memory_space<vmem>> -> memref<1x1x128xi32, #tpu.memory_space<vmem>>
    %dma_wait3A_654 = tpu.memref_squeeze %dma_wait3A_653 : memref<1x1x128xi32, #tpu.memory_space<vmem>> -> memref<128xi32, #tpu.memory_space<vmem>>
    %dma_wait3A_655 = arith.constant 0 : i32
    %dma_wait3A_656 = tpu.memref_slice %arg3[%dma_wait3A_655] : memref<100000xi32, #tpu.memory_space<hbm>> -> memref<128xi32, #tpu.memory_space<hbm>>
    tpu.wait_dma2 semaphore(%arg10 : memref<!tpu.dma_semaphore, #tpu.memory_space<semaphore_mem>>) src(%dma_wait3A_656 : memref<128xi32, #tpu.memory_space<hbm>>) dst(%dma_wait3A_654 : memref<128xi32, #tpu.memory_space<vmem>>)
    %dma_wait3A_657 = arith.constant 12 : i32
    %dma_wait3A_658 = arith.constant 0 : i32
    %dma_wait3A_659 = arith.constant 0 : i32
    %dma_wait3A_660 = tpu.memref_slice %arg7[%dma_wait3A_657, %dma_wait3A_658, %dma_wait3A_659] : memref<24x1x128xi32, #tpu.memory_space<vmem>> -> memref<1x1x128xi32, #tpu.memory_space<vmem>>
    %dma_wait3A_661 = tpu.memref_squeeze %dma_wait3A_660 : memref<1x1x128xi32, #tpu.memory_space<vmem>> -> memref<128xi32, #tpu.memory_space<vmem>>
    %dma_wait3A_662 = arith.constant 0 : i32
    %dma_wait3A_663 = tpu.memref_slice %arg3[%dma_wait3A_662] : memref<100000xi32, #tpu.memory_space<hbm>> -> memref<128xi32, #tpu.memory_space<hbm>>
    %dma_wait3A_664 = arith.constant 0 : i32
    %dma_wait3A_665 = tpu.memref_slice %arg7[%dma_wait3A_657, %dma_wait3A_658, %dma_wait3A_664] : memref<24x1x128xi32, #tpu.memory_space<vmem>> -> memref<1x1x128xi32, #tpu.memory_space<vmem>>
    %dma_wait3A_666 = tpu.memref_squeeze %dma_wait3A_665 : memref<1x1x128xi32, #tpu.memory_space<vmem>> -> memref<128xi32, #tpu.memory_space<vmem>>
    %dma_wait3A_667 = arith.constant 0 : i32
    %dma_wait3A_668 = tpu.memref_slice %arg3[%dma_wait3A_667] : memref<100000xi32, #tpu.memory_space<hbm>> -> memref<128xi32, #tpu.memory_space<hbm>>
    tpu.wait_dma2 semaphore(%arg10 : memref<!tpu.dma_semaphore, #tpu.memory_space<semaphore_mem>>) src(%dma_wait3A_668 : memref<128xi32, #tpu.memory_space<hbm>>) dst(%dma_wait3A_666 : memref<128xi32, #tpu.memory_space<vmem>>)
    %dma_wait3A_669 = arith.constant 13 : i32
    %dma_wait3A_670 = arith.constant 0 : i32
    %dma_wait3A_671 = arith.constant 0 : i32
    %dma_wait3A_672 = tpu.memref_slice %arg7[%dma_wait3A_669, %dma_wait3A_670, %dma_wait3A_671] : memref<24x1x128xi32, #tpu.memory_space<vmem>> -> memref<1x1x128xi32, #tpu.memory_space<vmem>>
    %dma_wait3A_673 = tpu.memref_squeeze %dma_wait3A_672 : memref<1x1x128xi32, #tpu.memory_space<vmem>> -> memref<128xi32, #tpu.memory_space<vmem>>
    %dma_wait3A_674 = arith.constant 0 : i32
    %dma_wait3A_675 = tpu.memref_slice %arg3[%dma_wait3A_674] : memref<100000xi32, #tpu.memory_space<hbm>> -> memref<128xi32, #tpu.memory_space<hbm>>
    %dma_wait3A_676 = arith.constant 0 : i32
    %dma_wait3A_677 = tpu.memref_slice %arg7[%dma_wait3A_669, %dma_wait3A_670, %dma_wait3A_676] : memref<24x1x128xi32, #tpu.memory_space<vmem>> -> memref<1x1x128xi32, #tpu.memory_space<vmem>>
    %dma_wait3A_678 = tpu.memref_squeeze %dma_wait3A_677 : memref<1x1x128xi32, #tpu.memory_space<vmem>> -> memref<128xi32, #tpu.memory_space<vmem>>
    %dma_wait3A_679 = arith.constant 0 : i32
    %dma_wait3A_680 = tpu.memref_slice %arg3[%dma_wait3A_679] : memref<100000xi32, #tpu.memory_space<hbm>> -> memref<128xi32, #tpu.memory_space<hbm>>
    tpu.wait_dma2 semaphore(%arg10 : memref<!tpu.dma_semaphore, #tpu.memory_space<semaphore_mem>>) src(%dma_wait3A_680 : memref<128xi32, #tpu.memory_space<hbm>>) dst(%dma_wait3A_678 : memref<128xi32, #tpu.memory_space<vmem>>)
    %dma_wait3A_681 = arith.constant 14 : i32
    %dma_wait3A_682 = arith.constant 0 : i32
    %dma_wait3A_683 = arith.constant 0 : i32
    %dma_wait3A_684 = tpu.memref_slice %arg7[%dma_wait3A_681, %dma_wait3A_682, %dma_wait3A_683] : memref<24x1x128xi32, #tpu.memory_space<vmem>> -> memref<1x1x128xi32, #tpu.memory_space<vmem>>
    %dma_wait3A_685 = tpu.memref_squeeze %dma_wait3A_684 : memref<1x1x128xi32, #tpu.memory_space<vmem>> -> memref<128xi32, #tpu.memory_space<vmem>>
    %dma_wait3A_686 = arith.constant 0 : i32
    %dma_wait3A_687 = tpu.memref_slice %arg3[%dma_wait3A_686] : memref<100000xi32, #tpu.memory_space<hbm>> -> memref<128xi32, #tpu.memory_space<hbm>>
    %dma_wait3A_688 = arith.constant 0 : i32
    %dma_wait3A_689 = tpu.memref_slice %arg7[%dma_wait3A_681, %dma_wait3A_682, %dma_wait3A_688] : memref<24x1x128xi32, #tpu.memory_space<vmem>> -> memref<1x1x128xi32, #tpu.memory_space<vmem>>
    %dma_wait3A_690 = tpu.memref_squeeze %dma_wait3A_689 : memref<1x1x128xi32, #tpu.memory_space<vmem>> -> memref<128xi32, #tpu.memory_space<vmem>>
    %dma_wait3A_691 = arith.constant 0 : i32
    %dma_wait3A_692 = tpu.memref_slice %arg3[%dma_wait3A_691] : memref<100000xi32, #tpu.memory_space<hbm>> -> memref<128xi32, #tpu.memory_space<hbm>>
    tpu.wait_dma2 semaphore(%arg10 : memref<!tpu.dma_semaphore, #tpu.memory_space<semaphore_mem>>) src(%dma_wait3A_692 : memref<128xi32, #tpu.memory_space<hbm>>) dst(%dma_wait3A_690 : memref<128xi32, #tpu.memory_space<vmem>>)
    %dma_wait3A_693 = arith.constant 15 : i32
    %dma_wait3A_694 = arith.constant 0 : i32
    %dma_wait3A_695 = arith.constant 0 : i32
    %dma_wait3A_696 = tpu.memref_slice %arg7[%dma_wait3A_693, %dma_wait3A_694, %dma_wait3A_695] : memref<24x1x128xi32, #tpu.memory_space<vmem>> -> memref<1x1x128xi32, #tpu.memory_space<vmem>>
    %dma_wait3A_697 = tpu.memref_squeeze %dma_wait3A_696 : memref<1x1x128xi32, #tpu.memory_space<vmem>> -> memref<128xi32, #tpu.memory_space<vmem>>
    %dma_wait3A_698 = arith.constant 0 : i32
    %dma_wait3A_699 = tpu.memref_slice %arg3[%dma_wait3A_698] : memref<100000xi32, #tpu.memory_space<hbm>> -> memref<128xi32, #tpu.memory_space<hbm>>
    %dma_wait3A_700 = arith.constant 0 : i32
    %dma_wait3A_701 = tpu.memref_slice %arg7[%dma_wait3A_693, %dma_wait3A_694, %dma_wait3A_700] : memref<24x1x128xi32, #tpu.memory_space<vmem>> -> memref<1x1x128xi32, #tpu.memory_space<vmem>>
    %dma_wait3A_702 = tpu.memref_squeeze %dma_wait3A_701 : memref<1x1x128xi32, #tpu.memory_space<vmem>> -> memref<128xi32, #tpu.memory_space<vmem>>
    %dma_wait3A_703 = arith.constant 0 : i32
    %dma_wait3A_704 = tpu.memref_slice %arg3[%dma_wait3A_703] : memref<100000xi32, #tpu.memory_space<hbm>> -> memref<128xi32, #tpu.memory_space<hbm>>
    tpu.wait_dma2 semaphore(%arg10 : memref<!tpu.dma_semaphore, #tpu.memory_space<semaphore_mem>>) src(%dma_wait3A_704 : memref<128xi32, #tpu.memory_space<hbm>>) dst(%dma_wait3A_702 : memref<128xi32, #tpu.memory_space<vmem>>)
    %dma_wait3A_705 = arith.constant 16 : i32
    %dma_wait3A_706 = arith.constant 0 : i32
    %dma_wait3A_707 = arith.constant 0 : i32
    %dma_wait3A_708 = tpu.memref_slice %arg7[%dma_wait3A_705, %dma_wait3A_706, %dma_wait3A_707] : memref<24x1x128xi32, #tpu.memory_space<vmem>> -> memref<1x1x128xi32, #tpu.memory_space<vmem>>
    %dma_wait3A_709 = tpu.memref_squeeze %dma_wait3A_708 : memref<1x1x128xi32, #tpu.memory_space<vmem>> -> memref<128xi32, #tpu.memory_space<vmem>>
    %dma_wait3A_710 = arith.constant 0 : i32
    %dma_wait3A_711 = tpu.memref_slice %arg3[%dma_wait3A_710] : memref<100000xi32, #tpu.memory_space<hbm>> -> memref<128xi32, #tpu.memory_space<hbm>>
    %dma_wait3A_712 = arith.constant 0 : i32
    %dma_wait3A_713 = tpu.memref_slice %arg7[%dma_wait3A_705, %dma_wait3A_706, %dma_wait3A_712] : memref<24x1x128xi32, #tpu.memory_space<vmem>> -> memref<1x1x128xi32, #tpu.memory_space<vmem>>
    %dma_wait3A_714 = tpu.memref_squeeze %dma_wait3A_713 : memref<1x1x128xi32, #tpu.memory_space<vmem>> -> memref<128xi32, #tpu.memory_space<vmem>>
    %dma_wait3A_715 = arith.constant 0 : i32
    %dma_wait3A_716 = tpu.memref_slice %arg3[%dma_wait3A_715] : memref<100000xi32, #tpu.memory_space<hbm>> -> memref<128xi32, #tpu.memory_space<hbm>>
    tpu.wait_dma2 semaphore(%arg10 : memref<!tpu.dma_semaphore, #tpu.memory_space<semaphore_mem>>) src(%dma_wait3A_716 : memref<128xi32, #tpu.memory_space<hbm>>) dst(%dma_wait3A_714 : memref<128xi32, #tpu.memory_space<vmem>>)
    %dma_wait3A_717 = arith.constant 17 : i32
    %dma_wait3A_718 = arith.constant 0 : i32
    %dma_wait3A_719 = arith.constant 0 : i32
    %dma_wait3A_720 = tpu.memref_slice %arg7[%dma_wait3A_717, %dma_wait3A_718, %dma_wait3A_719] : memref<24x1x128xi32, #tpu.memory_space<vmem>> -> memref<1x1x128xi32, #tpu.memory_space<vmem>>
    %dma_wait3A_721 = tpu.memref_squeeze %dma_wait3A_720 : memref<1x1x128xi32, #tpu.memory_space<vmem>> -> memref<128xi32, #tpu.memory_space<vmem>>
    %dma_wait3A_722 = arith.constant 0 : i32
    %dma_wait3A_723 = tpu.memref_slice %arg3[%dma_wait3A_722] : memref<100000xi32, #tpu.memory_space<hbm>> -> memref<128xi32, #tpu.memory_space<hbm>>
    %dma_wait3A_724 = arith.constant 0 : i32
    %dma_wait3A_725 = tpu.memref_slice %arg7[%dma_wait3A_717, %dma_wait3A_718, %dma_wait3A_724] : memref<24x1x128xi32, #tpu.memory_space<vmem>> -> memref<1x1x128xi32, #tpu.memory_space<vmem>>
    %dma_wait3A_726 = tpu.memref_squeeze %dma_wait3A_725 : memref<1x1x128xi32, #tpu.memory_space<vmem>> -> memref<128xi32, #tpu.memory_space<vmem>>
    %dma_wait3A_727 = arith.constant 0 : i32
    %dma_wait3A_728 = tpu.memref_slice %arg3[%dma_wait3A_727] : memref<100000xi32, #tpu.memory_space<hbm>> -> memref<128xi32, #tpu.memory_space<hbm>>
    tpu.wait_dma2 semaphore(%arg10 : memref<!tpu.dma_semaphore, #tpu.memory_space<semaphore_mem>>) src(%dma_wait3A_728 : memref<128xi32, #tpu.memory_space<hbm>>) dst(%dma_wait3A_726 : memref<128xi32, #tpu.memory_space<vmem>>)
    %dma_wait3A_729 = arith.constant 18 : i32
    %dma_wait3A_730 = arith.constant 0 : i32
    %dma_wait3A_731 = arith.constant 0 : i32
    %dma_wait3A_732 = tpu.memref_slice %arg7[%dma_wait3A_729, %dma_wait3A_730, %dma_wait3A_731] : memref<24x1x128xi32, #tpu.memory_space<vmem>> -> memref<1x1x128xi32, #tpu.memory_space<vmem>>
    %dma_wait3A_733 = tpu.memref_squeeze %dma_wait3A_732 : memref<1x1x128xi32, #tpu.memory_space<vmem>> -> memref<128xi32, #tpu.memory_space<vmem>>
    %dma_wait3A_734 = arith.constant 0 : i32
    %dma_wait3A_735 = tpu.memref_slice %arg3[%dma_wait3A_734] : memref<100000xi32, #tpu.memory_space<hbm>> -> memref<128xi32, #tpu.memory_space<hbm>>
    %dma_wait3A_736 = arith.constant 0 : i32
    %dma_wait3A_737 = tpu.memref_slice %arg7[%dma_wait3A_729, %dma_wait3A_730, %dma_wait3A_736] : memref<24x1x128xi32, #tpu.memory_space<vmem>> -> memref<1x1x128xi32, #tpu.memory_space<vmem>>
    %dma_wait3A_738 = tpu.memref_squeeze %dma_wait3A_737 : memref<1x1x128xi32, #tpu.memory_space<vmem>> -> memref<128xi32, #tpu.memory_space<vmem>>
    %dma_wait3A_739 = arith.constant 0 : i32
    %dma_wait3A_740 = tpu.memref_slice %arg3[%dma_wait3A_739] : memref<100000xi32, #tpu.memory_space<hbm>> -> memref<128xi32, #tpu.memory_space<hbm>>
    tpu.wait_dma2 semaphore(%arg10 : memref<!tpu.dma_semaphore, #tpu.memory_space<semaphore_mem>>) src(%dma_wait3A_740 : memref<128xi32, #tpu.memory_space<hbm>>) dst(%dma_wait3A_738 : memref<128xi32, #tpu.memory_space<vmem>>)
    %dma_wait3A_741 = arith.constant 19 : i32
    %dma_wait3A_742 = arith.constant 0 : i32
    %dma_wait3A_743 = arith.constant 0 : i32
    %dma_wait3A_744 = tpu.memref_slice %arg7[%dma_wait3A_741, %dma_wait3A_742, %dma_wait3A_743] : memref<24x1x128xi32, #tpu.memory_space<vmem>> -> memref<1x1x128xi32, #tpu.memory_space<vmem>>
    %dma_wait3A_745 = tpu.memref_squeeze %dma_wait3A_744 : memref<1x1x128xi32, #tpu.memory_space<vmem>> -> memref<128xi32, #tpu.memory_space<vmem>>
    %dma_wait3A_746 = arith.constant 0 : i32
    %dma_wait3A_747 = tpu.memref_slice %arg3[%dma_wait3A_746] : memref<100000xi32, #tpu.memory_space<hbm>> -> memref<128xi32, #tpu.memory_space<hbm>>
    %dma_wait3A_748 = arith.constant 0 : i32
    %dma_wait3A_749 = tpu.memref_slice %arg7[%dma_wait3A_741, %dma_wait3A_742, %dma_wait3A_748] : memref<24x1x128xi32, #tpu.memory_space<vmem>> -> memref<1x1x128xi32, #tpu.memory_space<vmem>>
    %dma_wait3A_750 = tpu.memref_squeeze %dma_wait3A_749 : memref<1x1x128xi32, #tpu.memory_space<vmem>> -> memref<128xi32, #tpu.memory_space<vmem>>
    %dma_wait3A_751 = arith.constant 0 : i32
    %dma_wait3A_752 = tpu.memref_slice %arg3[%dma_wait3A_751] : memref<100000xi32, #tpu.memory_space<hbm>> -> memref<128xi32, #tpu.memory_space<hbm>>
    tpu.wait_dma2 semaphore(%arg10 : memref<!tpu.dma_semaphore, #tpu.memory_space<semaphore_mem>>) src(%dma_wait3A_752 : memref<128xi32, #tpu.memory_space<hbm>>) dst(%dma_wait3A_750 : memref<128xi32, #tpu.memory_space<vmem>>)
    %dma_wait3A_753 = arith.constant 20 : i32
    %dma_wait3A_754 = arith.constant 0 : i32
    %dma_wait3A_755 = arith.constant 0 : i32
    %dma_wait3A_756 = tpu.memref_slice %arg7[%dma_wait3A_753, %dma_wait3A_754, %dma_wait3A_755] : memref<24x1x128xi32, #tpu.memory_space<vmem>> -> memref<1x1x128xi32, #tpu.memory_space<vmem>>
    %dma_wait3A_757 = tpu.memref_squeeze %dma_wait3A_756 : memref<1x1x128xi32, #tpu.memory_space<vmem>> -> memref<128xi32, #tpu.memory_space<vmem>>
    %dma_wait3A_758 = arith.constant 0 : i32
    %dma_wait3A_759 = tpu.memref_slice %arg3[%dma_wait3A_758] : memref<100000xi32, #tpu.memory_space<hbm>> -> memref<128xi32, #tpu.memory_space<hbm>>
    %dma_wait3A_760 = arith.constant 0 : i32
    %dma_wait3A_761 = tpu.memref_slice %arg7[%dma_wait3A_753, %dma_wait3A_754, %dma_wait3A_760] : memref<24x1x128xi32, #tpu.memory_space<vmem>> -> memref<1x1x128xi32, #tpu.memory_space<vmem>>
    %dma_wait3A_762 = tpu.memref_squeeze %dma_wait3A_761 : memref<1x1x128xi32, #tpu.memory_space<vmem>> -> memref<128xi32, #tpu.memory_space<vmem>>
    %dma_wait3A_763 = arith.constant 0 : i32
    %dma_wait3A_764 = tpu.memref_slice %arg3[%dma_wait3A_763] : memref<100000xi32, #tpu.memory_space<hbm>> -> memref<128xi32, #tpu.memory_space<hbm>>
    tpu.wait_dma2 semaphore(%arg10 : memref<!tpu.dma_semaphore, #tpu.memory_space<semaphore_mem>>) src(%dma_wait3A_764 : memref<128xi32, #tpu.memory_space<hbm>>) dst(%dma_wait3A_762 : memref<128xi32, #tpu.memory_space<vmem>>)
    %dma_wait3A_765 = arith.constant 21 : i32
    %dma_wait3A_766 = arith.constant 0 : i32
    %dma_wait3A_767 = arith.constant 0 : i32
    %dma_wait3A_768 = tpu.memref_slice %arg7[%dma_wait3A_765, %dma_wait3A_766, %dma_wait3A_767] : memref<24x1x128xi32, #tpu.memory_space<vmem>> -> memref<1x1x128xi32, #tpu.memory_space<vmem>>
    %dma_wait3A_769 = tpu.memref_squeeze %dma_wait3A_768 : memref<1x1x128xi32, #tpu.memory_space<vmem>> -> memref<128xi32, #tpu.memory_space<vmem>>
    %dma_wait3A_770 = arith.constant 0 : i32
    %dma_wait3A_771 = tpu.memref_slice %arg3[%dma_wait3A_770] : memref<100000xi32, #tpu.memory_space<hbm>> -> memref<128xi32, #tpu.memory_space<hbm>>
    %dma_wait3A_772 = arith.constant 0 : i32
    %dma_wait3A_773 = tpu.memref_slice %arg7[%dma_wait3A_765, %dma_wait3A_766, %dma_wait3A_772] : memref<24x1x128xi32, #tpu.memory_space<vmem>> -> memref<1x1x128xi32, #tpu.memory_space<vmem>>
    %dma_wait3A_774 = tpu.memref_squeeze %dma_wait3A_773 : memref<1x1x128xi32, #tpu.memory_space<vmem>> -> memref<128xi32, #tpu.memory_space<vmem>>
    %dma_wait3A_775 = arith.constant 0 : i32
    %dma_wait3A_776 = tpu.memref_slice %arg3[%dma_wait3A_775] : memref<100000xi32, #tpu.memory_space<hbm>> -> memref<128xi32, #tpu.memory_space<hbm>>
    tpu.wait_dma2 semaphore(%arg10 : memref<!tpu.dma_semaphore, #tpu.memory_space<semaphore_mem>>) src(%dma_wait3A_776 : memref<128xi32, #tpu.memory_space<hbm>>) dst(%dma_wait3A_774 : memref<128xi32, #tpu.memory_space<vmem>>)
    %dma_wait3A_777 = arith.constant 22 : i32
    %dma_wait3A_778 = arith.constant 0 : i32
    %dma_wait3A_779 = arith.constant 0 : i32
    %dma_wait3A_780 = tpu.memref_slice %arg7[%dma_wait3A_777, %dma_wait3A_778, %dma_wait3A_779] : memref<24x1x128xi32, #tpu.memory_space<vmem>> -> memref<1x1x128xi32, #tpu.memory_space<vmem>>
    %dma_wait3A_781 = tpu.memref_squeeze %dma_wait3A_780 : memref<1x1x128xi32, #tpu.memory_space<vmem>> -> memref<128xi32, #tpu.memory_space<vmem>>
    %dma_wait3A_782 = arith.constant 0 : i32
    %dma_wait3A_783 = tpu.memref_slice %arg3[%dma_wait3A_782] : memref<100000xi32, #tpu.memory_space<hbm>> -> memref<128xi32, #tpu.memory_space<hbm>>
    %dma_wait3A_784 = arith.constant 0 : i32
    %dma_wait3A_785 = tpu.memref_slice %arg7[%dma_wait3A_777, %dma_wait3A_778, %dma_wait3A_784] : memref<24x1x128xi32, #tpu.memory_space<vmem>> -> memref<1x1x128xi32, #tpu.memory_space<vmem>>
    %dma_wait3A_786 = tpu.memref_squeeze %dma_wait3A_785 : memref<1x1x128xi32, #tpu.memory_space<vmem>> -> memref<128xi32, #tpu.memory_space<vmem>>
    %dma_wait3A_787 = arith.constant 0 : i32
    %dma_wait3A_788 = tpu.memref_slice %arg3[%dma_wait3A_787] : memref<100000xi32, #tpu.memory_space<hbm>> -> memref<128xi32, #tpu.memory_space<hbm>>
    tpu.wait_dma2 semaphore(%arg10 : memref<!tpu.dma_semaphore, #tpu.memory_space<semaphore_mem>>) src(%dma_wait3A_788 : memref<128xi32, #tpu.memory_space<hbm>>) dst(%dma_wait3A_786 : memref<128xi32, #tpu.memory_space<vmem>>)
    %dma_wait3A_789 = arith.constant 23 : i32
    %dma_wait3A_790 = arith.constant 0 : i32
    %dma_wait3A_791 = arith.constant 0 : i32
    %dma_wait3A_792 = tpu.memref_slice %arg7[%dma_wait3A_789, %dma_wait3A_790, %dma_wait3A_791] : memref<24x1x128xi32, #tpu.memory_space<vmem>> -> memref<1x1x128xi32, #tpu.memory_space<vmem>>
    %dma_wait3A_793 = tpu.memref_squeeze %dma_wait3A_792 : memref<1x1x128xi32, #tpu.memory_space<vmem>> -> memref<128xi32, #tpu.memory_space<vmem>>
    %dma_wait3A_794 = arith.constant 0 : i32
    %dma_wait3A_795 = tpu.memref_slice %arg3[%dma_wait3A_794] : memref<100000xi32, #tpu.memory_space<hbm>> -> memref<128xi32, #tpu.memory_space<hbm>>
    %dma_wait3A_796 = arith.constant 0 : i32
    %dma_wait3A_797 = tpu.memref_slice %arg7[%dma_wait3A_789, %dma_wait3A_790, %dma_wait3A_796] : memref<24x1x128xi32, #tpu.memory_space<vmem>> -> memref<1x1x128xi32, #tpu.memory_space<vmem>>
    %dma_wait3A_798 = tpu.memref_squeeze %dma_wait3A_797 : memref<1x1x128xi32, #tpu.memory_space<vmem>> -> memref<128xi32, #tpu.memory_space<vmem>>
    %dma_wait3A_799 = arith.constant 0 : i32
    %dma_wait3A_800 = tpu.memref_slice %arg3[%dma_wait3A_799] : memref<100000xi32, #tpu.memory_space<hbm>> -> memref<128xi32, #tpu.memory_space<hbm>>
    tpu.wait_dma2 semaphore(%arg10 : memref<!tpu.dma_semaphore, #tpu.memory_space<semaphore_mem>>) src(%dma_wait3A_800 : memref<128xi32, #tpu.memory_space<hbm>>) dst(%dma_wait3A_798 : memref<128xi32, #tpu.memory_space<vmem>>)
    %dma_wait3A_801 = arith.constant 0 : i32
    %dma_wait3A_802 = tpu.memref_slice %arg8[%mul3A_4, %dma_wait3A_801] : memref<512x128xf32, #tpu.memory_space<vmem_shared>> -> memref<32x128xf32, #tpu.memory_space<vmem_shared>>
    %dma_wait3A_803 = arith.constant 0 : i32
    %dma_wait3A_804 = tpu.memref_slice %arg4[%mul3A_4, %dma_wait3A_803] : memref<512x128xf32, #tpu.memory_space<hbm>> -> memref<32x128xf32, #tpu.memory_space<hbm>>
    tpu.wait_dma2 semaphore(%arg12 : memref<!tpu.dma_semaphore, #tpu.memory_space<semaphore_mem>>) src(%dma_wait3A_804 : memref<32x128xf32, #tpu.memory_space<hbm>>) dst(%dma_wait3A_802 : memref<32x128xf32, #tpu.memory_space<vmem_shared>>)
    %barrier3A = arith.constant 0 : index
    tpu.barrier barrier_id(%barrier3A)
    %dma_wait3A_805 = arith.constant 0 : i32
    %dma_wait3A_806 = arith.constant 0 : i32
    %dma_wait3A_807 = arith.constant 0 : i32
    %dma_wait3A_808 = arith.constant 0 : i32
    %dma_wait3A_809 = tpu.memref_slice %arg6[%dma_wait3A_805, %dma_wait3A_807, %dma_wait3A_808] : memref<7x128x128xf32, #tpu.memory_space<vmem>> -> memref<1x128x128xf32, #tpu.memory_space<vmem>>
    %dma_wait3A_810 = tpu.memref_squeeze %dma_wait3A_809 : memref<1x128x128xf32, #tpu.memory_space<vmem>> -> memref<128x128xf32, #tpu.memory_space<vmem>>
    %dma_wait3A_811 = arith.constant 0 : i32
    %dma_wait3A_812 = arith.constant 0 : i32
    %dma_wait3A_813 = tpu.memref_slice %arg2[%dma_wait3A_811, %dma_wait3A_812] : memref<100000x128xf32, #tpu.memory_space<hbm>> -> memref<128x128xf32, #tpu.memory_space<hbm>>
    %dma_wait3A_814 = tpu.memref_slice %arg9[%dma_wait3A_806] : memref<7x!tpu.dma_semaphore, #tpu.memory_space<semaphore_mem>> -> memref<1x!tpu.dma_semaphore, #tpu.memory_space<semaphore_mem>>
    %dma_wait3A_815 = tpu.memref_squeeze %dma_wait3A_814 : memref<1x!tpu.dma_semaphore, #tpu.memory_space<semaphore_mem>> -> memref<!tpu.dma_semaphore, #tpu.memory_space<semaphore_mem>>
    %dma_wait3A_816 = arith.constant 0 : i32
    %dma_wait3A_817 = arith.constant 0 : i32
    %dma_wait3A_818 = tpu.memref_slice %arg6[%dma_wait3A_805, %dma_wait3A_816, %dma_wait3A_817] : memref<7x128x128xf32, #tpu.memory_space<vmem>> -> memref<1x128x128xf32, #tpu.memory_space<vmem>>
    %dma_wait3A_819 = tpu.memref_squeeze %dma_wait3A_818 : memref<1x128x128xf32, #tpu.memory_space<vmem>> -> memref<128x128xf32, #tpu.memory_space<vmem>>
    %dma_wait3A_820 = arith.constant 0 : i32
    %dma_wait3A_821 = arith.constant 0 : i32
    %dma_wait3A_822 = tpu.memref_slice %arg2[%dma_wait3A_820, %dma_wait3A_821] : memref<100000x128xf32, #tpu.memory_space<hbm>> -> memref<128x128xf32, #tpu.memory_space<hbm>>
    tpu.wait_dma2 semaphore(%dma_wait3A_815 : memref<!tpu.dma_semaphore, #tpu.memory_space<semaphore_mem>>) src(%dma_wait3A_822 : memref<128x128xf32, #tpu.memory_space<hbm>>) dst(%dma_wait3A_819 : memref<128x128xf32, #tpu.memory_space<vmem>>)
    %dma_start3A_823 = arith.constant 0 : i32
    %dma_start3A_824 = arith.constant 0 : i32
    %dma_start3A_825 = arith.constant 0 : i32
    %dma_start3A_826 = arith.constant 0 : i32
    %dma_start3A_827 = arith.constant 0 : i32
    %dma_start3A_828 = arith.constant 0 : i32
    %dma_start3A_829 = tpu.memref_slice %arg6[%dma_start3A_823, %dma_start3A_827, %dma_start3A_828] : memref<7x128x128xf32, #tpu.memory_space<vmem>> -> memref<1x128x128xf32, #tpu.memory_space<vmem>>
    %dma_start3A_830 = tpu.memref_squeeze %dma_start3A_829 : memref<1x128x128xf32, #tpu.memory_space<vmem>> -> memref<128x128xf32, #tpu.memory_space<vmem>>
    %dma_start3A_831 = arith.constant 0 : i32
    %dma_start3A_832 = tpu.memref_slice %arg7[%dma_start3A_824, %dma_start3A_825, %dma_start3A_831] : memref<24x1x128xi32, #tpu.memory_space<vmem>> -> memref<1x1x128xi32, #tpu.memory_space<vmem>>
    %dma_start3A_833 = tpu.memref_squeeze %dma_start3A_832 : memref<1x1x128xi32, #tpu.memory_space<vmem>> -> memref<128xi32, #tpu.memory_space<vmem>>
    %dma_start3A_834 = arith.constant 0 : i32
    %dma_start3A_835 = arith.constant 0 : i32
    %dma_start3A_836 = tpu.memref_slice %arg8[%dma_start3A_834, %dma_start3A_835] : memref<512x128xf32, #tpu.memory_space<vmem_shared>> -> memref<512x128xf32, #tpu.memory_space<vmem_shared>>
    %dma_start3A_837 = tpu.memref_slice %arg11[%dma_start3A_826] : memref<7x!tpu.dma_semaphore, #tpu.memory_space<semaphore_mem>> -> memref<1x!tpu.dma_semaphore, #tpu.memory_space<semaphore_mem>>
    %dma_start3A_838 = tpu.memref_squeeze %dma_start3A_837 : memref<1x!tpu.dma_semaphore, #tpu.memory_space<semaphore_mem>> -> memref<!tpu.dma_semaphore, #tpu.memory_space<semaphore_mem>>
    tpu.enqueue_indirect_dma source(%dma_start3A_830 : memref<128x128xf32, #tpu.memory_space<vmem>>) target(%dma_start3A_836 : memref<512x128xf32, #tpu.memory_space<vmem_shared>>) offsets(%dma_start3A_833 : memref<128xi32, #tpu.memory_space<vmem>>) semaphore(%dma_start3A_838 : memref<!tpu.dma_semaphore, #tpu.memory_space<semaphore_mem>>) {add = true}
    %dma_wait3A_839 = arith.constant 1 : i32
    %dma_wait3A_840 = arith.constant 1 : i32
    %dma_wait3A_841 = arith.constant 0 : i32
    %dma_wait3A_842 = arith.constant 0 : i32
    %dma_wait3A_843 = tpu.memref_slice %arg6[%dma_wait3A_839, %dma_wait3A_841, %dma_wait3A_842] : memref<7x128x128xf32, #tpu.memory_space<vmem>> -> memref<1x128x128xf32, #tpu.memory_space<vmem>>
    %dma_wait3A_844 = tpu.memref_squeeze %dma_wait3A_843 : memref<1x128x128xf32, #tpu.memory_space<vmem>> -> memref<128x128xf32, #tpu.memory_space<vmem>>
    %dma_wait3A_845 = arith.constant 0 : i32
    %dma_wait3A_846 = arith.constant 0 : i32
    %dma_wait3A_847 = tpu.memref_slice %arg2[%dma_wait3A_845, %dma_wait3A_846] : memref<100000x128xf32, #tpu.memory_space<hbm>> -> memref<128x128xf32, #tpu.memory_space<hbm>>
    %dma_wait3A_848 = tpu.memref_slice %arg9[%dma_wait3A_840] : memref<7x!tpu.dma_semaphore, #tpu.memory_space<semaphore_mem>> -> memref<1x!tpu.dma_semaphore, #tpu.memory_space<semaphore_mem>>
    %dma_wait3A_849 = tpu.memref_squeeze %dma_wait3A_848 : memref<1x!tpu.dma_semaphore, #tpu.memory_space<semaphore_mem>> -> memref<!tpu.dma_semaphore, #tpu.memory_space<semaphore_mem>>
    %dma_wait3A_850 = arith.constant 0 : i32
    %dma_wait3A_851 = arith.constant 0 : i32
    %dma_wait3A_852 = tpu.memref_slice %arg6[%dma_wait3A_839, %dma_wait3A_850, %dma_wait3A_851] : memref<7x128x128xf32, #tpu.memory_space<vmem>> -> memref<1x128x128xf32, #tpu.memory_space<vmem>>
    %dma_wait3A_853 = tpu.memref_squeeze %dma_wait3A_852 : memref<1x128x128xf32, #tpu.memory_space<vmem>> -> memref<128x128xf32, #tpu.memory_space<vmem>>
    %dma_wait3A_854 = arith.constant 0 : i32
    %dma_wait3A_855 = arith.constant 0 : i32
    %dma_wait3A_856 = tpu.memref_slice %arg2[%dma_wait3A_854, %dma_wait3A_855] : memref<100000x128xf32, #tpu.memory_space<hbm>> -> memref<128x128xf32, #tpu.memory_space<hbm>>
    tpu.wait_dma2 semaphore(%dma_wait3A_849 : memref<!tpu.dma_semaphore, #tpu.memory_space<semaphore_mem>>) src(%dma_wait3A_856 : memref<128x128xf32, #tpu.memory_space<hbm>>) dst(%dma_wait3A_853 : memref<128x128xf32, #tpu.memory_space<vmem>>)
    %dma_start3A_857 = arith.constant 1 : i32
    %dma_start3A_858 = arith.constant 1 : i32
    %dma_start3A_859 = arith.constant 0 : i32
    %dma_start3A_860 = arith.constant 1 : i32
    %dma_start3A_861 = arith.constant 0 : i32
    %dma_start3A_862 = arith.constant 0 : i32
    %dma_start3A_863 = tpu.memref_slice %arg6[%dma_start3A_857, %dma_start3A_861, %dma_start3A_862] : memref<7x128x128xf32, #tpu.memory_space<vmem>> -> memref<1x128x128xf32, #tpu.memory_space<vmem>>
    %dma_start3A_864 = tpu.memref_squeeze %dma_start3A_863 : memref<1x128x128xf32, #tpu.memory_space<vmem>> -> memref<128x128xf32, #tpu.memory_space<vmem>>
    %dma_start3A_865 = arith.constant 0 : i32
    %dma_start3A_866 = tpu.memref_slice %arg7[%dma_start3A_858, %dma_start3A_859, %dma_start3A_865] : memref<24x1x128xi32, #tpu.memory_space<vmem>> -> memref<1x1x128xi32, #tpu.memory_space<vmem>>
    %dma_start3A_867 = tpu.memref_squeeze %dma_start3A_866 : memref<1x1x128xi32, #tpu.memory_space<vmem>> -> memref<128xi32, #tpu.memory_space<vmem>>
    %dma_start3A_868 = arith.constant 0 : i32
    %dma_start3A_869 = arith.constant 0 : i32
    %dma_start3A_870 = tpu.memref_slice %arg8[%dma_start3A_868, %dma_start3A_869] : memref<512x128xf32, #tpu.memory_space<vmem_shared>> -> memref<512x128xf32, #tpu.memory_space<vmem_shared>>
    %dma_start3A_871 = tpu.memref_slice %arg11[%dma_start3A_860] : memref<7x!tpu.dma_semaphore, #tpu.memory_space<semaphore_mem>> -> memref<1x!tpu.dma_semaphore, #tpu.memory_space<semaphore_mem>>
    %dma_start3A_872 = tpu.memref_squeeze %dma_start3A_871 : memref<1x!tpu.dma_semaphore, #tpu.memory_space<semaphore_mem>> -> memref<!tpu.dma_semaphore, #tpu.memory_space<semaphore_mem>>
    tpu.enqueue_indirect_dma source(%dma_start3A_864 : memref<128x128xf32, #tpu.memory_space<vmem>>) target(%dma_start3A_870 : memref<512x128xf32, #tpu.memory_space<vmem_shared>>) offsets(%dma_start3A_867 : memref<128xi32, #tpu.memory_space<vmem>>) semaphore(%dma_start3A_872 : memref<!tpu.dma_semaphore, #tpu.memory_space<semaphore_mem>>) {add = true}
    %dma_wait3A_873 = arith.constant 0 : i32
    %dma_wait3A_874 = arith.constant 0 : i32
    %dma_wait3A_875 = arith.constant 0 : i32
    %dma_wait3A_876 = arith.constant 0 : i32
    %dma_wait3A_877 = arith.constant 0 : i32
    %dma_wait3A_878 = arith.constant 0 : i32
    %dma_wait3A_879 = tpu.memref_slice %arg6[%dma_wait3A_873, %dma_wait3A_877, %dma_wait3A_878] : memref<7x128x128xf32, #tpu.memory_space<vmem>> -> memref<1x128x128xf32, #tpu.memory_space<vmem>>
    %dma_wait3A_880 = tpu.memref_squeeze %dma_wait3A_879 : memref<1x128x128xf32, #tpu.memory_space<vmem>> -> memref<128x128xf32, #tpu.memory_space<vmem>>
    %dma_wait3A_881 = arith.constant 0 : i32
    %dma_wait3A_882 = tpu.memref_slice %arg7[%dma_wait3A_874, %dma_wait3A_875, %dma_wait3A_881] : memref<24x1x128xi32, #tpu.memory_space<vmem>> -> memref<1x1x128xi32, #tpu.memory_space<vmem>>
    %dma_wait3A_883 = tpu.memref_squeeze %dma_wait3A_882 : memref<1x1x128xi32, #tpu.memory_space<vmem>> -> memref<128xi32, #tpu.memory_space<vmem>>
    %dma_wait3A_884 = arith.constant 0 : i32
    %dma_wait3A_885 = arith.constant 0 : i32
    %dma_wait3A_886 = tpu.memref_slice %arg8[%dma_wait3A_884, %dma_wait3A_885] : memref<512x128xf32, #tpu.memory_space<vmem_shared>> -> memref<512x128xf32, #tpu.memory_space<vmem_shared>>
    %dma_wait3A_887 = tpu.memref_slice %arg11[%dma_wait3A_876] : memref<7x!tpu.dma_semaphore, #tpu.memory_space<semaphore_mem>> -> memref<1x!tpu.dma_semaphore, #tpu.memory_space<semaphore_mem>>
    %dma_wait3A_888 = tpu.memref_squeeze %dma_wait3A_887 : memref<1x!tpu.dma_semaphore, #tpu.memory_space<semaphore_mem>> -> memref<!tpu.dma_semaphore, #tpu.memory_space<semaphore_mem>>
    tpu.wait_indirect_dma semaphore(%dma_wait3A_888 : memref<!tpu.dma_semaphore, #tpu.memory_space<semaphore_mem>>) src(%dma_wait3A_880 : memref<128x128xf32, #tpu.memory_space<vmem>>) dst(%dma_wait3A_886 : memref<512x128xf32, #tpu.memory_space<vmem_shared>>)
    %add3A_889 = arith.constant 7 : i32
    %add3A_890 = arith.addi %mul3A_2, %add3A_889 : i32
    %mul3A_891 = arith.constant 128 : i32
    %mul3A_892 = arith.muli %add3A_890, %mul3A_891 : i32
    %multiple_of3A_893 = tpu.assume_multiple %mul3A_892, 128 : i32
    %dma_start3A_894 = arith.constant 0 : i32
    %dma_start3A_895 = arith.constant 0 : i32
    %dma_start3A_896 = arith.constant 0 : i32
    %dma_start3A_897 = arith.constant 0 : i32
    %dma_start3A_898 = tpu.memref_slice %arg6[%dma_start3A_894, %dma_start3A_896, %dma_start3A_897] : memref<7x128x128xf32, #tpu.memory_space<vmem>> -> memref<1x128x128xf32, #tpu.memory_space<vmem>>
    %dma_start3A_899 = tpu.memref_squeeze %dma_start3A_898 : memref<1x128x128xf32, #tpu.memory_space<vmem>> -> memref<128x128xf32, #tpu.memory_space<vmem>>
    %dma_start3A_900 = arith.constant 0 : i32
    %dma_start3A_901 = tpu.memref_slice %arg2[%multiple_of3A_893, %dma_start3A_900] : memref<100000x128xf32, #tpu.memory_space<hbm>> -> memref<128x128xf32, #tpu.memory_space<hbm>>
    %dma_start3A_902 = tpu.memref_slice %arg9[%dma_start3A_895] : memref<7x!tpu.dma_semaphore, #tpu.memory_space<semaphore_mem>> -> memref<1x!tpu.dma_semaphore, #tpu.memory_space<semaphore_mem>>
    %dma_start3A_903 = tpu.memref_squeeze %dma_start3A_902 : memref<1x!tpu.dma_semaphore, #tpu.memory_space<semaphore_mem>> -> memref<!tpu.dma_semaphore, #tpu.memory_space<semaphore_mem>>
    %dma_start3A_904 = arith.constant 0 : i32
    %dma_start3A_905 = arith.constant 0 : i32
    %dma_start3A_906 = tpu.memref_slice %arg6[%dma_start3A_894, %dma_start3A_904, %dma_start3A_905] : memref<7x128x128xf32, #tpu.memory_space<vmem>> -> memref<1x128x128xf32, #tpu.memory_space<vmem>>
    %dma_start3A_907 = tpu.memref_squeeze %dma_start3A_906 : memref<1x128x128xf32, #tpu.memory_space<vmem>> -> memref<128x128xf32, #tpu.memory_space<vmem>>
    %dma_start3A_908 = arith.constant 0 : i32
    %dma_start3A_909 = tpu.memref_slice %arg2[%multiple_of3A_893, %dma_start3A_908] : memref<100000x128xf32, #tpu.memory_space<hbm>> -> memref<128x128xf32, #tpu.memory_space<hbm>>
    tpu.enqueue_dma source(%dma_start3A_909 : memref<128x128xf32, #tpu.memory_space<hbm>>) target(%dma_start3A_907 : memref<128x128xf32, #tpu.memory_space<vmem>>) target_semaphore(%dma_start3A_903 : memref<!tpu.dma_semaphore, #tpu.memory_space<semaphore_mem>>)
    %dma_wait3A_910 = arith.constant 2 : i32
    %dma_wait3A_911 = arith.constant 2 : i32
    %dma_wait3A_912 = arith.constant 0 : i32
    %dma_wait3A_913 = arith.constant 0 : i32
    %dma_wait3A_914 = tpu.memref_slice %arg6[%dma_wait3A_910, %dma_wait3A_912, %dma_wait3A_913] : memref<7x128x128xf32, #tpu.memory_space<vmem>> -> memref<1x128x128xf32, #tpu.memory_space<vmem>>
    %dma_wait3A_915 = tpu.memref_squeeze %dma_wait3A_914 : memref<1x128x128xf32, #tpu.memory_space<vmem>> -> memref<128x128xf32, #tpu.memory_space<vmem>>
    %dma_wait3A_916 = arith.constant 0 : i32
    %dma_wait3A_917 = arith.constant 0 : i32
    %dma_wait3A_918 = tpu.memref_slice %arg2[%dma_wait3A_916, %dma_wait3A_917] : memref<100000x128xf32, #tpu.memory_space<hbm>> -> memref<128x128xf32, #tpu.memory_space<hbm>>
    %dma_wait3A_919 = tpu.memref_slice %arg9[%dma_wait3A_911] : memref<7x!tpu.dma_semaphore, #tpu.memory_space<semaphore_mem>> -> memref<1x!tpu.dma_semaphore, #tpu.memory_space<semaphore_mem>>
    %dma_wait3A_920 = tpu.memref_squeeze %dma_wait3A_919 : memref<1x!tpu.dma_semaphore, #tpu.memory_space<semaphore_mem>> -> memref<!tpu.dma_semaphore, #tpu.memory_space<semaphore_mem>>
    %dma_wait3A_921 = arith.constant 0 : i32
    %dma_wait3A_922 = arith.constant 0 : i32
    %dma_wait3A_923 = tpu.memref_slice %arg6[%dma_wait3A_910, %dma_wait3A_921, %dma_wait3A_922] : memref<7x128x128xf32, #tpu.memory_space<vmem>> -> memref<1x128x128xf32, #tpu.memory_space<vmem>>
    %dma_wait3A_924 = tpu.memref_squeeze %dma_wait3A_923 : memref<1x128x128xf32, #tpu.memory_space<vmem>> -> memref<128x128xf32, #tpu.memory_space<vmem>>
    %dma_wait3A_925 = arith.constant 0 : i32
    %dma_wait3A_926 = arith.constant 0 : i32
    %dma_wait3A_927 = tpu.memref_slice %arg2[%dma_wait3A_925, %dma_wait3A_926] : memref<100000x128xf32, #tpu.memory_space<hbm>> -> memref<128x128xf32, #tpu.memory_space<hbm>>
    tpu.wait_dma2 semaphore(%dma_wait3A_920 : memref<!tpu.dma_semaphore, #tpu.memory_space<semaphore_mem>>) src(%dma_wait3A_927 : memref<128x128xf32, #tpu.memory_space<hbm>>) dst(%dma_wait3A_924 : memref<128x128xf32, #tpu.memory_space<vmem>>)
    %dma_start3A_928 = arith.constant 2 : i32
    %dma_start3A_929 = arith.constant 2 : i32
    %dma_start3A_930 = arith.constant 0 : i32
    %dma_start3A_931 = arith.constant 2 : i32
    %dma_start3A_932 = arith.constant 0 : i32
    %dma_start3A_933 = arith.constant 0 : i32
    %dma_start3A_934 = tpu.memref_slice %arg6[%dma_start3A_928, %dma_start3A_932, %dma_start3A_933] : memref<7x128x128xf32, #tpu.memory_space<vmem>> -> memref<1x128x128xf32, #tpu.memory_space<vmem>>
    %dma_start3A_935 = tpu.memref_squeeze %dma_start3A_934 : memref<1x128x128xf32, #tpu.memory_space<vmem>> -> memref<128x128xf32, #tpu.memory_space<vmem>>
    %dma_start3A_936 = arith.constant 0 : i32
    %dma_start3A_937 = tpu.memref_slice %arg7[%dma_start3A_929, %dma_start3A_930, %dma_start3A_936] : memref<24x1x128xi32, #tpu.memory_space<vmem>> -> memref<1x1x128xi32, #tpu.memory_space<vmem>>
    %dma_start3A_938 = tpu.memref_squeeze %dma_start3A_937 : memref<1x1x128xi32, #tpu.memory_space<vmem>> -> memref<128xi32, #tpu.memory_space<vmem>>
    %dma_start3A_939 = arith.constant 0 : i32
    %dma_start3A_940 = arith.constant 0 : i32
    %dma_start3A_941 = tpu.memref_slice %arg8[%dma_start3A_939, %dma_start3A_940] : memref<512x128xf32, #tpu.memory_space<vmem_shared>> -> memref<512x128xf32, #tpu.memory_space<vmem_shared>>
    %dma_start3A_942 = tpu.memref_slice %arg11[%dma_start3A_931] : memref<7x!tpu.dma_semaphore, #tpu.memory_space<semaphore_mem>> -> memref<1x!tpu.dma_semaphore, #tpu.memory_space<semaphore_mem>>
    %dma_start3A_943 = tpu.memref_squeeze %dma_start3A_942 : memref<1x!tpu.dma_semaphore, #tpu.memory_space<semaphore_mem>> -> memref<!tpu.dma_semaphore, #tpu.memory_space<semaphore_mem>>
    tpu.enqueue_indirect_dma source(%dma_start3A_935 : memref<128x128xf32, #tpu.memory_space<vmem>>) target(%dma_start3A_941 : memref<512x128xf32, #tpu.memory_space<vmem_shared>>) offsets(%dma_start3A_938 : memref<128xi32, #tpu.memory_space<vmem>>) semaphore(%dma_start3A_943 : memref<!tpu.dma_semaphore, #tpu.memory_space<semaphore_mem>>) {add = true}
    %dma_wait3A_944 = arith.constant 1 : i32
    %dma_wait3A_945 = arith.constant 1 : i32
    %dma_wait3A_946 = arith.constant 0 : i32
    %dma_wait3A_947 = arith.constant 1 : i32
    %dma_wait3A_948 = arith.constant 0 : i32
    %dma_wait3A_949 = arith.constant 0 : i32
    %dma_wait3A_950 = tpu.memref_slice %arg6[%dma_wait3A_944, %dma_wait3A_948, %dma_wait3A_949] : memref<7x128x128xf32, #tpu.memory_space<vmem>> -> memref<1x128x128xf32, #tpu.memory_space<vmem>>
    %dma_wait3A_951 = tpu.memref_squeeze %dma_wait3A_950 : memref<1x128x128xf32, #tpu.memory_space<vmem>> -> memref<128x128xf32, #tpu.memory_space<vmem>>
    %dma_wait3A_952 = arith.constant 0 : i32
    %dma_wait3A_953 = tpu.memref_slice %arg7[%dma_wait3A_945, %dma_wait3A_946, %dma_wait3A_952] : memref<24x1x128xi32, #tpu.memory_space<vmem>> -> memref<1x1x128xi32, #tpu.memory_space<vmem>>
    %dma_wait3A_954 = tpu.memref_squeeze %dma_wait3A_953 : memref<1x1x128xi32, #tpu.memory_space<vmem>> -> memref<128xi32, #tpu.memory_space<vmem>>
    %dma_wait3A_955 = arith.constant 0 : i32
    %dma_wait3A_956 = arith.constant 0 : i32
    %dma_wait3A_957 = tpu.memref_slice %arg8[%dma_wait3A_955, %dma_wait3A_956] : memref<512x128xf32, #tpu.memory_space<vmem_shared>> -> memref<512x128xf32, #tpu.memory_space<vmem_shared>>
    %dma_wait3A_958 = tpu.memref_slice %arg11[%dma_wait3A_947] : memref<7x!tpu.dma_semaphore, #tpu.memory_space<semaphore_mem>> -> memref<1x!tpu.dma_semaphore, #tpu.memory_space<semaphore_mem>>
    %dma_wait3A_959 = tpu.memref_squeeze %dma_wait3A_958 : memref<1x!tpu.dma_semaphore, #tpu.memory_space<semaphore_mem>> -> memref<!tpu.dma_semaphore, #tpu.memory_space<semaphore_mem>>
    tpu.wait_indirect_dma semaphore(%dma_wait3A_959 : memref<!tpu.dma_semaphore, #tpu.memory_space<semaphore_mem>>) src(%dma_wait3A_951 : memref<128x128xf32, #tpu.memory_space<vmem>>) dst(%dma_wait3A_957 : memref<512x128xf32, #tpu.memory_space<vmem_shared>>)
    %add3A_960 = arith.constant 8 : i32
    %add3A_961 = arith.addi %mul3A_2, %add3A_960 : i32
    %mul3A_962 = arith.constant 128 : i32
    %mul3A_963 = arith.muli %add3A_961, %mul3A_962 : i32
    %multiple_of3A_964 = tpu.assume_multiple %mul3A_963, 128 : i32
    %dma_start3A_965 = arith.constant 1 : i32
    %dma_start3A_966 = arith.constant 1 : i32
    %dma_start3A_967 = arith.constant 0 : i32
    %dma_start3A_968 = arith.constant 0 : i32
    %dma_start3A_969 = tpu.memref_slice %arg6[%dma_start3A_965, %dma_start3A_967, %dma_start3A_968] : memref<7x128x128xf32, #tpu.memory_space<vmem>> -> memref<1x128x128xf32, #tpu.memory_space<vmem>>
    %dma_start3A_970 = tpu.memref_squeeze %dma_start3A_969 : memref<1x128x128xf32, #tpu.memory_space<vmem>> -> memref<128x128xf32, #tpu.memory_space<vmem>>
    %dma_start3A_971 = arith.constant 0 : i32
    %dma_start3A_972 = tpu.memref_slice %arg2[%multiple_of3A_964, %dma_start3A_971] : memref<100000x128xf32, #tpu.memory_space<hbm>> -> memref<128x128xf32, #tpu.memory_space<hbm>>
    %dma_start3A_973 = tpu.memref_slice %arg9[%dma_start3A_966] : memref<7x!tpu.dma_semaphore, #tpu.memory_space<semaphore_mem>> -> memref<1x!tpu.dma_semaphore, #tpu.memory_space<semaphore_mem>>
    %dma_start3A_974 = tpu.memref_squeeze %dma_start3A_973 : memref<1x!tpu.dma_semaphore, #tpu.memory_space<semaphore_mem>> -> memref<!tpu.dma_semaphore, #tpu.memory_space<semaphore_mem>>
    %dma_start3A_975 = arith.constant 0 : i32
    %dma_start3A_976 = arith.constant 0 : i32
    %dma_start3A_977 = tpu.memref_slice %arg6[%dma_start3A_965, %dma_start3A_975, %dma_start3A_976] : memref<7x128x128xf32, #tpu.memory_space<vmem>> -> memref<1x128x128xf32, #tpu.memory_space<vmem>>
    %dma_start3A_978 = tpu.memref_squeeze %dma_start3A_977 : memref<1x128x128xf32, #tpu.memory_space<vmem>> -> memref<128x128xf32, #tpu.memory_space<vmem>>
    %dma_start3A_979 = arith.constant 0 : i32
    %dma_start3A_980 = tpu.memref_slice %arg2[%multiple_of3A_964, %dma_start3A_979] : memref<100000x128xf32, #tpu.memory_space<hbm>> -> memref<128x128xf32, #tpu.memory_space<hbm>>
    tpu.enqueue_dma source(%dma_start3A_980 : memref<128x128xf32, #tpu.memory_space<hbm>>) target(%dma_start3A_978 : memref<128x128xf32, #tpu.memory_space<vmem>>) target_semaphore(%dma_start3A_974 : memref<!tpu.dma_semaphore, #tpu.memory_space<semaphore_mem>>)
    %dma_wait3A_981 = arith.constant 3 : i32
    %dma_wait3A_982 = arith.constant 3 : i32
    %dma_wait3A_983 = arith.constant 0 : i32
    %dma_wait3A_984 = arith.constant 0 : i32
    %dma_wait3A_985 = tpu.memref_slice %arg6[%dma_wait3A_981, %dma_wait3A_983, %dma_wait3A_984] : memref<7x128x128xf32, #tpu.memory_space<vmem>> -> memref<1x128x128xf32, #tpu.memory_space<vmem>>
    %dma_wait3A_986 = tpu.memref_squeeze %dma_wait3A_985 : memref<1x128x128xf32, #tpu.memory_space<vmem>> -> memref<128x128xf32, #tpu.memory_space<vmem>>
    %dma_wait3A_987 = arith.constant 0 : i32
    %dma_wait3A_988 = arith.constant 0 : i32
    %dma_wait3A_989 = tpu.memref_slice %arg2[%dma_wait3A_987, %dma_wait3A_988] : memref<100000x128xf32, #tpu.memory_space<hbm>> -> memref<128x128xf32, #tpu.memory_space<hbm>>
    %dma_wait3A_990 = tpu.memref_slice %arg9[%dma_wait3A_982] : memref<7x!tpu.dma_semaphore, #tpu.memory_space<semaphore_mem>> -> memref<1x!tpu.dma_semaphore, #tpu.memory_space<semaphore_mem>>
    %dma_wait3A_991 = tpu.memref_squeeze %dma_wait3A_990 : memref<1x!tpu.dma_semaphore, #tpu.memory_space<semaphore_mem>> -> memref<!tpu.dma_semaphore, #tpu.memory_space<semaphore_mem>>
    %dma_wait3A_992 = arith.constant 0 : i32
    %dma_wait3A_993 = arith.constant 0 : i32
    %dma_wait3A_994 = tpu.memref_slice %arg6[%dma_wait3A_981, %dma_wait3A_992, %dma_wait3A_993] : memref<7x128x128xf32, #tpu.memory_space<vmem>> -> memref<1x128x128xf32, #tpu.memory_space<vmem>>
    %dma_wait3A_995 = tpu.memref_squeeze %dma_wait3A_994 : memref<1x128x128xf32, #tpu.memory_space<vmem>> -> memref<128x128xf32, #tpu.memory_space<vmem>>
    %dma_wait3A_996 = arith.constant 0 : i32
    %dma_wait3A_997 = arith.constant 0 : i32
    %dma_wait3A_998 = tpu.memref_slice %arg2[%dma_wait3A_996, %dma_wait3A_997] : memref<100000x128xf32, #tpu.memory_space<hbm>> -> memref<128x128xf32, #tpu.memory_space<hbm>>
    tpu.wait_dma2 semaphore(%dma_wait3A_991 : memref<!tpu.dma_semaphore, #tpu.memory_space<semaphore_mem>>) src(%dma_wait3A_998 : memref<128x128xf32, #tpu.memory_space<hbm>>) dst(%dma_wait3A_995 : memref<128x128xf32, #tpu.memory_space<vmem>>)
    %dma_start3A_999 = arith.constant 3 : i32
    %dma_start3A_1000 = arith.constant 3 : i32
    %dma_start3A_1001 = arith.constant 0 : i32
    %dma_start3A_1002 = arith.constant 3 : i32
    %dma_start3A_1003 = arith.constant 0 : i32
    %dma_start3A_1004 = arith.constant 0 : i32
    %dma_start3A_1005 = tpu.memref_slice %arg6[%dma_start3A_999, %dma_start3A_1003, %dma_start3A_1004] : memref<7x128x128xf32, #tpu.memory_space<vmem>> -> memref<1x128x128xf32, #tpu.memory_space<vmem>>
    %dma_start3A_1006 = tpu.memref_squeeze %dma_start3A_1005 : memref<1x128x128xf32, #tpu.memory_space<vmem>> -> memref<128x128xf32, #tpu.memory_space<vmem>>
    %dma_start3A_1007 = arith.constant 0 : i32
    %dma_start3A_1008 = tpu.memref_slice %arg7[%dma_start3A_1000, %dma_start3A_1001, %dma_start3A_1007] : memref<24x1x128xi32, #tpu.memory_space<vmem>> -> memref<1x1x128xi32, #tpu.memory_space<vmem>>
    %dma_start3A_1009 = tpu.memref_squeeze %dma_start3A_1008 : memref<1x1x128xi32, #tpu.memory_space<vmem>> -> memref<128xi32, #tpu.memory_space<vmem>>
    %dma_start3A_1010 = arith.constant 0 : i32
    %dma_start3A_1011 = arith.constant 0 : i32
    %dma_start3A_1012 = tpu.memref_slice %arg8[%dma_start3A_1010, %dma_start3A_1011] : memref<512x128xf32, #tpu.memory_space<vmem_shared>> -> memref<512x128xf32, #tpu.memory_space<vmem_shared>>
    %dma_start3A_1013 = tpu.memref_slice %arg11[%dma_start3A_1002] : memref<7x!tpu.dma_semaphore, #tpu.memory_space<semaphore_mem>> -> memref<1x!tpu.dma_semaphore, #tpu.memory_space<semaphore_mem>>
    %dma_start3A_1014 = tpu.memref_squeeze %dma_start3A_1013 : memref<1x!tpu.dma_semaphore, #tpu.memory_space<semaphore_mem>> -> memref<!tpu.dma_semaphore, #tpu.memory_space<semaphore_mem>>
    tpu.enqueue_indirect_dma source(%dma_start3A_1006 : memref<128x128xf32, #tpu.memory_space<vmem>>) target(%dma_start3A_1012 : memref<512x128xf32, #tpu.memory_space<vmem_shared>>) offsets(%dma_start3A_1009 : memref<128xi32, #tpu.memory_space<vmem>>) semaphore(%dma_start3A_1014 : memref<!tpu.dma_semaphore, #tpu.memory_space<semaphore_mem>>) {add = true}
    %dma_wait3A_1015 = arith.constant 2 : i32
    %dma_wait3A_1016 = arith.constant 2 : i32
    %dma_wait3A_1017 = arith.constant 0 : i32
    %dma_wait3A_1018 = arith.constant 2 : i32
    %dma_wait3A_1019 = arith.constant 0 : i32
    %dma_wait3A_1020 = arith.constant 0 : i32
    %dma_wait3A_1021 = tpu.memref_slice %arg6[%dma_wait3A_1015, %dma_wait3A_1019, %dma_wait3A_1020] : memref<7x128x128xf32, #tpu.memory_space<vmem>> -> memref<1x128x128xf32, #tpu.memory_space<vmem>>
    %dma_wait3A_1022 = tpu.memref_squeeze %dma_wait3A_1021 : memref<1x128x128xf32, #tpu.memory_space<vmem>> -> memref<128x128xf32, #tpu.memory_space<vmem>>
    %dma_wait3A_1023 = arith.constant 0 : i32
    %dma_wait3A_1024 = tpu.memref_slice %arg7[%dma_wait3A_1016, %dma_wait3A_1017, %dma_wait3A_1023] : memref<24x1x128xi32, #tpu.memory_space<vmem>> -> memref<1x1x128xi32, #tpu.memory_space<vmem>>
    %dma_wait3A_1025 = tpu.memref_squeeze %dma_wait3A_1024 : memref<1x1x128xi32, #tpu.memory_space<vmem>> -> memref<128xi32, #tpu.memory_space<vmem>>
    %dma_wait3A_1026 = arith.constant 0 : i32
    %dma_wait3A_1027 = arith.constant 0 : i32
    %dma_wait3A_1028 = tpu.memref_slice %arg8[%dma_wait3A_1026, %dma_wait3A_1027] : memref<512x128xf32, #tpu.memory_space<vmem_shared>> -> memref<512x128xf32, #tpu.memory_space<vmem_shared>>
    %dma_wait3A_1029 = tpu.memref_slice %arg11[%dma_wait3A_1018] : memref<7x!tpu.dma_semaphore, #tpu.memory_space<semaphore_mem>> -> memref<1x!tpu.dma_semaphore, #tpu.memory_space<semaphore_mem>>
    %dma_wait3A_1030 = tpu.memref_squeeze %dma_wait3A_1029 : memref<1x!tpu.dma_semaphore, #tpu.memory_space<semaphore_mem>> -> memref<!tpu.dma_semaphore, #tpu.memory_space<semaphore_mem>>
    tpu.wait_indirect_dma semaphore(%dma_wait3A_1030 : memref<!tpu.dma_semaphore, #tpu.memory_space<semaphore_mem>>) src(%dma_wait3A_1022 : memref<128x128xf32, #tpu.memory_space<vmem>>) dst(%dma_wait3A_1028 : memref<512x128xf32, #tpu.memory_space<vmem_shared>>)
    %add3A_1031 = arith.constant 9 : i32
    %add3A_1032 = arith.addi %mul3A_2, %add3A_1031 : i32
    %mul3A_1033 = arith.constant 128 : i32
    %mul3A_1034 = arith.muli %add3A_1032, %mul3A_1033 : i32
    %multiple_of3A_1035 = tpu.assume_multiple %mul3A_1034, 128 : i32
    %dma_start3A_1036 = arith.constant 2 : i32
    %dma_start3A_1037 = arith.constant 2 : i32
    %dma_start3A_1038 = arith.constant 0 : i32
    %dma_start3A_1039 = arith.constant 0 : i32
    %dma_start3A_1040 = tpu.memref_slice %arg6[%dma_start3A_1036, %dma_start3A_1038, %dma_start3A_1039] : memref<7x128x128xf32, #tpu.memory_space<vmem>> -> memref<1x128x128xf32, #tpu.memory_space<vmem>>
    %dma_start3A_1041 = tpu.memref_squeeze %dma_start3A_1040 : memref<1x128x128xf32, #tpu.memory_space<vmem>> -> memref<128x128xf32, #tpu.memory_space<vmem>>
    %dma_start3A_1042 = arith.constant 0 : i32
    %dma_start3A_1043 = tpu.memref_slice %arg2[%multiple_of3A_1035, %dma_start3A_1042] : memref<100000x128xf32, #tpu.memory_space<hbm>> -> memref<128x128xf32, #tpu.memory_space<hbm>>
    %dma_start3A_1044 = tpu.memref_slice %arg9[%dma_start3A_1037] : memref<7x!tpu.dma_semaphore, #tpu.memory_space<semaphore_mem>> -> memref<1x!tpu.dma_semaphore, #tpu.memory_space<semaphore_mem>>
    %dma_start3A_1045 = tpu.memref_squeeze %dma_start3A_1044 : memref<1x!tpu.dma_semaphore, #tpu.memory_space<semaphore_mem>> -> memref<!tpu.dma_semaphore, #tpu.memory_space<semaphore_mem>>
    %dma_start3A_1046 = arith.constant 0 : i32
    %dma_start3A_1047 = arith.constant 0 : i32
    %dma_start3A_1048 = tpu.memref_slice %arg6[%dma_start3A_1036, %dma_start3A_1046, %dma_start3A_1047] : memref<7x128x128xf32, #tpu.memory_space<vmem>> -> memref<1x128x128xf32, #tpu.memory_space<vmem>>
    %dma_start3A_1049 = tpu.memref_squeeze %dma_start3A_1048 : memref<1x128x128xf32, #tpu.memory_space<vmem>> -> memref<128x128xf32, #tpu.memory_space<vmem>>
    %dma_start3A_1050 = arith.constant 0 : i32
    %dma_start3A_1051 = tpu.memref_slice %arg2[%multiple_of3A_1035, %dma_start3A_1050] : memref<100000x128xf32, #tpu.memory_space<hbm>> -> memref<128x128xf32, #tpu.memory_space<hbm>>
    tpu.enqueue_dma source(%dma_start3A_1051 : memref<128x128xf32, #tpu.memory_space<hbm>>) target(%dma_start3A_1049 : memref<128x128xf32, #tpu.memory_space<vmem>>) target_semaphore(%dma_start3A_1045 : memref<!tpu.dma_semaphore, #tpu.memory_space<semaphore_mem>>)
    %dma_wait3A_1052 = arith.constant 4 : i32
    %dma_wait3A_1053 = arith.constant 4 : i32
    %dma_wait3A_1054 = arith.constant 0 : i32
    %dma_wait3A_1055 = arith.constant 0 : i32
    %dma_wait3A_1056 = tpu.memref_slice %arg6[%dma_wait3A_1052, %dma_wait3A_1054, %dma_wait3A_1055] : memref<7x128x128xf32, #tpu.memory_space<vmem>> -> memref<1x128x128xf32, #tpu.memory_space<vmem>>
    %dma_wait3A_1057 = tpu.memref_squeeze %dma_wait3A_1056 : memref<1x128x128xf32, #tpu.memory_space<vmem>> -> memref<128x128xf32, #tpu.memory_space<vmem>>
    %dma_wait3A_1058 = arith.constant 0 : i32
    %dma_wait3A_1059 = arith.constant 0 : i32
    %dma_wait3A_1060 = tpu.memref_slice %arg2[%dma_wait3A_1058, %dma_wait3A_1059] : memref<100000x128xf32, #tpu.memory_space<hbm>> -> memref<128x128xf32, #tpu.memory_space<hbm>>
    %dma_wait3A_1061 = tpu.memref_slice %arg9[%dma_wait3A_1053] : memref<7x!tpu.dma_semaphore, #tpu.memory_space<semaphore_mem>> -> memref<1x!tpu.dma_semaphore, #tpu.memory_space<semaphore_mem>>
    %dma_wait3A_1062 = tpu.memref_squeeze %dma_wait3A_1061 : memref<1x!tpu.dma_semaphore, #tpu.memory_space<semaphore_mem>> -> memref<!tpu.dma_semaphore, #tpu.memory_space<semaphore_mem>>
    %dma_wait3A_1063 = arith.constant 0 : i32
    %dma_wait3A_1064 = arith.constant 0 : i32
    %dma_wait3A_1065 = tpu.memref_slice %arg6[%dma_wait3A_1052, %dma_wait3A_1063, %dma_wait3A_1064] : memref<7x128x128xf32, #tpu.memory_space<vmem>> -> memref<1x128x128xf32, #tpu.memory_space<vmem>>
    %dma_wait3A_1066 = tpu.memref_squeeze %dma_wait3A_1065 : memref<1x128x128xf32, #tpu.memory_space<vmem>> -> memref<128x128xf32, #tpu.memory_space<vmem>>
    %dma_wait3A_1067 = arith.constant 0 : i32
    %dma_wait3A_1068 = arith.constant 0 : i32
    %dma_wait3A_1069 = tpu.memref_slice %arg2[%dma_wait3A_1067, %dma_wait3A_1068] : memref<100000x128xf32, #tpu.memory_space<hbm>> -> memref<128x128xf32, #tpu.memory_space<hbm>>
    tpu.wait_dma2 semaphore(%dma_wait3A_1062 : memref<!tpu.dma_semaphore, #tpu.memory_space<semaphore_mem>>) src(%dma_wait3A_1069 : memref<128x128xf32, #tpu.memory_space<hbm>>) dst(%dma_wait3A_1066 : memref<128x128xf32, #tpu.memory_space<vmem>>)
    %dma_start3A_1070 = arith.constant 4 : i32
    %dma_start3A_1071 = arith.constant 4 : i32
    %dma_start3A_1072 = arith.constant 0 : i32
    %dma_start3A_1073 = arith.constant 4 : i32
    %dma_start3A_1074 = arith.constant 0 : i32
    %dma_start3A_1075 = arith.constant 0 : i32
    %dma_start3A_1076 = tpu.memref_slice %arg6[%dma_start3A_1070, %dma_start3A_1074, %dma_start3A_1075] : memref<7x128x128xf32, #tpu.memory_space<vmem>> -> memref<1x128x128xf32, #tpu.memory_space<vmem>>
    %dma_start3A_1077 = tpu.memref_squeeze %dma_start3A_1076 : memref<1x128x128xf32, #tpu.memory_space<vmem>> -> memref<128x128xf32, #tpu.memory_space<vmem>>
    %dma_start3A_1078 = arith.constant 0 : i32
    %dma_start3A_1079 = tpu.memref_slice %arg7[%dma_start3A_1071, %dma_start3A_1072, %dma_start3A_1078] : memref<24x1x128xi32, #tpu.memory_space<vmem>> -> memref<1x1x128xi32, #tpu.memory_space<vmem>>
    %dma_start3A_1080 = tpu.memref_squeeze %dma_start3A_1079 : memref<1x1x128xi32, #tpu.memory_space<vmem>> -> memref<128xi32, #tpu.memory_space<vmem>>
    %dma_start3A_1081 = arith.constant 0 : i32
    %dma_start3A_1082 = arith.constant 0 : i32
    %dma_start3A_1083 = tpu.memref_slice %arg8[%dma_start3A_1081, %dma_start3A_1082] : memref<512x128xf32, #tpu.memory_space<vmem_shared>> -> memref<512x128xf32, #tpu.memory_space<vmem_shared>>
    %dma_start3A_1084 = tpu.memref_slice %arg11[%dma_start3A_1073] : memref<7x!tpu.dma_semaphore, #tpu.memory_space<semaphore_mem>> -> memref<1x!tpu.dma_semaphore, #tpu.memory_space<semaphore_mem>>
    %dma_start3A_1085 = tpu.memref_squeeze %dma_start3A_1084 : memref<1x!tpu.dma_semaphore, #tpu.memory_space<semaphore_mem>> -> memref<!tpu.dma_semaphore, #tpu.memory_space<semaphore_mem>>
    tpu.enqueue_indirect_dma source(%dma_start3A_1077 : memref<128x128xf32, #tpu.memory_space<vmem>>) target(%dma_start3A_1083 : memref<512x128xf32, #tpu.memory_space<vmem_shared>>) offsets(%dma_start3A_1080 : memref<128xi32, #tpu.memory_space<vmem>>) semaphore(%dma_start3A_1085 : memref<!tpu.dma_semaphore, #tpu.memory_space<semaphore_mem>>) {add = true}
    %dma_wait3A_1086 = arith.constant 3 : i32
    %dma_wait3A_1087 = arith.constant 3 : i32
    %dma_wait3A_1088 = arith.constant 0 : i32
    %dma_wait3A_1089 = arith.constant 3 : i32
    %dma_wait3A_1090 = arith.constant 0 : i32
    %dma_wait3A_1091 = arith.constant 0 : i32
    %dma_wait3A_1092 = tpu.memref_slice %arg6[%dma_wait3A_1086, %dma_wait3A_1090, %dma_wait3A_1091] : memref<7x128x128xf32, #tpu.memory_space<vmem>> -> memref<1x128x128xf32, #tpu.memory_space<vmem>>
    %dma_wait3A_1093 = tpu.memref_squeeze %dma_wait3A_1092 : memref<1x128x128xf32, #tpu.memory_space<vmem>> -> memref<128x128xf32, #tpu.memory_space<vmem>>
    %dma_wait3A_1094 = arith.constant 0 : i32
    %dma_wait3A_1095 = tpu.memref_slice %arg7[%dma_wait3A_1087, %dma_wait3A_1088, %dma_wait3A_1094] : memref<24x1x128xi32, #tpu.memory_space<vmem>> -> memref<1x1x128xi32, #tpu.memory_space<vmem>>
    %dma_wait3A_1096 = tpu.memref_squeeze %dma_wait3A_1095 : memref<1x1x128xi32, #tpu.memory_space<vmem>> -> memref<128xi32, #tpu.memory_space<vmem>>
    %dma_wait3A_1097 = arith.constant 0 : i32
    %dma_wait3A_1098 = arith.constant 0 : i32
    %dma_wait3A_1099 = tpu.memref_slice %arg8[%dma_wait3A_1097, %dma_wait3A_1098] : memref<512x128xf32, #tpu.memory_space<vmem_shared>> -> memref<512x128xf32, #tpu.memory_space<vmem_shared>>
    %dma_wait3A_1100 = tpu.memref_slice %arg11[%dma_wait3A_1089] : memref<7x!tpu.dma_semaphore, #tpu.memory_space<semaphore_mem>> -> memref<1x!tpu.dma_semaphore, #tpu.memory_space<semaphore_mem>>
    %dma_wait3A_1101 = tpu.memref_squeeze %dma_wait3A_1100 : memref<1x!tpu.dma_semaphore, #tpu.memory_space<semaphore_mem>> -> memref<!tpu.dma_semaphore, #tpu.memory_space<semaphore_mem>>
    tpu.wait_indirect_dma semaphore(%dma_wait3A_1101 : memref<!tpu.dma_semaphore, #tpu.memory_space<semaphore_mem>>) src(%dma_wait3A_1093 : memref<128x128xf32, #tpu.memory_space<vmem>>) dst(%dma_wait3A_1099 : memref<512x128xf32, #tpu.memory_space<vmem_shared>>)
    %add3A_1102 = arith.constant 10 : i32
    %add3A_1103 = arith.addi %mul3A_2, %add3A_1102 : i32
    %mul3A_1104 = arith.constant 128 : i32
    %mul3A_1105 = arith.muli %add3A_1103, %mul3A_1104 : i32
    %multiple_of3A_1106 = tpu.assume_multiple %mul3A_1105, 128 : i32
    %dma_start3A_1107 = arith.constant 3 : i32
    %dma_start3A_1108 = arith.constant 3 : i32
    %dma_start3A_1109 = arith.constant 0 : i32
    %dma_start3A_1110 = arith.constant 0 : i32
    %dma_start3A_1111 = tpu.memref_slice %arg6[%dma_start3A_1107, %dma_start3A_1109, %dma_start3A_1110] : memref<7x128x128xf32, #tpu.memory_space<vmem>> -> memref<1x128x128xf32, #tpu.memory_space<vmem>>
    %dma_start3A_1112 = tpu.memref_squeeze %dma_start3A_1111 : memref<1x128x128xf32, #tpu.memory_space<vmem>> -> memref<128x128xf32, #tpu.memory_space<vmem>>
    %dma_start3A_1113 = arith.constant 0 : i32
    %dma_start3A_1114 = tpu.memref_slice %arg2[%multiple_of3A_1106, %dma_start3A_1113] : memref<100000x128xf32, #tpu.memory_space<hbm>> -> memref<128x128xf32, #tpu.memory_space<hbm>>
    %dma_start3A_1115 = tpu.memref_slice %arg9[%dma_start3A_1108] : memref<7x!tpu.dma_semaphore, #tpu.memory_space<semaphore_mem>> -> memref<1x!tpu.dma_semaphore, #tpu.memory_space<semaphore_mem>>
    %dma_start3A_1116 = tpu.memref_squeeze %dma_start3A_1115 : memref<1x!tpu.dma_semaphore, #tpu.memory_space<semaphore_mem>> -> memref<!tpu.dma_semaphore, #tpu.memory_space<semaphore_mem>>
    %dma_start3A_1117 = arith.constant 0 : i32
    %dma_start3A_1118 = arith.constant 0 : i32
    %dma_start3A_1119 = tpu.memref_slice %arg6[%dma_start3A_1107, %dma_start3A_1117, %dma_start3A_1118] : memref<7x128x128xf32, #tpu.memory_space<vmem>> -> memref<1x128x128xf32, #tpu.memory_space<vmem>>
    %dma_start3A_1120 = tpu.memref_squeeze %dma_start3A_1119 : memref<1x128x128xf32, #tpu.memory_space<vmem>> -> memref<128x128xf32, #tpu.memory_space<vmem>>
    %dma_start3A_1121 = arith.constant 0 : i32
    %dma_start3A_1122 = tpu.memref_slice %arg2[%multiple_of3A_1106, %dma_start3A_1121] : memref<100000x128xf32, #tpu.memory_space<hbm>> -> memref<128x128xf32, #tpu.memory_space<hbm>>
    tpu.enqueue_dma source(%dma_start3A_1122 : memref<128x128xf32, #tpu.memory_space<hbm>>) target(%dma_start3A_1120 : memref<128x128xf32, #tpu.memory_space<vmem>>) target_semaphore(%dma_start3A_1116 : memref<!tpu.dma_semaphore, #tpu.memory_space<semaphore_mem>>)
    %dma_wait3A_1123 = arith.constant 5 : i32
    %dma_wait3A_1124 = arith.constant 5 : i32
    %dma_wait3A_1125 = arith.constant 0 : i32
    %dma_wait3A_1126 = arith.constant 0 : i32
    %dma_wait3A_1127 = tpu.memref_slice %arg6[%dma_wait3A_1123, %dma_wait3A_1125, %dma_wait3A_1126] : memref<7x128x128xf32, #tpu.memory_space<vmem>> -> memref<1x128x128xf32, #tpu.memory_space<vmem>>
    %dma_wait3A_1128 = tpu.memref_squeeze %dma_wait3A_1127 : memref<1x128x128xf32, #tpu.memory_space<vmem>> -> memref<128x128xf32, #tpu.memory_space<vmem>>
    %dma_wait3A_1129 = arith.constant 0 : i32
    %dma_wait3A_1130 = arith.constant 0 : i32
    %dma_wait3A_1131 = tpu.memref_slice %arg2[%dma_wait3A_1129, %dma_wait3A_1130] : memref<100000x128xf32, #tpu.memory_space<hbm>> -> memref<128x128xf32, #tpu.memory_space<hbm>>
    %dma_wait3A_1132 = tpu.memref_slice %arg9[%dma_wait3A_1124] : memref<7x!tpu.dma_semaphore, #tpu.memory_space<semaphore_mem>> -> memref<1x!tpu.dma_semaphore, #tpu.memory_space<semaphore_mem>>
    %dma_wait3A_1133 = tpu.memref_squeeze %dma_wait3A_1132 : memref<1x!tpu.dma_semaphore, #tpu.memory_space<semaphore_mem>> -> memref<!tpu.dma_semaphore, #tpu.memory_space<semaphore_mem>>
    %dma_wait3A_1134 = arith.constant 0 : i32
    %dma_wait3A_1135 = arith.constant 0 : i32
    %dma_wait3A_1136 = tpu.memref_slice %arg6[%dma_wait3A_1123, %dma_wait3A_1134, %dma_wait3A_1135] : memref<7x128x128xf32, #tpu.memory_space<vmem>> -> memref<1x128x128xf32, #tpu.memory_space<vmem>>
    %dma_wait3A_1137 = tpu.memref_squeeze %dma_wait3A_1136 : memref<1x128x128xf32, #tpu.memory_space<vmem>> -> memref<128x128xf32, #tpu.memory_space<vmem>>
    %dma_wait3A_1138 = arith.constant 0 : i32
    %dma_wait3A_1139 = arith.constant 0 : i32
    %dma_wait3A_1140 = tpu.memref_slice %arg2[%dma_wait3A_1138, %dma_wait3A_1139] : memref<100000x128xf32, #tpu.memory_space<hbm>> -> memref<128x128xf32, #tpu.memory_space<hbm>>
    tpu.wait_dma2 semaphore(%dma_wait3A_1133 : memref<!tpu.dma_semaphore, #tpu.memory_space<semaphore_mem>>) src(%dma_wait3A_1140 : memref<128x128xf32, #tpu.memory_space<hbm>>) dst(%dma_wait3A_1137 : memref<128x128xf32, #tpu.memory_space<vmem>>)
    %dma_start3A_1141 = arith.constant 5 : i32
    %dma_start3A_1142 = arith.constant 5 : i32
    %dma_start3A_1143 = arith.constant 0 : i32
    %dma_start3A_1144 = arith.constant 5 : i32
    %dma_start3A_1145 = arith.constant 0 : i32
    %dma_start3A_1146 = arith.constant 0 : i32
    %dma_start3A_1147 = tpu.memref_slice %arg6[%dma_start3A_1141, %dma_start3A_1145, %dma_start3A_1146] : memref<7x128x128xf32, #tpu.memory_space<vmem>> -> memref<1x128x128xf32, #tpu.memory_space<vmem>>
    %dma_start3A_1148 = tpu.memref_squeeze %dma_start3A_1147 : memref<1x128x128xf32, #tpu.memory_space<vmem>> -> memref<128x128xf32, #tpu.memory_space<vmem>>
    %dma_start3A_1149 = arith.constant 0 : i32
    %dma_start3A_1150 = tpu.memref_slice %arg7[%dma_start3A_1142, %dma_start3A_1143, %dma_start3A_1149] : memref<24x1x128xi32, #tpu.memory_space<vmem>> -> memref<1x1x128xi32, #tpu.memory_space<vmem>>
    %dma_start3A_1151 = tpu.memref_squeeze %dma_start3A_1150 : memref<1x1x128xi32, #tpu.memory_space<vmem>> -> memref<128xi32, #tpu.memory_space<vmem>>
    %dma_start3A_1152 = arith.constant 0 : i32
    %dma_start3A_1153 = arith.constant 0 : i32
    %dma_start3A_1154 = tpu.memref_slice %arg8[%dma_start3A_1152, %dma_start3A_1153] : memref<512x128xf32, #tpu.memory_space<vmem_shared>> -> memref<512x128xf32, #tpu.memory_space<vmem_shared>>
    %dma_start3A_1155 = tpu.memref_slice %arg11[%dma_start3A_1144] : memref<7x!tpu.dma_semaphore, #tpu.memory_space<semaphore_mem>> -> memref<1x!tpu.dma_semaphore, #tpu.memory_space<semaphore_mem>>
    %dma_start3A_1156 = tpu.memref_squeeze %dma_start3A_1155 : memref<1x!tpu.dma_semaphore, #tpu.memory_space<semaphore_mem>> -> memref<!tpu.dma_semaphore, #tpu.memory_space<semaphore_mem>>
    tpu.enqueue_indirect_dma source(%dma_start3A_1148 : memref<128x128xf32, #tpu.memory_space<vmem>>) target(%dma_start3A_1154 : memref<512x128xf32, #tpu.memory_space<vmem_shared>>) offsets(%dma_start3A_1151 : memref<128xi32, #tpu.memory_space<vmem>>) semaphore(%dma_start3A_1156 : memref<!tpu.dma_semaphore, #tpu.memory_space<semaphore_mem>>) {add = true}
    %dma_wait3A_1157 = arith.constant 4 : i32
    %dma_wait3A_1158 = arith.constant 4 : i32
    %dma_wait3A_1159 = arith.constant 0 : i32
    %dma_wait3A_1160 = arith.constant 4 : i32
    %dma_wait3A_1161 = arith.constant 0 : i32
    %dma_wait3A_1162 = arith.constant 0 : i32
    %dma_wait3A_1163 = tpu.memref_slice %arg6[%dma_wait3A_1157, %dma_wait3A_1161, %dma_wait3A_1162] : memref<7x128x128xf32, #tpu.memory_space<vmem>> -> memref<1x128x128xf32, #tpu.memory_space<vmem>>
    %dma_wait3A_1164 = tpu.memref_squeeze %dma_wait3A_1163 : memref<1x128x128xf32, #tpu.memory_space<vmem>> -> memref<128x128xf32, #tpu.memory_space<vmem>>
    %dma_wait3A_1165 = arith.constant 0 : i32
    %dma_wait3A_1166 = tpu.memref_slice %arg7[%dma_wait3A_1158, %dma_wait3A_1159, %dma_wait3A_1165] : memref<24x1x128xi32, #tpu.memory_space<vmem>> -> memref<1x1x128xi32, #tpu.memory_space<vmem>>
    %dma_wait3A_1167 = tpu.memref_squeeze %dma_wait3A_1166 : memref<1x1x128xi32, #tpu.memory_space<vmem>> -> memref<128xi32, #tpu.memory_space<vmem>>
    %dma_wait3A_1168 = arith.constant 0 : i32
    %dma_wait3A_1169 = arith.constant 0 : i32
    %dma_wait3A_1170 = tpu.memref_slice %arg8[%dma_wait3A_1168, %dma_wait3A_1169] : memref<512x128xf32, #tpu.memory_space<vmem_shared>> -> memref<512x128xf32, #tpu.memory_space<vmem_shared>>
    %dma_wait3A_1171 = tpu.memref_slice %arg11[%dma_wait3A_1160] : memref<7x!tpu.dma_semaphore, #tpu.memory_space<semaphore_mem>> -> memref<1x!tpu.dma_semaphore, #tpu.memory_space<semaphore_mem>>
    %dma_wait3A_1172 = tpu.memref_squeeze %dma_wait3A_1171 : memref<1x!tpu.dma_semaphore, #tpu.memory_space<semaphore_mem>> -> memref<!tpu.dma_semaphore, #tpu.memory_space<semaphore_mem>>
    tpu.wait_indirect_dma semaphore(%dma_wait3A_1172 : memref<!tpu.dma_semaphore, #tpu.memory_space<semaphore_mem>>) src(%dma_wait3A_1164 : memref<128x128xf32, #tpu.memory_space<vmem>>) dst(%dma_wait3A_1170 : memref<512x128xf32, #tpu.memory_space<vmem_shared>>)
    %add3A_1173 = arith.constant 11 : i32
    %add3A_1174 = arith.addi %mul3A_2, %add3A_1173 : i32
    %mul3A_1175 = arith.constant 128 : i32
    %mul3A_1176 = arith.muli %add3A_1174, %mul3A_1175 : i32
    %multiple_of3A_1177 = tpu.assume_multiple %mul3A_1176, 128 : i32
    %dma_start3A_1178 = arith.constant 4 : i32
    %dma_start3A_1179 = arith.constant 4 : i32
    %dma_start3A_1180 = arith.constant 0 : i32
    %dma_start3A_1181 = arith.constant 0 : i32
    %dma_start3A_1182 = tpu.memref_slice %arg6[%dma_start3A_1178, %dma_start3A_1180, %dma_start3A_1181] : memref<7x128x128xf32, #tpu.memory_space<vmem>> -> memref<1x128x128xf32, #tpu.memory_space<vmem>>
    %dma_start3A_1183 = tpu.memref_squeeze %dma_start3A_1182 : memref<1x128x128xf32, #tpu.memory_space<vmem>> -> memref<128x128xf32, #tpu.memory_space<vmem>>
    %dma_start3A_1184 = arith.constant 0 : i32
    %dma_start3A_1185 = tpu.memref_slice %arg2[%multiple_of3A_1177, %dma_start3A_1184] : memref<100000x128xf32, #tpu.memory_space<hbm>> -> memref<128x128xf32, #tpu.memory_space<hbm>>
    %dma_start3A_1186 = tpu.memref_slice %arg9[%dma_start3A_1179] : memref<7x!tpu.dma_semaphore, #tpu.memory_space<semaphore_mem>> -> memref<1x!tpu.dma_semaphore, #tpu.memory_space<semaphore_mem>>
    %dma_start3A_1187 = tpu.memref_squeeze %dma_start3A_1186 : memref<1x!tpu.dma_semaphore, #tpu.memory_space<semaphore_mem>> -> memref<!tpu.dma_semaphore, #tpu.memory_space<semaphore_mem>>
    %dma_start3A_1188 = arith.constant 0 : i32
    %dma_start3A_1189 = arith.constant 0 : i32
    %dma_start3A_1190 = tpu.memref_slice %arg6[%dma_start3A_1178, %dma_start3A_1188, %dma_start3A_1189] : memref<7x128x128xf32, #tpu.memory_space<vmem>> -> memref<1x128x128xf32, #tpu.memory_space<vmem>>
    %dma_start3A_1191 = tpu.memref_squeeze %dma_start3A_1190 : memref<1x128x128xf32, #tpu.memory_space<vmem>> -> memref<128x128xf32, #tpu.memory_space<vmem>>
    %dma_start3A_1192 = arith.constant 0 : i32
    %dma_start3A_1193 = tpu.memref_slice %arg2[%multiple_of3A_1177, %dma_start3A_1192] : memref<100000x128xf32, #tpu.memory_space<hbm>> -> memref<128x128xf32, #tpu.memory_space<hbm>>
    tpu.enqueue_dma source(%dma_start3A_1193 : memref<128x128xf32, #tpu.memory_space<hbm>>) target(%dma_start3A_1191 : memref<128x128xf32, #tpu.memory_space<vmem>>) target_semaphore(%dma_start3A_1187 : memref<!tpu.dma_semaphore, #tpu.memory_space<semaphore_mem>>)
    %dma_wait3A_1194 = arith.constant 6 : i32
    %dma_wait3A_1195 = arith.constant 6 : i32
    %dma_wait3A_1196 = arith.constant 0 : i32
    %dma_wait3A_1197 = arith.constant 0 : i32
    %dma_wait3A_1198 = tpu.memref_slice %arg6[%dma_wait3A_1194, %dma_wait3A_1196, %dma_wait3A_1197] : memref<7x128x128xf32, #tpu.memory_space<vmem>> -> memref<1x128x128xf32, #tpu.memory_space<vmem>>
    %dma_wait3A_1199 = tpu.memref_squeeze %dma_wait3A_1198 : memref<1x128x128xf32, #tpu.memory_space<vmem>> -> memref<128x128xf32, #tpu.memory_space<vmem>>
    %dma_wait3A_1200 = arith.constant 0 : i32
    %dma_wait3A_1201 = arith.constant 0 : i32
    %dma_wait3A_1202 = tpu.memref_slice %arg2[%dma_wait3A_1200, %dma_wait3A_1201] : memref<100000x128xf32, #tpu.memory_space<hbm>> -> memref<128x128xf32, #tpu.memory_space<hbm>>
    %dma_wait3A_1203 = tpu.memref_slice %arg9[%dma_wait3A_1195] : memref<7x!tpu.dma_semaphore, #tpu.memory_space<semaphore_mem>> -> memref<1x!tpu.dma_semaphore, #tpu.memory_space<semaphore_mem>>
    %dma_wait3A_1204 = tpu.memref_squeeze %dma_wait3A_1203 : memref<1x!tpu.dma_semaphore, #tpu.memory_space<semaphore_mem>> -> memref<!tpu.dma_semaphore, #tpu.memory_space<semaphore_mem>>
    %dma_wait3A_1205 = arith.constant 0 : i32
    %dma_wait3A_1206 = arith.constant 0 : i32
    %dma_wait3A_1207 = tpu.memref_slice %arg6[%dma_wait3A_1194, %dma_wait3A_1205, %dma_wait3A_1206] : memref<7x128x128xf32, #tpu.memory_space<vmem>> -> memref<1x128x128xf32, #tpu.memory_space<vmem>>
    %dma_wait3A_1208 = tpu.memref_squeeze %dma_wait3A_1207 : memref<1x128x128xf32, #tpu.memory_space<vmem>> -> memref<128x128xf32, #tpu.memory_space<vmem>>
    %dma_wait3A_1209 = arith.constant 0 : i32
    %dma_wait3A_1210 = arith.constant 0 : i32
    %dma_wait3A_1211 = tpu.memref_slice %arg2[%dma_wait3A_1209, %dma_wait3A_1210] : memref<100000x128xf32, #tpu.memory_space<hbm>> -> memref<128x128xf32, #tpu.memory_space<hbm>>
    tpu.wait_dma2 semaphore(%dma_wait3A_1204 : memref<!tpu.dma_semaphore, #tpu.memory_space<semaphore_mem>>) src(%dma_wait3A_1211 : memref<128x128xf32, #tpu.memory_space<hbm>>) dst(%dma_wait3A_1208 : memref<128x128xf32, #tpu.memory_space<vmem>>)
    %dma_start3A_1212 = arith.constant 6 : i32
    %dma_start3A_1213 = arith.constant 6 : i32
    %dma_start3A_1214 = arith.constant 0 : i32
    %dma_start3A_1215 = arith.constant 6 : i32
    %dma_start3A_1216 = arith.constant 0 : i32
    %dma_start3A_1217 = arith.constant 0 : i32
    %dma_start3A_1218 = tpu.memref_slice %arg6[%dma_start3A_1212, %dma_start3A_1216, %dma_start3A_1217] : memref<7x128x128xf32, #tpu.memory_space<vmem>> -> memref<1x128x128xf32, #tpu.memory_space<vmem>>
    %dma_start3A_1219 = tpu.memref_squeeze %dma_start3A_1218 : memref<1x128x128xf32, #tpu.memory_space<vmem>> -> memref<128x128xf32, #tpu.memory_space<vmem>>
    %dma_start3A_1220 = arith.constant 0 : i32
    %dma_start3A_1221 = tpu.memref_slice %arg7[%dma_start3A_1213, %dma_start3A_1214, %dma_start3A_1220] : memref<24x1x128xi32, #tpu.memory_space<vmem>> -> memref<1x1x128xi32, #tpu.memory_space<vmem>>
    %dma_start3A_1222 = tpu.memref_squeeze %dma_start3A_1221 : memref<1x1x128xi32, #tpu.memory_space<vmem>> -> memref<128xi32, #tpu.memory_space<vmem>>
    %dma_start3A_1223 = arith.constant 0 : i32
    %dma_start3A_1224 = arith.constant 0 : i32
    %dma_start3A_1225 = tpu.memref_slice %arg8[%dma_start3A_1223, %dma_start3A_1224] : memref<512x128xf32, #tpu.memory_space<vmem_shared>> -> memref<512x128xf32, #tpu.memory_space<vmem_shared>>
    %dma_start3A_1226 = tpu.memref_slice %arg11[%dma_start3A_1215] : memref<7x!tpu.dma_semaphore, #tpu.memory_space<semaphore_mem>> -> memref<1x!tpu.dma_semaphore, #tpu.memory_space<semaphore_mem>>
    %dma_start3A_1227 = tpu.memref_squeeze %dma_start3A_1226 : memref<1x!tpu.dma_semaphore, #tpu.memory_space<semaphore_mem>> -> memref<!tpu.dma_semaphore, #tpu.memory_space<semaphore_mem>>
    tpu.enqueue_indirect_dma source(%dma_start3A_1219 : memref<128x128xf32, #tpu.memory_space<vmem>>) target(%dma_start3A_1225 : memref<512x128xf32, #tpu.memory_space<vmem_shared>>) offsets(%dma_start3A_1222 : memref<128xi32, #tpu.memory_space<vmem>>) semaphore(%dma_start3A_1227 : memref<!tpu.dma_semaphore, #tpu.memory_space<semaphore_mem>>) {add = true}
    %dma_wait3A_1228 = arith.constant 5 : i32
    %dma_wait3A_1229 = arith.constant 5 : i32
    %dma_wait3A_1230 = arith.constant 0 : i32
    %dma_wait3A_1231 = arith.constant 5 : i32
    %dma_wait3A_1232 = arith.constant 0 : i32
    %dma_wait3A_1233 = arith.constant 0 : i32
    %dma_wait3A_1234 = tpu.memref_slice %arg6[%dma_wait3A_1228, %dma_wait3A_1232, %dma_wait3A_1233] : memref<7x128x128xf32, #tpu.memory_space<vmem>> -> memref<1x128x128xf32, #tpu.memory_space<vmem>>
    %dma_wait3A_1235 = tpu.memref_squeeze %dma_wait3A_1234 : memref<1x128x128xf32, #tpu.memory_space<vmem>> -> memref<128x128xf32, #tpu.memory_space<vmem>>
    %dma_wait3A_1236 = arith.constant 0 : i32
    %dma_wait3A_1237 = tpu.memref_slice %arg7[%dma_wait3A_1229, %dma_wait3A_1230, %dma_wait3A_1236] : memref<24x1x128xi32, #tpu.memory_space<vmem>> -> memref<1x1x128xi32, #tpu.memory_space<vmem>>
    %dma_wait3A_1238 = tpu.memref_squeeze %dma_wait3A_1237 : memref<1x1x128xi32, #tpu.memory_space<vmem>> -> memref<128xi32, #tpu.memory_space<vmem>>
    %dma_wait3A_1239 = arith.constant 0 : i32
    %dma_wait3A_1240 = arith.constant 0 : i32
    %dma_wait3A_1241 = tpu.memref_slice %arg8[%dma_wait3A_1239, %dma_wait3A_1240] : memref<512x128xf32, #tpu.memory_space<vmem_shared>> -> memref<512x128xf32, #tpu.memory_space<vmem_shared>>
    %dma_wait3A_1242 = tpu.memref_slice %arg11[%dma_wait3A_1231] : memref<7x!tpu.dma_semaphore, #tpu.memory_space<semaphore_mem>> -> memref<1x!tpu.dma_semaphore, #tpu.memory_space<semaphore_mem>>
    %dma_wait3A_1243 = tpu.memref_squeeze %dma_wait3A_1242 : memref<1x!tpu.dma_semaphore, #tpu.memory_space<semaphore_mem>> -> memref<!tpu.dma_semaphore, #tpu.memory_space<semaphore_mem>>
    tpu.wait_indirect_dma semaphore(%dma_wait3A_1243 : memref<!tpu.dma_semaphore, #tpu.memory_space<semaphore_mem>>) src(%dma_wait3A_1235 : memref<128x128xf32, #tpu.memory_space<vmem>>) dst(%dma_wait3A_1241 : memref<512x128xf32, #tpu.memory_space<vmem_shared>>)
    %add3A_1244 = arith.constant 12 : i32
    %add3A_1245 = arith.addi %mul3A_2, %add3A_1244 : i32
    %mul3A_1246 = arith.constant 128 : i32
    %mul3A_1247 = arith.muli %add3A_1245, %mul3A_1246 : i32
    %multiple_of3A_1248 = tpu.assume_multiple %mul3A_1247, 128 : i32
    %dma_start3A_1249 = arith.constant 5 : i32
    %dma_start3A_1250 = arith.constant 5 : i32
    %dma_start3A_1251 = arith.constant 0 : i32
    %dma_start3A_1252 = arith.constant 0 : i32
    %dma_start3A_1253 = tpu.memref_slice %arg6[%dma_start3A_1249, %dma_start3A_1251, %dma_start3A_1252] : memref<7x128x128xf32, #tpu.memory_space<vmem>> -> memref<1x128x128xf32, #tpu.memory_space<vmem>>
    %dma_start3A_1254 = tpu.memref_squeeze %dma_start3A_1253 : memref<1x128x128xf32, #tpu.memory_space<vmem>> -> memref<128x128xf32, #tpu.memory_space<vmem>>
    %dma_start3A_1255 = arith.constant 0 : i32
    %dma_start3A_1256 = tpu.memref_slice %arg2[%multiple_of3A_1248, %dma_start3A_1255] : memref<100000x128xf32, #tpu.memory_space<hbm>> -> memref<128x128xf32, #tpu.memory_space<hbm>>
    %dma_start3A_1257 = tpu.memref_slice %arg9[%dma_start3A_1250] : memref<7x!tpu.dma_semaphore, #tpu.memory_space<semaphore_mem>> -> memref<1x!tpu.dma_semaphore, #tpu.memory_space<semaphore_mem>>
    %dma_start3A_1258 = tpu.memref_squeeze %dma_start3A_1257 : memref<1x!tpu.dma_semaphore, #tpu.memory_space<semaphore_mem>> -> memref<!tpu.dma_semaphore, #tpu.memory_space<semaphore_mem>>
    %dma_start3A_1259 = arith.constant 0 : i32
    %dma_start3A_1260 = arith.constant 0 : i32
    %dma_start3A_1261 = tpu.memref_slice %arg6[%dma_start3A_1249, %dma_start3A_1259, %dma_start3A_1260] : memref<7x128x128xf32, #tpu.memory_space<vmem>> -> memref<1x128x128xf32, #tpu.memory_space<vmem>>
    %dma_start3A_1262 = tpu.memref_squeeze %dma_start3A_1261 : memref<1x128x128xf32, #tpu.memory_space<vmem>> -> memref<128x128xf32, #tpu.memory_space<vmem>>
    %dma_start3A_1263 = arith.constant 0 : i32
    %dma_start3A_1264 = tpu.memref_slice %arg2[%multiple_of3A_1248, %dma_start3A_1263] : memref<100000x128xf32, #tpu.memory_space<hbm>> -> memref<128x128xf32, #tpu.memory_space<hbm>>
    tpu.enqueue_dma source(%dma_start3A_1264 : memref<128x128xf32, #tpu.memory_space<hbm>>) target(%dma_start3A_1262 : memref<128x128xf32, #tpu.memory_space<vmem>>) target_semaphore(%dma_start3A_1258 : memref<!tpu.dma_semaphore, #tpu.memory_space<semaphore_mem>>)
    %dma_wait3A_1265 = arith.constant 0 : i32
    %dma_wait3A_1266 = arith.constant 0 : i32
    %dma_wait3A_1267 = arith.constant 0 : i32
    %dma_wait3A_1268 = arith.constant 0 : i32
    %dma_wait3A_1269 = tpu.memref_slice %arg6[%dma_wait3A_1265, %dma_wait3A_1267, %dma_wait3A_1268] : memref<7x128x128xf32, #tpu.memory_space<vmem>> -> memref<1x128x128xf32, #tpu.memory_space<vmem>>
    %dma_wait3A_1270 = tpu.memref_squeeze %dma_wait3A_1269 : memref<1x128x128xf32, #tpu.memory_space<vmem>> -> memref<128x128xf32, #tpu.memory_space<vmem>>
    %dma_wait3A_1271 = arith.constant 0 : i32
    %dma_wait3A_1272 = arith.constant 0 : i32
    %dma_wait3A_1273 = tpu.memref_slice %arg2[%dma_wait3A_1271, %dma_wait3A_1272] : memref<100000x128xf32, #tpu.memory_space<hbm>> -> memref<128x128xf32, #tpu.memory_space<hbm>>
    %dma_wait3A_1274 = tpu.memref_slice %arg9[%dma_wait3A_1266] : memref<7x!tpu.dma_semaphore, #tpu.memory_space<semaphore_mem>> -> memref<1x!tpu.dma_semaphore, #tpu.memory_space<semaphore_mem>>
    %dma_wait3A_1275 = tpu.memref_squeeze %dma_wait3A_1274 : memref<1x!tpu.dma_semaphore, #tpu.memory_space<semaphore_mem>> -> memref<!tpu.dma_semaphore, #tpu.memory_space<semaphore_mem>>
    %dma_wait3A_1276 = arith.constant 0 : i32
    %dma_wait3A_1277 = arith.constant 0 : i32
    %dma_wait3A_1278 = tpu.memref_slice %arg6[%dma_wait3A_1265, %dma_wait3A_1276, %dma_wait3A_1277] : memref<7x128x128xf32, #tpu.memory_space<vmem>> -> memref<1x128x128xf32, #tpu.memory_space<vmem>>
    %dma_wait3A_1279 = tpu.memref_squeeze %dma_wait3A_1278 : memref<1x128x128xf32, #tpu.memory_space<vmem>> -> memref<128x128xf32, #tpu.memory_space<vmem>>
    %dma_wait3A_1280 = arith.constant 0 : i32
    %dma_wait3A_1281 = arith.constant 0 : i32
    %dma_wait3A_1282 = tpu.memref_slice %arg2[%dma_wait3A_1280, %dma_wait3A_1281] : memref<100000x128xf32, #tpu.memory_space<hbm>> -> memref<128x128xf32, #tpu.memory_space<hbm>>
    tpu.wait_dma2 semaphore(%dma_wait3A_1275 : memref<!tpu.dma_semaphore, #tpu.memory_space<semaphore_mem>>) src(%dma_wait3A_1282 : memref<128x128xf32, #tpu.memory_space<hbm>>) dst(%dma_wait3A_1279 : memref<128x128xf32, #tpu.memory_space<vmem>>)
    %dma_start3A_1283 = arith.constant 0 : i32
    %dma_start3A_1284 = arith.constant 7 : i32
    %dma_start3A_1285 = arith.constant 0 : i32
    %dma_start3A_1286 = arith.constant 0 : i32
    %dma_start3A_1287 = arith.constant 0 : i32
    %dma_start3A_1288 = arith.constant 0 : i32
    %dma_start3A_1289 = tpu.memref_slice %arg6[%dma_start3A_1283, %dma_start3A_1287, %dma_start3A_1288] : memref<7x128x128xf32, #tpu.memory_space<vmem>> -> memref<1x128x128xf32, #tpu.memory_space<vmem>>
    %dma_start3A_1290 = tpu.memref_squeeze %dma_start3A_1289 : memref<1x128x128xf32, #tpu.memory_space<vmem>> -> memref<128x128xf32, #tpu.memory_space<vmem>>
    %dma_start3A_1291 = arith.constant 0 : i32
    %dma_start3A_1292 = tpu.memref_slice %arg7[%dma_start3A_1284, %dma_start3A_1285, %dma_start3A_1291] : memref<24x1x128xi32, #tpu.memory_space<vmem>> -> memref<1x1x128xi32, #tpu.memory_space<vmem>>
    %dma_start3A_1293 = tpu.memref_squeeze %dma_start3A_1292 : memref<1x1x128xi32, #tpu.memory_space<vmem>> -> memref<128xi32, #tpu.memory_space<vmem>>
    %dma_start3A_1294 = arith.constant 0 : i32
    %dma_start3A_1295 = arith.constant 0 : i32
    %dma_start3A_1296 = tpu.memref_slice %arg8[%dma_start3A_1294, %dma_start3A_1295] : memref<512x128xf32, #tpu.memory_space<vmem_shared>> -> memref<512x128xf32, #tpu.memory_space<vmem_shared>>
    %dma_start3A_1297 = tpu.memref_slice %arg11[%dma_start3A_1286] : memref<7x!tpu.dma_semaphore, #tpu.memory_space<semaphore_mem>> -> memref<1x!tpu.dma_semaphore, #tpu.memory_space<semaphore_mem>>
    %dma_start3A_1298 = tpu.memref_squeeze %dma_start3A_1297 : memref<1x!tpu.dma_semaphore, #tpu.memory_space<semaphore_mem>> -> memref<!tpu.dma_semaphore, #tpu.memory_space<semaphore_mem>>
    tpu.enqueue_indirect_dma source(%dma_start3A_1290 : memref<128x128xf32, #tpu.memory_space<vmem>>) target(%dma_start3A_1296 : memref<512x128xf32, #tpu.memory_space<vmem_shared>>) offsets(%dma_start3A_1293 : memref<128xi32, #tpu.memory_space<vmem>>) semaphore(%dma_start3A_1298 : memref<!tpu.dma_semaphore, #tpu.memory_space<semaphore_mem>>) {add = true}
    %dma_wait3A_1299 = arith.constant 6 : i32
    %dma_wait3A_1300 = arith.constant 6 : i32
    %dma_wait3A_1301 = arith.constant 0 : i32
    %dma_wait3A_1302 = arith.constant 6 : i32
    %dma_wait3A_1303 = arith.constant 0 : i32
    %dma_wait3A_1304 = arith.constant 0 : i32
    %dma_wait3A_1305 = tpu.memref_slice %arg6[%dma_wait3A_1299, %dma_wait3A_1303, %dma_wait3A_1304] : memref<7x128x128xf32, #tpu.memory_space<vmem>> -> memref<1x128x128xf32, #tpu.memory_space<vmem>>
    %dma_wait3A_1306 = tpu.memref_squeeze %dma_wait3A_1305 : memref<1x128x128xf32, #tpu.memory_space<vmem>> -> memref<128x128xf32, #tpu.memory_space<vmem>>
    %dma_wait3A_1307 = arith.constant 0 : i32
    %dma_wait3A_1308 = tpu.memref_slice %arg7[%dma_wait3A_1300, %dma_wait3A_1301, %dma_wait3A_1307] : memref<24x1x128xi32, #tpu.memory_space<vmem>> -> memref<1x1x128xi32, #tpu.memory_space<vmem>>
    %dma_wait3A_1309 = tpu.memref_squeeze %dma_wait3A_1308 : memref<1x1x128xi32, #tpu.memory_space<vmem>> -> memref<128xi32, #tpu.memory_space<vmem>>
    %dma_wait3A_1310 = arith.constant 0 : i32
    %dma_wait3A_1311 = arith.constant 0 : i32
    %dma_wait3A_1312 = tpu.memref_slice %arg8[%dma_wait3A_1310, %dma_wait3A_1311] : memref<512x128xf32, #tpu.memory_space<vmem_shared>> -> memref<512x128xf32, #tpu.memory_space<vmem_shared>>
    %dma_wait3A_1313 = tpu.memref_slice %arg11[%dma_wait3A_1302] : memref<7x!tpu.dma_semaphore, #tpu.memory_space<semaphore_mem>> -> memref<1x!tpu.dma_semaphore, #tpu.memory_space<semaphore_mem>>
    %dma_wait3A_1314 = tpu.memref_squeeze %dma_wait3A_1313 : memref<1x!tpu.dma_semaphore, #tpu.memory_space<semaphore_mem>> -> memref<!tpu.dma_semaphore, #tpu.memory_space<semaphore_mem>>
    tpu.wait_indirect_dma semaphore(%dma_wait3A_1314 : memref<!tpu.dma_semaphore, #tpu.memory_space<semaphore_mem>>) src(%dma_wait3A_1306 : memref<128x128xf32, #tpu.memory_space<vmem>>) dst(%dma_wait3A_1312 : memref<512x128xf32, #tpu.memory_space<vmem_shared>>)
    %add3A_1315 = arith.constant 13 : i32
    %add3A_1316 = arith.addi %mul3A_2, %add3A_1315 : i32
    %mul3A_1317 = arith.constant 128 : i32
    %mul3A_1318 = arith.muli %add3A_1316, %mul3A_1317 : i32
    %multiple_of3A_1319 = tpu.assume_multiple %mul3A_1318, 128 : i32
    %dma_start3A_1320 = arith.constant 6 : i32
    %dma_start3A_1321 = arith.constant 6 : i32
    %dma_start3A_1322 = arith.constant 0 : i32
    %dma_start3A_1323 = arith.constant 0 : i32
    %dma_start3A_1324 = tpu.memref_slice %arg6[%dma_start3A_1320, %dma_start3A_1322, %dma_start3A_1323] : memref<7x128x128xf32, #tpu.memory_space<vmem>> -> memref<1x128x128xf32, #tpu.memory_space<vmem>>
    %dma_start3A_1325 = tpu.memref_squeeze %dma_start3A_1324 : memref<1x128x128xf32, #tpu.memory_space<vmem>> -> memref<128x128xf32, #tpu.memory_space<vmem>>
    %dma_start3A_1326 = arith.constant 0 : i32
    %dma_start3A_1327 = tpu.memref_slice %arg2[%multiple_of3A_1319, %dma_start3A_1326] : memref<100000x128xf32, #tpu.memory_space<hbm>> -> memref<128x128xf32, #tpu.memory_space<hbm>>
    %dma_start3A_1328 = tpu.memref_slice %arg9[%dma_start3A_1321] : memref<7x!tpu.dma_semaphore, #tpu.memory_space<semaphore_mem>> -> memref<1x!tpu.dma_semaphore, #tpu.memory_space<semaphore_mem>>
    %dma_start3A_1329 = tpu.memref_squeeze %dma_start3A_1328 : memref<1x!tpu.dma_semaphore, #tpu.memory_space<semaphore_mem>> -> memref<!tpu.dma_semaphore, #tpu.memory_space<semaphore_mem>>
    %dma_start3A_1330 = arith.constant 0 : i32
    %dma_start3A_1331 = arith.constant 0 : i32
    %dma_start3A_1332 = tpu.memref_slice %arg6[%dma_start3A_1320, %dma_start3A_1330, %dma_start3A_1331] : memref<7x128x128xf32, #tpu.memory_space<vmem>> -> memref<1x128x128xf32, #tpu.memory_space<vmem>>
    %dma_start3A_1333 = tpu.memref_squeeze %dma_start3A_1332 : memref<1x128x128xf32, #tpu.memory_space<vmem>> -> memref<128x128xf32, #tpu.memory_space<vmem>>
    %dma_start3A_1334 = arith.constant 0 : i32
    %dma_start3A_1335 = tpu.memref_slice %arg2[%multiple_of3A_1319, %dma_start3A_1334] : memref<100000x128xf32, #tpu.memory_space<hbm>> -> memref<128x128xf32, #tpu.memory_space<hbm>>
    tpu.enqueue_dma source(%dma_start3A_1335 : memref<128x128xf32, #tpu.memory_space<hbm>>) target(%dma_start3A_1333 : memref<128x128xf32, #tpu.memory_space<vmem>>) target_semaphore(%dma_start3A_1329 : memref<!tpu.dma_semaphore, #tpu.memory_space<semaphore_mem>>)
    %dma_wait3A_1336 = arith.constant 1 : i32
    %dma_wait3A_1337 = arith.constant 1 : i32
    %dma_wait3A_1338 = arith.constant 0 : i32
    %dma_wait3A_1339 = arith.constant 0 : i32
    %dma_wait3A_1340 = tpu.memref_slice %arg6[%dma_wait3A_1336, %dma_wait3A_1338, %dma_wait3A_1339] : memref<7x128x128xf32, #tpu.memory_space<vmem>> -> memref<1x128x128xf32, #tpu.memory_space<vmem>>
    %dma_wait3A_1341 = tpu.memref_squeeze %dma_wait3A_1340 : memref<1x128x128xf32, #tpu.memory_space<vmem>> -> memref<128x128xf32, #tpu.memory_space<vmem>>
    %dma_wait3A_1342 = arith.constant 0 : i32
    %dma_wait3A_1343 = arith.constant 0 : i32
    %dma_wait3A_1344 = tpu.memref_slice %arg2[%dma_wait3A_1342, %dma_wait3A_1343] : memref<100000x128xf32, #tpu.memory_space<hbm>> -> memref<128x128xf32, #tpu.memory_space<hbm>>
    %dma_wait3A_1345 = tpu.memref_slice %arg9[%dma_wait3A_1337] : memref<7x!tpu.dma_semaphore, #tpu.memory_space<semaphore_mem>> -> memref<1x!tpu.dma_semaphore, #tpu.memory_space<semaphore_mem>>
    %dma_wait3A_1346 = tpu.memref_squeeze %dma_wait3A_1345 : memref<1x!tpu.dma_semaphore, #tpu.memory_space<semaphore_mem>> -> memref<!tpu.dma_semaphore, #tpu.memory_space<semaphore_mem>>
    %dma_wait3A_1347 = arith.constant 0 : i32
    %dma_wait3A_1348 = arith.constant 0 : i32
    %dma_wait3A_1349 = tpu.memref_slice %arg6[%dma_wait3A_1336, %dma_wait3A_1347, %dma_wait3A_1348] : memref<7x128x128xf32, #tpu.memory_space<vmem>> -> memref<1x128x128xf32, #tpu.memory_space<vmem>>
    %dma_wait3A_1350 = tpu.memref_squeeze %dma_wait3A_1349 : memref<1x128x128xf32, #tpu.memory_space<vmem>> -> memref<128x128xf32, #tpu.memory_space<vmem>>
    %dma_wait3A_1351 = arith.constant 0 : i32
    %dma_wait3A_1352 = arith.constant 0 : i32
    %dma_wait3A_1353 = tpu.memref_slice %arg2[%dma_wait3A_1351, %dma_wait3A_1352] : memref<100000x128xf32, #tpu.memory_space<hbm>> -> memref<128x128xf32, #tpu.memory_space<hbm>>
    tpu.wait_dma2 semaphore(%dma_wait3A_1346 : memref<!tpu.dma_semaphore, #tpu.memory_space<semaphore_mem>>) src(%dma_wait3A_1353 : memref<128x128xf32, #tpu.memory_space<hbm>>) dst(%dma_wait3A_1350 : memref<128x128xf32, #tpu.memory_space<vmem>>)
    %dma_start3A_1354 = arith.constant 1 : i32
    %dma_start3A_1355 = arith.constant 8 : i32
    %dma_start3A_1356 = arith.constant 0 : i32
    %dma_start3A_1357 = arith.constant 1 : i32
    %dma_start3A_1358 = arith.constant 0 : i32
    %dma_start3A_1359 = arith.constant 0 : i32
    %dma_start3A_1360 = tpu.memref_slice %arg6[%dma_start3A_1354, %dma_start3A_1358, %dma_start3A_1359] : memref<7x128x128xf32, #tpu.memory_space<vmem>> -> memref<1x128x128xf32, #tpu.memory_space<vmem>>
    %dma_start3A_1361 = tpu.memref_squeeze %dma_start3A_1360 : memref<1x128x128xf32, #tpu.memory_space<vmem>> -> memref<128x128xf32, #tpu.memory_space<vmem>>
    %dma_start3A_1362 = arith.constant 0 : i32
    %dma_start3A_1363 = tpu.memref_slice %arg7[%dma_start3A_1355, %dma_start3A_1356, %dma_start3A_1362] : memref<24x1x128xi32, #tpu.memory_space<vmem>> -> memref<1x1x128xi32, #tpu.memory_space<vmem>>
    %dma_start3A_1364 = tpu.memref_squeeze %dma_start3A_1363 : memref<1x1x128xi32, #tpu.memory_space<vmem>> -> memref<128xi32, #tpu.memory_space<vmem>>
    %dma_start3A_1365 = arith.constant 0 : i32
    %dma_start3A_1366 = arith.constant 0 : i32
    %dma_start3A_1367 = tpu.memref_slice %arg8[%dma_start3A_1365, %dma_start3A_1366] : memref<512x128xf32, #tpu.memory_space<vmem_shared>> -> memref<512x128xf32, #tpu.memory_space<vmem_shared>>
    %dma_start3A_1368 = tpu.memref_slice %arg11[%dma_start3A_1357] : memref<7x!tpu.dma_semaphore, #tpu.memory_space<semaphore_mem>> -> memref<1x!tpu.dma_semaphore, #tpu.memory_space<semaphore_mem>>
    %dma_start3A_1369 = tpu.memref_squeeze %dma_start3A_1368 : memref<1x!tpu.dma_semaphore, #tpu.memory_space<semaphore_mem>> -> memref<!tpu.dma_semaphore, #tpu.memory_space<semaphore_mem>>
    tpu.enqueue_indirect_dma source(%dma_start3A_1361 : memref<128x128xf32, #tpu.memory_space<vmem>>) target(%dma_start3A_1367 : memref<512x128xf32, #tpu.memory_space<vmem_shared>>) offsets(%dma_start3A_1364 : memref<128xi32, #tpu.memory_space<vmem>>) semaphore(%dma_start3A_1369 : memref<!tpu.dma_semaphore, #tpu.memory_space<semaphore_mem>>) {add = true}
    %dma_wait3A_1370 = arith.constant 0 : i32
    %dma_wait3A_1371 = arith.constant 7 : i32
    %dma_wait3A_1372 = arith.constant 0 : i32
    %dma_wait3A_1373 = arith.constant 0 : i32
    %dma_wait3A_1374 = arith.constant 0 : i32
    %dma_wait3A_1375 = arith.constant 0 : i32
    %dma_wait3A_1376 = tpu.memref_slice %arg6[%dma_wait3A_1370, %dma_wait3A_1374, %dma_wait3A_1375] : memref<7x128x128xf32, #tpu.memory_space<vmem>> -> memref<1x128x128xf32, #tpu.memory_space<vmem>>
    %dma_wait3A_1377 = tpu.memref_squeeze %dma_wait3A_1376 : memref<1x128x128xf32, #tpu.memory_space<vmem>> -> memref<128x128xf32, #tpu.memory_space<vmem>>
    %dma_wait3A_1378 = arith.constant 0 : i32
    %dma_wait3A_1379 = tpu.memref_slice %arg7[%dma_wait3A_1371, %dma_wait3A_1372, %dma_wait3A_1378] : memref<24x1x128xi32, #tpu.memory_space<vmem>> -> memref<1x1x128xi32, #tpu.memory_space<vmem>>
    %dma_wait3A_1380 = tpu.memref_squeeze %dma_wait3A_1379 : memref<1x1x128xi32, #tpu.memory_space<vmem>> -> memref<128xi32, #tpu.memory_space<vmem>>
    %dma_wait3A_1381 = arith.constant 0 : i32
    %dma_wait3A_1382 = arith.constant 0 : i32
    %dma_wait3A_1383 = tpu.memref_slice %arg8[%dma_wait3A_1381, %dma_wait3A_1382] : memref<512x128xf32, #tpu.memory_space<vmem_shared>> -> memref<512x128xf32, #tpu.memory_space<vmem_shared>>
    %dma_wait3A_1384 = tpu.memref_slice %arg11[%dma_wait3A_1373] : memref<7x!tpu.dma_semaphore, #tpu.memory_space<semaphore_mem>> -> memref<1x!tpu.dma_semaphore, #tpu.memory_space<semaphore_mem>>
    %dma_wait3A_1385 = tpu.memref_squeeze %dma_wait3A_1384 : memref<1x!tpu.dma_semaphore, #tpu.memory_space<semaphore_mem>> -> memref<!tpu.dma_semaphore, #tpu.memory_space<semaphore_mem>>
    tpu.wait_indirect_dma semaphore(%dma_wait3A_1385 : memref<!tpu.dma_semaphore, #tpu.memory_space<semaphore_mem>>) src(%dma_wait3A_1377 : memref<128x128xf32, #tpu.memory_space<vmem>>) dst(%dma_wait3A_1383 : memref<512x128xf32, #tpu.memory_space<vmem_shared>>)
    %add3A_1386 = arith.constant 14 : i32
    %add3A_1387 = arith.addi %mul3A_2, %add3A_1386 : i32
    %mul3A_1388 = arith.constant 128 : i32
    %mul3A_1389 = arith.muli %add3A_1387, %mul3A_1388 : i32
    %multiple_of3A_1390 = tpu.assume_multiple %mul3A_1389, 128 : i32
    %dma_start3A_1391 = arith.constant 0 : i32
    %dma_start3A_1392 = arith.constant 0 : i32
    %dma_start3A_1393 = arith.constant 0 : i32
    %dma_start3A_1394 = arith.constant 0 : i32
    %dma_start3A_1395 = tpu.memref_slice %arg6[%dma_start3A_1391, %dma_start3A_1393, %dma_start3A_1394] : memref<7x128x128xf32, #tpu.memory_space<vmem>> -> memref<1x128x128xf32, #tpu.memory_space<vmem>>
    %dma_start3A_1396 = tpu.memref_squeeze %dma_start3A_1395 : memref<1x128x128xf32, #tpu.memory_space<vmem>> -> memref<128x128xf32, #tpu.memory_space<vmem>>
    %dma_start3A_1397 = arith.constant 0 : i32
    %dma_start3A_1398 = tpu.memref_slice %arg2[%multiple_of3A_1390, %dma_start3A_1397] : memref<100000x128xf32, #tpu.memory_space<hbm>> -> memref<128x128xf32, #tpu.memory_space<hbm>>
    %dma_start3A_1399 = tpu.memref_slice %arg9[%dma_start3A_1392] : memref<7x!tpu.dma_semaphore, #tpu.memory_space<semaphore_mem>> -> memref<1x!tpu.dma_semaphore, #tpu.memory_space<semaphore_mem>>
    %dma_start3A_1400 = tpu.memref_squeeze %dma_start3A_1399 : memref<1x!tpu.dma_semaphore, #tpu.memory_space<semaphore_mem>> -> memref<!tpu.dma_semaphore, #tpu.memory_space<semaphore_mem>>
    %dma_start3A_1401 = arith.constant 0 : i32
    %dma_start3A_1402 = arith.constant 0 : i32
    %dma_start3A_1403 = tpu.memref_slice %arg6[%dma_start3A_1391, %dma_start3A_1401, %dma_start3A_1402] : memref<7x128x128xf32, #tpu.memory_space<vmem>> -> memref<1x128x128xf32, #tpu.memory_space<vmem>>
    %dma_start3A_1404 = tpu.memref_squeeze %dma_start3A_1403 : memref<1x128x128xf32, #tpu.memory_space<vmem>> -> memref<128x128xf32, #tpu.memory_space<vmem>>
    %dma_start3A_1405 = arith.constant 0 : i32
    %dma_start3A_1406 = tpu.memref_slice %arg2[%multiple_of3A_1390, %dma_start3A_1405] : memref<100000x128xf32, #tpu.memory_space<hbm>> -> memref<128x128xf32, #tpu.memory_space<hbm>>
    tpu.enqueue_dma source(%dma_start3A_1406 : memref<128x128xf32, #tpu.memory_space<hbm>>) target(%dma_start3A_1404 : memref<128x128xf32, #tpu.memory_space<vmem>>) target_semaphore(%dma_start3A_1400 : memref<!tpu.dma_semaphore, #tpu.memory_space<semaphore_mem>>)
    %dma_wait3A_1407 = arith.constant 2 : i32
    %dma_wait3A_1408 = arith.constant 2 : i32
    %dma_wait3A_1409 = arith.constant 0 : i32
    %dma_wait3A_1410 = arith.constant 0 : i32
    %dma_wait3A_1411 = tpu.memref_slice %arg6[%dma_wait3A_1407, %dma_wait3A_1409, %dma_wait3A_1410] : memref<7x128x128xf32, #tpu.memory_space<vmem>> -> memref<1x128x128xf32, #tpu.memory_space<vmem>>
    %dma_wait3A_1412 = tpu.memref_squeeze %dma_wait3A_1411 : memref<1x128x128xf32, #tpu.memory_space<vmem>> -> memref<128x128xf32, #tpu.memory_space<vmem>>
    %dma_wait3A_1413 = arith.constant 0 : i32
    %dma_wait3A_1414 = arith.constant 0 : i32
    %dma_wait3A_1415 = tpu.memref_slice %arg2[%dma_wait3A_1413, %dma_wait3A_1414] : memref<100000x128xf32, #tpu.memory_space<hbm>> -> memref<128x128xf32, #tpu.memory_space<hbm>>
    %dma_wait3A_1416 = tpu.memref_slice %arg9[%dma_wait3A_1408] : memref<7x!tpu.dma_semaphore, #tpu.memory_space<semaphore_mem>> -> memref<1x!tpu.dma_semaphore, #tpu.memory_space<semaphore_mem>>
    %dma_wait3A_1417 = tpu.memref_squeeze %dma_wait3A_1416 : memref<1x!tpu.dma_semaphore, #tpu.memory_space<semaphore_mem>> -> memref<!tpu.dma_semaphore, #tpu.memory_space<semaphore_mem>>
    %dma_wait3A_1418 = arith.constant 0 : i32
    %dma_wait3A_1419 = arith.constant 0 : i32
    %dma_wait3A_1420 = tpu.memref_slice %arg6[%dma_wait3A_1407, %dma_wait3A_1418, %dma_wait3A_1419] : memref<7x128x128xf32, #tpu.memory_space<vmem>> -> memref<1x128x128xf32, #tpu.memory_space<vmem>>
    %dma_wait3A_1421 = tpu.memref_squeeze %dma_wait3A_1420 : memref<1x128x128xf32, #tpu.memory_space<vmem>> -> memref<128x128xf32, #tpu.memory_space<vmem>>
    %dma_wait3A_1422 = arith.constant 0 : i32
    %dma_wait3A_1423 = arith.constant 0 : i32
    %dma_wait3A_1424 = tpu.memref_slice %arg2[%dma_wait3A_1422, %dma_wait3A_1423] : memref<100000x128xf32, #tpu.memory_space<hbm>> -> memref<128x128xf32, #tpu.memory_space<hbm>>
    tpu.wait_dma2 semaphore(%dma_wait3A_1417 : memref<!tpu.dma_semaphore, #tpu.memory_space<semaphore_mem>>) src(%dma_wait3A_1424 : memref<128x128xf32, #tpu.memory_space<hbm>>) dst(%dma_wait3A_1421 : memref<128x128xf32, #tpu.memory_space<vmem>>)
    %dma_start3A_1425 = arith.constant 2 : i32
    %dma_start3A_1426 = arith.constant 9 : i32
    %dma_start3A_1427 = arith.constant 0 : i32
    %dma_start3A_1428 = arith.constant 2 : i32
    %dma_start3A_1429 = arith.constant 0 : i32
    %dma_start3A_1430 = arith.constant 0 : i32
    %dma_start3A_1431 = tpu.memref_slice %arg6[%dma_start3A_1425, %dma_start3A_1429, %dma_start3A_1430] : memref<7x128x128xf32, #tpu.memory_space<vmem>> -> memref<1x128x128xf32, #tpu.memory_space<vmem>>
    %dma_start3A_1432 = tpu.memref_squeeze %dma_start3A_1431 : memref<1x128x128xf32, #tpu.memory_space<vmem>> -> memref<128x128xf32, #tpu.memory_space<vmem>>
    %dma_start3A_1433 = arith.constant 0 : i32
    %dma_start3A_1434 = tpu.memref_slice %arg7[%dma_start3A_1426, %dma_start3A_1427, %dma_start3A_1433] : memref<24x1x128xi32, #tpu.memory_space<vmem>> -> memref<1x1x128xi32, #tpu.memory_space<vmem>>
    %dma_start3A_1435 = tpu.memref_squeeze %dma_start3A_1434 : memref<1x1x128xi32, #tpu.memory_space<vmem>> -> memref<128xi32, #tpu.memory_space<vmem>>
    %dma_start3A_1436 = arith.constant 0 : i32
    %dma_start3A_1437 = arith.constant 0 : i32
    %dma_start3A_1438 = tpu.memref_slice %arg8[%dma_start3A_1436, %dma_start3A_1437] : memref<512x128xf32, #tpu.memory_space<vmem_shared>> -> memref<512x128xf32, #tpu.memory_space<vmem_shared>>
    %dma_start3A_1439 = tpu.memref_slice %arg11[%dma_start3A_1428] : memref<7x!tpu.dma_semaphore, #tpu.memory_space<semaphore_mem>> -> memref<1x!tpu.dma_semaphore, #tpu.memory_space<semaphore_mem>>
    %dma_start3A_1440 = tpu.memref_squeeze %dma_start3A_1439 : memref<1x!tpu.dma_semaphore, #tpu.memory_space<semaphore_mem>> -> memref<!tpu.dma_semaphore, #tpu.memory_space<semaphore_mem>>
    tpu.enqueue_indirect_dma source(%dma_start3A_1432 : memref<128x128xf32, #tpu.memory_space<vmem>>) target(%dma_start3A_1438 : memref<512x128xf32, #tpu.memory_space<vmem_shared>>) offsets(%dma_start3A_1435 : memref<128xi32, #tpu.memory_space<vmem>>) semaphore(%dma_start3A_1440 : memref<!tpu.dma_semaphore, #tpu.memory_space<semaphore_mem>>) {add = true}
    %dma_wait3A_1441 = arith.constant 1 : i32
    %dma_wait3A_1442 = arith.constant 8 : i32
    %dma_wait3A_1443 = arith.constant 0 : i32
    %dma_wait3A_1444 = arith.constant 1 : i32
    %dma_wait3A_1445 = arith.constant 0 : i32
    %dma_wait3A_1446 = arith.constant 0 : i32
    %dma_wait3A_1447 = tpu.memref_slice %arg6[%dma_wait3A_1441, %dma_wait3A_1445, %dma_wait3A_1446] : memref<7x128x128xf32, #tpu.memory_space<vmem>> -> memref<1x128x128xf32, #tpu.memory_space<vmem>>
    %dma_wait3A_1448 = tpu.memref_squeeze %dma_wait3A_1447 : memref<1x128x128xf32, #tpu.memory_space<vmem>> -> memref<128x128xf32, #tpu.memory_space<vmem>>
    %dma_wait3A_1449 = arith.constant 0 : i32
    %dma_wait3A_1450 = tpu.memref_slice %arg7[%dma_wait3A_1442, %dma_wait3A_1443, %dma_wait3A_1449] : memref<24x1x128xi32, #tpu.memory_space<vmem>> -> memref<1x1x128xi32, #tpu.memory_space<vmem>>
    %dma_wait3A_1451 = tpu.memref_squeeze %dma_wait3A_1450 : memref<1x1x128xi32, #tpu.memory_space<vmem>> -> memref<128xi32, #tpu.memory_space<vmem>>
    %dma_wait3A_1452 = arith.constant 0 : i32
    %dma_wait3A_1453 = arith.constant 0 : i32
    %dma_wait3A_1454 = tpu.memref_slice %arg8[%dma_wait3A_1452, %dma_wait3A_1453] : memref<512x128xf32, #tpu.memory_space<vmem_shared>> -> memref<512x128xf32, #tpu.memory_space<vmem_shared>>
    %dma_wait3A_1455 = tpu.memref_slice %arg11[%dma_wait3A_1444] : memref<7x!tpu.dma_semaphore, #tpu.memory_space<semaphore_mem>> -> memref<1x!tpu.dma_semaphore, #tpu.memory_space<semaphore_mem>>
    %dma_wait3A_1456 = tpu.memref_squeeze %dma_wait3A_1455 : memref<1x!tpu.dma_semaphore, #tpu.memory_space<semaphore_mem>> -> memref<!tpu.dma_semaphore, #tpu.memory_space<semaphore_mem>>
    tpu.wait_indirect_dma semaphore(%dma_wait3A_1456 : memref<!tpu.dma_semaphore, #tpu.memory_space<semaphore_mem>>) src(%dma_wait3A_1448 : memref<128x128xf32, #tpu.memory_space<vmem>>) dst(%dma_wait3A_1454 : memref<512x128xf32, #tpu.memory_space<vmem_shared>>)
    %add3A_1457 = arith.constant 15 : i32
    %add3A_1458 = arith.addi %mul3A_2, %add3A_1457 : i32
    %mul3A_1459 = arith.constant 128 : i32
    %mul3A_1460 = arith.muli %add3A_1458, %mul3A_1459 : i32
    %multiple_of3A_1461 = tpu.assume_multiple %mul3A_1460, 128 : i32
    %dma_start3A_1462 = arith.constant 1 : i32
    %dma_start3A_1463 = arith.constant 1 : i32
    %dma_start3A_1464 = arith.constant 0 : i32
    %dma_start3A_1465 = arith.constant 0 : i32
    %dma_start3A_1466 = tpu.memref_slice %arg6[%dma_start3A_1462, %dma_start3A_1464, %dma_start3A_1465] : memref<7x128x128xf32, #tpu.memory_space<vmem>> -> memref<1x128x128xf32, #tpu.memory_space<vmem>>
    %dma_start3A_1467 = tpu.memref_squeeze %dma_start3A_1466 : memref<1x128x128xf32, #tpu.memory_space<vmem>> -> memref<128x128xf32, #tpu.memory_space<vmem>>
    %dma_start3A_1468 = arith.constant 0 : i32
    %dma_start3A_1469 = tpu.memref_slice %arg2[%multiple_of3A_1461, %dma_start3A_1468] : memref<100000x128xf32, #tpu.memory_space<hbm>> -> memref<128x128xf32, #tpu.memory_space<hbm>>
    %dma_start3A_1470 = tpu.memref_slice %arg9[%dma_start3A_1463] : memref<7x!tpu.dma_semaphore, #tpu.memory_space<semaphore_mem>> -> memref<1x!tpu.dma_semaphore, #tpu.memory_space<semaphore_mem>>
    %dma_start3A_1471 = tpu.memref_squeeze %dma_start3A_1470 : memref<1x!tpu.dma_semaphore, #tpu.memory_space<semaphore_mem>> -> memref<!tpu.dma_semaphore, #tpu.memory_space<semaphore_mem>>
    %dma_start3A_1472 = arith.constant 0 : i32
    %dma_start3A_1473 = arith.constant 0 : i32
    %dma_start3A_1474 = tpu.memref_slice %arg6[%dma_start3A_1462, %dma_start3A_1472, %dma_start3A_1473] : memref<7x128x128xf32, #tpu.memory_space<vmem>> -> memref<1x128x128xf32, #tpu.memory_space<vmem>>
    %dma_start3A_1475 = tpu.memref_squeeze %dma_start3A_1474 : memref<1x128x128xf32, #tpu.memory_space<vmem>> -> memref<128x128xf32, #tpu.memory_space<vmem>>
    %dma_start3A_1476 = arith.constant 0 : i32
    %dma_start3A_1477 = tpu.memref_slice %arg2[%multiple_of3A_1461, %dma_start3A_1476] : memref<100000x128xf32, #tpu.memory_space<hbm>> -> memref<128x128xf32, #tpu.memory_space<hbm>>
    tpu.enqueue_dma source(%dma_start3A_1477 : memref<128x128xf32, #tpu.memory_space<hbm>>) target(%dma_start3A_1475 : memref<128x128xf32, #tpu.memory_space<vmem>>) target_semaphore(%dma_start3A_1471 : memref<!tpu.dma_semaphore, #tpu.memory_space<semaphore_mem>>)
    %dma_wait3A_1478 = arith.constant 3 : i32
    %dma_wait3A_1479 = arith.constant 3 : i32
    %dma_wait3A_1480 = arith.constant 0 : i32
    %dma_wait3A_1481 = arith.constant 0 : i32
    %dma_wait3A_1482 = tpu.memref_slice %arg6[%dma_wait3A_1478, %dma_wait3A_1480, %dma_wait3A_1481] : memref<7x128x128xf32, #tpu.memory_space<vmem>> -> memref<1x128x128xf32, #tpu.memory_space<vmem>>
    %dma_wait3A_1483 = tpu.memref_squeeze %dma_wait3A_1482 : memref<1x128x128xf32, #tpu.memory_space<vmem>> -> memref<128x128xf32, #tpu.memory_space<vmem>>
    %dma_wait3A_1484 = arith.constant 0 : i32
    %dma_wait3A_1485 = arith.constant 0 : i32
    %dma_wait3A_1486 = tpu.memref_slice %arg2[%dma_wait3A_1484, %dma_wait3A_1485] : memref<100000x128xf32, #tpu.memory_space<hbm>> -> memref<128x128xf32, #tpu.memory_space<hbm>>
    %dma_wait3A_1487 = tpu.memref_slice %arg9[%dma_wait3A_1479] : memref<7x!tpu.dma_semaphore, #tpu.memory_space<semaphore_mem>> -> memref<1x!tpu.dma_semaphore, #tpu.memory_space<semaphore_mem>>
    %dma_wait3A_1488 = tpu.memref_squeeze %dma_wait3A_1487 : memref<1x!tpu.dma_semaphore, #tpu.memory_space<semaphore_mem>> -> memref<!tpu.dma_semaphore, #tpu.memory_space<semaphore_mem>>
    %dma_wait3A_1489 = arith.constant 0 : i32
    %dma_wait3A_1490 = arith.constant 0 : i32
    %dma_wait3A_1491 = tpu.memref_slice %arg6[%dma_wait3A_1478, %dma_wait3A_1489, %dma_wait3A_1490] : memref<7x128x128xf32, #tpu.memory_space<vmem>> -> memref<1x128x128xf32, #tpu.memory_space<vmem>>
    %dma_wait3A_1492 = tpu.memref_squeeze %dma_wait3A_1491 : memref<1x128x128xf32, #tpu.memory_space<vmem>> -> memref<128x128xf32, #tpu.memory_space<vmem>>
    %dma_wait3A_1493 = arith.constant 0 : i32
    %dma_wait3A_1494 = arith.constant 0 : i32
    %dma_wait3A_1495 = tpu.memref_slice %arg2[%dma_wait3A_1493, %dma_wait3A_1494] : memref<100000x128xf32, #tpu.memory_space<hbm>> -> memref<128x128xf32, #tpu.memory_space<hbm>>
    tpu.wait_dma2 semaphore(%dma_wait3A_1488 : memref<!tpu.dma_semaphore, #tpu.memory_space<semaphore_mem>>) src(%dma_wait3A_1495 : memref<128x128xf32, #tpu.memory_space<hbm>>) dst(%dma_wait3A_1492 : memref<128x128xf32, #tpu.memory_space<vmem>>)
    %dma_start3A_1496 = arith.constant 3 : i32
    %dma_start3A_1497 = arith.constant 10 : i32
    %dma_start3A_1498 = arith.constant 0 : i32
    %dma_start3A_1499 = arith.constant 3 : i32
    %dma_start3A_1500 = arith.constant 0 : i32
    %dma_start3A_1501 = arith.constant 0 : i32
    %dma_start3A_1502 = tpu.memref_slice %arg6[%dma_start3A_1496, %dma_start3A_1500, %dma_start3A_1501] : memref<7x128x128xf32, #tpu.memory_space<vmem>> -> memref<1x128x128xf32, #tpu.memory_space<vmem>>
    %dma_start3A_1503 = tpu.memref_squeeze %dma_start3A_1502 : memref<1x128x128xf32, #tpu.memory_space<vmem>> -> memref<128x128xf32, #tpu.memory_space<vmem>>
    %dma_start3A_1504 = arith.constant 0 : i32
    %dma_start3A_1505 = tpu.memref_slice %arg7[%dma_start3A_1497, %dma_start3A_1498, %dma_start3A_1504] : memref<24x1x128xi32, #tpu.memory_space<vmem>> -> memref<1x1x128xi32, #tpu.memory_space<vmem>>
    %dma_start3A_1506 = tpu.memref_squeeze %dma_start3A_1505 : memref<1x1x128xi32, #tpu.memory_space<vmem>> -> memref<128xi32, #tpu.memory_space<vmem>>
    %dma_start3A_1507 = arith.constant 0 : i32
    %dma_start3A_1508 = arith.constant 0 : i32
    %dma_start3A_1509 = tpu.memref_slice %arg8[%dma_start3A_1507, %dma_start3A_1508] : memref<512x128xf32, #tpu.memory_space<vmem_shared>> -> memref<512x128xf32, #tpu.memory_space<vmem_shared>>
    %dma_start3A_1510 = tpu.memref_slice %arg11[%dma_start3A_1499] : memref<7x!tpu.dma_semaphore, #tpu.memory_space<semaphore_mem>> -> memref<1x!tpu.dma_semaphore, #tpu.memory_space<semaphore_mem>>
    %dma_start3A_1511 = tpu.memref_squeeze %dma_start3A_1510 : memref<1x!tpu.dma_semaphore, #tpu.memory_space<semaphore_mem>> -> memref<!tpu.dma_semaphore, #tpu.memory_space<semaphore_mem>>
    tpu.enqueue_indirect_dma source(%dma_start3A_1503 : memref<128x128xf32, #tpu.memory_space<vmem>>) target(%dma_start3A_1509 : memref<512x128xf32, #tpu.memory_space<vmem_shared>>) offsets(%dma_start3A_1506 : memref<128xi32, #tpu.memory_space<vmem>>) semaphore(%dma_start3A_1511 : memref<!tpu.dma_semaphore, #tpu.memory_space<semaphore_mem>>) {add = true}
    %dma_wait3A_1512 = arith.constant 2 : i32
    %dma_wait3A_1513 = arith.constant 9 : i32
    %dma_wait3A_1514 = arith.constant 0 : i32
    %dma_wait3A_1515 = arith.constant 2 : i32
    %dma_wait3A_1516 = arith.constant 0 : i32
    %dma_wait3A_1517 = arith.constant 0 : i32
    %dma_wait3A_1518 = tpu.memref_slice %arg6[%dma_wait3A_1512, %dma_wait3A_1516, %dma_wait3A_1517] : memref<7x128x128xf32, #tpu.memory_space<vmem>> -> memref<1x128x128xf32, #tpu.memory_space<vmem>>
    %dma_wait3A_1519 = tpu.memref_squeeze %dma_wait3A_1518 : memref<1x128x128xf32, #tpu.memory_space<vmem>> -> memref<128x128xf32, #tpu.memory_space<vmem>>
    %dma_wait3A_1520 = arith.constant 0 : i32
    %dma_wait3A_1521 = tpu.memref_slice %arg7[%dma_wait3A_1513, %dma_wait3A_1514, %dma_wait3A_1520] : memref<24x1x128xi32, #tpu.memory_space<vmem>> -> memref<1x1x128xi32, #tpu.memory_space<vmem>>
    %dma_wait3A_1522 = tpu.memref_squeeze %dma_wait3A_1521 : memref<1x1x128xi32, #tpu.memory_space<vmem>> -> memref<128xi32, #tpu.memory_space<vmem>>
    %dma_wait3A_1523 = arith.constant 0 : i32
    %dma_wait3A_1524 = arith.constant 0 : i32
    %dma_wait3A_1525 = tpu.memref_slice %arg8[%dma_wait3A_1523, %dma_wait3A_1524] : memref<512x128xf32, #tpu.memory_space<vmem_shared>> -> memref<512x128xf32, #tpu.memory_space<vmem_shared>>
    %dma_wait3A_1526 = tpu.memref_slice %arg11[%dma_wait3A_1515] : memref<7x!tpu.dma_semaphore, #tpu.memory_space<semaphore_mem>> -> memref<1x!tpu.dma_semaphore, #tpu.memory_space<semaphore_mem>>
    %dma_wait3A_1527 = tpu.memref_squeeze %dma_wait3A_1526 : memref<1x!tpu.dma_semaphore, #tpu.memory_space<semaphore_mem>> -> memref<!tpu.dma_semaphore, #tpu.memory_space<semaphore_mem>>
    tpu.wait_indirect_dma semaphore(%dma_wait3A_1527 : memref<!tpu.dma_semaphore, #tpu.memory_space<semaphore_mem>>) src(%dma_wait3A_1519 : memref<128x128xf32, #tpu.memory_space<vmem>>) dst(%dma_wait3A_1525 : memref<512x128xf32, #tpu.memory_space<vmem_shared>>)
    %add3A_1528 = arith.constant 16 : i32
    %add3A_1529 = arith.addi %mul3A_2, %add3A_1528 : i32
    %mul3A_1530 = arith.constant 128 : i32
    %mul3A_1531 = arith.muli %add3A_1529, %mul3A_1530 : i32
    %multiple_of3A_1532 = tpu.assume_multiple %mul3A_1531, 128 : i32
    %dma_start3A_1533 = arith.constant 2 : i32
    %dma_start3A_1534 = arith.constant 2 : i32
    %dma_start3A_1535 = arith.constant 0 : i32
    %dma_start3A_1536 = arith.constant 0 : i32
    %dma_start3A_1537 = tpu.memref_slice %arg6[%dma_start3A_1533, %dma_start3A_1535, %dma_start3A_1536] : memref<7x128x128xf32, #tpu.memory_space<vmem>> -> memref<1x128x128xf32, #tpu.memory_space<vmem>>
    %dma_start3A_1538 = tpu.memref_squeeze %dma_start3A_1537 : memref<1x128x128xf32, #tpu.memory_space<vmem>> -> memref<128x128xf32, #tpu.memory_space<vmem>>
    %dma_start3A_1539 = arith.constant 0 : i32
    %dma_start3A_1540 = tpu.memref_slice %arg2[%multiple_of3A_1532, %dma_start3A_1539] : memref<100000x128xf32, #tpu.memory_space<hbm>> -> memref<128x128xf32, #tpu.memory_space<hbm>>
    %dma_start3A_1541 = tpu.memref_slice %arg9[%dma_start3A_1534] : memref<7x!tpu.dma_semaphore, #tpu.memory_space<semaphore_mem>> -> memref<1x!tpu.dma_semaphore, #tpu.memory_space<semaphore_mem>>
    %dma_start3A_1542 = tpu.memref_squeeze %dma_start3A_1541 : memref<1x!tpu.dma_semaphore, #tpu.memory_space<semaphore_mem>> -> memref<!tpu.dma_semaphore, #tpu.memory_space<semaphore_mem>>
    %dma_start3A_1543 = arith.constant 0 : i32
    %dma_start3A_1544 = arith.constant 0 : i32
    %dma_start3A_1545 = tpu.memref_slice %arg6[%dma_start3A_1533, %dma_start3A_1543, %dma_start3A_1544] : memref<7x128x128xf32, #tpu.memory_space<vmem>> -> memref<1x128x128xf32, #tpu.memory_space<vmem>>
    %dma_start3A_1546 = tpu.memref_squeeze %dma_start3A_1545 : memref<1x128x128xf32, #tpu.memory_space<vmem>> -> memref<128x128xf32, #tpu.memory_space<vmem>>
    %dma_start3A_1547 = arith.constant 0 : i32
    %dma_start3A_1548 = tpu.memref_slice %arg2[%multiple_of3A_1532, %dma_start3A_1547] : memref<100000x128xf32, #tpu.memory_space<hbm>> -> memref<128x128xf32, #tpu.memory_space<hbm>>
    tpu.enqueue_dma source(%dma_start3A_1548 : memref<128x128xf32, #tpu.memory_space<hbm>>) target(%dma_start3A_1546 : memref<128x128xf32, #tpu.memory_space<vmem>>) target_semaphore(%dma_start3A_1542 : memref<!tpu.dma_semaphore, #tpu.memory_space<semaphore_mem>>)
    %dma_wait3A_1549 = arith.constant 4 : i32
    %dma_wait3A_1550 = arith.constant 4 : i32
    %dma_wait3A_1551 = arith.constant 0 : i32
    %dma_wait3A_1552 = arith.constant 0 : i32
    %dma_wait3A_1553 = tpu.memref_slice %arg6[%dma_wait3A_1549, %dma_wait3A_1551, %dma_wait3A_1552] : memref<7x128x128xf32, #tpu.memory_space<vmem>> -> memref<1x128x128xf32, #tpu.memory_space<vmem>>
    %dma_wait3A_1554 = tpu.memref_squeeze %dma_wait3A_1553 : memref<1x128x128xf32, #tpu.memory_space<vmem>> -> memref<128x128xf32, #tpu.memory_space<vmem>>
    %dma_wait3A_1555 = arith.constant 0 : i32
    %dma_wait3A_1556 = arith.constant 0 : i32
    %dma_wait3A_1557 = tpu.memref_slice %arg2[%dma_wait3A_1555, %dma_wait3A_1556] : memref<100000x128xf32, #tpu.memory_space<hbm>> -> memref<128x128xf32, #tpu.memory_space<hbm>>
    %dma_wait3A_1558 = tpu.memref_slice %arg9[%dma_wait3A_1550] : memref<7x!tpu.dma_semaphore, #tpu.memory_space<semaphore_mem>> -> memref<1x!tpu.dma_semaphore, #tpu.memory_space<semaphore_mem>>
    %dma_wait3A_1559 = tpu.memref_squeeze %dma_wait3A_1558 : memref<1x!tpu.dma_semaphore, #tpu.memory_space<semaphore_mem>> -> memref<!tpu.dma_semaphore, #tpu.memory_space<semaphore_mem>>
    %dma_wait3A_1560 = arith.constant 0 : i32
    %dma_wait3A_1561 = arith.constant 0 : i32
    %dma_wait3A_1562 = tpu.memref_slice %arg6[%dma_wait3A_1549, %dma_wait3A_1560, %dma_wait3A_1561] : memref<7x128x128xf32, #tpu.memory_space<vmem>> -> memref<1x128x128xf32, #tpu.memory_space<vmem>>
    %dma_wait3A_1563 = tpu.memref_squeeze %dma_wait3A_1562 : memref<1x128x128xf32, #tpu.memory_space<vmem>> -> memref<128x128xf32, #tpu.memory_space<vmem>>
    %dma_wait3A_1564 = arith.constant 0 : i32
    %dma_wait3A_1565 = arith.constant 0 : i32
    %dma_wait3A_1566 = tpu.memref_slice %arg2[%dma_wait3A_1564, %dma_wait3A_1565] : memref<100000x128xf32, #tpu.memory_space<hbm>> -> memref<128x128xf32, #tpu.memory_space<hbm>>
    tpu.wait_dma2 semaphore(%dma_wait3A_1559 : memref<!tpu.dma_semaphore, #tpu.memory_space<semaphore_mem>>) src(%dma_wait3A_1566 : memref<128x128xf32, #tpu.memory_space<hbm>>) dst(%dma_wait3A_1563 : memref<128x128xf32, #tpu.memory_space<vmem>>)
    %dma_start3A_1567 = arith.constant 4 : i32
    %dma_start3A_1568 = arith.constant 11 : i32
    %dma_start3A_1569 = arith.constant 0 : i32
    %dma_start3A_1570 = arith.constant 4 : i32
    %dma_start3A_1571 = arith.constant 0 : i32
    %dma_start3A_1572 = arith.constant 0 : i32
    %dma_start3A_1573 = tpu.memref_slice %arg6[%dma_start3A_1567, %dma_start3A_1571, %dma_start3A_1572] : memref<7x128x128xf32, #tpu.memory_space<vmem>> -> memref<1x128x128xf32, #tpu.memory_space<vmem>>
    %dma_start3A_1574 = tpu.memref_squeeze %dma_start3A_1573 : memref<1x128x128xf32, #tpu.memory_space<vmem>> -> memref<128x128xf32, #tpu.memory_space<vmem>>
    %dma_start3A_1575 = arith.constant 0 : i32
    %dma_start3A_1576 = tpu.memref_slice %arg7[%dma_start3A_1568, %dma_start3A_1569, %dma_start3A_1575] : memref<24x1x128xi32, #tpu.memory_space<vmem>> -> memref<1x1x128xi32, #tpu.memory_space<vmem>>
    %dma_start3A_1577 = tpu.memref_squeeze %dma_start3A_1576 : memref<1x1x128xi32, #tpu.memory_space<vmem>> -> memref<128xi32, #tpu.memory_space<vmem>>
    %dma_start3A_1578 = arith.constant 0 : i32
    %dma_start3A_1579 = arith.constant 0 : i32
    %dma_start3A_1580 = tpu.memref_slice %arg8[%dma_start3A_1578, %dma_start3A_1579] : memref<512x128xf32, #tpu.memory_space<vmem_shared>> -> memref<512x128xf32, #tpu.memory_space<vmem_shared>>
    %dma_start3A_1581 = tpu.memref_slice %arg11[%dma_start3A_1570] : memref<7x!tpu.dma_semaphore, #tpu.memory_space<semaphore_mem>> -> memref<1x!tpu.dma_semaphore, #tpu.memory_space<semaphore_mem>>
    %dma_start3A_1582 = tpu.memref_squeeze %dma_start3A_1581 : memref<1x!tpu.dma_semaphore, #tpu.memory_space<semaphore_mem>> -> memref<!tpu.dma_semaphore, #tpu.memory_space<semaphore_mem>>
    tpu.enqueue_indirect_dma source(%dma_start3A_1574 : memref<128x128xf32, #tpu.memory_space<vmem>>) target(%dma_start3A_1580 : memref<512x128xf32, #tpu.memory_space<vmem_shared>>) offsets(%dma_start3A_1577 : memref<128xi32, #tpu.memory_space<vmem>>) semaphore(%dma_start3A_1582 : memref<!tpu.dma_semaphore, #tpu.memory_space<semaphore_mem>>) {add = true}
    %dma_wait3A_1583 = arith.constant 3 : i32
    %dma_wait3A_1584 = arith.constant 10 : i32
    %dma_wait3A_1585 = arith.constant 0 : i32
    %dma_wait3A_1586 = arith.constant 3 : i32
    %dma_wait3A_1587 = arith.constant 0 : i32
    %dma_wait3A_1588 = arith.constant 0 : i32
    %dma_wait3A_1589 = tpu.memref_slice %arg6[%dma_wait3A_1583, %dma_wait3A_1587, %dma_wait3A_1588] : memref<7x128x128xf32, #tpu.memory_space<vmem>> -> memref<1x128x128xf32, #tpu.memory_space<vmem>>
    %dma_wait3A_1590 = tpu.memref_squeeze %dma_wait3A_1589 : memref<1x128x128xf32, #tpu.memory_space<vmem>> -> memref<128x128xf32, #tpu.memory_space<vmem>>
    %dma_wait3A_1591 = arith.constant 0 : i32
    %dma_wait3A_1592 = tpu.memref_slice %arg7[%dma_wait3A_1584, %dma_wait3A_1585, %dma_wait3A_1591] : memref<24x1x128xi32, #tpu.memory_space<vmem>> -> memref<1x1x128xi32, #tpu.memory_space<vmem>>
    %dma_wait3A_1593 = tpu.memref_squeeze %dma_wait3A_1592 : memref<1x1x128xi32, #tpu.memory_space<vmem>> -> memref<128xi32, #tpu.memory_space<vmem>>
    %dma_wait3A_1594 = arith.constant 0 : i32
    %dma_wait3A_1595 = arith.constant 0 : i32
    %dma_wait3A_1596 = tpu.memref_slice %arg8[%dma_wait3A_1594, %dma_wait3A_1595] : memref<512x128xf32, #tpu.memory_space<vmem_shared>> -> memref<512x128xf32, #tpu.memory_space<vmem_shared>>
    %dma_wait3A_1597 = tpu.memref_slice %arg11[%dma_wait3A_1586] : memref<7x!tpu.dma_semaphore, #tpu.memory_space<semaphore_mem>> -> memref<1x!tpu.dma_semaphore, #tpu.memory_space<semaphore_mem>>
    %dma_wait3A_1598 = tpu.memref_squeeze %dma_wait3A_1597 : memref<1x!tpu.dma_semaphore, #tpu.memory_space<semaphore_mem>> -> memref<!tpu.dma_semaphore, #tpu.memory_space<semaphore_mem>>
    tpu.wait_indirect_dma semaphore(%dma_wait3A_1598 : memref<!tpu.dma_semaphore, #tpu.memory_space<semaphore_mem>>) src(%dma_wait3A_1590 : memref<128x128xf32, #tpu.memory_space<vmem>>) dst(%dma_wait3A_1596 : memref<512x128xf32, #tpu.memory_space<vmem_shared>>)
    %add3A_1599 = arith.constant 17 : i32
    %add3A_1600 = arith.addi %mul3A_2, %add3A_1599 : i32
    %mul3A_1601 = arith.constant 128 : i32
    %mul3A_1602 = arith.muli %add3A_1600, %mul3A_1601 : i32
    %multiple_of3A_1603 = tpu.assume_multiple %mul3A_1602, 128 : i32
    %dma_start3A_1604 = arith.constant 3 : i32
    %dma_start3A_1605 = arith.constant 3 : i32
    %dma_start3A_1606 = arith.constant 0 : i32
    %dma_start3A_1607 = arith.constant 0 : i32
    %dma_start3A_1608 = tpu.memref_slice %arg6[%dma_start3A_1604, %dma_start3A_1606, %dma_start3A_1607] : memref<7x128x128xf32, #tpu.memory_space<vmem>> -> memref<1x128x128xf32, #tpu.memory_space<vmem>>
    %dma_start3A_1609 = tpu.memref_squeeze %dma_start3A_1608 : memref<1x128x128xf32, #tpu.memory_space<vmem>> -> memref<128x128xf32, #tpu.memory_space<vmem>>
    %dma_start3A_1610 = arith.constant 0 : i32
    %dma_start3A_1611 = tpu.memref_slice %arg2[%multiple_of3A_1603, %dma_start3A_1610] : memref<100000x128xf32, #tpu.memory_space<hbm>> -> memref<128x128xf32, #tpu.memory_space<hbm>>
    %dma_start3A_1612 = tpu.memref_slice %arg9[%dma_start3A_1605] : memref<7x!tpu.dma_semaphore, #tpu.memory_space<semaphore_mem>> -> memref<1x!tpu.dma_semaphore, #tpu.memory_space<semaphore_mem>>
    %dma_start3A_1613 = tpu.memref_squeeze %dma_start3A_1612 : memref<1x!tpu.dma_semaphore, #tpu.memory_space<semaphore_mem>> -> memref<!tpu.dma_semaphore, #tpu.memory_space<semaphore_mem>>
    %dma_start3A_1614 = arith.constant 0 : i32
    %dma_start3A_1615 = arith.constant 0 : i32
    %dma_start3A_1616 = tpu.memref_slice %arg6[%dma_start3A_1604, %dma_start3A_1614, %dma_start3A_1615] : memref<7x128x128xf32, #tpu.memory_space<vmem>> -> memref<1x128x128xf32, #tpu.memory_space<vmem>>
    %dma_start3A_1617 = tpu.memref_squeeze %dma_start3A_1616 : memref<1x128x128xf32, #tpu.memory_space<vmem>> -> memref<128x128xf32, #tpu.memory_space<vmem>>
    %dma_start3A_1618 = arith.constant 0 : i32
    %dma_start3A_1619 = tpu.memref_slice %arg2[%multiple_of3A_1603, %dma_start3A_1618] : memref<100000x128xf32, #tpu.memory_space<hbm>> -> memref<128x128xf32, #tpu.memory_space<hbm>>
    tpu.enqueue_dma source(%dma_start3A_1619 : memref<128x128xf32, #tpu.memory_space<hbm>>) target(%dma_start3A_1617 : memref<128x128xf32, #tpu.memory_space<vmem>>) target_semaphore(%dma_start3A_1613 : memref<!tpu.dma_semaphore, #tpu.memory_space<semaphore_mem>>)
    %dma_wait3A_1620 = arith.constant 5 : i32
    %dma_wait3A_1621 = arith.constant 5 : i32
    %dma_wait3A_1622 = arith.constant 0 : i32
    %dma_wait3A_1623 = arith.constant 0 : i32
    %dma_wait3A_1624 = tpu.memref_slice %arg6[%dma_wait3A_1620, %dma_wait3A_1622, %dma_wait3A_1623] : memref<7x128x128xf32, #tpu.memory_space<vmem>> -> memref<1x128x128xf32, #tpu.memory_space<vmem>>
    %dma_wait3A_1625 = tpu.memref_squeeze %dma_wait3A_1624 : memref<1x128x128xf32, #tpu.memory_space<vmem>> -> memref<128x128xf32, #tpu.memory_space<vmem>>
    %dma_wait3A_1626 = arith.constant 0 : i32
    %dma_wait3A_1627 = arith.constant 0 : i32
    %dma_wait3A_1628 = tpu.memref_slice %arg2[%dma_wait3A_1626, %dma_wait3A_1627] : memref<100000x128xf32, #tpu.memory_space<hbm>> -> memref<128x128xf32, #tpu.memory_space<hbm>>
    %dma_wait3A_1629 = tpu.memref_slice %arg9[%dma_wait3A_1621] : memref<7x!tpu.dma_semaphore, #tpu.memory_space<semaphore_mem>> -> memref<1x!tpu.dma_semaphore, #tpu.memory_space<semaphore_mem>>
    %dma_wait3A_1630 = tpu.memref_squeeze %dma_wait3A_1629 : memref<1x!tpu.dma_semaphore, #tpu.memory_space<semaphore_mem>> -> memref<!tpu.dma_semaphore, #tpu.memory_space<semaphore_mem>>
    %dma_wait3A_1631 = arith.constant 0 : i32
    %dma_wait3A_1632 = arith.constant 0 : i32
    %dma_wait3A_1633 = tpu.memref_slice %arg6[%dma_wait3A_1620, %dma_wait3A_1631, %dma_wait3A_1632] : memref<7x128x128xf32, #tpu.memory_space<vmem>> -> memref<1x128x128xf32, #tpu.memory_space<vmem>>
    %dma_wait3A_1634 = tpu.memref_squeeze %dma_wait3A_1633 : memref<1x128x128xf32, #tpu.memory_space<vmem>> -> memref<128x128xf32, #tpu.memory_space<vmem>>
    %dma_wait3A_1635 = arith.constant 0 : i32
    %dma_wait3A_1636 = arith.constant 0 : i32
    %dma_wait3A_1637 = tpu.memref_slice %arg2[%dma_wait3A_1635, %dma_wait3A_1636] : memref<100000x128xf32, #tpu.memory_space<hbm>> -> memref<128x128xf32, #tpu.memory_space<hbm>>
    tpu.wait_dma2 semaphore(%dma_wait3A_1630 : memref<!tpu.dma_semaphore, #tpu.memory_space<semaphore_mem>>) src(%dma_wait3A_1637 : memref<128x128xf32, #tpu.memory_space<hbm>>) dst(%dma_wait3A_1634 : memref<128x128xf32, #tpu.memory_space<vmem>>)
    %dma_start3A_1638 = arith.constant 5 : i32
    %dma_start3A_1639 = arith.constant 12 : i32
    %dma_start3A_1640 = arith.constant 0 : i32
    %dma_start3A_1641 = arith.constant 5 : i32
    %dma_start3A_1642 = arith.constant 0 : i32
    %dma_start3A_1643 = arith.constant 0 : i32
    %dma_start3A_1644 = tpu.memref_slice %arg6[%dma_start3A_1638, %dma_start3A_1642, %dma_start3A_1643] : memref<7x128x128xf32, #tpu.memory_space<vmem>> -> memref<1x128x128xf32, #tpu.memory_space<vmem>>
    %dma_start3A_1645 = tpu.memref_squeeze %dma_start3A_1644 : memref<1x128x128xf32, #tpu.memory_space<vmem>> -> memref<128x128xf32, #tpu.memory_space<vmem>>
    %dma_start3A_1646 = arith.constant 0 : i32
    %dma_start3A_1647 = tpu.memref_slice %arg7[%dma_start3A_1639, %dma_start3A_1640, %dma_start3A_1646] : memref<24x1x128xi32, #tpu.memory_space<vmem>> -> memref<1x1x128xi32, #tpu.memory_space<vmem>>
    %dma_start3A_1648 = tpu.memref_squeeze %dma_start3A_1647 : memref<1x1x128xi32, #tpu.memory_space<vmem>> -> memref<128xi32, #tpu.memory_space<vmem>>
    %dma_start3A_1649 = arith.constant 0 : i32
    %dma_start3A_1650 = arith.constant 0 : i32
    %dma_start3A_1651 = tpu.memref_slice %arg8[%dma_start3A_1649, %dma_start3A_1650] : memref<512x128xf32, #tpu.memory_space<vmem_shared>> -> memref<512x128xf32, #tpu.memory_space<vmem_shared>>
    %dma_start3A_1652 = tpu.memref_slice %arg11[%dma_start3A_1641] : memref<7x!tpu.dma_semaphore, #tpu.memory_space<semaphore_mem>> -> memref<1x!tpu.dma_semaphore, #tpu.memory_space<semaphore_mem>>
    %dma_start3A_1653 = tpu.memref_squeeze %dma_start3A_1652 : memref<1x!tpu.dma_semaphore, #tpu.memory_space<semaphore_mem>> -> memref<!tpu.dma_semaphore, #tpu.memory_space<semaphore_mem>>
    tpu.enqueue_indirect_dma source(%dma_start3A_1645 : memref<128x128xf32, #tpu.memory_space<vmem>>) target(%dma_start3A_1651 : memref<512x128xf32, #tpu.memory_space<vmem_shared>>) offsets(%dma_start3A_1648 : memref<128xi32, #tpu.memory_space<vmem>>) semaphore(%dma_start3A_1653 : memref<!tpu.dma_semaphore, #tpu.memory_space<semaphore_mem>>) {add = true}
    %dma_wait3A_1654 = arith.constant 4 : i32
    %dma_wait3A_1655 = arith.constant 11 : i32
    %dma_wait3A_1656 = arith.constant 0 : i32
    %dma_wait3A_1657 = arith.constant 4 : i32
    %dma_wait3A_1658 = arith.constant 0 : i32
    %dma_wait3A_1659 = arith.constant 0 : i32
    %dma_wait3A_1660 = tpu.memref_slice %arg6[%dma_wait3A_1654, %dma_wait3A_1658, %dma_wait3A_1659] : memref<7x128x128xf32, #tpu.memory_space<vmem>> -> memref<1x128x128xf32, #tpu.memory_space<vmem>>
    %dma_wait3A_1661 = tpu.memref_squeeze %dma_wait3A_1660 : memref<1x128x128xf32, #tpu.memory_space<vmem>> -> memref<128x128xf32, #tpu.memory_space<vmem>>
    %dma_wait3A_1662 = arith.constant 0 : i32
    %dma_wait3A_1663 = tpu.memref_slice %arg7[%dma_wait3A_1655, %dma_wait3A_1656, %dma_wait3A_1662] : memref<24x1x128xi32, #tpu.memory_space<vmem>> -> memref<1x1x128xi32, #tpu.memory_space<vmem>>
    %dma_wait3A_1664 = tpu.memref_squeeze %dma_wait3A_1663 : memref<1x1x128xi32, #tpu.memory_space<vmem>> -> memref<128xi32, #tpu.memory_space<vmem>>
    %dma_wait3A_1665 = arith.constant 0 : i32
    %dma_wait3A_1666 = arith.constant 0 : i32
    %dma_wait3A_1667 = tpu.memref_slice %arg8[%dma_wait3A_1665, %dma_wait3A_1666] : memref<512x128xf32, #tpu.memory_space<vmem_shared>> -> memref<512x128xf32, #tpu.memory_space<vmem_shared>>
    %dma_wait3A_1668 = tpu.memref_slice %arg11[%dma_wait3A_1657] : memref<7x!tpu.dma_semaphore, #tpu.memory_space<semaphore_mem>> -> memref<1x!tpu.dma_semaphore, #tpu.memory_space<semaphore_mem>>
    %dma_wait3A_1669 = tpu.memref_squeeze %dma_wait3A_1668 : memref<1x!tpu.dma_semaphore, #tpu.memory_space<semaphore_mem>> -> memref<!tpu.dma_semaphore, #tpu.memory_space<semaphore_mem>>
    tpu.wait_indirect_dma semaphore(%dma_wait3A_1669 : memref<!tpu.dma_semaphore, #tpu.memory_space<semaphore_mem>>) src(%dma_wait3A_1661 : memref<128x128xf32, #tpu.memory_space<vmem>>) dst(%dma_wait3A_1667 : memref<512x128xf32, #tpu.memory_space<vmem_shared>>)
    %add3A_1670 = arith.constant 18 : i32
    %add3A_1671 = arith.addi %mul3A_2, %add3A_1670 : i32
    %mul3A_1672 = arith.constant 128 : i32
    %mul3A_1673 = arith.muli %add3A_1671, %mul3A_1672 : i32
    %multiple_of3A_1674 = tpu.assume_multiple %mul3A_1673, 128 : i32
    %dma_start3A_1675 = arith.constant 4 : i32
    %dma_start3A_1676 = arith.constant 4 : i32
    %dma_start3A_1677 = arith.constant 0 : i32
    %dma_start3A_1678 = arith.constant 0 : i32
    %dma_start3A_1679 = tpu.memref_slice %arg6[%dma_start3A_1675, %dma_start3A_1677, %dma_start3A_1678] : memref<7x128x128xf32, #tpu.memory_space<vmem>> -> memref<1x128x128xf32, #tpu.memory_space<vmem>>
    %dma_start3A_1680 = tpu.memref_squeeze %dma_start3A_1679 : memref<1x128x128xf32, #tpu.memory_space<vmem>> -> memref<128x128xf32, #tpu.memory_space<vmem>>
    %dma_start3A_1681 = arith.constant 0 : i32
    %dma_start3A_1682 = tpu.memref_slice %arg2[%multiple_of3A_1674, %dma_start3A_1681] : memref<100000x128xf32, #tpu.memory_space<hbm>> -> memref<128x128xf32, #tpu.memory_space<hbm>>
    %dma_start3A_1683 = tpu.memref_slice %arg9[%dma_start3A_1676] : memref<7x!tpu.dma_semaphore, #tpu.memory_space<semaphore_mem>> -> memref<1x!tpu.dma_semaphore, #tpu.memory_space<semaphore_mem>>
    %dma_start3A_1684 = tpu.memref_squeeze %dma_start3A_1683 : memref<1x!tpu.dma_semaphore, #tpu.memory_space<semaphore_mem>> -> memref<!tpu.dma_semaphore, #tpu.memory_space<semaphore_mem>>
    %dma_start3A_1685 = arith.constant 0 : i32
    %dma_start3A_1686 = arith.constant 0 : i32
    %dma_start3A_1687 = tpu.memref_slice %arg6[%dma_start3A_1675, %dma_start3A_1685, %dma_start3A_1686] : memref<7x128x128xf32, #tpu.memory_space<vmem>> -> memref<1x128x128xf32, #tpu.memory_space<vmem>>
    %dma_start3A_1688 = tpu.memref_squeeze %dma_start3A_1687 : memref<1x128x128xf32, #tpu.memory_space<vmem>> -> memref<128x128xf32, #tpu.memory_space<vmem>>
    %dma_start3A_1689 = arith.constant 0 : i32
    %dma_start3A_1690 = tpu.memref_slice %arg2[%multiple_of3A_1674, %dma_start3A_1689] : memref<100000x128xf32, #tpu.memory_space<hbm>> -> memref<128x128xf32, #tpu.memory_space<hbm>>
    tpu.enqueue_dma source(%dma_start3A_1690 : memref<128x128xf32, #tpu.memory_space<hbm>>) target(%dma_start3A_1688 : memref<128x128xf32, #tpu.memory_space<vmem>>) target_semaphore(%dma_start3A_1684 : memref<!tpu.dma_semaphore, #tpu.memory_space<semaphore_mem>>)
    %dma_wait3A_1691 = arith.constant 6 : i32
    %dma_wait3A_1692 = arith.constant 6 : i32
    %dma_wait3A_1693 = arith.constant 0 : i32
    %dma_wait3A_1694 = arith.constant 0 : i32
    %dma_wait3A_1695 = tpu.memref_slice %arg6[%dma_wait3A_1691, %dma_wait3A_1693, %dma_wait3A_1694] : memref<7x128x128xf32, #tpu.memory_space<vmem>> -> memref<1x128x128xf32, #tpu.memory_space<vmem>>
    %dma_wait3A_1696 = tpu.memref_squeeze %dma_wait3A_1695 : memref<1x128x128xf32, #tpu.memory_space<vmem>> -> memref<128x128xf32, #tpu.memory_space<vmem>>
    %dma_wait3A_1697 = arith.constant 0 : i32
    %dma_wait3A_1698 = arith.constant 0 : i32
    %dma_wait3A_1699 = tpu.memref_slice %arg2[%dma_wait3A_1697, %dma_wait3A_1698] : memref<100000x128xf32, #tpu.memory_space<hbm>> -> memref<128x128xf32, #tpu.memory_space<hbm>>
    %dma_wait3A_1700 = tpu.memref_slice %arg9[%dma_wait3A_1692] : memref<7x!tpu.dma_semaphore, #tpu.memory_space<semaphore_mem>> -> memref<1x!tpu.dma_semaphore, #tpu.memory_space<semaphore_mem>>
    %dma_wait3A_1701 = tpu.memref_squeeze %dma_wait3A_1700 : memref<1x!tpu.dma_semaphore, #tpu.memory_space<semaphore_mem>> -> memref<!tpu.dma_semaphore, #tpu.memory_space<semaphore_mem>>
    %dma_wait3A_1702 = arith.constant 0 : i32
    %dma_wait3A_1703 = arith.constant 0 : i32
    %dma_wait3A_1704 = tpu.memref_slice %arg6[%dma_wait3A_1691, %dma_wait3A_1702, %dma_wait3A_1703] : memref<7x128x128xf32, #tpu.memory_space<vmem>> -> memref<1x128x128xf32, #tpu.memory_space<vmem>>
    %dma_wait3A_1705 = tpu.memref_squeeze %dma_wait3A_1704 : memref<1x128x128xf32, #tpu.memory_space<vmem>> -> memref<128x128xf32, #tpu.memory_space<vmem>>
    %dma_wait3A_1706 = arith.constant 0 : i32
    %dma_wait3A_1707 = arith.constant 0 : i32
    %dma_wait3A_1708 = tpu.memref_slice %arg2[%dma_wait3A_1706, %dma_wait3A_1707] : memref<100000x128xf32, #tpu.memory_space<hbm>> -> memref<128x128xf32, #tpu.memory_space<hbm>>
    tpu.wait_dma2 semaphore(%dma_wait3A_1701 : memref<!tpu.dma_semaphore, #tpu.memory_space<semaphore_mem>>) src(%dma_wait3A_1708 : memref<128x128xf32, #tpu.memory_space<hbm>>) dst(%dma_wait3A_1705 : memref<128x128xf32, #tpu.memory_space<vmem>>)
    %dma_start3A_1709 = arith.constant 6 : i32
    %dma_start3A_1710 = arith.constant 13 : i32
    %dma_start3A_1711 = arith.constant 0 : i32
    %dma_start3A_1712 = arith.constant 6 : i32
    %dma_start3A_1713 = arith.constant 0 : i32
    %dma_start3A_1714 = arith.constant 0 : i32
    %dma_start3A_1715 = tpu.memref_slice %arg6[%dma_start3A_1709, %dma_start3A_1713, %dma_start3A_1714] : memref<7x128x128xf32, #tpu.memory_space<vmem>> -> memref<1x128x128xf32, #tpu.memory_space<vmem>>
    %dma_start3A_1716 = tpu.memref_squeeze %dma_start3A_1715 : memref<1x128x128xf32, #tpu.memory_space<vmem>> -> memref<128x128xf32, #tpu.memory_space<vmem>>
    %dma_start3A_1717 = arith.constant 0 : i32
    %dma_start3A_1718 = tpu.memref_slice %arg7[%dma_start3A_1710, %dma_start3A_1711, %dma_start3A_1717] : memref<24x1x128xi32, #tpu.memory_space<vmem>> -> memref<1x1x128xi32, #tpu.memory_space<vmem>>
    %dma_start3A_1719 = tpu.memref_squeeze %dma_start3A_1718 : memref<1x1x128xi32, #tpu.memory_space<vmem>> -> memref<128xi32, #tpu.memory_space<vmem>>
    %dma_start3A_1720 = arith.constant 0 : i32
    %dma_start3A_1721 = arith.constant 0 : i32
    %dma_start3A_1722 = tpu.memref_slice %arg8[%dma_start3A_1720, %dma_start3A_1721] : memref<512x128xf32, #tpu.memory_space<vmem_shared>> -> memref<512x128xf32, #tpu.memory_space<vmem_shared>>
    %dma_start3A_1723 = tpu.memref_slice %arg11[%dma_start3A_1712] : memref<7x!tpu.dma_semaphore, #tpu.memory_space<semaphore_mem>> -> memref<1x!tpu.dma_semaphore, #tpu.memory_space<semaphore_mem>>
    %dma_start3A_1724 = tpu.memref_squeeze %dma_start3A_1723 : memref<1x!tpu.dma_semaphore, #tpu.memory_space<semaphore_mem>> -> memref<!tpu.dma_semaphore, #tpu.memory_space<semaphore_mem>>
    tpu.enqueue_indirect_dma source(%dma_start3A_1716 : memref<128x128xf32, #tpu.memory_space<vmem>>) target(%dma_start3A_1722 : memref<512x128xf32, #tpu.memory_space<vmem_shared>>) offsets(%dma_start3A_1719 : memref<128xi32, #tpu.memory_space<vmem>>) semaphore(%dma_start3A_1724 : memref<!tpu.dma_semaphore, #tpu.memory_space<semaphore_mem>>) {add = true}
    %dma_wait3A_1725 = arith.constant 5 : i32
    %dma_wait3A_1726 = arith.constant 12 : i32
    %dma_wait3A_1727 = arith.constant 0 : i32
    %dma_wait3A_1728 = arith.constant 5 : i32
    %dma_wait3A_1729 = arith.constant 0 : i32
    %dma_wait3A_1730 = arith.constant 0 : i32
    %dma_wait3A_1731 = tpu.memref_slice %arg6[%dma_wait3A_1725, %dma_wait3A_1729, %dma_wait3A_1730] : memref<7x128x128xf32, #tpu.memory_space<vmem>> -> memref<1x128x128xf32, #tpu.memory_space<vmem>>
    %dma_wait3A_1732 = tpu.memref_squeeze %dma_wait3A_1731 : memref<1x128x128xf32, #tpu.memory_space<vmem>> -> memref<128x128xf32, #tpu.memory_space<vmem>>
    %dma_wait3A_1733 = arith.constant 0 : i32
    %dma_wait3A_1734 = tpu.memref_slice %arg7[%dma_wait3A_1726, %dma_wait3A_1727, %dma_wait3A_1733] : memref<24x1x128xi32, #tpu.memory_space<vmem>> -> memref<1x1x128xi32, #tpu.memory_space<vmem>>
    %dma_wait3A_1735 = tpu.memref_squeeze %dma_wait3A_1734 : memref<1x1x128xi32, #tpu.memory_space<vmem>> -> memref<128xi32, #tpu.memory_space<vmem>>
    %dma_wait3A_1736 = arith.constant 0 : i32
    %dma_wait3A_1737 = arith.constant 0 : i32
    %dma_wait3A_1738 = tpu.memref_slice %arg8[%dma_wait3A_1736, %dma_wait3A_1737] : memref<512x128xf32, #tpu.memory_space<vmem_shared>> -> memref<512x128xf32, #tpu.memory_space<vmem_shared>>
    %dma_wait3A_1739 = tpu.memref_slice %arg11[%dma_wait3A_1728] : memref<7x!tpu.dma_semaphore, #tpu.memory_space<semaphore_mem>> -> memref<1x!tpu.dma_semaphore, #tpu.memory_space<semaphore_mem>>
    %dma_wait3A_1740 = tpu.memref_squeeze %dma_wait3A_1739 : memref<1x!tpu.dma_semaphore, #tpu.memory_space<semaphore_mem>> -> memref<!tpu.dma_semaphore, #tpu.memory_space<semaphore_mem>>
    tpu.wait_indirect_dma semaphore(%dma_wait3A_1740 : memref<!tpu.dma_semaphore, #tpu.memory_space<semaphore_mem>>) src(%dma_wait3A_1732 : memref<128x128xf32, #tpu.memory_space<vmem>>) dst(%dma_wait3A_1738 : memref<512x128xf32, #tpu.memory_space<vmem_shared>>)
    %add3A_1741 = arith.constant 19 : i32
    %add3A_1742 = arith.addi %mul3A_2, %add3A_1741 : i32
    %mul3A_1743 = arith.constant 128 : i32
    %mul3A_1744 = arith.muli %add3A_1742, %mul3A_1743 : i32
    %multiple_of3A_1745 = tpu.assume_multiple %mul3A_1744, 128 : i32
    %dma_start3A_1746 = arith.constant 5 : i32
    %dma_start3A_1747 = arith.constant 5 : i32
    %dma_start3A_1748 = arith.constant 0 : i32
    %dma_start3A_1749 = arith.constant 0 : i32
    %dma_start3A_1750 = tpu.memref_slice %arg6[%dma_start3A_1746, %dma_start3A_1748, %dma_start3A_1749] : memref<7x128x128xf32, #tpu.memory_space<vmem>> -> memref<1x128x128xf32, #tpu.memory_space<vmem>>
    %dma_start3A_1751 = tpu.memref_squeeze %dma_start3A_1750 : memref<1x128x128xf32, #tpu.memory_space<vmem>> -> memref<128x128xf32, #tpu.memory_space<vmem>>
    %dma_start3A_1752 = arith.constant 0 : i32
    %dma_start3A_1753 = tpu.memref_slice %arg2[%multiple_of3A_1745, %dma_start3A_1752] : memref<100000x128xf32, #tpu.memory_space<hbm>> -> memref<128x128xf32, #tpu.memory_space<hbm>>
    %dma_start3A_1754 = tpu.memref_slice %arg9[%dma_start3A_1747] : memref<7x!tpu.dma_semaphore, #tpu.memory_space<semaphore_mem>> -> memref<1x!tpu.dma_semaphore, #tpu.memory_space<semaphore_mem>>
    %dma_start3A_1755 = tpu.memref_squeeze %dma_start3A_1754 : memref<1x!tpu.dma_semaphore, #tpu.memory_space<semaphore_mem>> -> memref<!tpu.dma_semaphore, #tpu.memory_space<semaphore_mem>>
    %dma_start3A_1756 = arith.constant 0 : i32
    %dma_start3A_1757 = arith.constant 0 : i32
    %dma_start3A_1758 = tpu.memref_slice %arg6[%dma_start3A_1746, %dma_start3A_1756, %dma_start3A_1757] : memref<7x128x128xf32, #tpu.memory_space<vmem>> -> memref<1x128x128xf32, #tpu.memory_space<vmem>>
    %dma_start3A_1759 = tpu.memref_squeeze %dma_start3A_1758 : memref<1x128x128xf32, #tpu.memory_space<vmem>> -> memref<128x128xf32, #tpu.memory_space<vmem>>
    %dma_start3A_1760 = arith.constant 0 : i32
    %dma_start3A_1761 = tpu.memref_slice %arg2[%multiple_of3A_1745, %dma_start3A_1760] : memref<100000x128xf32, #tpu.memory_space<hbm>> -> memref<128x128xf32, #tpu.memory_space<hbm>>
    tpu.enqueue_dma source(%dma_start3A_1761 : memref<128x128xf32, #tpu.memory_space<hbm>>) target(%dma_start3A_1759 : memref<128x128xf32, #tpu.memory_space<vmem>>) target_semaphore(%dma_start3A_1755 : memref<!tpu.dma_semaphore, #tpu.memory_space<semaphore_mem>>)
    %dma_wait3A_1762 = arith.constant 0 : i32
    %dma_wait3A_1763 = arith.constant 0 : i32
    %dma_wait3A_1764 = arith.constant 0 : i32
    %dma_wait3A_1765 = arith.constant 0 : i32
    %dma_wait3A_1766 = tpu.memref_slice %arg6[%dma_wait3A_1762, %dma_wait3A_1764, %dma_wait3A_1765] : memref<7x128x128xf32, #tpu.memory_space<vmem>> -> memref<1x128x128xf32, #tpu.memory_space<vmem>>
    %dma_wait3A_1767 = tpu.memref_squeeze %dma_wait3A_1766 : memref<1x128x128xf32, #tpu.memory_space<vmem>> -> memref<128x128xf32, #tpu.memory_space<vmem>>
    %dma_wait3A_1768 = arith.constant 0 : i32
    %dma_wait3A_1769 = arith.constant 0 : i32
    %dma_wait3A_1770 = tpu.memref_slice %arg2[%dma_wait3A_1768, %dma_wait3A_1769] : memref<100000x128xf32, #tpu.memory_space<hbm>> -> memref<128x128xf32, #tpu.memory_space<hbm>>
    %dma_wait3A_1771 = tpu.memref_slice %arg9[%dma_wait3A_1763] : memref<7x!tpu.dma_semaphore, #tpu.memory_space<semaphore_mem>> -> memref<1x!tpu.dma_semaphore, #tpu.memory_space<semaphore_mem>>
    %dma_wait3A_1772 = tpu.memref_squeeze %dma_wait3A_1771 : memref<1x!tpu.dma_semaphore, #tpu.memory_space<semaphore_mem>> -> memref<!tpu.dma_semaphore, #tpu.memory_space<semaphore_mem>>
    %dma_wait3A_1773 = arith.constant 0 : i32
    %dma_wait3A_1774 = arith.constant 0 : i32
    %dma_wait3A_1775 = tpu.memref_slice %arg6[%dma_wait3A_1762, %dma_wait3A_1773, %dma_wait3A_1774] : memref<7x128x128xf32, #tpu.memory_space<vmem>> -> memref<1x128x128xf32, #tpu.memory_space<vmem>>
    %dma_wait3A_1776 = tpu.memref_squeeze %dma_wait3A_1775 : memref<1x128x128xf32, #tpu.memory_space<vmem>> -> memref<128x128xf32, #tpu.memory_space<vmem>>
    %dma_wait3A_1777 = arith.constant 0 : i32
    %dma_wait3A_1778 = arith.constant 0 : i32
    %dma_wait3A_1779 = tpu.memref_slice %arg2[%dma_wait3A_1777, %dma_wait3A_1778] : memref<100000x128xf32, #tpu.memory_space<hbm>> -> memref<128x128xf32, #tpu.memory_space<hbm>>
    tpu.wait_dma2 semaphore(%dma_wait3A_1772 : memref<!tpu.dma_semaphore, #tpu.memory_space<semaphore_mem>>) src(%dma_wait3A_1779 : memref<128x128xf32, #tpu.memory_space<hbm>>) dst(%dma_wait3A_1776 : memref<128x128xf32, #tpu.memory_space<vmem>>)
    %dma_start3A_1780 = arith.constant 0 : i32
    %dma_start3A_1781 = arith.constant 14 : i32
    %dma_start3A_1782 = arith.constant 0 : i32
    %dma_start3A_1783 = arith.constant 0 : i32
    %dma_start3A_1784 = arith.constant 0 : i32
    %dma_start3A_1785 = arith.constant 0 : i32
    %dma_start3A_1786 = tpu.memref_slice %arg6[%dma_start3A_1780, %dma_start3A_1784, %dma_start3A_1785] : memref<7x128x128xf32, #tpu.memory_space<vmem>> -> memref<1x128x128xf32, #tpu.memory_space<vmem>>
    %dma_start3A_1787 = tpu.memref_squeeze %dma_start3A_1786 : memref<1x128x128xf32, #tpu.memory_space<vmem>> -> memref<128x128xf32, #tpu.memory_space<vmem>>
    %dma_start3A_1788 = arith.constant 0 : i32
    %dma_start3A_1789 = tpu.memref_slice %arg7[%dma_start3A_1781, %dma_start3A_1782, %dma_start3A_1788] : memref<24x1x128xi32, #tpu.memory_space<vmem>> -> memref<1x1x128xi32, #tpu.memory_space<vmem>>
    %dma_start3A_1790 = tpu.memref_squeeze %dma_start3A_1789 : memref<1x1x128xi32, #tpu.memory_space<vmem>> -> memref<128xi32, #tpu.memory_space<vmem>>
    %dma_start3A_1791 = arith.constant 0 : i32
    %dma_start3A_1792 = arith.constant 0 : i32
    %dma_start3A_1793 = tpu.memref_slice %arg8[%dma_start3A_1791, %dma_start3A_1792] : memref<512x128xf32, #tpu.memory_space<vmem_shared>> -> memref<512x128xf32, #tpu.memory_space<vmem_shared>>
    %dma_start3A_1794 = tpu.memref_slice %arg11[%dma_start3A_1783] : memref<7x!tpu.dma_semaphore, #tpu.memory_space<semaphore_mem>> -> memref<1x!tpu.dma_semaphore, #tpu.memory_space<semaphore_mem>>
    %dma_start3A_1795 = tpu.memref_squeeze %dma_start3A_1794 : memref<1x!tpu.dma_semaphore, #tpu.memory_space<semaphore_mem>> -> memref<!tpu.dma_semaphore, #tpu.memory_space<semaphore_mem>>
    tpu.enqueue_indirect_dma source(%dma_start3A_1787 : memref<128x128xf32, #tpu.memory_space<vmem>>) target(%dma_start3A_1793 : memref<512x128xf32, #tpu.memory_space<vmem_shared>>) offsets(%dma_start3A_1790 : memref<128xi32, #tpu.memory_space<vmem>>) semaphore(%dma_start3A_1795 : memref<!tpu.dma_semaphore, #tpu.memory_space<semaphore_mem>>) {add = true}
    %dma_wait3A_1796 = arith.constant 6 : i32
    %dma_wait3A_1797 = arith.constant 13 : i32
    %dma_wait3A_1798 = arith.constant 0 : i32
    %dma_wait3A_1799 = arith.constant 6 : i32
    %dma_wait3A_1800 = arith.constant 0 : i32
    %dma_wait3A_1801 = arith.constant 0 : i32
    %dma_wait3A_1802 = tpu.memref_slice %arg6[%dma_wait3A_1796, %dma_wait3A_1800, %dma_wait3A_1801] : memref<7x128x128xf32, #tpu.memory_space<vmem>> -> memref<1x128x128xf32, #tpu.memory_space<vmem>>
    %dma_wait3A_1803 = tpu.memref_squeeze %dma_wait3A_1802 : memref<1x128x128xf32, #tpu.memory_space<vmem>> -> memref<128x128xf32, #tpu.memory_space<vmem>>
    %dma_wait3A_1804 = arith.constant 0 : i32
    %dma_wait3A_1805 = tpu.memref_slice %arg7[%dma_wait3A_1797, %dma_wait3A_1798, %dma_wait3A_1804] : memref<24x1x128xi32, #tpu.memory_space<vmem>> -> memref<1x1x128xi32, #tpu.memory_space<vmem>>
    %dma_wait3A_1806 = tpu.memref_squeeze %dma_wait3A_1805 : memref<1x1x128xi32, #tpu.memory_space<vmem>> -> memref<128xi32, #tpu.memory_space<vmem>>
    %dma_wait3A_1807 = arith.constant 0 : i32
    %dma_wait3A_1808 = arith.constant 0 : i32
    %dma_wait3A_1809 = tpu.memref_slice %arg8[%dma_wait3A_1807, %dma_wait3A_1808] : memref<512x128xf32, #tpu.memory_space<vmem_shared>> -> memref<512x128xf32, #tpu.memory_space<vmem_shared>>
    %dma_wait3A_1810 = tpu.memref_slice %arg11[%dma_wait3A_1799] : memref<7x!tpu.dma_semaphore, #tpu.memory_space<semaphore_mem>> -> memref<1x!tpu.dma_semaphore, #tpu.memory_space<semaphore_mem>>
    %dma_wait3A_1811 = tpu.memref_squeeze %dma_wait3A_1810 : memref<1x!tpu.dma_semaphore, #tpu.memory_space<semaphore_mem>> -> memref<!tpu.dma_semaphore, #tpu.memory_space<semaphore_mem>>
    tpu.wait_indirect_dma semaphore(%dma_wait3A_1811 : memref<!tpu.dma_semaphore, #tpu.memory_space<semaphore_mem>>) src(%dma_wait3A_1803 : memref<128x128xf32, #tpu.memory_space<vmem>>) dst(%dma_wait3A_1809 : memref<512x128xf32, #tpu.memory_space<vmem_shared>>)
    %add3A_1812 = arith.constant 20 : i32
    %add3A_1813 = arith.addi %mul3A_2, %add3A_1812 : i32
    %mul3A_1814 = arith.constant 128 : i32
    %mul3A_1815 = arith.muli %add3A_1813, %mul3A_1814 : i32
    %multiple_of3A_1816 = tpu.assume_multiple %mul3A_1815, 128 : i32
    %dma_start3A_1817 = arith.constant 6 : i32
    %dma_start3A_1818 = arith.constant 6 : i32
    %dma_start3A_1819 = arith.constant 0 : i32
    %dma_start3A_1820 = arith.constant 0 : i32
    %dma_start3A_1821 = tpu.memref_slice %arg6[%dma_start3A_1817, %dma_start3A_1819, %dma_start3A_1820] : memref<7x128x128xf32, #tpu.memory_space<vmem>> -> memref<1x128x128xf32, #tpu.memory_space<vmem>>
    %dma_start3A_1822 = tpu.memref_squeeze %dma_start3A_1821 : memref<1x128x128xf32, #tpu.memory_space<vmem>> -> memref<128x128xf32, #tpu.memory_space<vmem>>
    %dma_start3A_1823 = arith.constant 0 : i32
    %dma_start3A_1824 = tpu.memref_slice %arg2[%multiple_of3A_1816, %dma_start3A_1823] : memref<100000x128xf32, #tpu.memory_space<hbm>> -> memref<128x128xf32, #tpu.memory_space<hbm>>
    %dma_start3A_1825 = tpu.memref_slice %arg9[%dma_start3A_1818] : memref<7x!tpu.dma_semaphore, #tpu.memory_space<semaphore_mem>> -> memref<1x!tpu.dma_semaphore, #tpu.memory_space<semaphore_mem>>
    %dma_start3A_1826 = tpu.memref_squeeze %dma_start3A_1825 : memref<1x!tpu.dma_semaphore, #tpu.memory_space<semaphore_mem>> -> memref<!tpu.dma_semaphore, #tpu.memory_space<semaphore_mem>>
    %dma_start3A_1827 = arith.constant 0 : i32
    %dma_start3A_1828 = arith.constant 0 : i32
    %dma_start3A_1829 = tpu.memref_slice %arg6[%dma_start3A_1817, %dma_start3A_1827, %dma_start3A_1828] : memref<7x128x128xf32, #tpu.memory_space<vmem>> -> memref<1x128x128xf32, #tpu.memory_space<vmem>>
    %dma_start3A_1830 = tpu.memref_squeeze %dma_start3A_1829 : memref<1x128x128xf32, #tpu.memory_space<vmem>> -> memref<128x128xf32, #tpu.memory_space<vmem>>
    %dma_start3A_1831 = arith.constant 0 : i32
    %dma_start3A_1832 = tpu.memref_slice %arg2[%multiple_of3A_1816, %dma_start3A_1831] : memref<100000x128xf32, #tpu.memory_space<hbm>> -> memref<128x128xf32, #tpu.memory_space<hbm>>
    tpu.enqueue_dma source(%dma_start3A_1832 : memref<128x128xf32, #tpu.memory_space<hbm>>) target(%dma_start3A_1830 : memref<128x128xf32, #tpu.memory_space<vmem>>) target_semaphore(%dma_start3A_1826 : memref<!tpu.dma_semaphore, #tpu.memory_space<semaphore_mem>>)
    %dma_wait3A_1833 = arith.constant 1 : i32
    %dma_wait3A_1834 = arith.constant 1 : i32
    %dma_wait3A_1835 = arith.constant 0 : i32
    %dma_wait3A_1836 = arith.constant 0 : i32
    %dma_wait3A_1837 = tpu.memref_slice %arg6[%dma_wait3A_1833, %dma_wait3A_1835, %dma_wait3A_1836] : memref<7x128x128xf32, #tpu.memory_space<vmem>> -> memref<1x128x128xf32, #tpu.memory_space<vmem>>
    %dma_wait3A_1838 = tpu.memref_squeeze %dma_wait3A_1837 : memref<1x128x128xf32, #tpu.memory_space<vmem>> -> memref<128x128xf32, #tpu.memory_space<vmem>>
    %dma_wait3A_1839 = arith.constant 0 : i32
    %dma_wait3A_1840 = arith.constant 0 : i32
    %dma_wait3A_1841 = tpu.memref_slice %arg2[%dma_wait3A_1839, %dma_wait3A_1840] : memref<100000x128xf32, #tpu.memory_space<hbm>> -> memref<128x128xf32, #tpu.memory_space<hbm>>
    %dma_wait3A_1842 = tpu.memref_slice %arg9[%dma_wait3A_1834] : memref<7x!tpu.dma_semaphore, #tpu.memory_space<semaphore_mem>> -> memref<1x!tpu.dma_semaphore, #tpu.memory_space<semaphore_mem>>
    %dma_wait3A_1843 = tpu.memref_squeeze %dma_wait3A_1842 : memref<1x!tpu.dma_semaphore, #tpu.memory_space<semaphore_mem>> -> memref<!tpu.dma_semaphore, #tpu.memory_space<semaphore_mem>>
    %dma_wait3A_1844 = arith.constant 0 : i32
    %dma_wait3A_1845 = arith.constant 0 : i32
    %dma_wait3A_1846 = tpu.memref_slice %arg6[%dma_wait3A_1833, %dma_wait3A_1844, %dma_wait3A_1845] : memref<7x128x128xf32, #tpu.memory_space<vmem>> -> memref<1x128x128xf32, #tpu.memory_space<vmem>>
    %dma_wait3A_1847 = tpu.memref_squeeze %dma_wait3A_1846 : memref<1x128x128xf32, #tpu.memory_space<vmem>> -> memref<128x128xf32, #tpu.memory_space<vmem>>
    %dma_wait3A_1848 = arith.constant 0 : i32
    %dma_wait3A_1849 = arith.constant 0 : i32
    %dma_wait3A_1850 = tpu.memref_slice %arg2[%dma_wait3A_1848, %dma_wait3A_1849] : memref<100000x128xf32, #tpu.memory_space<hbm>> -> memref<128x128xf32, #tpu.memory_space<hbm>>
    tpu.wait_dma2 semaphore(%dma_wait3A_1843 : memref<!tpu.dma_semaphore, #tpu.memory_space<semaphore_mem>>) src(%dma_wait3A_1850 : memref<128x128xf32, #tpu.memory_space<hbm>>) dst(%dma_wait3A_1847 : memref<128x128xf32, #tpu.memory_space<vmem>>)
    %dma_start3A_1851 = arith.constant 1 : i32
    %dma_start3A_1852 = arith.constant 15 : i32
    %dma_start3A_1853 = arith.constant 0 : i32
    %dma_start3A_1854 = arith.constant 1 : i32
    %dma_start3A_1855 = arith.constant 0 : i32
    %dma_start3A_1856 = arith.constant 0 : i32
    %dma_start3A_1857 = tpu.memref_slice %arg6[%dma_start3A_1851, %dma_start3A_1855, %dma_start3A_1856] : memref<7x128x128xf32, #tpu.memory_space<vmem>> -> memref<1x128x128xf32, #tpu.memory_space<vmem>>
    %dma_start3A_1858 = tpu.memref_squeeze %dma_start3A_1857 : memref<1x128x128xf32, #tpu.memory_space<vmem>> -> memref<128x128xf32, #tpu.memory_space<vmem>>
    %dma_start3A_1859 = arith.constant 0 : i32
    %dma_start3A_1860 = tpu.memref_slice %arg7[%dma_start3A_1852, %dma_start3A_1853, %dma_start3A_1859] : memref<24x1x128xi32, #tpu.memory_space<vmem>> -> memref<1x1x128xi32, #tpu.memory_space<vmem>>
    %dma_start3A_1861 = tpu.memref_squeeze %dma_start3A_1860 : memref<1x1x128xi32, #tpu.memory_space<vmem>> -> memref<128xi32, #tpu.memory_space<vmem>>
    %dma_start3A_1862 = arith.constant 0 : i32
    %dma_start3A_1863 = arith.constant 0 : i32
    %dma_start3A_1864 = tpu.memref_slice %arg8[%dma_start3A_1862, %dma_start3A_1863] : memref<512x128xf32, #tpu.memory_space<vmem_shared>> -> memref<512x128xf32, #tpu.memory_space<vmem_shared>>
    %dma_start3A_1865 = tpu.memref_slice %arg11[%dma_start3A_1854] : memref<7x!tpu.dma_semaphore, #tpu.memory_space<semaphore_mem>> -> memref<1x!tpu.dma_semaphore, #tpu.memory_space<semaphore_mem>>
    %dma_start3A_1866 = tpu.memref_squeeze %dma_start3A_1865 : memref<1x!tpu.dma_semaphore, #tpu.memory_space<semaphore_mem>> -> memref<!tpu.dma_semaphore, #tpu.memory_space<semaphore_mem>>
    tpu.enqueue_indirect_dma source(%dma_start3A_1858 : memref<128x128xf32, #tpu.memory_space<vmem>>) target(%dma_start3A_1864 : memref<512x128xf32, #tpu.memory_space<vmem_shared>>) offsets(%dma_start3A_1861 : memref<128xi32, #tpu.memory_space<vmem>>) semaphore(%dma_start3A_1866 : memref<!tpu.dma_semaphore, #tpu.memory_space<semaphore_mem>>) {add = true}
    %dma_wait3A_1867 = arith.constant 0 : i32
    %dma_wait3A_1868 = arith.constant 14 : i32
    %dma_wait3A_1869 = arith.constant 0 : i32
    %dma_wait3A_1870 = arith.constant 0 : i32
    %dma_wait3A_1871 = arith.constant 0 : i32
    %dma_wait3A_1872 = arith.constant 0 : i32
    %dma_wait3A_1873 = tpu.memref_slice %arg6[%dma_wait3A_1867, %dma_wait3A_1871, %dma_wait3A_1872] : memref<7x128x128xf32, #tpu.memory_space<vmem>> -> memref<1x128x128xf32, #tpu.memory_space<vmem>>
    %dma_wait3A_1874 = tpu.memref_squeeze %dma_wait3A_1873 : memref<1x128x128xf32, #tpu.memory_space<vmem>> -> memref<128x128xf32, #tpu.memory_space<vmem>>
    %dma_wait3A_1875 = arith.constant 0 : i32
    %dma_wait3A_1876 = tpu.memref_slice %arg7[%dma_wait3A_1868, %dma_wait3A_1869, %dma_wait3A_1875] : memref<24x1x128xi32, #tpu.memory_space<vmem>> -> memref<1x1x128xi32, #tpu.memory_space<vmem>>
    %dma_wait3A_1877 = tpu.memref_squeeze %dma_wait3A_1876 : memref<1x1x128xi32, #tpu.memory_space<vmem>> -> memref<128xi32, #tpu.memory_space<vmem>>
    %dma_wait3A_1878 = arith.constant 0 : i32
    %dma_wait3A_1879 = arith.constant 0 : i32
    %dma_wait3A_1880 = tpu.memref_slice %arg8[%dma_wait3A_1878, %dma_wait3A_1879] : memref<512x128xf32, #tpu.memory_space<vmem_shared>> -> memref<512x128xf32, #tpu.memory_space<vmem_shared>>
    %dma_wait3A_1881 = tpu.memref_slice %arg11[%dma_wait3A_1870] : memref<7x!tpu.dma_semaphore, #tpu.memory_space<semaphore_mem>> -> memref<1x!tpu.dma_semaphore, #tpu.memory_space<semaphore_mem>>
    %dma_wait3A_1882 = tpu.memref_squeeze %dma_wait3A_1881 : memref<1x!tpu.dma_semaphore, #tpu.memory_space<semaphore_mem>> -> memref<!tpu.dma_semaphore, #tpu.memory_space<semaphore_mem>>
    tpu.wait_indirect_dma semaphore(%dma_wait3A_1882 : memref<!tpu.dma_semaphore, #tpu.memory_space<semaphore_mem>>) src(%dma_wait3A_1874 : memref<128x128xf32, #tpu.memory_space<vmem>>) dst(%dma_wait3A_1880 : memref<512x128xf32, #tpu.memory_space<vmem_shared>>)
    %add3A_1883 = arith.constant 21 : i32
    %add3A_1884 = arith.addi %mul3A_2, %add3A_1883 : i32
    %mul3A_1885 = arith.constant 128 : i32
    %mul3A_1886 = arith.muli %add3A_1884, %mul3A_1885 : i32
    %multiple_of3A_1887 = tpu.assume_multiple %mul3A_1886, 128 : i32
    %dma_start3A_1888 = arith.constant 0 : i32
    %dma_start3A_1889 = arith.constant 0 : i32
    %dma_start3A_1890 = arith.constant 0 : i32
    %dma_start3A_1891 = arith.constant 0 : i32
    %dma_start3A_1892 = tpu.memref_slice %arg6[%dma_start3A_1888, %dma_start3A_1890, %dma_start3A_1891] : memref<7x128x128xf32, #tpu.memory_space<vmem>> -> memref<1x128x128xf32, #tpu.memory_space<vmem>>
    %dma_start3A_1893 = tpu.memref_squeeze %dma_start3A_1892 : memref<1x128x128xf32, #tpu.memory_space<vmem>> -> memref<128x128xf32, #tpu.memory_space<vmem>>
    %dma_start3A_1894 = arith.constant 0 : i32
    %dma_start3A_1895 = tpu.memref_slice %arg2[%multiple_of3A_1887, %dma_start3A_1894] : memref<100000x128xf32, #tpu.memory_space<hbm>> -> memref<128x128xf32, #tpu.memory_space<hbm>>
    %dma_start3A_1896 = tpu.memref_slice %arg9[%dma_start3A_1889] : memref<7x!tpu.dma_semaphore, #tpu.memory_space<semaphore_mem>> -> memref<1x!tpu.dma_semaphore, #tpu.memory_space<semaphore_mem>>
    %dma_start3A_1897 = tpu.memref_squeeze %dma_start3A_1896 : memref<1x!tpu.dma_semaphore, #tpu.memory_space<semaphore_mem>> -> memref<!tpu.dma_semaphore, #tpu.memory_space<semaphore_mem>>
    %dma_start3A_1898 = arith.constant 0 : i32
    %dma_start3A_1899 = arith.constant 0 : i32
    %dma_start3A_1900 = tpu.memref_slice %arg6[%dma_start3A_1888, %dma_start3A_1898, %dma_start3A_1899] : memref<7x128x128xf32, #tpu.memory_space<vmem>> -> memref<1x128x128xf32, #tpu.memory_space<vmem>>
    %dma_start3A_1901 = tpu.memref_squeeze %dma_start3A_1900 : memref<1x128x128xf32, #tpu.memory_space<vmem>> -> memref<128x128xf32, #tpu.memory_space<vmem>>
    %dma_start3A_1902 = arith.constant 0 : i32
    %dma_start3A_1903 = tpu.memref_slice %arg2[%multiple_of3A_1887, %dma_start3A_1902] : memref<100000x128xf32, #tpu.memory_space<hbm>> -> memref<128x128xf32, #tpu.memory_space<hbm>>
    tpu.enqueue_dma source(%dma_start3A_1903 : memref<128x128xf32, #tpu.memory_space<hbm>>) target(%dma_start3A_1901 : memref<128x128xf32, #tpu.memory_space<vmem>>) target_semaphore(%dma_start3A_1897 : memref<!tpu.dma_semaphore, #tpu.memory_space<semaphore_mem>>)
    %dma_wait3A_1904 = arith.constant 2 : i32
    %dma_wait3A_1905 = arith.constant 2 : i32
    %dma_wait3A_1906 = arith.constant 0 : i32
    %dma_wait3A_1907 = arith.constant 0 : i32
    %dma_wait3A_1908 = tpu.memref_slice %arg6[%dma_wait3A_1904, %dma_wait3A_1906, %dma_wait3A_1907] : memref<7x128x128xf32, #tpu.memory_space<vmem>> -> memref<1x128x128xf32, #tpu.memory_space<vmem>>
    %dma_wait3A_1909 = tpu.memref_squeeze %dma_wait3A_1908 : memref<1x128x128xf32, #tpu.memory_space<vmem>> -> memref<128x128xf32, #tpu.memory_space<vmem>>
    %dma_wait3A_1910 = arith.constant 0 : i32
    %dma_wait3A_1911 = arith.constant 0 : i32
    %dma_wait3A_1912 = tpu.memref_slice %arg2[%dma_wait3A_1910, %dma_wait3A_1911] : memref<100000x128xf32, #tpu.memory_space<hbm>> -> memref<128x128xf32, #tpu.memory_space<hbm>>
    %dma_wait3A_1913 = tpu.memref_slice %arg9[%dma_wait3A_1905] : memref<7x!tpu.dma_semaphore, #tpu.memory_space<semaphore_mem>> -> memref<1x!tpu.dma_semaphore, #tpu.memory_space<semaphore_mem>>
    %dma_wait3A_1914 = tpu.memref_squeeze %dma_wait3A_1913 : memref<1x!tpu.dma_semaphore, #tpu.memory_space<semaphore_mem>> -> memref<!tpu.dma_semaphore, #tpu.memory_space<semaphore_mem>>
    %dma_wait3A_1915 = arith.constant 0 : i32
    %dma_wait3A_1916 = arith.constant 0 : i32
    %dma_wait3A_1917 = tpu.memref_slice %arg6[%dma_wait3A_1904, %dma_wait3A_1915, %dma_wait3A_1916] : memref<7x128x128xf32, #tpu.memory_space<vmem>> -> memref<1x128x128xf32, #tpu.memory_space<vmem>>
    %dma_wait3A_1918 = tpu.memref_squeeze %dma_wait3A_1917 : memref<1x128x128xf32, #tpu.memory_space<vmem>> -> memref<128x128xf32, #tpu.memory_space<vmem>>
    %dma_wait3A_1919 = arith.constant 0 : i32
    %dma_wait3A_1920 = arith.constant 0 : i32
    %dma_wait3A_1921 = tpu.memref_slice %arg2[%dma_wait3A_1919, %dma_wait3A_1920] : memref<100000x128xf32, #tpu.memory_space<hbm>> -> memref<128x128xf32, #tpu.memory_space<hbm>>
    tpu.wait_dma2 semaphore(%dma_wait3A_1914 : memref<!tpu.dma_semaphore, #tpu.memory_space<semaphore_mem>>) src(%dma_wait3A_1921 : memref<128x128xf32, #tpu.memory_space<hbm>>) dst(%dma_wait3A_1918 : memref<128x128xf32, #tpu.memory_space<vmem>>)
    %dma_start3A_1922 = arith.constant 2 : i32
    %dma_start3A_1923 = arith.constant 16 : i32
    %dma_start3A_1924 = arith.constant 0 : i32
    %dma_start3A_1925 = arith.constant 2 : i32
    %dma_start3A_1926 = arith.constant 0 : i32
    %dma_start3A_1927 = arith.constant 0 : i32
    %dma_start3A_1928 = tpu.memref_slice %arg6[%dma_start3A_1922, %dma_start3A_1926, %dma_start3A_1927] : memref<7x128x128xf32, #tpu.memory_space<vmem>> -> memref<1x128x128xf32, #tpu.memory_space<vmem>>
    %dma_start3A_1929 = tpu.memref_squeeze %dma_start3A_1928 : memref<1x128x128xf32, #tpu.memory_space<vmem>> -> memref<128x128xf32, #tpu.memory_space<vmem>>
    %dma_start3A_1930 = arith.constant 0 : i32
    %dma_start3A_1931 = tpu.memref_slice %arg7[%dma_start3A_1923, %dma_start3A_1924, %dma_start3A_1930] : memref<24x1x128xi32, #tpu.memory_space<vmem>> -> memref<1x1x128xi32, #tpu.memory_space<vmem>>
    %dma_start3A_1932 = tpu.memref_squeeze %dma_start3A_1931 : memref<1x1x128xi32, #tpu.memory_space<vmem>> -> memref<128xi32, #tpu.memory_space<vmem>>
    %dma_start3A_1933 = arith.constant 0 : i32
    %dma_start3A_1934 = arith.constant 0 : i32
    %dma_start3A_1935 = tpu.memref_slice %arg8[%dma_start3A_1933, %dma_start3A_1934] : memref<512x128xf32, #tpu.memory_space<vmem_shared>> -> memref<512x128xf32, #tpu.memory_space<vmem_shared>>
    %dma_start3A_1936 = tpu.memref_slice %arg11[%dma_start3A_1925] : memref<7x!tpu.dma_semaphore, #tpu.memory_space<semaphore_mem>> -> memref<1x!tpu.dma_semaphore, #tpu.memory_space<semaphore_mem>>
    %dma_start3A_1937 = tpu.memref_squeeze %dma_start3A_1936 : memref<1x!tpu.dma_semaphore, #tpu.memory_space<semaphore_mem>> -> memref<!tpu.dma_semaphore, #tpu.memory_space<semaphore_mem>>
    tpu.enqueue_indirect_dma source(%dma_start3A_1929 : memref<128x128xf32, #tpu.memory_space<vmem>>) target(%dma_start3A_1935 : memref<512x128xf32, #tpu.memory_space<vmem_shared>>) offsets(%dma_start3A_1932 : memref<128xi32, #tpu.memory_space<vmem>>) semaphore(%dma_start3A_1937 : memref<!tpu.dma_semaphore, #tpu.memory_space<semaphore_mem>>) {add = true}
    %dma_wait3A_1938 = arith.constant 1 : i32
    %dma_wait3A_1939 = arith.constant 15 : i32
    %dma_wait3A_1940 = arith.constant 0 : i32
    %dma_wait3A_1941 = arith.constant 1 : i32
    %dma_wait3A_1942 = arith.constant 0 : i32
    %dma_wait3A_1943 = arith.constant 0 : i32
    %dma_wait3A_1944 = tpu.memref_slice %arg6[%dma_wait3A_1938, %dma_wait3A_1942, %dma_wait3A_1943] : memref<7x128x128xf32, #tpu.memory_space<vmem>> -> memref<1x128x128xf32, #tpu.memory_space<vmem>>
    %dma_wait3A_1945 = tpu.memref_squeeze %dma_wait3A_1944 : memref<1x128x128xf32, #tpu.memory_space<vmem>> -> memref<128x128xf32, #tpu.memory_space<vmem>>
    %dma_wait3A_1946 = arith.constant 0 : i32
    %dma_wait3A_1947 = tpu.memref_slice %arg7[%dma_wait3A_1939, %dma_wait3A_1940, %dma_wait3A_1946] : memref<24x1x128xi32, #tpu.memory_space<vmem>> -> memref<1x1x128xi32, #tpu.memory_space<vmem>>
    %dma_wait3A_1948 = tpu.memref_squeeze %dma_wait3A_1947 : memref<1x1x128xi32, #tpu.memory_space<vmem>> -> memref<128xi32, #tpu.memory_space<vmem>>
    %dma_wait3A_1949 = arith.constant 0 : i32
    %dma_wait3A_1950 = arith.constant 0 : i32
    %dma_wait3A_1951 = tpu.memref_slice %arg8[%dma_wait3A_1949, %dma_wait3A_1950] : memref<512x128xf32, #tpu.memory_space<vmem_shared>> -> memref<512x128xf32, #tpu.memory_space<vmem_shared>>
    %dma_wait3A_1952 = tpu.memref_slice %arg11[%dma_wait3A_1941] : memref<7x!tpu.dma_semaphore, #tpu.memory_space<semaphore_mem>> -> memref<1x!tpu.dma_semaphore, #tpu.memory_space<semaphore_mem>>
    %dma_wait3A_1953 = tpu.memref_squeeze %dma_wait3A_1952 : memref<1x!tpu.dma_semaphore, #tpu.memory_space<semaphore_mem>> -> memref<!tpu.dma_semaphore, #tpu.memory_space<semaphore_mem>>
    tpu.wait_indirect_dma semaphore(%dma_wait3A_1953 : memref<!tpu.dma_semaphore, #tpu.memory_space<semaphore_mem>>) src(%dma_wait3A_1945 : memref<128x128xf32, #tpu.memory_space<vmem>>) dst(%dma_wait3A_1951 : memref<512x128xf32, #tpu.memory_space<vmem_shared>>)
    %add3A_1954 = arith.constant 22 : i32
    %add3A_1955 = arith.addi %mul3A_2, %add3A_1954 : i32
    %mul3A_1956 = arith.constant 128 : i32
    %mul3A_1957 = arith.muli %add3A_1955, %mul3A_1956 : i32
    %multiple_of3A_1958 = tpu.assume_multiple %mul3A_1957, 128 : i32
    %dma_start3A_1959 = arith.constant 1 : i32
    %dma_start3A_1960 = arith.constant 1 : i32
    %dma_start3A_1961 = arith.constant 0 : i32
    %dma_start3A_1962 = arith.constant 0 : i32
    %dma_start3A_1963 = tpu.memref_slice %arg6[%dma_start3A_1959, %dma_start3A_1961, %dma_start3A_1962] : memref<7x128x128xf32, #tpu.memory_space<vmem>> -> memref<1x128x128xf32, #tpu.memory_space<vmem>>
    %dma_start3A_1964 = tpu.memref_squeeze %dma_start3A_1963 : memref<1x128x128xf32, #tpu.memory_space<vmem>> -> memref<128x128xf32, #tpu.memory_space<vmem>>
    %dma_start3A_1965 = arith.constant 0 : i32
    %dma_start3A_1966 = tpu.memref_slice %arg2[%multiple_of3A_1958, %dma_start3A_1965] : memref<100000x128xf32, #tpu.memory_space<hbm>> -> memref<128x128xf32, #tpu.memory_space<hbm>>
    %dma_start3A_1967 = tpu.memref_slice %arg9[%dma_start3A_1960] : memref<7x!tpu.dma_semaphore, #tpu.memory_space<semaphore_mem>> -> memref<1x!tpu.dma_semaphore, #tpu.memory_space<semaphore_mem>>
    %dma_start3A_1968 = tpu.memref_squeeze %dma_start3A_1967 : memref<1x!tpu.dma_semaphore, #tpu.memory_space<semaphore_mem>> -> memref<!tpu.dma_semaphore, #tpu.memory_space<semaphore_mem>>
    %dma_start3A_1969 = arith.constant 0 : i32
    %dma_start3A_1970 = arith.constant 0 : i32
    %dma_start3A_1971 = tpu.memref_slice %arg6[%dma_start3A_1959, %dma_start3A_1969, %dma_start3A_1970] : memref<7x128x128xf32, #tpu.memory_space<vmem>> -> memref<1x128x128xf32, #tpu.memory_space<vmem>>
    %dma_start3A_1972 = tpu.memref_squeeze %dma_start3A_1971 : memref<1x128x128xf32, #tpu.memory_space<vmem>> -> memref<128x128xf32, #tpu.memory_space<vmem>>
    %dma_start3A_1973 = arith.constant 0 : i32
    %dma_start3A_1974 = tpu.memref_slice %arg2[%multiple_of3A_1958, %dma_start3A_1973] : memref<100000x128xf32, #tpu.memory_space<hbm>> -> memref<128x128xf32, #tpu.memory_space<hbm>>
    tpu.enqueue_dma source(%dma_start3A_1974 : memref<128x128xf32, #tpu.memory_space<hbm>>) target(%dma_start3A_1972 : memref<128x128xf32, #tpu.memory_space<vmem>>) target_semaphore(%dma_start3A_1968 : memref<!tpu.dma_semaphore, #tpu.memory_space<semaphore_mem>>)
    %dma_wait3A_1975 = arith.constant 3 : i32
    %dma_wait3A_1976 = arith.constant 3 : i32
    %dma_wait3A_1977 = arith.constant 0 : i32
    %dma_wait3A_1978 = arith.constant 0 : i32
    %dma_wait3A_1979 = tpu.memref_slice %arg6[%dma_wait3A_1975, %dma_wait3A_1977, %dma_wait3A_1978] : memref<7x128x128xf32, #tpu.memory_space<vmem>> -> memref<1x128x128xf32, #tpu.memory_space<vmem>>
    %dma_wait3A_1980 = tpu.memref_squeeze %dma_wait3A_1979 : memref<1x128x128xf32, #tpu.memory_space<vmem>> -> memref<128x128xf32, #tpu.memory_space<vmem>>
    %dma_wait3A_1981 = arith.constant 0 : i32
    %dma_wait3A_1982 = arith.constant 0 : i32
    %dma_wait3A_1983 = tpu.memref_slice %arg2[%dma_wait3A_1981, %dma_wait3A_1982] : memref<100000x128xf32, #tpu.memory_space<hbm>> -> memref<128x128xf32, #tpu.memory_space<hbm>>
    %dma_wait3A_1984 = tpu.memref_slice %arg9[%dma_wait3A_1976] : memref<7x!tpu.dma_semaphore, #tpu.memory_space<semaphore_mem>> -> memref<1x!tpu.dma_semaphore, #tpu.memory_space<semaphore_mem>>
    %dma_wait3A_1985 = tpu.memref_squeeze %dma_wait3A_1984 : memref<1x!tpu.dma_semaphore, #tpu.memory_space<semaphore_mem>> -> memref<!tpu.dma_semaphore, #tpu.memory_space<semaphore_mem>>
    %dma_wait3A_1986 = arith.constant 0 : i32
    %dma_wait3A_1987 = arith.constant 0 : i32
    %dma_wait3A_1988 = tpu.memref_slice %arg6[%dma_wait3A_1975, %dma_wait3A_1986, %dma_wait3A_1987] : memref<7x128x128xf32, #tpu.memory_space<vmem>> -> memref<1x128x128xf32, #tpu.memory_space<vmem>>
    %dma_wait3A_1989 = tpu.memref_squeeze %dma_wait3A_1988 : memref<1x128x128xf32, #tpu.memory_space<vmem>> -> memref<128x128xf32, #tpu.memory_space<vmem>>
    %dma_wait3A_1990 = arith.constant 0 : i32
    %dma_wait3A_1991 = arith.constant 0 : i32
    %dma_wait3A_1992 = tpu.memref_slice %arg2[%dma_wait3A_1990, %dma_wait3A_1991] : memref<100000x128xf32, #tpu.memory_space<hbm>> -> memref<128x128xf32, #tpu.memory_space<hbm>>
    tpu.wait_dma2 semaphore(%dma_wait3A_1985 : memref<!tpu.dma_semaphore, #tpu.memory_space<semaphore_mem>>) src(%dma_wait3A_1992 : memref<128x128xf32, #tpu.memory_space<hbm>>) dst(%dma_wait3A_1989 : memref<128x128xf32, #tpu.memory_space<vmem>>)
    %dma_start3A_1993 = arith.constant 3 : i32
    %dma_start3A_1994 = arith.constant 17 : i32
    %dma_start3A_1995 = arith.constant 0 : i32
    %dma_start3A_1996 = arith.constant 3 : i32
    %dma_start3A_1997 = arith.constant 0 : i32
    %dma_start3A_1998 = arith.constant 0 : i32
    %dma_start3A_1999 = tpu.memref_slice %arg6[%dma_start3A_1993, %dma_start3A_1997, %dma_start3A_1998] : memref<7x128x128xf32, #tpu.memory_space<vmem>> -> memref<1x128x128xf32, #tpu.memory_space<vmem>>
    %dma_start3A_2000 = tpu.memref_squeeze %dma_start3A_1999 : memref<1x128x128xf32, #tpu.memory_space<vmem>> -> memref<128x128xf32, #tpu.memory_space<vmem>>
    %dma_start3A_2001 = arith.constant 0 : i32
    %dma_start3A_2002 = tpu.memref_slice %arg7[%dma_start3A_1994, %dma_start3A_1995, %dma_start3A_2001] : memref<24x1x128xi32, #tpu.memory_space<vmem>> -> memref<1x1x128xi32, #tpu.memory_space<vmem>>
    %dma_start3A_2003 = tpu.memref_squeeze %dma_start3A_2002 : memref<1x1x128xi32, #tpu.memory_space<vmem>> -> memref<128xi32, #tpu.memory_space<vmem>>
    %dma_start3A_2004 = arith.constant 0 : i32
    %dma_start3A_2005 = arith.constant 0 : i32
    %dma_start3A_2006 = tpu.memref_slice %arg8[%dma_start3A_2004, %dma_start3A_2005] : memref<512x128xf32, #tpu.memory_space<vmem_shared>> -> memref<512x128xf32, #tpu.memory_space<vmem_shared>>
    %dma_start3A_2007 = tpu.memref_slice %arg11[%dma_start3A_1996] : memref<7x!tpu.dma_semaphore, #tpu.memory_space<semaphore_mem>> -> memref<1x!tpu.dma_semaphore, #tpu.memory_space<semaphore_mem>>
    %dma_start3A_2008 = tpu.memref_squeeze %dma_start3A_2007 : memref<1x!tpu.dma_semaphore, #tpu.memory_space<semaphore_mem>> -> memref<!tpu.dma_semaphore, #tpu.memory_space<semaphore_mem>>
    tpu.enqueue_indirect_dma source(%dma_start3A_2000 : memref<128x128xf32, #tpu.memory_space<vmem>>) target(%dma_start3A_2006 : memref<512x128xf32, #tpu.memory_space<vmem_shared>>) offsets(%dma_start3A_2003 : memref<128xi32, #tpu.memory_space<vmem>>) semaphore(%dma_start3A_2008 : memref<!tpu.dma_semaphore, #tpu.memory_space<semaphore_mem>>) {add = true}
    %dma_wait3A_2009 = arith.constant 2 : i32
    %dma_wait3A_2010 = arith.constant 16 : i32
    %dma_wait3A_2011 = arith.constant 0 : i32
    %dma_wait3A_2012 = arith.constant 2 : i32
    %dma_wait3A_2013 = arith.constant 0 : i32
    %dma_wait3A_2014 = arith.constant 0 : i32
    %dma_wait3A_2015 = tpu.memref_slice %arg6[%dma_wait3A_2009, %dma_wait3A_2013, %dma_wait3A_2014] : memref<7x128x128xf32, #tpu.memory_space<vmem>> -> memref<1x128x128xf32, #tpu.memory_space<vmem>>
    %dma_wait3A_2016 = tpu.memref_squeeze %dma_wait3A_2015 : memref<1x128x128xf32, #tpu.memory_space<vmem>> -> memref<128x128xf32, #tpu.memory_space<vmem>>
    %dma_wait3A_2017 = arith.constant 0 : i32
    %dma_wait3A_2018 = tpu.memref_slice %arg7[%dma_wait3A_2010, %dma_wait3A_2011, %dma_wait3A_2017] : memref<24x1x128xi32, #tpu.memory_space<vmem>> -> memref<1x1x128xi32, #tpu.memory_space<vmem>>
    %dma_wait3A_2019 = tpu.memref_squeeze %dma_wait3A_2018 : memref<1x1x128xi32, #tpu.memory_space<vmem>> -> memref<128xi32, #tpu.memory_space<vmem>>
    %dma_wait3A_2020 = arith.constant 0 : i32
    %dma_wait3A_2021 = arith.constant 0 : i32
    %dma_wait3A_2022 = tpu.memref_slice %arg8[%dma_wait3A_2020, %dma_wait3A_2021] : memref<512x128xf32, #tpu.memory_space<vmem_shared>> -> memref<512x128xf32, #tpu.memory_space<vmem_shared>>
    %dma_wait3A_2023 = tpu.memref_slice %arg11[%dma_wait3A_2012] : memref<7x!tpu.dma_semaphore, #tpu.memory_space<semaphore_mem>> -> memref<1x!tpu.dma_semaphore, #tpu.memory_space<semaphore_mem>>
    %dma_wait3A_2024 = tpu.memref_squeeze %dma_wait3A_2023 : memref<1x!tpu.dma_semaphore, #tpu.memory_space<semaphore_mem>> -> memref<!tpu.dma_semaphore, #tpu.memory_space<semaphore_mem>>
    tpu.wait_indirect_dma semaphore(%dma_wait3A_2024 : memref<!tpu.dma_semaphore, #tpu.memory_space<semaphore_mem>>) src(%dma_wait3A_2016 : memref<128x128xf32, #tpu.memory_space<vmem>>) dst(%dma_wait3A_2022 : memref<512x128xf32, #tpu.memory_space<vmem_shared>>)
    %add3A_2025 = arith.constant 23 : i32
    %add3A_2026 = arith.addi %mul3A_2, %add3A_2025 : i32
    %mul3A_2027 = arith.constant 128 : i32
    %mul3A_2028 = arith.muli %add3A_2026, %mul3A_2027 : i32
    %multiple_of3A_2029 = tpu.assume_multiple %mul3A_2028, 128 : i32
    %dma_start3A_2030 = arith.constant 2 : i32
    %dma_start3A_2031 = arith.constant 2 : i32
    %dma_start3A_2032 = arith.constant 0 : i32
    %dma_start3A_2033 = arith.constant 0 : i32
    %dma_start3A_2034 = tpu.memref_slice %arg6[%dma_start3A_2030, %dma_start3A_2032, %dma_start3A_2033] : memref<7x128x128xf32, #tpu.memory_space<vmem>> -> memref<1x128x128xf32, #tpu.memory_space<vmem>>
    %dma_start3A_2035 = tpu.memref_squeeze %dma_start3A_2034 : memref<1x128x128xf32, #tpu.memory_space<vmem>> -> memref<128x128xf32, #tpu.memory_space<vmem>>
    %dma_start3A_2036 = arith.constant 0 : i32
    %dma_start3A_2037 = tpu.memref_slice %arg2[%multiple_of3A_2029, %dma_start3A_2036] : memref<100000x128xf32, #tpu.memory_space<hbm>> -> memref<128x128xf32, #tpu.memory_space<hbm>>
    %dma_start3A_2038 = tpu.memref_slice %arg9[%dma_start3A_2031] : memref<7x!tpu.dma_semaphore, #tpu.memory_space<semaphore_mem>> -> memref<1x!tpu.dma_semaphore, #tpu.memory_space<semaphore_mem>>
    %dma_start3A_2039 = tpu.memref_squeeze %dma_start3A_2038 : memref<1x!tpu.dma_semaphore, #tpu.memory_space<semaphore_mem>> -> memref<!tpu.dma_semaphore, #tpu.memory_space<semaphore_mem>>
    %dma_start3A_2040 = arith.constant 0 : i32
    %dma_start3A_2041 = arith.constant 0 : i32
    %dma_start3A_2042 = tpu.memref_slice %arg6[%dma_start3A_2030, %dma_start3A_2040, %dma_start3A_2041] : memref<7x128x128xf32, #tpu.memory_space<vmem>> -> memref<1x128x128xf32, #tpu.memory_space<vmem>>
    %dma_start3A_2043 = tpu.memref_squeeze %dma_start3A_2042 : memref<1x128x128xf32, #tpu.memory_space<vmem>> -> memref<128x128xf32, #tpu.memory_space<vmem>>
    %dma_start3A_2044 = arith.constant 0 : i32
    %dma_start3A_2045 = tpu.memref_slice %arg2[%multiple_of3A_2029, %dma_start3A_2044] : memref<100000x128xf32, #tpu.memory_space<hbm>> -> memref<128x128xf32, #tpu.memory_space<hbm>>
    tpu.enqueue_dma source(%dma_start3A_2045 : memref<128x128xf32, #tpu.memory_space<hbm>>) target(%dma_start3A_2043 : memref<128x128xf32, #tpu.memory_space<vmem>>) target_semaphore(%dma_start3A_2039 : memref<!tpu.dma_semaphore, #tpu.memory_space<semaphore_mem>>)
    %dma_wait3A_2046 = arith.constant 4 : i32
    %dma_wait3A_2047 = arith.constant 4 : i32
    %dma_wait3A_2048 = arith.constant 0 : i32
    %dma_wait3A_2049 = arith.constant 0 : i32
    %dma_wait3A_2050 = tpu.memref_slice %arg6[%dma_wait3A_2046, %dma_wait3A_2048, %dma_wait3A_2049] : memref<7x128x128xf32, #tpu.memory_space<vmem>> -> memref<1x128x128xf32, #tpu.memory_space<vmem>>
    %dma_wait3A_2051 = tpu.memref_squeeze %dma_wait3A_2050 : memref<1x128x128xf32, #tpu.memory_space<vmem>> -> memref<128x128xf32, #tpu.memory_space<vmem>>
    %dma_wait3A_2052 = arith.constant 0 : i32
    %dma_wait3A_2053 = arith.constant 0 : i32
    %dma_wait3A_2054 = tpu.memref_slice %arg2[%dma_wait3A_2052, %dma_wait3A_2053] : memref<100000x128xf32, #tpu.memory_space<hbm>> -> memref<128x128xf32, #tpu.memory_space<hbm>>
    %dma_wait3A_2055 = tpu.memref_slice %arg9[%dma_wait3A_2047] : memref<7x!tpu.dma_semaphore, #tpu.memory_space<semaphore_mem>> -> memref<1x!tpu.dma_semaphore, #tpu.memory_space<semaphore_mem>>
    %dma_wait3A_2056 = tpu.memref_squeeze %dma_wait3A_2055 : memref<1x!tpu.dma_semaphore, #tpu.memory_space<semaphore_mem>> -> memref<!tpu.dma_semaphore, #tpu.memory_space<semaphore_mem>>
    %dma_wait3A_2057 = arith.constant 0 : i32
    %dma_wait3A_2058 = arith.constant 0 : i32
    %dma_wait3A_2059 = tpu.memref_slice %arg6[%dma_wait3A_2046, %dma_wait3A_2057, %dma_wait3A_2058] : memref<7x128x128xf32, #tpu.memory_space<vmem>> -> memref<1x128x128xf32, #tpu.memory_space<vmem>>
    %dma_wait3A_2060 = tpu.memref_squeeze %dma_wait3A_2059 : memref<1x128x128xf32, #tpu.memory_space<vmem>> -> memref<128x128xf32, #tpu.memory_space<vmem>>
    %dma_wait3A_2061 = arith.constant 0 : i32
    %dma_wait3A_2062 = arith.constant 0 : i32
    %dma_wait3A_2063 = tpu.memref_slice %arg2[%dma_wait3A_2061, %dma_wait3A_2062] : memref<100000x128xf32, #tpu.memory_space<hbm>> -> memref<128x128xf32, #tpu.memory_space<hbm>>
    tpu.wait_dma2 semaphore(%dma_wait3A_2056 : memref<!tpu.dma_semaphore, #tpu.memory_space<semaphore_mem>>) src(%dma_wait3A_2063 : memref<128x128xf32, #tpu.memory_space<hbm>>) dst(%dma_wait3A_2060 : memref<128x128xf32, #tpu.memory_space<vmem>>)
    %dma_start3A_2064 = arith.constant 4 : i32
    %dma_start3A_2065 = arith.constant 18 : i32
    %dma_start3A_2066 = arith.constant 0 : i32
    %dma_start3A_2067 = arith.constant 4 : i32
    %dma_start3A_2068 = arith.constant 0 : i32
    %dma_start3A_2069 = arith.constant 0 : i32
    %dma_start3A_2070 = tpu.memref_slice %arg6[%dma_start3A_2064, %dma_start3A_2068, %dma_start3A_2069] : memref<7x128x128xf32, #tpu.memory_space<vmem>> -> memref<1x128x128xf32, #tpu.memory_space<vmem>>
    %dma_start3A_2071 = tpu.memref_squeeze %dma_start3A_2070 : memref<1x128x128xf32, #tpu.memory_space<vmem>> -> memref<128x128xf32, #tpu.memory_space<vmem>>
    %dma_start3A_2072 = arith.constant 0 : i32
    %dma_start3A_2073 = tpu.memref_slice %arg7[%dma_start3A_2065, %dma_start3A_2066, %dma_start3A_2072] : memref<24x1x128xi32, #tpu.memory_space<vmem>> -> memref<1x1x128xi32, #tpu.memory_space<vmem>>
    %dma_start3A_2074 = tpu.memref_squeeze %dma_start3A_2073 : memref<1x1x128xi32, #tpu.memory_space<vmem>> -> memref<128xi32, #tpu.memory_space<vmem>>
    %dma_start3A_2075 = arith.constant 0 : i32
    %dma_start3A_2076 = arith.constant 0 : i32
    %dma_start3A_2077 = tpu.memref_slice %arg8[%dma_start3A_2075, %dma_start3A_2076] : memref<512x128xf32, #tpu.memory_space<vmem_shared>> -> memref<512x128xf32, #tpu.memory_space<vmem_shared>>
    %dma_start3A_2078 = tpu.memref_slice %arg11[%dma_start3A_2067] : memref<7x!tpu.dma_semaphore, #tpu.memory_space<semaphore_mem>> -> memref<1x!tpu.dma_semaphore, #tpu.memory_space<semaphore_mem>>
    %dma_start3A_2079 = tpu.memref_squeeze %dma_start3A_2078 : memref<1x!tpu.dma_semaphore, #tpu.memory_space<semaphore_mem>> -> memref<!tpu.dma_semaphore, #tpu.memory_space<semaphore_mem>>
    tpu.enqueue_indirect_dma source(%dma_start3A_2071 : memref<128x128xf32, #tpu.memory_space<vmem>>) target(%dma_start3A_2077 : memref<512x128xf32, #tpu.memory_space<vmem_shared>>) offsets(%dma_start3A_2074 : memref<128xi32, #tpu.memory_space<vmem>>) semaphore(%dma_start3A_2079 : memref<!tpu.dma_semaphore, #tpu.memory_space<semaphore_mem>>) {add = true}
    %dma_wait3A_2080 = arith.constant 5 : i32
    %dma_wait3A_2081 = arith.constant 5 : i32
    %dma_wait3A_2082 = arith.constant 0 : i32
    %dma_wait3A_2083 = arith.constant 0 : i32
    %dma_wait3A_2084 = tpu.memref_slice %arg6[%dma_wait3A_2080, %dma_wait3A_2082, %dma_wait3A_2083] : memref<7x128x128xf32, #tpu.memory_space<vmem>> -> memref<1x128x128xf32, #tpu.memory_space<vmem>>
    %dma_wait3A_2085 = tpu.memref_squeeze %dma_wait3A_2084 : memref<1x128x128xf32, #tpu.memory_space<vmem>> -> memref<128x128xf32, #tpu.memory_space<vmem>>
    %dma_wait3A_2086 = arith.constant 0 : i32
    %dma_wait3A_2087 = arith.constant 0 : i32
    %dma_wait3A_2088 = tpu.memref_slice %arg2[%dma_wait3A_2086, %dma_wait3A_2087] : memref<100000x128xf32, #tpu.memory_space<hbm>> -> memref<128x128xf32, #tpu.memory_space<hbm>>
    %dma_wait3A_2089 = tpu.memref_slice %arg9[%dma_wait3A_2081] : memref<7x!tpu.dma_semaphore, #tpu.memory_space<semaphore_mem>> -> memref<1x!tpu.dma_semaphore, #tpu.memory_space<semaphore_mem>>
    %dma_wait3A_2090 = tpu.memref_squeeze %dma_wait3A_2089 : memref<1x!tpu.dma_semaphore, #tpu.memory_space<semaphore_mem>> -> memref<!tpu.dma_semaphore, #tpu.memory_space<semaphore_mem>>
    %dma_wait3A_2091 = arith.constant 0 : i32
    %dma_wait3A_2092 = arith.constant 0 : i32
    %dma_wait3A_2093 = tpu.memref_slice %arg6[%dma_wait3A_2080, %dma_wait3A_2091, %dma_wait3A_2092] : memref<7x128x128xf32, #tpu.memory_space<vmem>> -> memref<1x128x128xf32, #tpu.memory_space<vmem>>
    %dma_wait3A_2094 = tpu.memref_squeeze %dma_wait3A_2093 : memref<1x128x128xf32, #tpu.memory_space<vmem>> -> memref<128x128xf32, #tpu.memory_space<vmem>>
    %dma_wait3A_2095 = arith.constant 0 : i32
    %dma_wait3A_2096 = arith.constant 0 : i32
    %dma_wait3A_2097 = tpu.memref_slice %arg2[%dma_wait3A_2095, %dma_wait3A_2096] : memref<100000x128xf32, #tpu.memory_space<hbm>> -> memref<128x128xf32, #tpu.memory_space<hbm>>
    tpu.wait_dma2 semaphore(%dma_wait3A_2090 : memref<!tpu.dma_semaphore, #tpu.memory_space<semaphore_mem>>) src(%dma_wait3A_2097 : memref<128x128xf32, #tpu.memory_space<hbm>>) dst(%dma_wait3A_2094 : memref<128x128xf32, #tpu.memory_space<vmem>>)
    %dma_start3A_2098 = arith.constant 5 : i32
    %dma_start3A_2099 = arith.constant 19 : i32
    %dma_start3A_2100 = arith.constant 0 : i32
    %dma_start3A_2101 = arith.constant 5 : i32
    %dma_start3A_2102 = arith.constant 0 : i32
    %dma_start3A_2103 = arith.constant 0 : i32
    %dma_start3A_2104 = tpu.memref_slice %arg6[%dma_start3A_2098, %dma_start3A_2102, %dma_start3A_2103] : memref<7x128x128xf32, #tpu.memory_space<vmem>> -> memref<1x128x128xf32, #tpu.memory_space<vmem>>
    %dma_start3A_2105 = tpu.memref_squeeze %dma_start3A_2104 : memref<1x128x128xf32, #tpu.memory_space<vmem>> -> memref<128x128xf32, #tpu.memory_space<vmem>>
    %dma_start3A_2106 = arith.constant 0 : i32
    %dma_start3A_2107 = tpu.memref_slice %arg7[%dma_start3A_2099, %dma_start3A_2100, %dma_start3A_2106] : memref<24x1x128xi32, #tpu.memory_space<vmem>> -> memref<1x1x128xi32, #tpu.memory_space<vmem>>
    %dma_start3A_2108 = tpu.memref_squeeze %dma_start3A_2107 : memref<1x1x128xi32, #tpu.memory_space<vmem>> -> memref<128xi32, #tpu.memory_space<vmem>>
    %dma_start3A_2109 = arith.constant 0 : i32
    %dma_start3A_2110 = arith.constant 0 : i32
    %dma_start3A_2111 = tpu.memref_slice %arg8[%dma_start3A_2109, %dma_start3A_2110] : memref<512x128xf32, #tpu.memory_space<vmem_shared>> -> memref<512x128xf32, #tpu.memory_space<vmem_shared>>
    %dma_start3A_2112 = tpu.memref_slice %arg11[%dma_start3A_2101] : memref<7x!tpu.dma_semaphore, #tpu.memory_space<semaphore_mem>> -> memref<1x!tpu.dma_semaphore, #tpu.memory_space<semaphore_mem>>
    %dma_start3A_2113 = tpu.memref_squeeze %dma_start3A_2112 : memref<1x!tpu.dma_semaphore, #tpu.memory_space<semaphore_mem>> -> memref<!tpu.dma_semaphore, #tpu.memory_space<semaphore_mem>>
    tpu.enqueue_indirect_dma source(%dma_start3A_2105 : memref<128x128xf32, #tpu.memory_space<vmem>>) target(%dma_start3A_2111 : memref<512x128xf32, #tpu.memory_space<vmem_shared>>) offsets(%dma_start3A_2108 : memref<128xi32, #tpu.memory_space<vmem>>) semaphore(%dma_start3A_2113 : memref<!tpu.dma_semaphore, #tpu.memory_space<semaphore_mem>>) {add = true}
    %dma_wait3A_2114 = arith.constant 6 : i32
    %dma_wait3A_2115 = arith.constant 6 : i32
    %dma_wait3A_2116 = arith.constant 0 : i32
    %dma_wait3A_2117 = arith.constant 0 : i32
    %dma_wait3A_2118 = tpu.memref_slice %arg6[%dma_wait3A_2114, %dma_wait3A_2116, %dma_wait3A_2117] : memref<7x128x128xf32, #tpu.memory_space<vmem>> -> memref<1x128x128xf32, #tpu.memory_space<vmem>>
    %dma_wait3A_2119 = tpu.memref_squeeze %dma_wait3A_2118 : memref<1x128x128xf32, #tpu.memory_space<vmem>> -> memref<128x128xf32, #tpu.memory_space<vmem>>
    %dma_wait3A_2120 = arith.constant 0 : i32
    %dma_wait3A_2121 = arith.constant 0 : i32
    %dma_wait3A_2122 = tpu.memref_slice %arg2[%dma_wait3A_2120, %dma_wait3A_2121] : memref<100000x128xf32, #tpu.memory_space<hbm>> -> memref<128x128xf32, #tpu.memory_space<hbm>>
    %dma_wait3A_2123 = tpu.memref_slice %arg9[%dma_wait3A_2115] : memref<7x!tpu.dma_semaphore, #tpu.memory_space<semaphore_mem>> -> memref<1x!tpu.dma_semaphore, #tpu.memory_space<semaphore_mem>>
    %dma_wait3A_2124 = tpu.memref_squeeze %dma_wait3A_2123 : memref<1x!tpu.dma_semaphore, #tpu.memory_space<semaphore_mem>> -> memref<!tpu.dma_semaphore, #tpu.memory_space<semaphore_mem>>
    %dma_wait3A_2125 = arith.constant 0 : i32
    %dma_wait3A_2126 = arith.constant 0 : i32
    %dma_wait3A_2127 = tpu.memref_slice %arg6[%dma_wait3A_2114, %dma_wait3A_2125, %dma_wait3A_2126] : memref<7x128x128xf32, #tpu.memory_space<vmem>> -> memref<1x128x128xf32, #tpu.memory_space<vmem>>
    %dma_wait3A_2128 = tpu.memref_squeeze %dma_wait3A_2127 : memref<1x128x128xf32, #tpu.memory_space<vmem>> -> memref<128x128xf32, #tpu.memory_space<vmem>>
    %dma_wait3A_2129 = arith.constant 0 : i32
    %dma_wait3A_2130 = arith.constant 0 : i32
    %dma_wait3A_2131 = tpu.memref_slice %arg2[%dma_wait3A_2129, %dma_wait3A_2130] : memref<100000x128xf32, #tpu.memory_space<hbm>> -> memref<128x128xf32, #tpu.memory_space<hbm>>
    tpu.wait_dma2 semaphore(%dma_wait3A_2124 : memref<!tpu.dma_semaphore, #tpu.memory_space<semaphore_mem>>) src(%dma_wait3A_2131 : memref<128x128xf32, #tpu.memory_space<hbm>>) dst(%dma_wait3A_2128 : memref<128x128xf32, #tpu.memory_space<vmem>>)
    %dma_start3A_2132 = arith.constant 6 : i32
    %dma_start3A_2133 = arith.constant 20 : i32
    %dma_start3A_2134 = arith.constant 0 : i32
    %dma_start3A_2135 = arith.constant 6 : i32
    %dma_start3A_2136 = arith.constant 0 : i32
    %dma_start3A_2137 = arith.constant 0 : i32
    %dma_start3A_2138 = tpu.memref_slice %arg6[%dma_start3A_2132, %dma_start3A_2136, %dma_start3A_2137] : memref<7x128x128xf32, #tpu.memory_space<vmem>> -> memref<1x128x128xf32, #tpu.memory_space<vmem>>
    %dma_start3A_2139 = tpu.memref_squeeze %dma_start3A_2138 : memref<1x128x128xf32, #tpu.memory_space<vmem>> -> memref<128x128xf32, #tpu.memory_space<vmem>>
    %dma_start3A_2140 = arith.constant 0 : i32
    %dma_start3A_2141 = tpu.memref_slice %arg7[%dma_start3A_2133, %dma_start3A_2134, %dma_start3A_2140] : memref<24x1x128xi32, #tpu.memory_space<vmem>> -> memref<1x1x128xi32, #tpu.memory_space<vmem>>
    %dma_start3A_2142 = tpu.memref_squeeze %dma_start3A_2141 : memref<1x1x128xi32, #tpu.memory_space<vmem>> -> memref<128xi32, #tpu.memory_space<vmem>>
    %dma_start3A_2143 = arith.constant 0 : i32
    %dma_start3A_2144 = arith.constant 0 : i32
    %dma_start3A_2145 = tpu.memref_slice %arg8[%dma_start3A_2143, %dma_start3A_2144] : memref<512x128xf32, #tpu.memory_space<vmem_shared>> -> memref<512x128xf32, #tpu.memory_space<vmem_shared>>
    %dma_start3A_2146 = tpu.memref_slice %arg11[%dma_start3A_2135] : memref<7x!tpu.dma_semaphore, #tpu.memory_space<semaphore_mem>> -> memref<1x!tpu.dma_semaphore, #tpu.memory_space<semaphore_mem>>
    %dma_start3A_2147 = tpu.memref_squeeze %dma_start3A_2146 : memref<1x!tpu.dma_semaphore, #tpu.memory_space<semaphore_mem>> -> memref<!tpu.dma_semaphore, #tpu.memory_space<semaphore_mem>>
    tpu.enqueue_indirect_dma source(%dma_start3A_2139 : memref<128x128xf32, #tpu.memory_space<vmem>>) target(%dma_start3A_2145 : memref<512x128xf32, #tpu.memory_space<vmem_shared>>) offsets(%dma_start3A_2142 : memref<128xi32, #tpu.memory_space<vmem>>) semaphore(%dma_start3A_2147 : memref<!tpu.dma_semaphore, #tpu.memory_space<semaphore_mem>>) {add = true}
    %dma_wait3A_2148 = arith.constant 0 : i32
    %dma_wait3A_2149 = arith.constant 0 : i32
    %dma_wait3A_2150 = arith.constant 0 : i32
    %dma_wait3A_2151 = arith.constant 0 : i32
    %dma_wait3A_2152 = tpu.memref_slice %arg6[%dma_wait3A_2148, %dma_wait3A_2150, %dma_wait3A_2151] : memref<7x128x128xf32, #tpu.memory_space<vmem>> -> memref<1x128x128xf32, #tpu.memory_space<vmem>>
    %dma_wait3A_2153 = tpu.memref_squeeze %dma_wait3A_2152 : memref<1x128x128xf32, #tpu.memory_space<vmem>> -> memref<128x128xf32, #tpu.memory_space<vmem>>
    %dma_wait3A_2154 = arith.constant 0 : i32
    %dma_wait3A_2155 = arith.constant 0 : i32
    %dma_wait3A_2156 = tpu.memref_slice %arg2[%dma_wait3A_2154, %dma_wait3A_2155] : memref<100000x128xf32, #tpu.memory_space<hbm>> -> memref<128x128xf32, #tpu.memory_space<hbm>>
    %dma_wait3A_2157 = tpu.memref_slice %arg9[%dma_wait3A_2149] : memref<7x!tpu.dma_semaphore, #tpu.memory_space<semaphore_mem>> -> memref<1x!tpu.dma_semaphore, #tpu.memory_space<semaphore_mem>>
    %dma_wait3A_2158 = tpu.memref_squeeze %dma_wait3A_2157 : memref<1x!tpu.dma_semaphore, #tpu.memory_space<semaphore_mem>> -> memref<!tpu.dma_semaphore, #tpu.memory_space<semaphore_mem>>
    %dma_wait3A_2159 = arith.constant 0 : i32
    %dma_wait3A_2160 = arith.constant 0 : i32
    %dma_wait3A_2161 = tpu.memref_slice %arg6[%dma_wait3A_2148, %dma_wait3A_2159, %dma_wait3A_2160] : memref<7x128x128xf32, #tpu.memory_space<vmem>> -> memref<1x128x128xf32, #tpu.memory_space<vmem>>
    %dma_wait3A_2162 = tpu.memref_squeeze %dma_wait3A_2161 : memref<1x128x128xf32, #tpu.memory_space<vmem>> -> memref<128x128xf32, #tpu.memory_space<vmem>>
    %dma_wait3A_2163 = arith.constant 0 : i32
    %dma_wait3A_2164 = arith.constant 0 : i32
    %dma_wait3A_2165 = tpu.memref_slice %arg2[%dma_wait3A_2163, %dma_wait3A_2164] : memref<100000x128xf32, #tpu.memory_space<hbm>> -> memref<128x128xf32, #tpu.memory_space<hbm>>
    tpu.wait_dma2 semaphore(%dma_wait3A_2158 : memref<!tpu.dma_semaphore, #tpu.memory_space<semaphore_mem>>) src(%dma_wait3A_2165 : memref<128x128xf32, #tpu.memory_space<hbm>>) dst(%dma_wait3A_2162 : memref<128x128xf32, #tpu.memory_space<vmem>>)
    %dma_start3A_2166 = arith.constant 0 : i32
    %dma_start3A_2167 = arith.constant 21 : i32
    %dma_start3A_2168 = arith.constant 0 : i32
    %dma_start3A_2169 = arith.constant 0 : i32
    %dma_start3A_2170 = arith.constant 0 : i32
    %dma_start3A_2171 = arith.constant 0 : i32
    %dma_start3A_2172 = tpu.memref_slice %arg6[%dma_start3A_2166, %dma_start3A_2170, %dma_start3A_2171] : memref<7x128x128xf32, #tpu.memory_space<vmem>> -> memref<1x128x128xf32, #tpu.memory_space<vmem>>
    %dma_start3A_2173 = tpu.memref_squeeze %dma_start3A_2172 : memref<1x128x128xf32, #tpu.memory_space<vmem>> -> memref<128x128xf32, #tpu.memory_space<vmem>>
    %dma_start3A_2174 = arith.constant 0 : i32
    %dma_start3A_2175 = tpu.memref_slice %arg7[%dma_start3A_2167, %dma_start3A_2168, %dma_start3A_2174] : memref<24x1x128xi32, #tpu.memory_space<vmem>> -> memref<1x1x128xi32, #tpu.memory_space<vmem>>
    %dma_start3A_2176 = tpu.memref_squeeze %dma_start3A_2175 : memref<1x1x128xi32, #tpu.memory_space<vmem>> -> memref<128xi32, #tpu.memory_space<vmem>>
    %dma_start3A_2177 = arith.constant 0 : i32
    %dma_start3A_2178 = arith.constant 0 : i32
    %dma_start3A_2179 = tpu.memref_slice %arg8[%dma_start3A_2177, %dma_start3A_2178] : memref<512x128xf32, #tpu.memory_space<vmem_shared>> -> memref<512x128xf32, #tpu.memory_space<vmem_shared>>
    %dma_start3A_2180 = tpu.memref_slice %arg11[%dma_start3A_2169] : memref<7x!tpu.dma_semaphore, #tpu.memory_space<semaphore_mem>> -> memref<1x!tpu.dma_semaphore, #tpu.memory_space<semaphore_mem>>
    %dma_start3A_2181 = tpu.memref_squeeze %dma_start3A_2180 : memref<1x!tpu.dma_semaphore, #tpu.memory_space<semaphore_mem>> -> memref<!tpu.dma_semaphore, #tpu.memory_space<semaphore_mem>>
    tpu.enqueue_indirect_dma source(%dma_start3A_2173 : memref<128x128xf32, #tpu.memory_space<vmem>>) target(%dma_start3A_2179 : memref<512x128xf32, #tpu.memory_space<vmem_shared>>) offsets(%dma_start3A_2176 : memref<128xi32, #tpu.memory_space<vmem>>) semaphore(%dma_start3A_2181 : memref<!tpu.dma_semaphore, #tpu.memory_space<semaphore_mem>>) {add = true}
    %dma_wait3A_2182 = arith.constant 1 : i32
    %dma_wait3A_2183 = arith.constant 1 : i32
    %dma_wait3A_2184 = arith.constant 0 : i32
    %dma_wait3A_2185 = arith.constant 0 : i32
    %dma_wait3A_2186 = tpu.memref_slice %arg6[%dma_wait3A_2182, %dma_wait3A_2184, %dma_wait3A_2185] : memref<7x128x128xf32, #tpu.memory_space<vmem>> -> memref<1x128x128xf32, #tpu.memory_space<vmem>>
    %dma_wait3A_2187 = tpu.memref_squeeze %dma_wait3A_2186 : memref<1x128x128xf32, #tpu.memory_space<vmem>> -> memref<128x128xf32, #tpu.memory_space<vmem>>
    %dma_wait3A_2188 = arith.constant 0 : i32
    %dma_wait3A_2189 = arith.constant 0 : i32
    %dma_wait3A_2190 = tpu.memref_slice %arg2[%dma_wait3A_2188, %dma_wait3A_2189] : memref<100000x128xf32, #tpu.memory_space<hbm>> -> memref<128x128xf32, #tpu.memory_space<hbm>>
    %dma_wait3A_2191 = tpu.memref_slice %arg9[%dma_wait3A_2183] : memref<7x!tpu.dma_semaphore, #tpu.memory_space<semaphore_mem>> -> memref<1x!tpu.dma_semaphore, #tpu.memory_space<semaphore_mem>>
    %dma_wait3A_2192 = tpu.memref_squeeze %dma_wait3A_2191 : memref<1x!tpu.dma_semaphore, #tpu.memory_space<semaphore_mem>> -> memref<!tpu.dma_semaphore, #tpu.memory_space<semaphore_mem>>
    %dma_wait3A_2193 = arith.constant 0 : i32
    %dma_wait3A_2194 = arith.constant 0 : i32
    %dma_wait3A_2195 = tpu.memref_slice %arg6[%dma_wait3A_2182, %dma_wait3A_2193, %dma_wait3A_2194] : memref<7x128x128xf32, #tpu.memory_space<vmem>> -> memref<1x128x128xf32, #tpu.memory_space<vmem>>
    %dma_wait3A_2196 = tpu.memref_squeeze %dma_wait3A_2195 : memref<1x128x128xf32, #tpu.memory_space<vmem>> -> memref<128x128xf32, #tpu.memory_space<vmem>>
    %dma_wait3A_2197 = arith.constant 0 : i32
    %dma_wait3A_2198 = arith.constant 0 : i32
    %dma_wait3A_2199 = tpu.memref_slice %arg2[%dma_wait3A_2197, %dma_wait3A_2198] : memref<100000x128xf32, #tpu.memory_space<hbm>> -> memref<128x128xf32, #tpu.memory_space<hbm>>
    tpu.wait_dma2 semaphore(%dma_wait3A_2192 : memref<!tpu.dma_semaphore, #tpu.memory_space<semaphore_mem>>) src(%dma_wait3A_2199 : memref<128x128xf32, #tpu.memory_space<hbm>>) dst(%dma_wait3A_2196 : memref<128x128xf32, #tpu.memory_space<vmem>>)
    %dma_start3A_2200 = arith.constant 1 : i32
    %dma_start3A_2201 = arith.constant 22 : i32
    %dma_start3A_2202 = arith.constant 0 : i32
    %dma_start3A_2203 = arith.constant 1 : i32
    %dma_start3A_2204 = arith.constant 0 : i32
    %dma_start3A_2205 = arith.constant 0 : i32
    %dma_start3A_2206 = tpu.memref_slice %arg6[%dma_start3A_2200, %dma_start3A_2204, %dma_start3A_2205] : memref<7x128x128xf32, #tpu.memory_space<vmem>> -> memref<1x128x128xf32, #tpu.memory_space<vmem>>
    %dma_start3A_2207 = tpu.memref_squeeze %dma_start3A_2206 : memref<1x128x128xf32, #tpu.memory_space<vmem>> -> memref<128x128xf32, #tpu.memory_space<vmem>>
    %dma_start3A_2208 = arith.constant 0 : i32
    %dma_start3A_2209 = tpu.memref_slice %arg7[%dma_start3A_2201, %dma_start3A_2202, %dma_start3A_2208] : memref<24x1x128xi32, #tpu.memory_space<vmem>> -> memref<1x1x128xi32, #tpu.memory_space<vmem>>
    %dma_start3A_2210 = tpu.memref_squeeze %dma_start3A_2209 : memref<1x1x128xi32, #tpu.memory_space<vmem>> -> memref<128xi32, #tpu.memory_space<vmem>>
    %dma_start3A_2211 = arith.constant 0 : i32
    %dma_start3A_2212 = arith.constant 0 : i32
    %dma_start3A_2213 = tpu.memref_slice %arg8[%dma_start3A_2211, %dma_start3A_2212] : memref<512x128xf32, #tpu.memory_space<vmem_shared>> -> memref<512x128xf32, #tpu.memory_space<vmem_shared>>
    %dma_start3A_2214 = tpu.memref_slice %arg11[%dma_start3A_2203] : memref<7x!tpu.dma_semaphore, #tpu.memory_space<semaphore_mem>> -> memref<1x!tpu.dma_semaphore, #tpu.memory_space<semaphore_mem>>
    %dma_start3A_2215 = tpu.memref_squeeze %dma_start3A_2214 : memref<1x!tpu.dma_semaphore, #tpu.memory_space<semaphore_mem>> -> memref<!tpu.dma_semaphore, #tpu.memory_space<semaphore_mem>>
    tpu.enqueue_indirect_dma source(%dma_start3A_2207 : memref<128x128xf32, #tpu.memory_space<vmem>>) target(%dma_start3A_2213 : memref<512x128xf32, #tpu.memory_space<vmem_shared>>) offsets(%dma_start3A_2210 : memref<128xi32, #tpu.memory_space<vmem>>) semaphore(%dma_start3A_2215 : memref<!tpu.dma_semaphore, #tpu.memory_space<semaphore_mem>>) {add = true}
    %dma_wait3A_2216 = arith.constant 2 : i32
    %dma_wait3A_2217 = arith.constant 2 : i32
    %dma_wait3A_2218 = arith.constant 0 : i32
    %dma_wait3A_2219 = arith.constant 0 : i32
    %dma_wait3A_2220 = tpu.memref_slice %arg6[%dma_wait3A_2216, %dma_wait3A_2218, %dma_wait3A_2219] : memref<7x128x128xf32, #tpu.memory_space<vmem>> -> memref<1x128x128xf32, #tpu.memory_space<vmem>>
    %dma_wait3A_2221 = tpu.memref_squeeze %dma_wait3A_2220 : memref<1x128x128xf32, #tpu.memory_space<vmem>> -> memref<128x128xf32, #tpu.memory_space<vmem>>
    %dma_wait3A_2222 = arith.constant 0 : i32
    %dma_wait3A_2223 = arith.constant 0 : i32
    %dma_wait3A_2224 = tpu.memref_slice %arg2[%dma_wait3A_2222, %dma_wait3A_2223] : memref<100000x128xf32, #tpu.memory_space<hbm>> -> memref<128x128xf32, #tpu.memory_space<hbm>>
    %dma_wait3A_2225 = tpu.memref_slice %arg9[%dma_wait3A_2217] : memref<7x!tpu.dma_semaphore, #tpu.memory_space<semaphore_mem>> -> memref<1x!tpu.dma_semaphore, #tpu.memory_space<semaphore_mem>>
    %dma_wait3A_2226 = tpu.memref_squeeze %dma_wait3A_2225 : memref<1x!tpu.dma_semaphore, #tpu.memory_space<semaphore_mem>> -> memref<!tpu.dma_semaphore, #tpu.memory_space<semaphore_mem>>
    %dma_wait3A_2227 = arith.constant 0 : i32
    %dma_wait3A_2228 = arith.constant 0 : i32
    %dma_wait3A_2229 = tpu.memref_slice %arg6[%dma_wait3A_2216, %dma_wait3A_2227, %dma_wait3A_2228] : memref<7x128x128xf32, #tpu.memory_space<vmem>> -> memref<1x128x128xf32, #tpu.memory_space<vmem>>
    %dma_wait3A_2230 = tpu.memref_squeeze %dma_wait3A_2229 : memref<1x128x128xf32, #tpu.memory_space<vmem>> -> memref<128x128xf32, #tpu.memory_space<vmem>>
    %dma_wait3A_2231 = arith.constant 0 : i32
    %dma_wait3A_2232 = arith.constant 0 : i32
    %dma_wait3A_2233 = tpu.memref_slice %arg2[%dma_wait3A_2231, %dma_wait3A_2232] : memref<100000x128xf32, #tpu.memory_space<hbm>> -> memref<128x128xf32, #tpu.memory_space<hbm>>
    tpu.wait_dma2 semaphore(%dma_wait3A_2226 : memref<!tpu.dma_semaphore, #tpu.memory_space<semaphore_mem>>) src(%dma_wait3A_2233 : memref<128x128xf32, #tpu.memory_space<hbm>>) dst(%dma_wait3A_2230 : memref<128x128xf32, #tpu.memory_space<vmem>>)
    %dma_start3A_2234 = arith.constant 2 : i32
    %dma_start3A_2235 = arith.constant 23 : i32
    %dma_start3A_2236 = arith.constant 0 : i32
    %dma_start3A_2237 = arith.constant 2 : i32
    %dma_start3A_2238 = arith.constant 0 : i32
    %dma_start3A_2239 = arith.constant 0 : i32
    %dma_start3A_2240 = tpu.memref_slice %arg6[%dma_start3A_2234, %dma_start3A_2238, %dma_start3A_2239] : memref<7x128x128xf32, #tpu.memory_space<vmem>> -> memref<1x128x128xf32, #tpu.memory_space<vmem>>
    %dma_start3A_2241 = tpu.memref_squeeze %dma_start3A_2240 : memref<1x128x128xf32, #tpu.memory_space<vmem>> -> memref<128x128xf32, #tpu.memory_space<vmem>>
    %dma_start3A_2242 = arith.constant 0 : i32
    %dma_start3A_2243 = tpu.memref_slice %arg7[%dma_start3A_2235, %dma_start3A_2236, %dma_start3A_2242] : memref<24x1x128xi32, #tpu.memory_space<vmem>> -> memref<1x1x128xi32, #tpu.memory_space<vmem>>
    %dma_start3A_2244 = tpu.memref_squeeze %dma_start3A_2243 : memref<1x1x128xi32, #tpu.memory_space<vmem>> -> memref<128xi32, #tpu.memory_space<vmem>>
    %dma_start3A_2245 = arith.constant 0 : i32
    %dma_start3A_2246 = arith.constant 0 : i32
    %dma_start3A_2247 = tpu.memref_slice %arg8[%dma_start3A_2245, %dma_start3A_2246] : memref<512x128xf32, #tpu.memory_space<vmem_shared>> -> memref<512x128xf32, #tpu.memory_space<vmem_shared>>
    %dma_start3A_2248 = tpu.memref_slice %arg11[%dma_start3A_2237] : memref<7x!tpu.dma_semaphore, #tpu.memory_space<semaphore_mem>> -> memref<1x!tpu.dma_semaphore, #tpu.memory_space<semaphore_mem>>
    %dma_start3A_2249 = tpu.memref_squeeze %dma_start3A_2248 : memref<1x!tpu.dma_semaphore, #tpu.memory_space<semaphore_mem>> -> memref<!tpu.dma_semaphore, #tpu.memory_space<semaphore_mem>>
    tpu.enqueue_indirect_dma source(%dma_start3A_2241 : memref<128x128xf32, #tpu.memory_space<vmem>>) target(%dma_start3A_2247 : memref<512x128xf32, #tpu.memory_space<vmem_shared>>) offsets(%dma_start3A_2244 : memref<128xi32, #tpu.memory_space<vmem>>) semaphore(%dma_start3A_2249 : memref<!tpu.dma_semaphore, #tpu.memory_space<semaphore_mem>>) {add = true}
    %dma_wait3A_2250 = arith.constant 3 : i32
    %dma_wait3A_2251 = arith.constant 17 : i32
    %dma_wait3A_2252 = arith.constant 0 : i32
    %dma_wait3A_2253 = arith.constant 3 : i32
    %dma_wait3A_2254 = arith.constant 0 : i32
    %dma_wait3A_2255 = arith.constant 0 : i32
    %dma_wait3A_2256 = tpu.memref_slice %arg6[%dma_wait3A_2250, %dma_wait3A_2254, %dma_wait3A_2255] : memref<7x128x128xf32, #tpu.memory_space<vmem>> -> memref<1x128x128xf32, #tpu.memory_space<vmem>>
    %dma_wait3A_2257 = tpu.memref_squeeze %dma_wait3A_2256 : memref<1x128x128xf32, #tpu.memory_space<vmem>> -> memref<128x128xf32, #tpu.memory_space<vmem>>
    %dma_wait3A_2258 = arith.constant 0 : i32
    %dma_wait3A_2259 = tpu.memref_slice %arg7[%dma_wait3A_2251, %dma_wait3A_2252, %dma_wait3A_2258] : memref<24x1x128xi32, #tpu.memory_space<vmem>> -> memref<1x1x128xi32, #tpu.memory_space<vmem>>
    %dma_wait3A_2260 = tpu.memref_squeeze %dma_wait3A_2259 : memref<1x1x128xi32, #tpu.memory_space<vmem>> -> memref<128xi32, #tpu.memory_space<vmem>>
    %dma_wait3A_2261 = arith.constant 0 : i32
    %dma_wait3A_2262 = arith.constant 0 : i32
    %dma_wait3A_2263 = tpu.memref_slice %arg8[%dma_wait3A_2261, %dma_wait3A_2262] : memref<512x128xf32, #tpu.memory_space<vmem_shared>> -> memref<512x128xf32, #tpu.memory_space<vmem_shared>>
    %dma_wait3A_2264 = tpu.memref_slice %arg11[%dma_wait3A_2253] : memref<7x!tpu.dma_semaphore, #tpu.memory_space<semaphore_mem>> -> memref<1x!tpu.dma_semaphore, #tpu.memory_space<semaphore_mem>>
    %dma_wait3A_2265 = tpu.memref_squeeze %dma_wait3A_2264 : memref<1x!tpu.dma_semaphore, #tpu.memory_space<semaphore_mem>> -> memref<!tpu.dma_semaphore, #tpu.memory_space<semaphore_mem>>
    tpu.wait_indirect_dma semaphore(%dma_wait3A_2265 : memref<!tpu.dma_semaphore, #tpu.memory_space<semaphore_mem>>) src(%dma_wait3A_2257 : memref<128x128xf32, #tpu.memory_space<vmem>>) dst(%dma_wait3A_2263 : memref<512x128xf32, #tpu.memory_space<vmem_shared>>)
    %dma_wait3A_2266 = arith.constant 4 : i32
    %dma_wait3A_2267 = arith.constant 18 : i32
    %dma_wait3A_2268 = arith.constant 0 : i32
    %dma_wait3A_2269 = arith.constant 4 : i32
    %dma_wait3A_2270 = arith.constant 0 : i32
    %dma_wait3A_2271 = arith.constant 0 : i32
    %dma_wait3A_2272 = tpu.memref_slice %arg6[%dma_wait3A_2266, %dma_wait3A_2270, %dma_wait3A_2271] : memref<7x128x128xf32, #tpu.memory_space<vmem>> -> memref<1x128x128xf32, #tpu.memory_space<vmem>>
    %dma_wait3A_2273 = tpu.memref_squeeze %dma_wait3A_2272 : memref<1x128x128xf32, #tpu.memory_space<vmem>> -> memref<128x128xf32, #tpu.memory_space<vmem>>
    %dma_wait3A_2274 = arith.constant 0 : i32
    %dma_wait3A_2275 = tpu.memref_slice %arg7[%dma_wait3A_2267, %dma_wait3A_2268, %dma_wait3A_2274] : memref<24x1x128xi32, #tpu.memory_space<vmem>> -> memref<1x1x128xi32, #tpu.memory_space<vmem>>
    %dma_wait3A_2276 = tpu.memref_squeeze %dma_wait3A_2275 : memref<1x1x128xi32, #tpu.memory_space<vmem>> -> memref<128xi32, #tpu.memory_space<vmem>>
    %dma_wait3A_2277 = arith.constant 0 : i32
    %dma_wait3A_2278 = arith.constant 0 : i32
    %dma_wait3A_2279 = tpu.memref_slice %arg8[%dma_wait3A_2277, %dma_wait3A_2278] : memref<512x128xf32, #tpu.memory_space<vmem_shared>> -> memref<512x128xf32, #tpu.memory_space<vmem_shared>>
    %dma_wait3A_2280 = tpu.memref_slice %arg11[%dma_wait3A_2269] : memref<7x!tpu.dma_semaphore, #tpu.memory_space<semaphore_mem>> -> memref<1x!tpu.dma_semaphore, #tpu.memory_space<semaphore_mem>>
    %dma_wait3A_2281 = tpu.memref_squeeze %dma_wait3A_2280 : memref<1x!tpu.dma_semaphore, #tpu.memory_space<semaphore_mem>> -> memref<!tpu.dma_semaphore, #tpu.memory_space<semaphore_mem>>
    tpu.wait_indirect_dma semaphore(%dma_wait3A_2281 : memref<!tpu.dma_semaphore, #tpu.memory_space<semaphore_mem>>) src(%dma_wait3A_2273 : memref<128x128xf32, #tpu.memory_space<vmem>>) dst(%dma_wait3A_2279 : memref<512x128xf32, #tpu.memory_space<vmem_shared>>)
    %dma_wait3A_2282 = arith.constant 5 : i32
    %dma_wait3A_2283 = arith.constant 19 : i32
    %dma_wait3A_2284 = arith.constant 0 : i32
    %dma_wait3A_2285 = arith.constant 5 : i32
    %dma_wait3A_2286 = arith.constant 0 : i32
    %dma_wait3A_2287 = arith.constant 0 : i32
    %dma_wait3A_2288 = tpu.memref_slice %arg6[%dma_wait3A_2282, %dma_wait3A_2286, %dma_wait3A_2287] : memref<7x128x128xf32, #tpu.memory_space<vmem>> -> memref<1x128x128xf32, #tpu.memory_space<vmem>>
    %dma_wait3A_2289 = tpu.memref_squeeze %dma_wait3A_2288 : memref<1x128x128xf32, #tpu.memory_space<vmem>> -> memref<128x128xf32, #tpu.memory_space<vmem>>
    %dma_wait3A_2290 = arith.constant 0 : i32
    %dma_wait3A_2291 = tpu.memref_slice %arg7[%dma_wait3A_2283, %dma_wait3A_2284, %dma_wait3A_2290] : memref<24x1x128xi32, #tpu.memory_space<vmem>> -> memref<1x1x128xi32, #tpu.memory_space<vmem>>
    %dma_wait3A_2292 = tpu.memref_squeeze %dma_wait3A_2291 : memref<1x1x128xi32, #tpu.memory_space<vmem>> -> memref<128xi32, #tpu.memory_space<vmem>>
    %dma_wait3A_2293 = arith.constant 0 : i32
    %dma_wait3A_2294 = arith.constant 0 : i32
    %dma_wait3A_2295 = tpu.memref_slice %arg8[%dma_wait3A_2293, %dma_wait3A_2294] : memref<512x128xf32, #tpu.memory_space<vmem_shared>> -> memref<512x128xf32, #tpu.memory_space<vmem_shared>>
    %dma_wait3A_2296 = tpu.memref_slice %arg11[%dma_wait3A_2285] : memref<7x!tpu.dma_semaphore, #tpu.memory_space<semaphore_mem>> -> memref<1x!tpu.dma_semaphore, #tpu.memory_space<semaphore_mem>>
    %dma_wait3A_2297 = tpu.memref_squeeze %dma_wait3A_2296 : memref<1x!tpu.dma_semaphore, #tpu.memory_space<semaphore_mem>> -> memref<!tpu.dma_semaphore, #tpu.memory_space<semaphore_mem>>
    tpu.wait_indirect_dma semaphore(%dma_wait3A_2297 : memref<!tpu.dma_semaphore, #tpu.memory_space<semaphore_mem>>) src(%dma_wait3A_2289 : memref<128x128xf32, #tpu.memory_space<vmem>>) dst(%dma_wait3A_2295 : memref<512x128xf32, #tpu.memory_space<vmem_shared>>)
    %dma_wait3A_2298 = arith.constant 6 : i32
    %dma_wait3A_2299 = arith.constant 20 : i32
    %dma_wait3A_2300 = arith.constant 0 : i32
    %dma_wait3A_2301 = arith.constant 6 : i32
    %dma_wait3A_2302 = arith.constant 0 : i32
    %dma_wait3A_2303 = arith.constant 0 : i32
    %dma_wait3A_2304 = tpu.memref_slice %arg6[%dma_wait3A_2298, %dma_wait3A_2302, %dma_wait3A_2303] : memref<7x128x128xf32, #tpu.memory_space<vmem>> -> memref<1x128x128xf32, #tpu.memory_space<vmem>>
    %dma_wait3A_2305 = tpu.memref_squeeze %dma_wait3A_2304 : memref<1x128x128xf32, #tpu.memory_space<vmem>> -> memref<128x128xf32, #tpu.memory_space<vmem>>
    %dma_wait3A_2306 = arith.constant 0 : i32
    %dma_wait3A_2307 = tpu.memref_slice %arg7[%dma_wait3A_2299, %dma_wait3A_2300, %dma_wait3A_2306] : memref<24x1x128xi32, #tpu.memory_space<vmem>> -> memref<1x1x128xi32, #tpu.memory_space<vmem>>
    %dma_wait3A_2308 = tpu.memref_squeeze %dma_wait3A_2307 : memref<1x1x128xi32, #tpu.memory_space<vmem>> -> memref<128xi32, #tpu.memory_space<vmem>>
    %dma_wait3A_2309 = arith.constant 0 : i32
    %dma_wait3A_2310 = arith.constant 0 : i32
    %dma_wait3A_2311 = tpu.memref_slice %arg8[%dma_wait3A_2309, %dma_wait3A_2310] : memref<512x128xf32, #tpu.memory_space<vmem_shared>> -> memref<512x128xf32, #tpu.memory_space<vmem_shared>>
    %dma_wait3A_2312 = tpu.memref_slice %arg11[%dma_wait3A_2301] : memref<7x!tpu.dma_semaphore, #tpu.memory_space<semaphore_mem>> -> memref<1x!tpu.dma_semaphore, #tpu.memory_space<semaphore_mem>>
    %dma_wait3A_2313 = tpu.memref_squeeze %dma_wait3A_2312 : memref<1x!tpu.dma_semaphore, #tpu.memory_space<semaphore_mem>> -> memref<!tpu.dma_semaphore, #tpu.memory_space<semaphore_mem>>
    tpu.wait_indirect_dma semaphore(%dma_wait3A_2313 : memref<!tpu.dma_semaphore, #tpu.memory_space<semaphore_mem>>) src(%dma_wait3A_2305 : memref<128x128xf32, #tpu.memory_space<vmem>>) dst(%dma_wait3A_2311 : memref<512x128xf32, #tpu.memory_space<vmem_shared>>)
    %dma_wait3A_2314 = arith.constant 0 : i32
    %dma_wait3A_2315 = arith.constant 21 : i32
    %dma_wait3A_2316 = arith.constant 0 : i32
    %dma_wait3A_2317 = arith.constant 0 : i32
    %dma_wait3A_2318 = arith.constant 0 : i32
    %dma_wait3A_2319 = arith.constant 0 : i32
    %dma_wait3A_2320 = tpu.memref_slice %arg6[%dma_wait3A_2314, %dma_wait3A_2318, %dma_wait3A_2319] : memref<7x128x128xf32, #tpu.memory_space<vmem>> -> memref<1x128x128xf32, #tpu.memory_space<vmem>>
    %dma_wait3A_2321 = tpu.memref_squeeze %dma_wait3A_2320 : memref<1x128x128xf32, #tpu.memory_space<vmem>> -> memref<128x128xf32, #tpu.memory_space<vmem>>
    %dma_wait3A_2322 = arith.constant 0 : i32
    %dma_wait3A_2323 = tpu.memref_slice %arg7[%dma_wait3A_2315, %dma_wait3A_2316, %dma_wait3A_2322] : memref<24x1x128xi32, #tpu.memory_space<vmem>> -> memref<1x1x128xi32, #tpu.memory_space<vmem>>
    %dma_wait3A_2324 = tpu.memref_squeeze %dma_wait3A_2323 : memref<1x1x128xi32, #tpu.memory_space<vmem>> -> memref<128xi32, #tpu.memory_space<vmem>>
    %dma_wait3A_2325 = arith.constant 0 : i32
    %dma_wait3A_2326 = arith.constant 0 : i32
    %dma_wait3A_2327 = tpu.memref_slice %arg8[%dma_wait3A_2325, %dma_wait3A_2326] : memref<512x128xf32, #tpu.memory_space<vmem_shared>> -> memref<512x128xf32, #tpu.memory_space<vmem_shared>>
    %dma_wait3A_2328 = tpu.memref_slice %arg11[%dma_wait3A_2317] : memref<7x!tpu.dma_semaphore, #tpu.memory_space<semaphore_mem>> -> memref<1x!tpu.dma_semaphore, #tpu.memory_space<semaphore_mem>>
    %dma_wait3A_2329 = tpu.memref_squeeze %dma_wait3A_2328 : memref<1x!tpu.dma_semaphore, #tpu.memory_space<semaphore_mem>> -> memref<!tpu.dma_semaphore, #tpu.memory_space<semaphore_mem>>
    tpu.wait_indirect_dma semaphore(%dma_wait3A_2329 : memref<!tpu.dma_semaphore, #tpu.memory_space<semaphore_mem>>) src(%dma_wait3A_2321 : memref<128x128xf32, #tpu.memory_space<vmem>>) dst(%dma_wait3A_2327 : memref<512x128xf32, #tpu.memory_space<vmem_shared>>)
    %dma_wait3A_2330 = arith.constant 1 : i32
    %dma_wait3A_2331 = arith.constant 22 : i32
    %dma_wait3A_2332 = arith.constant 0 : i32
    %dma_wait3A_2333 = arith.constant 1 : i32
    %dma_wait3A_2334 = arith.constant 0 : i32
    %dma_wait3A_2335 = arith.constant 0 : i32
    %dma_wait3A_2336 = tpu.memref_slice %arg6[%dma_wait3A_2330, %dma_wait3A_2334, %dma_wait3A_2335] : memref<7x128x128xf32, #tpu.memory_space<vmem>> -> memref<1x128x128xf32, #tpu.memory_space<vmem>>
    %dma_wait3A_2337 = tpu.memref_squeeze %dma_wait3A_2336 : memref<1x128x128xf32, #tpu.memory_space<vmem>> -> memref<128x128xf32, #tpu.memory_space<vmem>>
    %dma_wait3A_2338 = arith.constant 0 : i32
    %dma_wait3A_2339 = tpu.memref_slice %arg7[%dma_wait3A_2331, %dma_wait3A_2332, %dma_wait3A_2338] : memref<24x1x128xi32, #tpu.memory_space<vmem>> -> memref<1x1x128xi32, #tpu.memory_space<vmem>>
    %dma_wait3A_2340 = tpu.memref_squeeze %dma_wait3A_2339 : memref<1x1x128xi32, #tpu.memory_space<vmem>> -> memref<128xi32, #tpu.memory_space<vmem>>
    %dma_wait3A_2341 = arith.constant 0 : i32
    %dma_wait3A_2342 = arith.constant 0 : i32
    %dma_wait3A_2343 = tpu.memref_slice %arg8[%dma_wait3A_2341, %dma_wait3A_2342] : memref<512x128xf32, #tpu.memory_space<vmem_shared>> -> memref<512x128xf32, #tpu.memory_space<vmem_shared>>
    %dma_wait3A_2344 = tpu.memref_slice %arg11[%dma_wait3A_2333] : memref<7x!tpu.dma_semaphore, #tpu.memory_space<semaphore_mem>> -> memref<1x!tpu.dma_semaphore, #tpu.memory_space<semaphore_mem>>
    %dma_wait3A_2345 = tpu.memref_squeeze %dma_wait3A_2344 : memref<1x!tpu.dma_semaphore, #tpu.memory_space<semaphore_mem>> -> memref<!tpu.dma_semaphore, #tpu.memory_space<semaphore_mem>>
    tpu.wait_indirect_dma semaphore(%dma_wait3A_2345 : memref<!tpu.dma_semaphore, #tpu.memory_space<semaphore_mem>>) src(%dma_wait3A_2337 : memref<128x128xf32, #tpu.memory_space<vmem>>) dst(%dma_wait3A_2343 : memref<512x128xf32, #tpu.memory_space<vmem_shared>>)
    %dma_wait3A_2346 = arith.constant 2 : i32
    %dma_wait3A_2347 = arith.constant 23 : i32
    %dma_wait3A_2348 = arith.constant 0 : i32
    %dma_wait3A_2349 = arith.constant 2 : i32
    %dma_wait3A_2350 = arith.constant 0 : i32
    %dma_wait3A_2351 = arith.constant 0 : i32
    %dma_wait3A_2352 = tpu.memref_slice %arg6[%dma_wait3A_2346, %dma_wait3A_2350, %dma_wait3A_2351] : memref<7x128x128xf32, #tpu.memory_space<vmem>> -> memref<1x128x128xf32, #tpu.memory_space<vmem>>
    %dma_wait3A_2353 = tpu.memref_squeeze %dma_wait3A_2352 : memref<1x128x128xf32, #tpu.memory_space<vmem>> -> memref<128x128xf32, #tpu.memory_space<vmem>>
    %dma_wait3A_2354 = arith.constant 0 : i32
    %dma_wait3A_2355 = tpu.memref_slice %arg7[%dma_wait3A_2347, %dma_wait3A_2348, %dma_wait3A_2354] : memref<24x1x128xi32, #tpu.memory_space<vmem>> -> memref<1x1x128xi32, #tpu.memory_space<vmem>>
    %dma_wait3A_2356 = tpu.memref_squeeze %dma_wait3A_2355 : memref<1x1x128xi32, #tpu.memory_space<vmem>> -> memref<128xi32, #tpu.memory_space<vmem>>
    %dma_wait3A_2357 = arith.constant 0 : i32
    %dma_wait3A_2358 = arith.constant 0 : i32
    %dma_wait3A_2359 = tpu.memref_slice %arg8[%dma_wait3A_2357, %dma_wait3A_2358] : memref<512x128xf32, #tpu.memory_space<vmem_shared>> -> memref<512x128xf32, #tpu.memory_space<vmem_shared>>
    %dma_wait3A_2360 = tpu.memref_slice %arg11[%dma_wait3A_2349] : memref<7x!tpu.dma_semaphore, #tpu.memory_space<semaphore_mem>> -> memref<1x!tpu.dma_semaphore, #tpu.memory_space<semaphore_mem>>
    %dma_wait3A_2361 = tpu.memref_squeeze %dma_wait3A_2360 : memref<1x!tpu.dma_semaphore, #tpu.memory_space<semaphore_mem>> -> memref<!tpu.dma_semaphore, #tpu.memory_space<semaphore_mem>>
    tpu.wait_indirect_dma semaphore(%dma_wait3A_2361 : memref<!tpu.dma_semaphore, #tpu.memory_space<semaphore_mem>>) src(%dma_wait3A_2353 : memref<128x128xf32, #tpu.memory_space<vmem>>) dst(%dma_wait3A_2359 : memref<512x128xf32, #tpu.memory_space<vmem_shared>>)
    %barrier3A_2362 = arith.constant 0 : index
    tpu.barrier barrier_id(%barrier3A_2362)
    "tpu.region"() ({
      %run_scoped3A = tpu.sem_alloc : memref<!tpu.dma_semaphore, #tpu.memory_space<semaphore_mem>>
      %dma_start3A_2363 = arith.constant 0 : i32
      %dma_start3A_2364 = tpu.memref_slice %arg5[%arg0, %mul3A_4, %dma_start3A_2363] : memref<2x512x128xf32, #tpu.memory_space<hbm>> -> memref<1x32x128xf32, #tpu.memory_space<hbm>>
      %dma_start3A_2365 = tpu.memref_squeeze %dma_start3A_2364 : memref<1x32x128xf32, #tpu.memory_space<hbm>> -> memref<32x128xf32, #tpu.memory_space<hbm>>
      %dma_start3A_2366 = arith.constant 0 : i32
      %dma_start3A_2367 = tpu.memref_slice %arg8[%mul3A_4, %dma_start3A_2366] : memref<512x128xf32, #tpu.memory_space<vmem_shared>> -> memref<32x128xf32, #tpu.memory_space<vmem_shared>>
      tpu.enqueue_dma source(%dma_start3A_2367 : memref<32x128xf32, #tpu.memory_space<vmem_shared>>) target(%dma_start3A_2365 : memref<32x128xf32, #tpu.memory_space<hbm>>) target_semaphore(%run_scoped3A : memref<!tpu.dma_semaphore, #tpu.memory_space<semaphore_mem>>)
      %dma_wait3A_2368 = arith.constant 0 : i32
      %dma_wait3A_2369 = tpu.memref_slice %arg5[%arg0, %mul3A_4, %dma_wait3A_2368] : memref<2x512x128xf32, #tpu.memory_space<hbm>> -> memref<1x32x128xf32, #tpu.memory_space<hbm>>
      %dma_wait3A_2370 = tpu.memref_squeeze %dma_wait3A_2369 : memref<1x32x128xf32, #tpu.memory_space<hbm>> -> memref<32x128xf32, #tpu.memory_space<hbm>>
      %dma_wait3A_2371 = arith.constant 0 : i32
      %dma_wait3A_2372 = tpu.memref_slice %arg8[%mul3A_4, %dma_wait3A_2371] : memref<512x128xf32, #tpu.memory_space<vmem_shared>> -> memref<32x128xf32, #tpu.memory_space<vmem_shared>>
      tpu.wait_dma2 semaphore(%run_scoped3A : memref<!tpu.dma_semaphore, #tpu.memory_space<semaphore_mem>>) src(%dma_wait3A_2372 : memref<32x128xf32, #tpu.memory_space<vmem_shared>>) dst(%dma_wait3A_2370 : memref<32x128xf32, #tpu.memory_space<hbm>>)
      tpu.yield
    }) : () -> ()
    return
  }
}

module attributes {stable_mosaic.version = 14 : i64} {
  func.func @pool_kernel(%arg0: i32, %arg1: memref<1x512xi32, #tpu.memory_space<vmem>>, %arg2: memref<512x128xf32, #tpu.memory_space<vmem>>, %arg3: memref<512x128xf32, #tpu.memory_space<vmem>>) attributes {dimension_semantics = [#tpu.dimension_semantics<arbitrary>], iteration_bounds = array<i64: 4>, scalar_prefetch = 0 : i64, scratch_operands = 0 : i64, tpu.core_type = #tpu.core_type<tc>, window_params = [{transform_indices = @transform_0, window_bounds = array<i64: 1, 512>}, {transform_indices = @transform_1, window_bounds = array<i64: 512, 128>}, {pipeline_mode = #tpu.pipeline_mode<synchronous>, transform_indices = @transform_2, window_bounds = array<i64: 512, 128>}]} {
    %get3A = arith.constant 0 : index
    %get3A_0 = arith.constant 0 : index
    %get3A_1 = vector.load %arg2[%get3A, %get3A_0] : memref<512x128xf32, #tpu.memory_space<vmem>>, vector<512x128xf32>
    %mul3A = arith.constant 512 : i32
    %mul3A_2 = arith.muli %arg0, %mul3A : i32
    %add3A = arith.constant 98304 : i32
    %add3A_3 = arith.addi %add3A, %mul3A_2 : i32
    %iota3A = tpu.iota {dimensions = array<i32: 0>} : vector<512x128xi32>
    %add3A_4 = vector.broadcast %add3A_3 : i32 to vector<512x128xi32>
    %add3A_5 = arith.addi %add3A_4, %iota3A : vector<512x128xi32>
    %lt3A = arith.constant 100000 : i32
    %lt3A_6 = vector.broadcast %lt3A : i32 to vector<512x128xi32>
    %lt3A_7 = arith.cmpi slt, %add3A_5, %lt3A_6 : vector<512x128xi32>
    %jit3A = arith.constant 0.000000e+00 : f32
    %broadcast_in_dim3A = vector.broadcast %jit3A : f32 to vector<512x128xf32>
    %select_n3A = arith.select %lt3A_7, %get3A_1, %broadcast_in_dim3A : vector<512x128xi1>, vector<512x128xf32>
    %convert_element_type3A = arith.truncf %select_n3A : vector<512x128xf32> to vector<512x128xbf16>
    %convert_element_type3A_8 = arith.extf %convert_element_type3A : vector<512x128xbf16> to vector<512x128xf32>
    %sub3A = arith.subf %select_n3A, %convert_element_type3A_8 : vector<512x128xf32>
    %convert_element_type3A_9 = arith.truncf %sub3A : vector<512x128xf32> to vector<512x128xbf16>
    %get3A_10 = arith.constant 0 : index
    %get3A_11 = arith.constant 0 : index
    %get3A_12 = vector.load %arg1[%get3A_10, %get3A_11] : memref<1x512xi32, #tpu.memory_space<vmem>>, vector<1x512xi32>
    %mul3A_13 = arith.constant 512 : i32
    %mul3A_14 = arith.muli %arg0, %mul3A_13 : i32
    %add3A_15 = arith.constant 98304 : i32
    %add3A_16 = arith.addi %add3A_15, %mul3A_14 : i32
    %iota3A_17 = tpu.iota {dimensions = array<i32: 1>} : vector<1x512xi32>
    %add3A_18 = vector.broadcast %add3A_16 : i32 to vector<1x512xi32>
    %add3A_19 = arith.addi %add3A_18, %iota3A_17 : vector<1x512xi32>
    %lt3A_20 = arith.constant 100000 : i32
    %lt3A_21 = vector.broadcast %lt3A_20 : i32 to vector<1x512xi32>
    %lt3A_22 = arith.cmpi slt, %add3A_19, %lt3A_21 : vector<1x512xi32>
    %jit3A_23 = arith.constant 512 : i32
    %broadcast_in_dim3A_24 = vector.broadcast %jit3A_23 : i32 to vector<1x512xi32>
    %select_n3A_25 = arith.select %lt3A_22, %get3A_12, %broadcast_in_dim3A_24 : vector<1x512xi1>, vector<1x512xi32>
    %iota3A_26 = tpu.iota {dimensions = array<i32: 0>} : vector<512x512xi32>
    %eq3A = vector.broadcast %select_n3A_25 : vector<1x512xi32> to vector<512x512xi32>
    %eq3A_27 = arith.cmpi eq, %eq3A, %iota3A_26 : vector<512x512xi32>
    %convert_element_type3A_28 = arith.extui %eq3A_27 : vector<512x512xi1> to vector<512x512xi32>
    %convert_element_type3A_29 = arith.sitofp %convert_element_type3A_28 : vector<512x512xi32> to vector<512x512xf32>
    %convert_element_type3A_30 = arith.truncf %convert_element_type3A_29 : vector<512x512xf32> to vector<512x512xbf16>
    %dot_general3A = arith.constant dense<0.000000e+00> : vector<512x128xf32>
    %dot_general3A_31 = tpu.matmul %convert_element_type3A_30, %convert_element_type3A, %dot_general3A {dimension_numbers = #tpu.dot_dimension_numbers<[1], [0], [0], [1], [0, 0, 1, 1], [], []>, transpose_lhs_hint = false} : vector<512x512xbf16>, vector<512x128xbf16>, vector<512x128xf32> -> vector<512x128xf32>
    %dot_general3A_32 = arith.constant dense<0.000000e+00> : vector<512x128xf32>
    %dot_general3A_33 = tpu.matmul %convert_element_type3A_30, %convert_element_type3A_9, %dot_general3A_32 {dimension_numbers = #tpu.dot_dimension_numbers<[1], [0], [0], [1], [0, 0, 1, 1], [], []>, transpose_lhs_hint = false} : vector<512x512xbf16>, vector<512x128xbf16>, vector<512x128xf32> -> vector<512x128xf32>
    %add3A_34 = arith.addf %dot_general3A_31, %dot_general3A_33 : vector<512x128xf32>
    %eq3A_35 = arith.constant 0 : i32
    %eq3A_36 = arith.cmpi eq, %arg0, %eq3A_35 : i32
    %convert_element_type3A_37 = arith.extui %eq3A_36 : i1 to i32
    %cond3A = arith.constant 0 : i32
    %cond3A_38 = arith.cmpi ne, %convert_element_type3A_37, %cond3A : i32
    scf.if %cond3A_38 {
      %swap3A = arith.constant 0 : index
      %swap3A_43 = arith.constant 0 : index
      %swap3A_44 = vector.load %arg3[%swap3A, %swap3A_43] : memref<512x128xf32, #tpu.memory_space<vmem>>, vector<512x128xf32>
      tpu.vector_store %arg3[%swap3A, %swap3A_43], %add3A_34 {strides = array<i32>} : memref<512x128xf32, #tpu.memory_space<vmem>>, vector<512x128xf32>,
    } else {
    }
    %gt3A = arith.constant 0 : i32
    %gt3A_39 = arith.cmpi sgt, %arg0, %gt3A : i32
    %convert_element_type3A_40 = arith.extui %gt3A_39 : i1 to i32
    %cond3A_41 = arith.constant 0 : i32
    %cond3A_42 = arith.cmpi ne, %convert_element_type3A_40, %cond3A_41 : i32
    scf.if %cond3A_42 {
      %get3A_43 = arith.constant 0 : index
      %get3A_44 = arith.constant 0 : index
      %get3A_45 = vector.load %arg3[%get3A_43, %get3A_44] : memref<512x128xf32, #tpu.memory_space<vmem>>, vector<512x128xf32>
      %add3A_46 = arith.addf %get3A_45, %add3A_34 : vector<512x128xf32>
      %swap3A = arith.constant 0 : index
      %swap3A_47 = arith.constant 0 : index
      %swap3A_48 = vector.load %arg3[%swap3A, %swap3A_47] : memref<512x128xf32, #tpu.memory_space<vmem>>, vector<512x128xf32>
      tpu.vector_store %arg3[%swap3A, %swap3A_47], %add3A_46 {strides = array<i32>} : memref<512x128xf32, #tpu.memory_space<vmem>>, vector<512x128xf32>,
    } else {
    }
    return
  }
  func.func @transform_0(%arg0: i32) -> (i32, i32) {
    %add3A = arith.constant 192 : i32
    %add3A_0 = arith.addi %add3A, %arg0 : i32
    %c0_i32 = arith.constant 0 : i32
    %c0_i32_1 = arith.constant 0 : i32
    return %c0_i32, %add3A_0 : i32, i32
  }
  func.func @transform_1(%arg0: i32) -> (i32, i32) {
    %add3A = arith.constant 192 : i32
    %add3A_0 = arith.addi %add3A, %arg0 : i32
    %c0_i32 = arith.constant 0 : i32
    %c0_i32_1 = arith.constant 0 : i32
    return %add3A_0, %c0_i32 : i32, i32
  }
  func.func @transform_2(%arg0: i32) -> (i32, i32) {
    %c0_i32 = arith.constant 0 : i32
    %c0_i32_0 = arith.constant 0 : i32
    %c0_i32_1 = arith.constant 0 : i32
    return %c0_i32, %c0_i32_0 : i32, i32
  }
}

module attributes {stable_mosaic.version = 14 : i64} {
  func.func @mlp_kernel(%arg0: memref<2x512x128xf32, #tpu.memory_space<vmem>>, %arg1: memref<512x128xf32, #tpu.memory_space<vmem>>, %arg2: memref<128x256xf32, #tpu.memory_space<vmem>>, %arg3: memref<256xf32, #tpu.memory_space<vmem>>, %arg4: memref<256x10xf32, #tpu.memory_space<vmem>>, %arg5: memref<10xf32, #tpu.memory_space<vmem>>, %arg6: memref<512x10xf32, #tpu.memory_space<vmem>>) attributes {dimension_semantics = [], scalar_prefetch = 0 : i64, scratch_operands = 0 : i64, tpu.core_type = #tpu.core_type<tc>} {
    %get3A = arith.constant 0 : index
    %get3A_0 = arith.constant 0 : index
    %get3A_1 = arith.constant 0 : index
    %get3A_2 = vector.load %arg0[%get3A, %get3A_0, %get3A_1] : memref<2x512x128xf32, #tpu.memory_space<vmem>>, vector<1x512x128xf32>
    %get3A_3 = vector.shape_cast %get3A_2 : vector<1x512x128xf32> to vector<512x128xf32>
    %get3A_4 = arith.constant 1 : index
    %get3A_5 = arith.constant 0 : index
    %get3A_6 = arith.constant 0 : index
    %get3A_7 = vector.load %arg0[%get3A_4, %get3A_5, %get3A_6] : memref<2x512x128xf32, #tpu.memory_space<vmem>>, vector<1x512x128xf32>
    %get3A_8 = vector.shape_cast %get3A_7 : vector<1x512x128xf32> to vector<512x128xf32>
    %add3A = arith.addf %get3A_3, %get3A_8 : vector<512x128xf32>
    %get3A_9 = arith.constant 0 : index
    %get3A_10 = arith.constant 0 : index
    %get3A_11 = vector.load %arg1[%get3A_9, %get3A_10] : memref<512x128xf32, #tpu.memory_space<vmem>>, vector<512x128xf32>
    %add3A_12 = arith.addf %add3A, %get3A_11 : vector<512x128xf32>
    %get3A_13 = arith.constant 0 : index
    %get3A_14 = arith.constant 0 : index
    %get3A_15 = vector.load %arg2[%get3A_13, %get3A_14] : memref<128x256xf32, #tpu.memory_space<vmem>>, vector<128x256xf32>
    %dot_general3A = arith.constant dense<0.000000e+00> : vector<512x256xf32>
    %dot_general3A_16 = tpu.matmul %add3A_12, %get3A_15, %dot_general3A {dimension_numbers = #tpu.dot_dimension_numbers<[1], [0], [0], [1], [0, 0, 1, 1], [], []>, transpose_lhs_hint = false} : vector<512x128xf32>, vector<128x256xf32>, vector<512x256xf32> -> vector<512x256xf32>
    %get3A_17 = arith.constant 0 : index
    %get3A_18 = vector.load %arg3[%get3A_17] : memref<256xf32, #tpu.memory_space<vmem>>, vector<256xf32>
    %broadcast_in_dim3A = vector.shape_cast %get3A_18 : vector<256xf32> to vector<1x256xf32>
    %add3A_19 = vector.broadcast %broadcast_in_dim3A : vector<1x256xf32> to vector<512x256xf32>
    %add3A_20 = arith.addf %dot_general3A_16, %add3A_19 : vector<512x256xf32>
    %max3A = arith.constant 0.000000e+00 : f32
    %max3A_21 = vector.broadcast %max3A : f32 to vector<512x256xf32>
    %max3A_22 = arith.maximumf %add3A_20, %max3A_21 : vector<512x256xf32>
    %get3A_23 = arith.constant 0 : index
    %get3A_24 = arith.constant 0 : index
    %get3A_25 = vector.load %arg4[%get3A_23, %get3A_24] : memref<256x10xf32, #tpu.memory_space<vmem>>, vector<256x10xf32>
    %dot_general3A_26 = arith.constant dense<0.000000e+00> : vector<512x10xf32>
    %dot_general3A_27 = tpu.matmul %max3A_22, %get3A_25, %dot_general3A_26 {dimension_numbers = #tpu.dot_dimension_numbers<[1], [0], [0], [1], [0, 0, 1, 1], [], []>, transpose_lhs_hint = false} : vector<512x256xf32>, vector<256x10xf32>, vector<512x10xf32> -> vector<512x10xf32>
    %get3A_28 = arith.constant 0 : index
    %get3A_29 = vector.load %arg5[%get3A_28] : memref<10xf32, #tpu.memory_space<vmem>>, vector<10xf32>
    %broadcast_in_dim3A_30 = vector.shape_cast %get3A_29 : vector<10xf32> to vector<1x10xf32>
    %add3A_31 = vector.broadcast %broadcast_in_dim3A_30 : vector<1x10xf32> to vector<512x10xf32>
    %add3A_32 = arith.addf %dot_general3A_27, %add3A_31 : vector<512x10xf32>
    %reduce_max3A = arith.constant dense<0xFF800000> : vector<512xf32>
    %reduce_max3A_33 = vector.multi_reduction <maximumf>, %add3A_32, %reduce_max3A [1] : vector<512x10xf32> to vector<512xf32>
    %broadcast_in_dim3A_34 = vector.shape_cast %reduce_max3A_33 : vector<512xf32> to vector<512x1xf32>
    %sub3A = vector.broadcast %broadcast_in_dim3A_34 : vector<512x1xf32> to vector<512x10xf32>
    %sub3A_35 = arith.subf %add3A_32, %sub3A : vector<512x10xf32>
    %exp3A = math.exp %sub3A_35 : vector<512x10xf32>
    %reduce_sum3A = arith.constant dense<0.000000e+00> : vector<512xf32>
    %reduce_sum3A_36 = vector.multi_reduction <add>, %exp3A, %reduce_sum3A [1] : vector<512x10xf32> to vector<512xf32>
    %broadcast_in_dim3A_37 = vector.shape_cast %reduce_sum3A_36 : vector<512xf32> to vector<512x1xf32>
    %log3A = math.log %broadcast_in_dim3A_37 : vector<512x1xf32>
    %sub3A_38 = vector.broadcast %log3A : vector<512x1xf32> to vector<512x10xf32>
    %sub3A_39 = arith.subf %sub3A_35, %sub3A_38 : vector<512x10xf32>
    %swap3A = arith.constant 0 : index
    %swap3A_40 = arith.constant 0 : index
    %swap3A_41 = vector.load %arg6[%swap3A, %swap3A_40] : memref<512x10xf32, #tpu.memory_space<vmem>>, vector<512x10xf32>
    tpu.vector_store %arg6[%swap3A, %swap3A_40], %sub3A_39 {strides = array<i32>} : memref<512x10xf32, #tpu.memory_space<vmem>>, vector<512x10xf32>,
    return
  }
}

</mosaic_0001>

<sc_bundles>
// kernel: kernel.5.cloned.1.call-start
scs
__scs_entry_jumppad:
0x0: {  	(pc) =	sbr.rel $0x88, $3  }
0x1: {  	(tag) =	ssettag $0x0;
	lr =	simm.s32 $0x1  }
0x2: {  	[smem:$0x3F9B] =	sst lr;
	_ =	strace $0xD0000000  }
0x3: {  	_ = 	snop  }
0x4: {  	_ = 	snop  }
0x5: {  	_ = 	snop  }
0x6: {  	_ = 	snop  }
0x7: {  	_ = 	snop  }
__scs_overlays_trampoline_lowered:
0x8: {  	[smem:$0x3FAA] =	sst s0  }
0x9: {  	[smem:$0x3FAB] =	sst s1  }
0xa: {  	[smem:$0x3FAC] =	sst s2  }
0xb: {  	[smem:$0x3FAD] =	sst s3  }
0xc: {  	[smem:$0x3FAE] =	sst s4  }
0xd: {  	[smem:$0x3FAF] =	sst s5  }
0xe: {  	[smem:$0x3FB0] =	sst s6  }
0xf: {  	[smem:$0x3FB1] =	sst s7  }
0x10: {  	[smem:$0x3FB2] =	sst s8  }
0x11: {  	[smem:$0x3FB3] =	sst s9;
	s0 =	simm.s32 @!p0 $0x0  }
0x12: {  	s1 =	sld [smem:$0x3F99];
	s0 =	simm.s32 @p0 $0x1  }
0x13: {  	[smem:$0x3FB4] =	sst s0;
	s0 =	simm.s32 @!p1 $0x0  }
0x14: {  	s2 =	sld [smem:$0x3F98];
	s0 =	simm.s32 @p1 $0x1  }
0x15: {  	[smem:$0x3FB5] =	sst s0;
	s0 =	simm.s32 @!p2 $0x0  }
0x16: {  	s3 =	sld [smem:$0x3FDB];
	s0 =	simm.s32 @p2 $0x1  }
0x17: {  	s4 =	simm.s32 $0x1BF5;
	[smem:$0x3FB7] =	sst s0  }
0x18: {  	s0 =	sld [smem:$0x3F9A];
	_ =	swait.ge [sflag:s4], $0x0  }
0x19: {  	s7 =	sld [smem:$0x3F9B]  }
0x1a: {  	s8 =	sadd.s32 $0xFFFFE003, lr  }
0x1b: {  	s9 =	sadd.s32 $0xFFFFFEF7, lr;
	s5 =	simm.s32 $0xFFFFFFFF;
	p2 =	slt.u32 s8, $0xFFFFF086  }
0x1c: {  	p1 =	slt.u32 s9, $0xF7A;
	s5 =	simm.s32 @!p2 $0x0  }
0x1d: {  	s5 =	simm.s32 @p1 $0x1;
	p0 =	seq.s32 s7, s2  }
0x1e: {  	s7 =	smul.u32 @!p0 $0xF7A, s2;
	p2 =	seq.s32 @!p0 s5, $0x0  }
0x1f: {  	s9 =	smul.u32 $0xF7A, s1;
	s8 =	simm.s32 @!p0 $0x1BF5;
	p2 =	por !p2, p0  }
0x20: {  	[sflag:s8] =	ssyncset.s32 @!p0 $0xFFFFF086;
	s6 =	sadd.s32 @!p0 s3, s7;
	s7 =	simm.s32 @!p0 $0x108  }
0x21: {  	s3 =	sadd.s32 s3, s9;
	s6 =	sadd.s32 @!p0 $0x88, s6;
	s7 =	simm.s32 @p2 $0x1082  }
0x22: {  	[simem:s7], [sflag:s8] =	dma.local @!p0 [hbm:s6], $0xF7A  }
0x23: {  	s9 =	sor.u32 $0xD0000000, s2;
	s6 =	simm.s32 $0x108;
	_ =	swait.ge @!p0 [sflag:s8], $0x0  }
0x24: {  	s3 =	sadd.s32 $0x88, s3;
	s6 =	simm.s32 @!p1 $0x1082;
	[sflag:s4] =	ssyncset.s32 $0xFFFFF086  }
0x25: {  	[simem:s6], [sflag:s4] =	dma.local [hbm:s3], $0xF7A  }
0x26: {  	[smem:$0x3F9B] =	sst s1;
	(tag) =	ssettag s2;
	_ =	strace s9  }
0x27: {  	s1 =	sld [smem:$0x3FAB]  }
0x28: {  	s2 =	sld [smem:$0x3FAC]  }
0x29: {  	s4 =	sld [smem:$0x3FAE]  }
0x2a: {  	p0 =	seq.s32 s5, $0x0;
	s5 =	sld [smem:$0x3FAF]  }
0x2b: {  	s6 =	sld [smem:$0x3FB0]  }
0x2c: {  	s7 =	sld [smem:$0x3FB1]  }
0x2d: {  	s3 =	simm.s32 $0x108;
	s8 =	sld [smem:$0x3FB2]  }
0x2e: {  	s3 =	simm.s32 @!p0 $0x1082;
	s9 =	sld [smem:$0x3FB3]  }
0x2f: {  	lr =	sadd.s32 s0, s3;
	s0 =	sld [smem:$0x3FAA]  }
0x30: {  	s3 =	sld [smem:$0x3FAD]  }
0x31: {  	[smem:$0x3FB6] =	sst s10  }
0x32: {  	s10 =	sld [smem:$0x3FB4];
	_ =	sdelay $0x3  }
0x33: {  	p0 =	seq.s32 s10, $0x1;
	s10 =	sld [smem:$0x3FB6];
	_ =	sdelay $0x3  }
0x34: {  	[smem:$0x3FB6] =	sst s10  }
0x35: {  	s10 =	sld [smem:$0x3FB5];
	_ =	sdelay $0x3  }
0x36: {  	p1 =	seq.s32 s10, $0x1;
	s10 =	sld [smem:$0x3FB6];
	_ =	sdelay $0x3  }
0x37: {  	[smem:$0x3FB6] =	sst s10  }
0x38: {  	s10 =	sld [smem:$0x3FB7]  }
0x39: {  	_ = 	snop;
	(pc) =	sbr.ind lr, $3  }
0x3a: {  	_ = 	snop  }
0x3b: {  	_ = 	snop  }
0x3c: {  	p2 =	seq.s32 s10, $0x1;
	s10 =	sld [smem:$0x3FB6]  }
0x3d: {  	_ =	shalt  }
0x3e: {  	_ =	shalt  }
0x3f: {  	_ =	shalt  }
0x40: {  	_ =	shalt  }
0x41: {  	_ =	shalt  }
0x42: {  	_ =	shalt  }
0x43: {  	_ =	shalt  }
0x44: {  	_ =	shalt  }
0x45: {  	_ =	shalt  }
0x46: {  	_ =	shalt  }
0x47: {  	_ =	shalt  }
0x48: {  	_ =	shalt  }
0x49: {  	_ =	shalt  }
0x4a: {  	_ =	shalt  }
0x4b: {  	_ =	shalt  }
0x4c: {  	_ =	shalt  }
0x4d: {  	_ =	shalt  }
0x4e: {  	_ =	shalt  }
0x4f: {  	_ =	shalt  }
0x50: {  	_ =	shalt  }
0x51: {  	_ =	shalt  }
0x52: {  	_ =	shalt  }
0x53: {  	_ =	shalt  }
0x54: {  	_ =	shalt  }
0x55: {  	_ =	shalt  }
0x56: {  	_ =	shalt  }
0x57: {  	_ =	shalt  }
0x58: {  	_ =	shalt  }
0x59: {  	_ =	shalt  }
0x5a: {  	_ =	shalt  }
0x5b: {  	_ =	shalt  }
0x5c: {  	_ =	shalt  }
0x5d: {  	_ =	shalt  }
0x5e: {  	_ =	shalt  }
0x5f: {  	_ =	shalt  }
0x60: {  	_ =	shalt  }
0x61: {  	_ =	shalt  }
0x62: {  	_ =	shalt  }
0x63: {  	_ =	shalt  }
0x64: {  	_ =	shalt  }
0x65: {  	_ =	shalt  }
0x66: {  	_ =	shalt  }
0x67: {  	_ =	shalt  }
0x68: {  	_ =	shalt  }
0x69: {  	_ =	shalt  }
0x6a: {  	_ =	shalt  }
0x6b: {  	_ =	shalt  }
0x6c: {  	_ =	shalt  }
0x6d: {  	_ =	shalt  }
0x6e: {  	_ =	shalt  }
0x6f: {  	_ =	shalt  }
0x70: {  	_ =	shalt  }
0x71: {  	_ =	shalt  }
0x72: {  	_ =	shalt  }
0x73: {  	_ =	shalt  }
0x74: {  	_ =	shalt  }
0x75: {  	_ =	shalt  }
0x76: {  	_ =	shalt  }
0x77: {  	_ =	shalt  }
0x78: {  	_ =	shalt  }
0x79: {  	_ =	shalt  }
0x7a: {  	_ =	shalt  }
0x7b: {  	_ =	shalt  }
0x7c: {  	_ =	shalt  }
0x7d: {  	_ =	shalt  }
0x7e: {  	_ =	shalt  }
0x7f: {  	_ =	shalt  }
0x80: {  	_ =	shalt  }
0x81: {  	_ =	shalt  }
0x82: {  	_ =	shalt  }
0x83: {  	_ =	shalt  }
0x84: {  	_ =	shalt  }
0x85: {  	_ =	shalt  }
0x86: {  	_ =	shalt  }
0x87: {  	_ =	shalt  }
.Lfunc_end0:
.L_simem_size_0:
called_computation_lowered:
.L_overlay_start_0:
0x88: {  	s2 =	sld [smem:$0x3FD9]  }
0x89: {  	s3 =	sld [smem:$0x3FFE];
	_ =	sdelay $0x1  }
0x8a: {  	s1 =	srdreg.scid  }
0x8b: {  	s0 =	sand.u32 $0x1, s1  }
0x8c: {  	s17 =	sshll.u32 s0, $0xA;
	s2 =	sadd.s32 s3, s2  }
0x8d: {  	s2 =	sadd.s32 s2, s17  }
0x8e: {  	[smem:$0x3FC2] =	sst s2  }
0x8f: {  	_ = 	snop  }
0x90: {  	s2 =	sld [smem:$0x3FC9]  }
0x91: {  	s18 =	sld [smem:$0x3FC8];
	(tm) =	ssettm $0x1  }
0x92: {  	s4 =	sld [smem:$0x3FFB];
	_ =	sdelay $0x3  }
0x93: {  	_ =	strace s4  }
0x94: {  	s4 =	sld [smem:$0x3FFC];
	_ =	sdelay $0x3  }
0x95: {  	_ =	strace s4  }
0x96: {  	s4 =	sld [smem:$0x3FFD];
	_ =	sdelay $0x3  }
0x97: {  	_ =	strace s4  }
0x98: {  	_ =	strace $0x8FFFFFFF  }
0x99: {  	s19 =	sld [smem:$0x3FDB];
	_ =	sdelay $0x1  }
0x9a: {  	s5 =	simm.s32 $_scs_section_size  }
0x9b: {  	s6 =	simm.s32 $_size__tile_overlayer_lowered;
	s7 =	simm.s32 $_tile_overlayer_lowered  }
0x9c: {  	s22 =	simm.s32 $0x1BFF;
	s21 =	sshll.u32 s7, $0x1;
	s4 =	sadd.s32 s5, s19  }
0x9d: {  	s8 =	simm.s32 $0x0;
	s20 =	sshll.u32 s6, $0x1;
	s6 =	sadd.s32 s21, s4  }
0x9e: {  	[timem:s8], [sflag:s22] =	dma.local [hbm:s6], s20  }
0x9f: {  	_ =	swait.ge [sflag:s22], s20  }
0xa0: {  	s5 =	ssub.s32 $0x0, s20;
	[sflag:s22] =	ssyncset.done $0x0  }
0xa1: {  	[sflag:s22] =	ssyncadd.s32 s5;
	_ =	sdelay $0x1  }
0xa2: {  	s23 =	simm.s32 $0x1B8B  }
0xa3: {  	_ =	swait.ge [sflag:s23], $0x1  }
0xa4: {  	[sflag:s23] =	ssyncset.done $0x0  }
0xa5: {  	s25 =	simm.s32 $0x1B8E;
	s24 =	sld [smem:$0x3FFE];
	[sflag:s23] =	ssyncadd.s32 $0xFFFFFFFF  }
0xa6: {  	s26 =	simm.s32 $execute0_lowered;
	[smem:$0x3FD2] =	sst s25  }
0xa7: {  	s6 =	sshll.u32 s26, $0x1;
	_ =	strace $0x80000046;
	[dreg:$0x1] =	wrdreg $0xFFFFFFFF  }
0xa8: {  	s28 =	simm.s32 $_size_execute0_lowered;
	s4 =	sadd.s32 s4, s6;
	[dreg:$0x0] =	wrdreg $0x0  }
0xa9: {  	s6 =	sshll.u32 s28, $0x1;
	[dreg:$0x2] =	wrdreg s4  }
0xaa: {  	[dreg:$0x3] =	wrdreg s6  }
0xab: {  	[dreg:$0x4] =	wrdreg $0xC0  }
0xac: {  	_ =	task [dreg:s8], $0x5FFFF  }
0xad: {  	[dreg:$0x1] =	wrdreg $0xFFFFFFFF  }
0xae: {  	[dreg:$0x0] =	wrdreg $0x60  }
0xaf: {  	[dreg:$0x2] =	wrdreg s2  }
0xb0: {  	[dreg:$0x3] =	wrdreg s18  }
0xb1: {  	[dreg:$0x4] =	wrdreg s24  }
0xb2: {  	[dreg:$0x5] =	wrdreg $0x1CC000  }
0xb3: {  	[dreg:$0x6] =	wrdreg $0x9  }
0xb4: {  	_ =	task.clear_ibuf [dreg:s8], $0x7FFFF;
	_ =	strace $0x90000046  }
0xb5: {  	s29 =	simm.s32 $0x9;
	_ =	strace $0x80000048  }
0xb6: {  	_ =	swait.ge [sflag:s29], $0x1  }
0xb7: {  	[sflag:s29] =	ssyncadd.s32 $0xFFFFFFFF  }
0xb8: {  	_ =	strace $0x90000048  }
0xb9: {  	_ =	sfence  }
0xba: {  	s30 =	sld [smem:$0x0];
	_ =	sdelay $0x2  }
0xbb: {  	s31 =	sshll.u32 s1, $0xD;
	s1 =	sshrl.u32 s1, $0x2  }
0xbc: {  	s3 =	sand.u32 $0x4000, s31;
	s1 =	sadd.s32 s1, s30  }
0xbd: {  	s0 =	sor.u32 s3, s0;
	s1 =	sshll.u32 s1, $0x11  }
0xbe: {  	s0 =	sor.u32 s1, s0  }
0xbf: {  	s0 =	sadd.s32 $0x8F2B, s0  }
0xc0: {  	[sflag:s0] =	ssyncadd.remote.s32 $0x1  }
0xc1: {  	_ =	sfence.sel $0xFFFF  }
0xc2: {  	[dreg:$0x0] =	wrdreg $0xFFFFFFFF;
	(pc) =	sbr.abs _section_cstart, $3  }
0xc3: {  	[dreg:$0x1] =	wrdreg $0xFFFFFFFF  }
0xc4: {  	_ =	task.clear_ibuf [dreg:s8], $0x2FFFF;
	_ =	strace $0x9FFFFFFF  }
0xc5: {  	(tm) =	ssettm $0x7FFFFFFF  }
tec
execute0_lowered:
.L_overlay_start_1:
0x0: {  	(tag) =	ssettag $0x1  }
0x1: {  	s1 =	rddreg [dreg:$0x0]  }
0x2: {  	s5 =	rddreg [dreg:$0x1]  }
0x3: {  	s2 =	rddreg [dreg:$0x2]  }
0x4: {  	s3 =	rddreg [dreg:$0x3]  }
0x5: {  	s9 =	stileid.u32;
	s0 =	srdreg.scid;
	s4 =	simm.s32 $0x0  }
0x6: {  	s0 =	sand.u32 $0x1, s0;
	s6 =	sshll.u32 s9, $0x1;
	[smem:$0x7FF] =	sst s4  }
0x7: {  	s7 =	sshll.u32 s9, $0x9;
	s12 =	sshll.u32 s9, $0x6;
	[smem:$0x7F7] =	sst s0  }
0x8: {  	s6 =	sor.u32 s0, s6;
	s2 =	sadd.s32 s7, s2;
	s14 =	sor.u32 $0x1C10, s12  }
0x9: {  	_ =	strace $0x80000047;
	s11 =	smul.u32 $0x180, s6;
	[smem:$0x7E3] =	sst s12  }
0xa: {  	s8 =	sadd.s32 $0x1000, s2;
	s13 =	smul.u32 $0xC00, s6;
	[dreg:$0x6] =	wrdreg s14  }
0xb: {  	p0 =	por $0x0, $0x0;
	s6 =	smul.u32 $0xC000, s6;
	[dreg:$0x5] =	wrdreg s8  }
0xc: {  	s15 =	sadd.s32 s5, s11;
	s7 =	sor.u32 $0x80, s13;
	s8 =	sor.u32 $0x100, s13  }
0xd: {  	s9 =	sor.u32 $0x180, s13;
	s6 =	sadd.s32 s1, s6;
	[dreg:$0x7] =	wrdreg s15  }
0xe: {  	s16 =	sshrl.u32 s7, $0x3;
	s11 =	sshrl.u32 s8, $0x3;
	s18 =	sshrl.u32 s9, $0x3  }
0xf: {  	s7 =	sshll.u32 s7, $0x4;
	[dreg:$0x1f] =	wrdreg s6;
	s10 =	sadd.s32 s5, s16  }
0x10: {  	s9 =	sshll.u32 s9, $0x4;
	s17 =	sadd.s32 s5, s11;
	[dreg:$0x8] =	wrdreg s10  }
0x11: {  	s11 =	sadd.s32 s5, s18;
	s6 =	sadd.s32 s1, s7;
	[dreg:$0x9] =	wrdreg s17  }
0x12: {  	s7 =	sshll.u32 s8, $0x4;
	s10 =	sor.u32 $0x200, s13;
	[dreg:$0xa] =	wrdreg s11  }
0x13: {  	s11 =	sor.u32 $0x280, s13;
	[smem:$0x7E4] =	sst s6;
	s8 =	sadd.s32 s1, s7  }
0x14: {  	s12 =	sshrl.u32 s10, $0x3;
	s15 =	sshrl.u32 s11, $0x3;
	[smem:$0x7E5] =	sst s8  }
0x15: {  	s6 =	sshll.u32 s10, $0x4;
	s8 =	sshll.u32 s11, $0x4;
	s14 =	sadd.s32 s5, s12  }
0x16: {  	s12 =	sor.u32 $0x300, s13;
	s19 =	sadd.s32 s5, s15;
	[dreg:$0xb] =	wrdreg s14  }
0x17: {  	s7 =	sadd.s32 s1, s6;
	s20 =	sshrl.u32 s12, $0x3;
	[dreg:$0xc] =	wrdreg s19  }
0x18: {  	s14 =	sor.u32 $0x380, s13;
	[smem:$0x7E7] =	sst s7;
	s10 =	sshll.u32 s12, $0x4  }
0x19: {  	s15 =	sadd.s32 s5, s20;
	s16 =	sshrl.u32 s14, $0x3;
	s11 =	sadd.s32 s1, s10  }
0x1a: {  	s12 =	sshll.u32 s14, $0x4;
	[dreg:$0xd] =	wrdreg s15;
	s15 =	sadd.s32 $0x400, s13  }
0x1b: {  	s17 =	sadd.s32 s5, s16;
	s16 =	sadd.s32 $0x480, s13;
	[smem:$0x7E9] =	sst s11  }
0x1c: {  	s14 =	sadd.s32 s1, s12;
	s18 =	sshrl.u32 s15, $0x3;
	[dreg:$0xe] =	wrdreg s17  }
0x1d: {  	s22 =	sshrl.u32 s16, $0x3;
	s17 =	sadd.s32 $0x500, s13;
	s15 =	sshll.u32 s15, $0x4  }
0x1e: {  	[smem:$0x7EA] =	sst s14;
	s7 =	sshll.u32 s16, $0x4;
	s21 =	sadd.s32 s5, s18  }
0x1f: {  	s18 =	sadd.s32 s5, s22;
	s19 =	sshrl.u32 s17, $0x3;
	[dreg:$0xf] =	wrdreg s21  }
0x20: {  	s6 =	sadd.s32 s1, s15;
	[dreg:$0x10] =	wrdreg s18;
	s18 =	sadd.s32 $0x580, s13  }
0x21: {  	s20 =	sadd.s32 s5, s19;
	s19 =	sadd.s32 $0x600, s13;
	[smem:$0x7EB] =	sst s6  }
0x22: {  	s21 =	sshrl.u32 s18, $0x3;
	[dreg:$0x11] =	wrdreg s20;
	s24 =	sshrl.u32 s19, $0x3  }
0x23: {  	s20 =	sadd.s32 $0x680, s13;
	s11 =	sshll.u32 s18, $0x4;
	s14 =	sshll.u32 s19, $0x4  }
0x24: {  	s23 =	sadd.s32 s5, s21;
	s15 =	sadd.s32 s1, s14;
	s14 =	sld [smem:$0x7F7]  }
0x25: {  	s21 =	sadd.s32 s5, s24;
	s22 =	sshrl.u32 s20, $0x3;
	[dreg:$0x12] =	wrdreg s23  }
0x26: {  	s12 =	sadd.s32 s1, s11;
	s16 =	sshll.u32 s20, $0x4;
	[dreg:$0x13] =	wrdreg s21  }
0x27: {  	s21 =	sadd.s32 $0x700, s13;
	s23 =	sadd.s32 s5, s22;
	[smem:$0x7EE] =	sst s12  }
0x28: {  	s22 =	sadd.s32 $0x780, s13;
	[smem:$0x7EF] =	sst s15;
	s24 =	sshrl.u32 s21, $0x3  }
0x29: {  	[dreg:$0x14] =	wrdreg s23;
	s26 =	sshrl.u32 s22, $0x3;
	s23 =	sadd.s32 $0x800, s13  }
0x2a: {  	s18 =	sshll.u32 s21, $0x4;
	s20 =	sshll.u32 s22, $0x4;
	s25 =	sadd.s32 s5, s24  }
0x2b: {  	s24 =	sadd.s32 s5, s26;
	s19 =	sadd.s32 s1, s18;
	[dreg:$0x15] =	wrdreg s25  }
0x2c: {  	s21 =	sadd.s32 s1, s20;
	s22 =	sshll.u32 s23, $0x4;
	[dreg:$0x16] =	wrdreg s24  }
0x2d: {  	s15 =	ssub.s32 $0x2, s14;
	s25 =	sshrl.u32 s23, $0x3;
	[smem:$0x7F1] =	sst s19  }
0x2e: {  	s24 =	sadd.s32 $0x880, s13;
	[smem:$0x7F2] =	sst s21;
	s23 =	sadd.s32 s1, s22  }
0x2f: {  	s22 =	stileid.u32;
	s26 =	sadd.s32 s5, s25;
	s28 =	sshrl.u32 s24, $0x3  }
0x30: {  	s25 =	sadd.s32 $0x900, s13;
	s24 =	sshll.u32 s24, $0x4;
	[smem:$0x7F3] =	sst s23  }
0x31: {  	[dreg:$0x17] =	wrdreg s26;
	s0 =	sadd.s32 s5, s28;
	s28 =	sshrl.u32 s25, $0x3  }
0x32: {  	s26 =	sadd.s32 $0x980, s13;
	s6 =	sshll.u32 s25, $0x4;
	s28 =	sadd.s32 s5, s28  }
0x33: {  	s29 =	sshrl.u32 s26, $0x3;
	[dreg:$0x19] =	wrdreg s28;
	s28 =	sadd.s32 $0xA00, s13  }
0x34: {  	[dreg:$0x18] =	wrdreg s0;
	s30 =	sadd.s32 s5, s29;
	s31 =	sshrl.u32 s28, $0x3  }
0x35: {  	s29 =	sadd.s32 $0xA80, s13;
	[dreg:$0x1a] =	wrdreg s30;
	s30 =	sadd.s32 s5, s31  }
0x36: {  	s12 =	sshll.u32 s29, $0x4;
	s31 =	sshrl.u32 s29, $0x3;
	[dreg:$0x1b] =	wrdreg s30  }
0x37: {  	s31 =	sadd.s32 s5, s31;
	s30 =	sadd.s32 $0xB00, s13;
	s13 =	sadd.s32 $0xB80, s13  }
0x38: {  	[dreg:$0x1c] =	wrdreg s31;
	s31 =	sshrl.u32 s30, $0x3;
	s0 =	sshrl.u32 s13, $0x3  }
0x39: {  	s18 =	sshll.u32 s30, $0x4;
	s19 =	sshll.u32 s13, $0x4;
	s31 =	sadd.s32 s5, s31  }
0x3a: {  	s13 =	simm.s32 $0x4000;
	s0 =	sadd.s32 s5, s0;
	[dreg:$0x1d] =	wrdreg s31  }
0x3b: {  	s30 =	simm.s32 $0x8000;
	s5 =	sadd.s32 s1, s9;
	[dreg:$0x1e] =	wrdreg s0  }
0x3c: {  	s9 =	sadd.s32 s1, s8;
	s8 =	sadd.s32 s1, s7;
	[smem:$0x7E6] =	sst s5  }
0x3d: {  	s7 =	sadd.s32 s1, s6;
	s20 =	sadd.s32 s1, s19;
	[smem:$0x7E8] =	sst s9  }
0x3e: {  	s6 =	simm.s32 $0x3;
	s9 =	sshll.u32 s17, $0x4;
	[smem:$0x7EC] =	sst s8  }
0x3f: {  	s17 =	sadd.s32 s1, s16;
	s5 =	sadd.s32 s1, s24;
	[smem:$0x7F5] =	sst s7  }
0x40: {  	s8 =	sshll.u32 s26, $0x4;
	s16 =	sadd.s32 s1, s12;
	[smem:$0x7FB] =	sst s20  }
0x41: {  	s0 =	sadd.s32 s1, s18;
	s31 =	simm.s32 $0x8;
	s18 =	rddreg [dreg:$0x5]  }
0x42: {  	s7 =	simm.s32 $0xA;
	s12 =	simm.s32 $0x5;
	[smem:$0x7F0] =	sst s17  }
0x43: {  	s20 =	simm.s32 $0xE;
	s10 =	sadd.s32 s1, s9;
	[smem:$0x7F4] =	sst s5  }
0x44: {  	s9 =	sadd.s32 s1, s8;
	s17 =	sshrl.u32 s15, $0x1;
	[smem:$0x7F9] =	sst s16  }
0x45: {  	s8 =	sshll.u32 s14, $0xD;
	[smem:$0x7FA] =	sst s0;
	s0 =	simm.s32 $0xC000  }
0x46: {  	s5 =	simm.s32 $0x18000;
	s16 =	simm.s32 $0x80;
	[smem:$0x7ED] =	sst s10  }
0x47: {  	s10 =	sshll.u32 s28, $0x4;
	[smem:$0x7F6] =	sst s9;
	s21 =	sadd.s32 s8, s2  }
0x48: {  	s2 =	sshll.u32 s22, $0xC;
	s24 =	ssub.s32 s15, s17;
	s17 =	simm.s32 $0x10000  }
0x49: {  	s28 =	simm.s32 $0x14000;
	s9 =	simm.s32 $0x9;
	s25 =	smax.u32 s24, $0x1  }
0x4a: {  	s15 =	simm.s32 $0x4;
	s22 =	simm.s32 $0xD;
	p1 =	sne.s32 s25, $0x1  }
.Ltmp0:
0x4b: {  	s11 =	sadd.s32 s1, s10;
	s23 =	sadd.s32 $0x3000, s21;
	(pc) =	sbr.rel @!p1 .LBB2_1-.Ltmp0, $4  }
0x4c: {  	s2 =	sadd.s32 s2, s3;
	s24 =	simm.s32 $0x1;
	s21 =	simm.s32 $0x2  }
0x4d: {  	s10 =	simm.s32 $0x6;
	s1 =	simm.s32 $0x7;
	[smem:$0x7F8] =	sst s11  }
0x4e: {  	[smem:$0x7FC] =	sst s23;
	s26 =	sshrl.u32 s2, $0x3;
	s29 =	sadd.s32 $0xFFFFFFFF, s25  }
0x4f: {  	s23 =	simm.s32 $0xC;
	s11 =	simm.s32 $0xF;
	[smem:$0x7FD] =	sst s26  }
0x50: {  	[smem:$0x7E2] =	sst s29  }
0x51: {  	s29 =	sld [smem:$0x7FD];
	_ =	sdelay $0x1  }
0x52: {  	s2 =	rddreg [dreg:$0x6]  }
0x53: {  	[spmem:s29], [sflag:s2] =	dma.local [hbm:s18], $0x200  }
0x54: {  	s2 =	rddreg [dreg:$0x7]  }
0x55: {  	s25 =	simm.s32 $0x1C000;
	s18 =	rddreg [dreg:$0x8]  }
0x56: {  	[tilespmem:s25], [sflag:$0x8] =	stream.linear.gather [hbm4b:s2+s4], $0x80, $0x38;
	[tilespmem:$0x1DC00] =	vst v63  }
0x57: {  	s30 =	simm.s32 $0x1C080;
	s10 =	rddreg [dreg:$0x9]  }
0x58: {  	[tilespmem:s30], [sflag:$0x8] =	stream.linear.gather [hbm4b:s18+s4], $0x80, $0x38;
	[tilespmem:$0x1DC00] =	vst v63  }
0x59: {  	s11 =	simm.s32 $0x1C100;
	s12 =	rddreg [dreg:$0xa]  }
0x5a: {  	[tilespmem:s11], [sflag:$0x8] =	stream.linear.gather [hbm4b:s10+s4], $0x80, $0x38;
	[tilespmem:$0x1DC00] =	vst v63  }
0x5b: {  	s14 =	simm.s32 $0x1C180;
	s15 =	rddreg [dreg:$0xb]  }
0x5c: {  	[tilespmem:s14], [sflag:$0x8] =	stream.linear.gather [hbm4b:s12+s4], $0x80, $0x38;
	[tilespmem:$0x1DC00] =	vst v63  }
0x5d: {  	s0 =	simm.s32 $0x1C200;
	s20 =	rddreg [dreg:$0xc]  }
0x5e: {  	[tilespmem:s0], [sflag:$0x8] =	stream.linear.gather [hbm4b:s15+s4], $0x80, $0x38;
	[tilespmem:$0x1DC00] =	vst v63  }
0x5f: {  	s23 =	simm.s32 $0x1C280;
	s22 =	rddreg [dreg:$0xd]  }
0x60: {  	[tilespmem:s23], [sflag:$0x8] =	stream.linear.gather [hbm4b:s20+s4], $0x80, $0x38;
	[tilespmem:$0x1DC00] =	vst v63  }
0x61: {  	s1 =	simm.s32 $0x1C300;
	s28 =	rddreg [dreg:$0xe]  }
0x62: {  	[tilespmem:s1], [sflag:$0x8] =	stream.linear.gather [hbm4b:s22+s4], $0x80, $0x38;
	[tilespmem:$0x1DC00] =	vst v63  }
0x63: {  	s2 =	rddreg [dreg:$0xf];
	s10 =	simm.s32 $0x1C380  }
0x64: {  	[tilespmem:s10], [sflag:$0x8] =	stream.linear.gather [hbm4b:s28+s4], $0x80, $0x38;
	[tilespmem:$0x1DC00] =	vst v63  }
0x65: {  	s18 =	rddreg [dreg:$0x10];
	s28 =	simm.s32 $0x1C400  }
0x66: {  	[tilespmem:s28], [sflag:$0x8] =	stream.linear.gather [hbm4b:s2+s4], $0x80, $0x38;
	[tilespmem:$0x1DC00] =	vst v63  }
0x67: {  	s2 =	rddreg [dreg:$0x11];
	s28 =	simm.s32 $0x1C480  }
0x68: {  	[tilespmem:s28], [sflag:$0x8] =	stream.linear.gather [hbm4b:s18+s4], $0x80, $0x38;
	[tilespmem:$0x1DC00] =	vst v63  }
0x69: {  	s18 =	rddreg [dreg:$0x12];
	s28 =	simm.s32 $0x1C500  }
0x6a: {  	[tilespmem:s28], [sflag:$0x8] =	stream.linear.gather [hbm4b:s2+s4], $0x80, $0x38;
	[tilespmem:$0x1DC00] =	vst v63  }
0x6b: {  	s2 =	rddreg [dreg:$0x13];
	s28 =	simm.s32 $0x1C580  }
0x6c: {  	[tilespmem:s28], [sflag:$0x8] =	stream.linear.gather [hbm4b:s18+s4], $0x80, $0x38;
	[tilespmem:$0x1DC00] =	vst v63  }
0x6d: {  	s18 =	rddreg [dreg:$0x14];
	s28 =	simm.s32 $0x1C600  }
0x6e: {  	[tilespmem:s28], [sflag:$0x8] =	stream.linear.gather [hbm4b:s2+s4], $0x80, $0x38;
	[tilespmem:$0x1DC00] =	vst v63  }
0x6f: {  	s2 =	rddreg [dreg:$0x15];
	s28 =	simm.s32 $0x1C680  }
0x70: {  	[tilespmem:s28], [sflag:$0x8] =	stream.linear.gather [hbm4b:s18+s4], $0x80, $0x38;
	[tilespmem:$0x1DC00] =	vst v63  }
0x71: {  	s18 =	rddreg [dreg:$0x16];
	s28 =	simm.s32 $0x1C700  }
0x72: {  	[tilespmem:s28], [sflag:$0x8] =	stream.linear.gather [hbm4b:s2+s4], $0x80, $0x38;
	[tilespmem:$0x1DC00] =	vst v63  }
0x73: {  	s2 =	rddreg [dreg:$0x17];
	s28 =	simm.s32 $0x1C780  }
0x74: {  	[tilespmem:s28], [sflag:$0x8] =	stream.linear.gather [hbm4b:s18+s4], $0x80, $0x38;
	[tilespmem:$0x1DC00] =	vst v63  }
0x75: {  	s18 =	rddreg [dreg:$0x18];
	s28 =	simm.s32 $0x1C800  }
0x76: {  	[tilespmem:s28], [sflag:$0x8] =	stream.linear.gather [hbm4b:s2+s4], $0x80, $0x38;
	[tilespmem:$0x1DC00] =	vst v63  }
0x77: {  	s2 =	rddreg [dreg:$0x19];
	s28 =	simm.s32 $0x1C880  }
0x78: {  	[tilespmem:s28], [sflag:$0x8] =	stream.linear.gather [hbm4b:s18+s4], $0x80, $0x38;
	[tilespmem:$0x1DC00] =	vst v63  }
0x79: {  	s18 =	rddreg [dreg:$0x1a];
	s28 =	simm.s32 $0x1C900  }
0x7a: {  	[tilespmem:s28], [sflag:$0x8] =	stream.linear.gather [hbm4b:s2+s4], $0x80, $0x38;
	[tilespmem:$0x1DC00] =	vst v63  }
0x7b: {  	s2 =	rddreg [dreg:$0x1b];
	s28 =	simm.s32 $0x1C980  }
0x7c: {  	[tilespmem:s28], [sflag:$0x8] =	stream.linear.gather [hbm4b:s18+s4], $0x80, $0x38;
	[tilespmem:$0x1DC00] =	vst v63  }
0x7d: {  	s18 =	rddreg [dreg:$0x1c];
	s28 =	simm.s32 $0x1CA00  }
0x7e: {  	[tilespmem:s28], [sflag:$0x8] =	stream.linear.gather [hbm4b:s2+s4], $0x80, $0x38;
	[tilespmem:$0x1DC00] =	vst v63  }
0x7f: {  	s2 =	rddreg [dreg:$0x1d];
	s28 =	simm.s32 $0x1CA80  }
0x80: {  	[tilespmem:s28], [sflag:$0x8] =	stream.linear.gather [hbm4b:s18+s4], $0x80, $0x38;
	[tilespmem:$0x1DC00] =	vst v63  }
0x81: {  	s18 =	rddreg [dreg:$0x1e];
	s28 =	simm.s32 $0x1CB00  }
0x82: {  	[tilespmem:s28], [sflag:$0x8] =	stream.linear.gather [hbm4b:s2+s4], $0x80, $0x38;
	[tilespmem:$0x1DC00] =	vst v63  }
0x83: {  	s2 =	rddreg [dreg:$0x1f];
	s28 =	simm.s32 $0x1CB80  }
0x84: {  	[tilespmem:s28], [sflag:$0x8] =	stream.linear.gather [hbm4b:s18+s4], $0x80, $0x38;
	[tilespmem:$0x1DC00] =	vst v63  }
0x85: {  	s18 =	sld [smem:$0x7E4]  }
0x86: {  	[tilespmem:s4], [sflag:$0x1] =	stream.linear.gather [hbm4b:s2+s4], $0x4000, $0x38;
	[tilespmem:$0x1DC00] =	vst v63  }
0x87: {  	s8 =	simm.s32 $0x4000;
	s2 =	sld [smem:$0x7E5]  }
0x88: {  	[tilespmem:s8], [sflag:$0x2] =	stream.linear.gather [hbm4b:s18+s4], $0x4000, $0x38;
	[tilespmem:$0x1DC00] =	vst v63  }
0x89: {  	s6 =	simm.s32 $0x8000;
	s18 =	sld [smem:$0x7E6]  }
0x8a: {  	[tilespmem:s6], [sflag:$0x3] =	stream.linear.gather [hbm4b:s2+s4], $0x4000, $0x38;
	[tilespmem:$0x1DC00] =	vst v63  }
0x8b: {  	s5 =	simm.s32 $0xC000;
	s2 =	sld [smem:$0x7E7]  }
0x8c: {  	[tilespmem:s5], [sflag:$0x4] =	stream.linear.gather [hbm4b:s18+s4], $0x4000, $0x38;
	[tilespmem:$0x1DC00] =	vst v63  }
0x8d: {  	s7 =	simm.s32 $0x10000;
	s18 =	sld [smem:$0x7E8]  }
0x8e: {  	[tilespmem:s7], [sflag:$0x5] =	stream.linear.gather [hbm4b:s2+s4], $0x4000, $0x38;
	[tilespmem:$0x1DC00] =	vst v63  }
0x8f: {  	s13 =	simm.s32 $0x14000;
	s2 =	sld [smem:$0x7E9]  }
0x90: {  	[tilespmem:s13], [sflag:$0x6] =	stream.linear.gather [hbm4b:s18+s4], $0x4000, $0x38;
	[tilespmem:$0x1DC00] =	vst v63  }
0x91: {  	s19 =	simm.s32 $0x18000  }
0x92: {  	[tilespmem:s19], [sflag:$0x7] =	stream.linear.gather [hbm4b:s2+s4], $0x4000, $0x38;
	[tilespmem:$0x1DC00] =	vst v63  }
0x93: {  	_ =	swait.ge [sflag:s31], $0x80  }
0x94: {  	[sflag:s31] =	ssyncset.done $0x0  }
0x95: {  	[sflag:s31] =	ssyncadd.s32 $0xFFFFFF80  }
0x96: {  	_ =	swait.ge [sflag:s31], $0x80  }
0x97: {  	[sflag:s31] =	ssyncset.done $0x0  }
0x98: {  	[sflag:s31] =	ssyncadd.s32 $0xFFFFFF80  }
0x99: {  	_ =	swait.ge [sflag:s31], $0x80  }
0x9a: {  	[sflag:s31] =	ssyncset.done $0x0  }
0x9b: {  	[sflag:s31] =	ssyncadd.s32 $0xFFFFFF80  }
0x9c: {  	_ =	swait.ge [sflag:s31], $0x80  }
0x9d: {  	[sflag:s31] =	ssyncset.done $0x0  }
0x9e: {  	[sflag:s31] =	ssyncadd.s32 $0xFFFFFF80  }
0x9f: {  	_ =	swait.ge [sflag:s31], $0x80  }
0xa0: {  	[sflag:s31] =	ssyncset.done $0x0  }
0xa1: {  	[sflag:s31] =	ssyncadd.s32 $0xFFFFFF80  }
0xa2: {  	_ =	swait.ge [sflag:s31], $0x80  }
0xa3: {  	[sflag:s31] =	ssyncset.done $0x0  }
0xa4: {  	[sflag:s31] =	ssyncadd.s32 $0xFFFFFF80  }
0xa5: {  	_ =	swait.ge [sflag:s31], $0x80  }
0xa6: {  	[sflag:s31] =	ssyncset.done $0x0  }
0xa7: {  	[sflag:s31] =	ssyncadd.s32 $0xFFFFFF80  }
0xa8: {  	_ =	swait.ge [sflag:s31], $0x80  }
0xa9: {  	[sflag:s31] =	ssyncset.done $0x0  }
0xaa: {  	[sflag:s31] =	ssyncadd.s32 $0xFFFFFF80  }
0xab: {  	_ =	swait.ge [sflag:s31], $0x80  }
0xac: {  	[sflag:s31] =	ssyncset.done $0x0  }
0xad: {  	[sflag:s31] =	ssyncadd.s32 $0xFFFFFF80  }
0xae: {  	_ =	swait.ge [sflag:s31], $0x80  }
0xaf: {  	[sflag:s31] =	ssyncset.done $0x0  }
0xb0: {  	[sflag:s31] =	ssyncadd.s32 $0xFFFFFF80  }
0xb1: {  	_ =	swait.ge [sflag:s31], $0x80  }
0xb2: {  	[sflag:s31] =	ssyncset.done $0x0  }
0xb3: {  	[sflag:s31] =	ssyncadd.s32 $0xFFFFFF80  }
0xb4: {  	_ =	swait.ge [sflag:s31], $0x80  }
0xb5: {  	[sflag:s31] =	ssyncset.done $0x0  }
0xb6: {  	[sflag:s31] =	ssyncadd.s32 $0xFFFFFF80  }
0xb7: {  	_ =	swait.ge [sflag:s31], $0x80  }
0xb8: {  	[sflag:s31] =	ssyncset.done $0x0  }
0xb9: {  	[sflag:s31] =	ssyncadd.s32 $0xFFFFFF80  }
0xba: {  	_ =	swait.ge [sflag:s31], $0x80  }
0xbb: {  	[sflag:s31] =	ssyncset.done $0x0  }
0xbc: {  	[sflag:s31] =	ssyncadd.s32 $0xFFFFFF80  }
0xbd: {  	_ =	swait.ge [sflag:s31], $0x80  }
0xbe: {  	[sflag:s31] =	ssyncset.done $0x0  }
0xbf: {  	[sflag:s31] =	ssyncadd.s32 $0xFFFFFF80  }
0xc0: {  	_ =	swait.ge [sflag:s31], $0x80  }
0xc1: {  	[sflag:s31] =	ssyncset.done $0x0  }
0xc2: {  	[sflag:s31] =	ssyncadd.s32 $0xFFFFFF80  }
0xc3: {  	_ =	swait.ge [sflag:s31], $0x80  }
0xc4: {  	[sflag:s31] =	ssyncset.done $0x0  }
0xc5: {  	[sflag:s31] =	ssyncadd.s32 $0xFFFFFF80  }
0xc6: {  	_ =	swait.ge [sflag:s31], $0x80  }
0xc7: {  	[sflag:s31] =	ssyncset.done $0x0  }
0xc8: {  	[sflag:s31] =	ssyncadd.s32 $0xFFFFFF80  }
0xc9: {  	_ =	swait.ge [sflag:s31], $0x80  }
0xca: {  	[sflag:s31] =	ssyncset.done $0x0  }
0xcb: {  	[sflag:s31] =	ssyncadd.s32 $0xFFFFFF80  }
0xcc: {  	_ =	swait.ge [sflag:s31], $0x80  }
0xcd: {  	[sflag:s31] =	ssyncset.done $0x0  }
0xce: {  	[sflag:s31] =	ssyncadd.s32 $0xFFFFFF80  }
0xcf: {  	_ =	swait.ge [sflag:s31], $0x80  }
0xd0: {  	[sflag:s31] =	ssyncset.done $0x0  }
0xd1: {  	[sflag:s31] =	ssyncadd.s32 $0xFFFFFF80  }
0xd2: {  	_ =	swait.ge [sflag:s31], $0x80  }
0xd3: {  	[sflag:s31] =	ssyncset.done $0x0  }
0xd4: {  	[sflag:s31] =	ssyncadd.s32 $0xFFFFFF80  }
0xd5: {  	_ =	swait.ge [sflag:s31], $0x80  }
0xd6: {  	[sflag:s31] =	ssyncset.done $0x0  }
0xd7: {  	[sflag:s31] =	ssyncadd.s32 $0xFFFFFF80  }
0xd8: {  	_ =	swait.ge [sflag:s31], $0x80  }
0xd9: {  	[sflag:s31] =	ssyncset.done $0x0  }
0xda: {  	s18 =	simm.s32 $0x10;
	[sflag:s31] =	ssyncadd.s32 $0xFFFFFF80  }
0xdb: {  	_ =	swait.ge [sflag:s18], $0x200  }
0xdc: {  	[sflag:s18] =	ssyncset.done $0x0  }
0xdd: {  	[sflag:s18] =	ssyncadd.s32 $0xFFFFFE00  }
0xde: {  	s17 =	simm.s32 $0x1;
	[bflag:$0x0] =	sbarrier.arrive $0xFFFF  }
0xdf: {  	_ =	swait.ge [sflag:s17], $0x4000  }
0xe0: {  	[sflag:s17] =	ssyncset.done $0x0  }
0xe1: {  	s26 =	simm.s32 $0x2;
	[sflag:s17] =	ssyncadd.s32 $0xFFFFC000  }
0xe2: {  	[spmem:s3] =	stream.indirect.scatter.add.f32 [tilespmem:s4], [sflag:$0x9], $0x80, s25, s16, $0xb8;
	[tilespmem:$0x1DC00] =	vst v63  }
0xe3: {  	_ =	swait.ge [sflag:s26], $0x4000  }
0xe4: {  	[sflag:s26] =	ssyncset.done $0x0  }
0xe5: {  	s21 =	simm.s32 $0x9;
	[sflag:s26] =	ssyncadd.s32 $0xFFFFC000  }
0xe6: {  	[spmem:s3] =	stream.indirect.scatter.add.f32 [tilespmem:s8], [sflag:$0xA], $0x80, s30, s16, $0xb8;
	[tilespmem:$0x1DC00] =	vst v63  }
0xe7: {  	_ =	swait.ge [sflag:s21], $0x4000  }
0xe8: {  	s30 =	sld [smem:$0x7EA]  }
0xe9: {  	[sflag:s21] =	ssyncset.done $0x0  }
0xea: {  	s24 =	simm.s32 $0x3;
	[sflag:s21] =	ssyncadd.s32 $0xFFFFC000  }
0xeb: {  	[tilespmem:s4], [sflag:$0x1] =	stream.linear.gather [hbm4b:s30+s4], $0x4000, $0x38;
	[tilespmem:$0x1DC00] =	vst v63  }
0xec: {  	_ =	swait.ge [sflag:s24], $0x4000  }
0xed: {  	[sflag:s24] =	ssyncset.done $0x0  }
0xee: {  	s9 =	simm.s32 $0xA;
	[sflag:s24] =	ssyncadd.s32 $0xFFFFC000  }
0xef: {  	[spmem:s3] =	stream.indirect.scatter.add.f32 [tilespmem:s6], [sflag:$0xB], $0x80, s11, s16, $0xb8;
	[tilespmem:$0x1DC00] =	vst v63  }
0xf0: {  	_ =	swait.ge [sflag:s9], $0x4000  }
0xf1: {  	s11 =	sld [smem:$0x7EB]  }
0xf2: {  	[sflag:s9] =	ssyncset.done $0x0  }
0xf3: {  	s1 =	simm.s32 $0x4;
	[sflag:s9] =	ssyncadd.s32 $0xFFFFC000  }
0xf4: {  	[tilespmem:s8], [sflag:$0x2] =	stream.linear.gather [hbm4b:s11+s4], $0x4000, $0x38;
	[tilespmem:$0x1DC00] =	vst v63  }
0xf5: {  	_ =	swait.ge [sflag:s1], $0x4000  }
0xf6: {  	[sflag:s1] =	ssyncset.done $0x0  }
0xf7: {  	s0 =	simm.s32 $0xB;
	[sflag:s1] =	ssyncadd.s32 $0xFFFFC000  }
0xf8: {  	[spmem:s3] =	stream.indirect.scatter.add.f32 [tilespmem:s5], [sflag:$0xC], $0x80, s14, s16, $0xb8;
	[tilespmem:$0x1DC00] =	vst v63  }
0xf9: {  	_ =	swait.ge [sflag:s0], $0x4000  }
0xfa: {  	s14 =	sld [smem:$0x7EC]  }
0xfb: {  	[sflag:s0] =	ssyncset.done $0x0  }
0xfc: {  	s15 =	simm.s32 $0x5;
	[sflag:s0] =	ssyncadd.s32 $0xFFFFC000  }
0xfd: {  	[tilespmem:s6], [sflag:$0x3] =	stream.linear.gather [hbm4b:s14+s4], $0x4000, $0x38;
	[tilespmem:$0x1DC00] =	vst v63  }
0xfe: {  	_ =	swait.ge [sflag:s15], $0x4000  }
0xff: {  	[sflag:s15] =	ssyncset.done $0x0  }
0x100: {  	s10 =	simm.s32 $0xC;
	s18 =	simm.s32 $0x1C200;
	[sflag:s15] =	ssyncadd.s32 $0xFFFFC000  }
0x101: {  	[spmem:s3] =	stream.indirect.scatter.add.f32 [tilespmem:s7], [sflag:$0xD], $0x80, s18, s16, $0xb8;
	[tilespmem:$0x1DC00] =	vst v63  }
0x102: {  	_ =	swait.ge [sflag:s10], $0x4000  }
0x103: {  	s25 =	sld [smem:$0x7ED]  }
0x104: {  	[sflag:s10] =	ssyncset.done $0x0  }
0x105: {  	s12 =	simm.s32 $0x6;
	[sflag:s10] =	ssyncadd.s32 $0xFFFFC000  }
0x106: {  	[tilespmem:s5], [sflag:$0x4] =	stream.linear.gather [hbm4b:s25+s4], $0x4000, $0x38;
	[tilespmem:$0x1DC00] =	vst v63  }
0x107: {  	_ =	swait.ge [sflag:s12], $0x4000  }
0x108: {  	[sflag:s12] =	ssyncset.done $0x0  }
0x109: {  	s23 =	simm.s32 $0xD;
	s30 =	simm.s32 $0x1C280;
	[sflag:s12] =	ssyncadd.s32 $0xFFFFC000  }
0x10a: {  	[spmem:s3] =	stream.indirect.scatter.add.f32 [tilespmem:s13], [sflag:$0xE], $0x80, s30, s16, $0xb8;
	[tilespmem:$0x1DC00] =	vst v63  }
0x10b: {  	_ =	swait.ge [sflag:s23], $0x4000  }
0x10c: {  	s0 =	sld [smem:$0x7EE]  }
0x10d: {  	[sflag:s23] =	ssyncset.done $0x0  }
0x10e: {  	s1 =	simm.s32 $0x7;
	[sflag:s23] =	ssyncadd.s32 $0xFFFFC000  }
0x10f: {  	[tilespmem:s7], [sflag:$0x5] =	stream.linear.gather [hbm4b:s0+s4], $0x4000, $0x38;
	[tilespmem:$0x1DC00] =	vst v63  }
0x110: {  	_ =	swait.ge [sflag:s1], $0x4000  }
0x111: {  	[sflag:s1] =	ssyncset.done $0x0  }
0x112: {  	s22 =	simm.s32 $0xE;
	s2 =	simm.s32 $0x1C300;
	[sflag:s1] =	ssyncadd.s32 $0xFFFFC000  }
0x113: {  	[spmem:s3] =	stream.indirect.scatter.add.f32 [tilespmem:s19], [sflag:$0xF], $0x80, s2, s16, $0xb8;
	[tilespmem:$0x1DC00] =	vst v63  }
0x114: {  	_ =	swait.ge [sflag:s22], $0x4000  }
0x115: {  	s10 =	sld [smem:$0x7EF]  }
0x116: {  	[sflag:s22] =	ssyncset.done $0x0  }
0x117: {  	[sflag:s22] =	ssyncadd.s32 $0xFFFFC000  }
0x118: {  	[tilespmem:s13], [sflag:$0x6] =	stream.linear.gather [hbm4b:s10+s4], $0x4000, $0x38;
	[tilespmem:$0x1DC00] =	vst v63  }
0x119: {  	_ =	swait.ge [sflag:s17], $0x4000  }
0x11a: {  	[sflag:s17] =	ssyncset.done $0x0  }
0x11b: {  	s20 =	simm.s32 $0xF;
	s11 =	simm.s32 $0x1C380;
	[sflag:s17] =	ssyncadd.s32 $0xFFFFC000  }
0x11c: {  	[spmem:s3] =	stream.indirect.scatter.add.f32 [tilespmem:s4], [sflag:$0x9], $0x80, s11, s16, $0xb8;
	[tilespmem:$0x1DC00] =	vst v63  }
0x11d: {  	_ =	swait.ge [sflag:s20], $0x4000  }
0x11e: {  	s14 =	sld [smem:$0x7F0]  }
0x11f: {  	[sflag:s20] =	ssyncset.done $0x0  }
0x120: {  	[sflag:s20] =	ssyncadd.s32 $0xFFFFC000  }
0x121: {  	[tilespmem:s19], [sflag:$0x7] =	stream.linear.gather [hbm4b:s14+s4], $0x4000, $0x38;
	[tilespmem:$0x1DC00] =	vst v63  }
0x122: {  	_ =	swait.ge [sflag:s26], $0x4000  }
0x123: {  	[sflag:s26] =	ssyncset.done $0x0  }
0x124: {  	s18 =	simm.s32 $0x1C400;
	[sflag:s26] =	ssyncadd.s32 $0xFFFFC000  }
0x125: {  	[spmem:s3] =	stream.indirect.scatter.add.f32 [tilespmem:s8], [sflag:$0xA], $0x80, s18, s16, $0xb8;
	[tilespmem:$0x1DC00] =	vst v63  }
0x126: {  	_ =	swait.ge [sflag:s21], $0x4000  }
0x127: {  	s25 =	sld [smem:$0x7F1]  }
0x128: {  	[sflag:s21] =	ssyncset.done $0x0  }
0x129: {  	[sflag:s21] =	ssyncadd.s32 $0xFFFFC000  }
0x12a: {  	[tilespmem:s4], [sflag:$0x1] =	stream.linear.gather [hbm4b:s25+s4], $0x4000, $0x38;
	[tilespmem:$0x1DC00] =	vst v63  }
0x12b: {  	_ =	swait.ge [sflag:s24], $0x4000  }
0x12c: {  	[sflag:s24] =	ssyncset.done $0x0  }
0x12d: {  	s30 =	simm.s32 $0x1C480;
	[sflag:s24] =	ssyncadd.s32 $0xFFFFC000  }
0x12e: {  	[spmem:s3] =	stream.indirect.scatter.add.f32 [tilespmem:s6], [sflag:$0xB], $0x80, s30, s16, $0xb8;
	[tilespmem:$0x1DC00] =	vst v63  }
0x12f: {  	_ =	swait.ge [sflag:s9], $0x4000  }
0x130: {  	s14 =	sld [smem:$0x7F2]  }
0x131: {  	[sflag:s9] =	ssyncset.done $0x0  }
0x132: {  	s15 =	simm.s32 $0x4;
	[sflag:s9] =	ssyncadd.s32 $0xFFFFC000  }
0x133: {  	[tilespmem:s8], [sflag:$0x2] =	stream.linear.gather [hbm4b:s14+s4], $0x4000, $0x38;
	[tilespmem:$0x1DC00] =	vst v63  }
0x134: {  	_ =	swait.ge [sflag:s15], $0x4000  }
0x135: {  	[sflag:s15] =	ssyncset.done $0x0  }
0x136: {  	s0 =	simm.s32 $0xB;
	s18 =	simm.s32 $0x1C500;
	[sflag:s15] =	ssyncadd.s32 $0xFFFFC000  }
0x137: {  	[spmem:s3] =	stream.indirect.scatter.add.f32 [tilespmem:s5], [sflag:$0xC], $0x80, s18, s16, $0xb8;
	[tilespmem:$0x1DC00] =	vst v63  }
0x138: {  	_ =	swait.ge [sflag:s0], $0x4000  }
0x139: {  	s25 =	sld [smem:$0x7F3]  }
0x13a: {  	[sflag:s0] =	ssyncset.done $0x0  }
0x13b: {  	s12 =	simm.s32 $0x5;
	[sflag:s0] =	ssyncadd.s32 $0xFFFFC000  }
0x13c: {  	[tilespmem:s6], [sflag:$0x3] =	stream.linear.gather [hbm4b:s25+s4], $0x4000, $0x38;
	[tilespmem:$0x1DC00] =	vst v63  }
0x13d: {  	_ =	swait.ge [sflag:s12], $0x4000  }
0x13e: {  	[sflag:s12] =	ssyncset.done $0x0  }
0x13f: {  	s23 =	simm.s32 $0xC;
	s30 =	simm.s32 $0x1C580;
	[sflag:s12] =	ssyncadd.s32 $0xFFFFC000  }
0x140: {  	[spmem:s3] =	stream.indirect.scatter.add.f32 [tilespmem:s7], [sflag:$0xD], $0x80, s30, s16, $0xb8;
	[tilespmem:$0x1DC00] =	vst v63  }
0x141: {  	_ =	swait.ge [sflag:s23], $0x4000  }
0x142: {  	s14 =	sld [smem:$0x7F4]  }
0x143: {  	[sflag:s23] =	ssyncset.done $0x0  }
0x144: {  	s10 =	simm.s32 $0x6;
	[sflag:s23] =	ssyncadd.s32 $0xFFFFC000  }
0x145: {  	[tilespmem:s5], [sflag:$0x4] =	stream.linear.gather [hbm4b:s14+s4], $0x4000, $0x38;
	[tilespmem:$0x1DC00] =	vst v63  }
0x146: {  	_ =	swait.ge [sflag:s10], $0x4000  }
0x147: {  	[sflag:s10] =	ssyncset.done $0x0  }
0x148: {  	s22 =	simm.s32 $0xD;
	s18 =	simm.s32 $0x1C600;
	[sflag:s10] =	ssyncadd.s32 $0xFFFFC000  }
0x149: {  	[spmem:s3] =	stream.indirect.scatter.add.f32 [tilespmem:s13], [sflag:$0xE], $0x80, s18, s16, $0xb8;
	[tilespmem:$0x1DC00] =	vst v63  }
0x14a: {  	_ =	swait.ge [sflag:s22], $0x4000  }
0x14b: {  	s25 =	sld [smem:$0x7F5]  }
0x14c: {  	[sflag:s22] =	ssyncset.done $0x0  }
0x14d: {  	[sflag:s22] =	ssyncadd.s32 $0xFFFFC000  }
0x14e: {  	[tilespmem:s7], [sflag:$0x5] =	stream.linear.gather [hbm4b:s25+s4], $0x4000, $0x38;
	[tilespmem:$0x1DC00] =	vst v63  }
0x14f: {  	_ =	swait.ge [sflag:s1], $0x4000  }
0x150: {  	[sflag:s1] =	ssyncset.done $0x0  }
0x151: {  	s20 =	simm.s32 $0xE;
	s30 =	simm.s32 $0x1C680;
	[sflag:s1] =	ssyncadd.s32 $0xFFFFC000  }
0x152: {  	[spmem:s3] =	stream.indirect.scatter.add.f32 [tilespmem:s19], [sflag:$0xF], $0x80, s30, s16, $0xb8;
	[tilespmem:$0x1DC00] =	vst v63  }
0x153: {  	_ =	swait.ge [sflag:s20], $0x4000  }
0x154: {  	s14 =	sld [smem:$0x7F6]  }
0x155: {  	[sflag:s20] =	ssyncset.done $0x0  }
0x156: {  	[sflag:s20] =	ssyncadd.s32 $0xFFFFC000  }
0x157: {  	[tilespmem:s13], [sflag:$0x6] =	stream.linear.gather [hbm4b:s14+s4], $0x4000, $0x38;
	[tilespmem:$0x1DC00] =	vst v63  }
0x158: {  	_ =	swait.ge [sflag:s17], $0x4000  }
0x159: {  	[sflag:s17] =	ssyncset.done $0x0  }
0x15a: {  	s11 =	simm.s32 $0xF;
	s18 =	simm.s32 $0x1C700;
	[sflag:s17] =	ssyncadd.s32 $0xFFFFC000  }
0x15b: {  	[spmem:s3] =	stream.indirect.scatter.add.f32 [tilespmem:s4], [sflag:$0x9], $0x80, s18, s16, $0xb8;
	[tilespmem:$0x1DC00] =	vst v63  }
0x15c: {  	_ =	swait.ge [sflag:s11], $0x4000  }
0x15d: {  	s25 =	sld [smem:$0x7F8]  }
0x15e: {  	[sflag:s11] =	ssyncset.done $0x0  }
0x15f: {  	[sflag:s11] =	ssyncadd.s32 $0xFFFFC000  }
0x160: {  	[tilespmem:s19], [sflag:$0x7] =	stream.linear.gather [hbm4b:s25+s4], $0x4000, $0x38;
	[tilespmem:$0x1DC00] =	vst v63  }
0x161: {  	_ =	swait.ge [sflag:s26], $0x4000  }
0x162: {  	[sflag:s26] =	ssyncset.done $0x0  }
0x163: {  	s30 =	simm.s32 $0x1C780;
	[sflag:s26] =	ssyncadd.s32 $0xFFFFC000  }
0x164: {  	[spmem:s3] =	stream.indirect.scatter.add.f32 [tilespmem:s8], [sflag:$0xA], $0x80, s30, s16, $0xb8;
	[tilespmem:$0x1DC00] =	vst v63  }
0x165: {  	_ =	swait.ge [sflag:s21], $0x4000  }
0x166: {  	s14 =	sld [smem:$0x7F9]  }
0x167: {  	[sflag:s21] =	ssyncset.done $0x0  }
0x168: {  	[sflag:s21] =	ssyncadd.s32 $0xFFFFC000  }
0x169: {  	[tilespmem:s4], [sflag:$0x1] =	stream.linear.gather [hbm4b:s14+s4], $0x4000, $0x38;
	[tilespmem:$0x1DC00] =	vst v63  }
0x16a: {  	_ =	swait.ge [sflag:s24], $0x4000  }
0x16b: {  	[sflag:s24] =	ssyncset.done $0x0  }
0x16c: {  	s18 =	simm.s32 $0x1C800;
	[sflag:s24] =	ssyncadd.s32 $0xFFFFC000  }
0x16d: {  	[spmem:s3] =	stream.indirect.scatter.add.f32 [tilespmem:s6], [sflag:$0xB], $0x80, s18, s16, $0xb8;
	[tilespmem:$0x1DC00] =	vst v63  }
0x16e: {  	_ =	swait.ge [sflag:s9], $0x4000  }
0x16f: {  	s21 =	sld [smem:$0x7FA]  }
0x170: {  	[sflag:s9] =	ssyncset.done $0x0  }
0x171: {  	[sflag:s9] =	ssyncadd.s32 $0xFFFFC000  }
0x172: {  	[tilespmem:s8], [sflag:$0x2] =	stream.linear.gather [hbm4b:s21+s4], $0x4000, $0x38;
	[tilespmem:$0x1DC00] =	vst v63  }
0x173: {  	_ =	swait.ge [sflag:s15], $0x4000  }
0x174: {  	[sflag:s15] =	ssyncset.done $0x0  }
0x175: {  	s25 =	simm.s32 $0x1C880;
	[sflag:s15] =	ssyncadd.s32 $0xFFFFC000  }
0x176: {  	[spmem:s3] =	stream.indirect.scatter.add.f32 [tilespmem:s5], [sflag:$0xC], $0x80, s25, s16, $0xb8;
	[tilespmem:$0x1DC00] =	vst v63  }
0x177: {  	_ =	swait.ge [sflag:s0], $0x4000  }
0x178: {  	s30 =	sld [smem:$0x7FB]  }
0x179: {  	[sflag:s0] =	ssyncset.done $0x0  }
0x17a: {  	[sflag:s0] =	ssyncadd.s32 $0xFFFFC000  }
0x17b: {  	[tilespmem:s6], [sflag:$0x3] =	stream.linear.gather [hbm4b:s30+s4], $0x4000, $0x38;
	[tilespmem:$0x1DC00] =	vst v63  }
0x17c: {  	_ =	swait.ge [sflag:s12], $0x4000  }
0x17d: {  	[sflag:s12] =	ssyncset.done $0x0  }
0x17e: {  	s5 =	simm.s32 $0x1C900;
	[sflag:s12] =	ssyncadd.s32 $0xFFFFC000  }
0x17f: {  	[spmem:s3] =	stream.indirect.scatter.add.f32 [tilespmem:s7], [sflag:$0xD], $0x80, s5, s16, $0xb8;
	[tilespmem:$0x1DC00] =	vst v63  }
0x180: {  	_ =	swait.ge [sflag:s10], $0x4000  }
0x181: {  	[sflag:s10] =	ssyncset.done $0x0  }
0x182: {  	s14 =	simm.s32 $0x1C980;
	[sflag:s10] =	ssyncadd.s32 $0xFFFFC000  }
0x183: {  	[spmem:s3] =	stream.indirect.scatter.add.f32 [tilespmem:s13], [sflag:$0xE], $0x80, s14, s16, $0xb8;
	[tilespmem:$0x1DC00] =	vst v63  }
0x184: {  	_ =	swait.ge [sflag:s1], $0x4000  }
0x185: {  	[sflag:s1] =	ssyncset.done $0x0  }
0x186: {  	s18 =	simm.s32 $0x1CA00;
	[sflag:s1] =	ssyncadd.s32 $0xFFFFC000  }
0x187: {  	[spmem:s3] =	stream.indirect.scatter.add.f32 [tilespmem:s19], [sflag:$0xF], $0x80, s18, s16, $0xb8;
	[tilespmem:$0x1DC00] =	vst v63  }
0x188: {  	_ =	swait.ge [sflag:s17], $0x4000  }
0x189: {  	[sflag:s17] =	ssyncset.done $0x0  }
0x18a: {  	s19 =	simm.s32 $0x1CA80;
	[sflag:s17] =	ssyncadd.s32 $0xFFFFC000  }
0x18b: {  	[spmem:s3] =	stream.indirect.scatter.add.f32 [tilespmem:s4], [sflag:$0x9], $0x80, s19, s16, $0xb8;
	[tilespmem:$0x1DC00] =	vst v63  }
0x18c: {  	_ =	swait.ge [sflag:s26], $0x4000  }
0x18d: {  	[sflag:s26] =	ssyncset.done $0x0  }
0x18e: {  	s21 =	simm.s32 $0x1CB00;
	[sflag:s26] =	ssyncadd.s32 $0xFFFFC000  }
0x18f: {  	[spmem:s3] =	stream.indirect.scatter.add.f32 [tilespmem:s8], [sflag:$0xA], $0x80, s21, s16, $0xb8;
	[tilespmem:$0x1DC00] =	vst v63  }
0x190: {  	_ =	swait.ge [sflag:s24], $0x4000  }
0x191: {  	[sflag:s24] =	ssyncset.done $0x0  }
0x192: {  	[sflag:s24] =	ssyncadd.s32 $0xFFFFC000  }
0x193: {  	[spmem:s3] =	stream.indirect.scatter.add.f32 [tilespmem:s6], [sflag:$0xB], $0x80, s28, s16, $0xb8;
	[tilespmem:$0x1DC00] =	vst v63  }
0x194: {  	_ =	swait.ge [sflag:s23], $0x4000  }
0x195: {  	[sflag:s23] =	ssyncset.done $0x0  }
0x196: {  	[sflag:s23] =	ssyncadd.s32 $0xFFFFC000  }
0x197: {  	_ =	swait.ge [sflag:s22], $0x4000  }
0x198: {  	[sflag:s22] =	ssyncset.done $0x0  }
0x199: {  	[sflag:s22] =	ssyncadd.s32 $0xFFFFC000  }
0x19a: {  	_ =	swait.ge [sflag:s20], $0x4000  }
0x19b: {  	[sflag:s20] =	ssyncset.done $0x0  }
0x19c: {  	[sflag:s20] =	ssyncadd.s32 $0xFFFFC000  }
0x19d: {  	_ =	swait.ge [sflag:s11], $0x4000  }
0x19e: {  	[sflag:s11] =	ssyncset.done $0x0  }
0x19f: {  	s9 =	simm.s32 $0x9;
	[sflag:s11] =	ssyncadd.s32 $0xFFFFC000  }
0x1a0: {  	_ =	swait.ge [sflag:s9], $0x4000  }
0x1a1: {  	[sflag:s9] =	ssyncset.done $0x0  }
0x1a2: {  	s7 =	simm.s32 $0xA;
	[sflag:s9] =	ssyncadd.s32 $0xFFFFC000  }
0x1a3: {  	_ =	swait.ge [sflag:s7], $0x4000  }
0x1a4: {  	[sflag:s7] =	ssyncset.done $0x0  }
0x1a5: {  	[sflag:s7] =	ssyncadd.s32 $0xFFFFC000  }
0x1a6: {  	_ =	swait.ge [sflag:s0], $0x4000  }
0x1a7: {  	[sflag:s0] =	ssyncset.done $0x0  }
0x1a8: {  	[sflag:s0] =	ssyncadd.s32 $0xFFFFC000  }
0x1a9: {  	[bflag:$0x0] =	sbarrier.arrive $0xFFFF  }
0x1aa: {  	s28 =	sld [smem:$0x7E3];
	_ =	sdelay $0x1  }
0x1ab: {  	s25 =	sld [smem:$0x7FC]  }
0x1ac: {  	s0 =	sor.u32 $0x1C11, s28  }
0x1ad: {  	[smem:$0x7E1] =	sst s0  }
0x1ae: {  	[hbm:s25], [sflag:s0] =	dma.local [spmem:s29], $0x200  }
0x1af: {  	s0 =	sld [smem:$0x7E2];
	_ =	sdelay $0x2  }
0x1b0: {  	p1 =	sne.s32 s0, $0x1  }
.Ltmp1:
0x1b1: {  	_ = 	snop;
	(pc) =	sbr.rel @!p1 .LBB2_7-.Ltmp1, $4  }
0x1b2: {  	_ = 	snop  }
0x1b3: {  	s30 =	simm.s32 $0x11  }
0x1b4: {  	p0 =	por $0x1, $0x1;
	_ =	swait.ge [sflag:s30], $0x200  }
0x1b5: {  	s18 =	rddreg [dreg:$0x5];
	[sflag:s30] =	ssyncset.done $0x0;
	s14 =	sadd.s32 $0xFFFFFFFF, s0  }
0x1b6: {  	s25 =	simm.s32 $0x1C000;
	s30 =	simm.s32 $0x1C080  }
0x1b7: {  	s29 =	simm.s32 $0x1C180;
	s6 =	simm.s32 $0x8000;
	s21 =	simm.s32 $0x9  }
.LBB2_4:
0x1b8: {  	s28 =	simm.s32 $0x11  }
0x1b9: {  	[sflag:s28] =	ssyncadd.s32 $0xFFFFFE00;
	s28 =	sld [smem:$0x7FD];
	_ =	sdelay $0x1  }
0x1ba: {  	s19 =	rddreg [dreg:$0x6]  }
0x1bb: {  	[spmem:s28], [sflag:s19] =	dma.local [hbm:s18], $0x200  }
0x1bc: {  	s18 =	rddreg [dreg:$0x7]  }
0x1bd: {  	s19 =	rddreg [dreg:$0x8]  }
0x1be: {  	[tilespmem:s25], [sflag:$0x8] =	stream.linear.gather [hbm4b:s18+s4], $0x80, $0x38;
	[tilespmem:$0x1DC00] =	vst v63  }
0x1bf: {  	s20 =	rddreg [dreg:$0x9]  }
0x1c0: {  	[tilespmem:s30], [sflag:$0x8] =	stream.linear.gather [hbm4b:s19+s4], $0x80, $0x38;
	[tilespmem:$0x1DC00] =	vst v63  }
0x1c1: {  	s13 =	simm.s32 $0x1C100;
	s22 =	rddreg [dreg:$0xa]  }
0x1c2: {  	[tilespmem:s13], [sflag:$0x8] =	stream.linear.gather [hbm4b:s20+s4], $0x80, $0x38;
	[tilespmem:$0x1DC00] =	vst v63  }
0x1c3: {  	s23 =	rddreg [dreg:$0xb]  }
0x1c4: {  	[tilespmem:s29], [sflag:$0x8] =	stream.linear.gather [hbm4b:s22+s4], $0x80, $0x38;
	[tilespmem:$0x1DC00] =	vst v63  }
0x1c5: {  	s10 =	simm.s32 $0x1C200;
	s0 =	rddreg [dreg:$0xc]  }
0x1c6: {  	[tilespmem:s10], [sflag:$0x8] =	stream.linear.gather [hbm4b:s23+s4], $0x80, $0x38;
	[tilespmem:$0x1DC00] =	vst v63  }
0x1c7: {  	s11 =	simm.s32 $0x1C280;
	s1 =	rddreg [dreg:$0xd]  }
0x1c8: {  	[tilespmem:s11], [sflag:$0x8] =	stream.linear.gather [hbm4b:s0+s4], $0x80, $0x38;
	[tilespmem:$0x1DC00] =	vst v63  }
0x1c9: {  	s5 =	rddreg [dreg:$0xe];
	s0 =	simm.s32 $0x1C300  }
0x1ca: {  	[tilespmem:s0], [sflag:$0x8] =	stream.linear.gather [hbm4b:s1+s4], $0x80, $0x38;
	[tilespmem:$0x1DC00] =	vst v63  }
0x1cb: {  	s7 =	rddreg [dreg:$0xf];
	s1 =	simm.s32 $0x1C380  }
0x1cc: {  	[tilespmem:s1], [sflag:$0x8] =	stream.linear.gather [hbm4b:s5+s4], $0x80, $0x38;
	[tilespmem:$0x1DC00] =	vst v63  }
0x1cd: {  	s9 =	rddreg [dreg:$0x10];
	s5 =	simm.s32 $0x1C400  }
0x1ce: {  	[tilespmem:s5], [sflag:$0x8] =	stream.linear.gather [hbm4b:s7+s4], $0x80, $0x38;
	[tilespmem:$0x1DC00] =	vst v63  }
0x1cf: {  	s18 =	rddreg [dreg:$0x11];
	s7 =	simm.s32 $0x1C480  }
0x1d0: {  	[tilespmem:s7], [sflag:$0x8] =	stream.linear.gather [hbm4b:s9+s4], $0x80, $0x38;
	[tilespmem:$0x1DC00] =	vst v63  }
0x1d1: {  	s19 =	rddreg [dreg:$0x12];
	s9 =	simm.s32 $0x1C500  }
0x1d2: {  	[tilespmem:s9], [sflag:$0x8] =	stream.linear.gather [hbm4b:s18+s4], $0x80, $0x38;
	[tilespmem:$0x1DC00] =	vst v63  }
0x1d3: {  	s5 =	sld [smem:$0x7E4];
	s7 =	simm.s32 $0x1C580  }
0x1d4: {  	[tilespmem:s7], [sflag:$0x8] =	stream.linear.gather [hbm4b:s19+s4], $0x80, $0x38;
	[tilespmem:$0x1DC00] =	vst v63  }
0x1d5: {  	s18 =	rddreg [dreg:$0x13];
	s9 =	simm.s32 $0x1C600  }
0x1d6: {  	[tilespmem:s9], [sflag:$0x8] =	stream.linear.gather [hbm4b:s18+s4], $0x80, $0x38;
	[tilespmem:$0x1DC00] =	vst v63  }
0x1d7: {  	s19 =	rddreg [dreg:$0x14];
	s7 =	simm.s32 $0x1C680  }
0x1d8: {  	[tilespmem:s7], [sflag:$0x8] =	stream.linear.gather [hbm4b:s19+s4], $0x80, $0x38;
	[tilespmem:$0x1DC00] =	vst v63  }
0x1d9: {  	s18 =	rddreg [dreg:$0x15];
	s9 =	simm.s32 $0x1C700  }
0x1da: {  	[tilespmem:s9], [sflag:$0x8] =	stream.linear.gather [hbm4b:s18+s4], $0x80, $0x38;
	[tilespmem:$0x1DC00] =	vst v63  }
0x1db: {  	s19 =	rddreg [dreg:$0x16];
	s7 =	simm.s32 $0x1C780  }
0x1dc: {  	[tilespmem:s7], [sflag:$0x8] =	stream.linear.gather [hbm4b:s19+s4], $0x80, $0x38;
	[tilespmem:$0x1DC00] =	vst v63  }
0x1dd: {  	s18 =	rddreg [dreg:$0x17];
	s9 =	simm.s32 $0x1C800  }
0x1de: {  	[tilespmem:s9], [sflag:$0x8] =	stream.linear.gather [hbm4b:s18+s4], $0x80, $0x38;
	[tilespmem:$0x1DC00] =	vst v63  }
0x1df: {  	s19 =	rddreg [dreg:$0x18];
	s7 =	simm.s32 $0x1C880  }
0x1e0: {  	[tilespmem:s7], [sflag:$0x8] =	stream.linear.gather [hbm4b:s19+s4], $0x80, $0x38;
	[tilespmem:$0x1DC00] =	vst v63  }
0x1e1: {  	s18 =	rddreg [dreg:$0x19];
	s9 =	simm.s32 $0x1C900  }
0x1e2: {  	[tilespmem:s9], [sflag:$0x8] =	stream.linear.gather [hbm4b:s18+s4], $0x80, $0x38;
	[tilespmem:$0x1DC00] =	vst v63  }
0x1e3: {  	s19 =	rddreg [dreg:$0x1a];
	s7 =	simm.s32 $0x1C980  }
0x1e4: {  	[tilespmem:s7], [sflag:$0x8] =	stream.linear.gather [hbm4b:s19+s4], $0x80, $0x38;
	[tilespmem:$0x1DC00] =	vst v63  }
0x1e5: {  	s18 =	rddreg [dreg:$0x1b];
	s9 =	simm.s32 $0x1CA00  }
0x1e6: {  	[tilespmem:s9], [sflag:$0x8] =	stream.linear.gather [hbm4b:s18+s4], $0x80, $0x38;
	[tilespmem:$0x1DC00] =	vst v63  }
0x1e7: {  	s19 =	rddreg [dreg:$0x1c];
	s7 =	simm.s32 $0x1CA80  }
0x1e8: {  	[tilespmem:s7], [sflag:$0x8] =	stream.linear.gather [hbm4b:s19+s4], $0x80, $0x38;
	[tilespmem:$0x1DC00] =	vst v63  }
0x1e9: {  	s2 =	simm.s32 $0x1CB00;
	s18 =	rddreg [dreg:$0x1d]  }
0x1ea: {  	[tilespmem:s2], [sflag:$0x8] =	stream.linear.gather [hbm4b:s18+s4], $0x80, $0x38;
	[tilespmem:$0x1DC00] =	vst v63  }
0x1eb: {  	s8 =	simm.s32 $0x1CB80;
	s9 =	rddreg [dreg:$0x1e]  }
0x1ec: {  	[tilespmem:s8], [sflag:$0x8] =	stream.linear.gather [hbm4b:s9+s4], $0x80, $0x38;
	[tilespmem:$0x1DC00] =	vst v63  }
0x1ed: {  	s2 =	rddreg [dreg:$0x1f]  }
0x1ee: {  	[tilespmem:s4], [sflag:$0x1] =	stream.linear.gather [hbm4b:s2+s4], $0x4000, $0x38;
	[tilespmem:$0x1DC00] =	vst v63  }
0x1ef: {  	s7 =	sld [smem:$0x7E5];
	s8 =	simm.s32 $0x4000  }
0x1f0: {  	[tilespmem:s8], [sflag:$0x2] =	stream.linear.gather [hbm4b:s5+s4], $0x4000, $0x38;
	[tilespmem:$0x1DC00] =	vst v63  }
0x1f1: {  	s9 =	sld [smem:$0x7E6]  }
0x1f2: {  	[tilespmem:s6], [sflag:$0x3] =	stream.linear.gather [hbm4b:s7+s4], $0x4000, $0x38;
	[tilespmem:$0x1DC00] =	vst v63  }
0x1f3: {  	s2 =	simm.s32 $0xC000;
	s5 =	sld [smem:$0x7E7]  }
0x1f4: {  	[tilespmem:s2], [sflag:$0x4] =	stream.linear.gather [hbm4b:s9+s4], $0x4000, $0x38;
	[tilespmem:$0x1DC00] =	vst v63  }
0x1f5: {  	s19 =	sld [smem:$0x7E8];
	s7 =	simm.s32 $0x10000  }
0x1f6: {  	[tilespmem:s7], [sflag:$0x5] =	stream.linear.gather [hbm4b:s5+s4], $0x4000, $0x38;
	[tilespmem:$0x1DC00] =	vst v63  }
0x1f7: {  	s18 =	sld [smem:$0x7E9];
	s5 =	simm.s32 $0x14000  }
0x1f8: {  	[tilespmem:s5], [sflag:$0x6] =	stream.linear.gather [hbm4b:s19+s4], $0x4000, $0x38;
	[tilespmem:$0x1DC00] =	vst v63  }
0x1f9: {  	s19 =	simm.s32 $0x18000  }
0x1fa: {  	[tilespmem:s19], [sflag:$0x7] =	stream.linear.gather [hbm4b:s18+s4], $0x4000, $0x38;
	[tilespmem:$0x1DC00] =	vst v63  }
0x1fb: {  	_ =	swait.ge [sflag:s31], $0x80  }
0x1fc: {  	[sflag:s31] =	ssyncset.done $0x0  }
0x1fd: {  	[sflag:s31] =	ssyncadd.s32 $0xFFFFFF80  }
0x1fe: {  	_ =	swait.ge [sflag:s31], $0x80  }
0x1ff: {  	[sflag:s31] =	ssyncset.done $0x0  }
0x200: {  	[sflag:s31] =	ssyncadd.s32 $0xFFFFFF80  }
0x201: {  	_ =	swait.ge [sflag:s31], $0x80  }
0x202: {  	[sflag:s31] =	ssyncset.done $0x0  }
0x203: {  	[sflag:s31] =	ssyncadd.s32 $0xFFFFFF80  }
0x204: {  	_ =	swait.ge [sflag:s31], $0x80  }
0x205: {  	[sflag:s31] =	ssyncset.done $0x0  }
0x206: {  	[sflag:s31] =	ssyncadd.s32 $0xFFFFFF80  }
0x207: {  	_ =	swait.ge [sflag:s31], $0x80  }
0x208: {  	[sflag:s31] =	ssyncset.done $0x0  }
0x209: {  	[sflag:s31] =	ssyncadd.s32 $0xFFFFFF80  }
0x20a: {  	_ =	swait.ge [sflag:s31], $0x80  }
0x20b: {  	[sflag:s31] =	ssyncset.done $0x0  }
0x20c: {  	[sflag:s31] =	ssyncadd.s32 $0xFFFFFF80  }
0x20d: {  	_ =	swait.ge [sflag:s31], $0x80  }
0x20e: {  	[sflag:s31] =	ssyncset.done $0x0  }
0x20f: {  	[sflag:s31] =	ssyncadd.s32 $0xFFFFFF80  }
0x210: {  	_ =	swait.ge [sflag:s31], $0x80  }
0x211: {  	[sflag:s31] =	ssyncset.done $0x0  }
0x212: {  	[sflag:s31] =	ssyncadd.s32 $0xFFFFFF80  }
0x213: {  	_ =	swait.ge [sflag:s31], $0x80  }
0x214: {  	[sflag:s31] =	ssyncset.done $0x0  }
0x215: {  	[sflag:s31] =	ssyncadd.s32 $0xFFFFFF80  }
0x216: {  	_ =	swait.ge [sflag:s31], $0x80  }
0x217: {  	[sflag:s31] =	ssyncset.done $0x0  }
0x218: {  	[sflag:s31] =	ssyncadd.s32 $0xFFFFFF80  }
0x219: {  	_ =	swait.ge [sflag:s31], $0x80  }
0x21a: {  	[sflag:s31] =	ssyncset.done $0x0  }
0x21b: {  	[sflag:s31] =	ssyncadd.s32 $0xFFFFFF80  }
0x21c: {  	_ =	swait.ge [sflag:s31], $0x80  }
0x21d: {  	[sflag:s31] =	ssyncset.done $0x0  }
0x21e: {  	[sflag:s31] =	ssyncadd.s32 $0xFFFFFF80  }
0x21f: {  	_ =	swait.ge [sflag:s31], $0x80  }
0x220: {  	[sflag:s31] =	ssyncset.done $0x0  }
0x221: {  	[sflag:s31] =	ssyncadd.s32 $0xFFFFFF80  }
0x222: {  	_ =	swait.ge [sflag:s31], $0x80  }
0x223: {  	[sflag:s31] =	ssyncset.done $0x0  }
0x224: {  	[sflag:s31] =	ssyncadd.s32 $0xFFFFFF80  }
0x225: {  	_ =	swait.ge [sflag:s31], $0x80  }
0x226: {  	[sflag:s31] =	ssyncset.done $0x0  }
0x227: {  	[sflag:s31] =	ssyncadd.s32 $0xFFFFFF80  }
0x228: {  	_ =	swait.ge [sflag:s31], $0x80  }
0x229: {  	[sflag:s31] =	ssyncset.done $0x0  }
0x22a: {  	[sflag:s31] =	ssyncadd.s32 $0xFFFFFF80  }
0x22b: {  	_ =	swait.ge [sflag:s31], $0x80  }
0x22c: {  	[sflag:s31] =	ssyncset.done $0x0  }
0x22d: {  	[sflag:s31] =	ssyncadd.s32 $0xFFFFFF80  }
0x22e: {  	_ =	swait.ge [sflag:s31], $0x80  }
0x22f: {  	[sflag:s31] =	ssyncset.done $0x0  }
0x230: {  	[sflag:s31] =	ssyncadd.s32 $0xFFFFFF80  }
0x231: {  	_ =	swait.ge [sflag:s31], $0x80  }
0x232: {  	[sflag:s31] =	ssyncset.done $0x0  }
0x233: {  	[sflag:s31] =	ssyncadd.s32 $0xFFFFFF80  }
0x234: {  	_ =	swait.ge [sflag:s31], $0x80  }
0x235: {  	[sflag:s31] =	ssyncset.done $0x0  }
0x236: {  	[sflag:s31] =	ssyncadd.s32 $0xFFFFFF80  }
0x237: {  	_ =	swait.ge [sflag:s31], $0x80  }
0x238: {  	[sflag:s31] =	ssyncset.done $0x0  }
0x239: {  	[sflag:s31] =	ssyncadd.s32 $0xFFFFFF80  }
0x23a: {  	_ =	swait.ge [sflag:s31], $0x80  }
0x23b: {  	[sflag:s31] =	ssyncset.done $0x0  }
0x23c: {  	[sflag:s31] =	ssyncadd.s32 $0xFFFFFF80  }
0x23d: {  	_ =	swait.ge [sflag:s31], $0x80  }
0x23e: {  	[sflag:s31] =	ssyncset.done $0x0  }
0x23f: {  	[sflag:s31] =	ssyncadd.s32 $0xFFFFFF80  }
0x240: {  	_ =	swait.ge [sflag:s31], $0x80  }
0x241: {  	[sflag:s31] =	ssyncset.done $0x0  }
0x242: {  	s18 =	simm.s32 $0x10;
	[sflag:s31] =	ssyncadd.s32 $0xFFFFFF80  }
0x243: {  	_ =	swait.ge [sflag:s18], $0x200  }
0x244: {  	[sflag:s18] =	ssyncset.done $0x0  }
0x245: {  	[sflag:s18] =	ssyncadd.s32 $0xFFFFFE00  }
0x246: {  	[bflag:$0x0] =	sbarrier.arrive $0xFFFF  }
0x247: {  	_ =	swait.ge [sflag:s17], $0x4000  }
0x248: {  	[sflag:s17] =	ssyncset.done $0x0  }
0x249: {  	[sflag:s17] =	ssyncadd.s32 $0xFFFFC000  }
0x24a: {  	[spmem:s3] =	stream.indirect.scatter.add.f32 [tilespmem:s4], [sflag:$0x9], $0x80, s25, s16, $0xb8;
	[tilespmem:$0x1DC00] =	vst v63  }
0x24b: {  	_ =	swait.ge [sflag:s26], $0x4000  }
0x24c: {  	[sflag:s26] =	ssyncset.done $0x0  }
0x24d: {  	[sflag:s26] =	ssyncadd.s32 $0xFFFFC000  }
0x24e: {  	[spmem:s3] =	stream.indirect.scatter.add.f32 [tilespmem:s8], [sflag:$0xA], $0x80, s30, s16, $0xb8;
	[tilespmem:$0x1DC00] =	vst v63  }
0x24f: {  	_ =	swait.ge [sflag:s21], $0x4000  }
0x250: {  	s18 =	sld [smem:$0x7EA]  }
0x251: {  	[sflag:s21] =	ssyncset.done $0x0  }
0x252: {  	[sflag:s21] =	ssyncadd.s32 $0xFFFFC000  }
0x253: {  	[tilespmem:s4], [sflag:$0x1] =	stream.linear.gather [hbm4b:s18+s4], $0x4000, $0x38;
	[tilespmem:$0x1DC00] =	vst v63  }
0x254: {  	_ =	swait.ge [sflag:s24], $0x4000  }
0x255: {  	[sflag:s24] =	ssyncset.done $0x0  }
0x256: {  	s9 =	simm.s32 $0xA;
	[sflag:s24] =	ssyncadd.s32 $0xFFFFC000  }
0x257: {  	[spmem:s3] =	stream.indirect.scatter.add.f32 [tilespmem:s6], [sflag:$0xB], $0x80, s13, s16, $0xb8;
	[tilespmem:$0x1DC00] =	vst v63  }
0x258: {  	_ =	swait.ge [sflag:s9], $0x4000  }
0x259: {  	s13 =	sld [smem:$0x7EB]  }
0x25a: {  	[sflag:s9] =	ssyncset.done $0x0  }
0x25b: {  	s0 =	simm.s32 $0x4;
	[sflag:s9] =	ssyncadd.s32 $0xFFFFC000  }
0x25c: {  	[tilespmem:s8], [sflag:$0x2] =	stream.linear.gather [hbm4b:s13+s4], $0x4000, $0x38;
	[tilespmem:$0x1DC00] =	vst v63  }
0x25d: {  	_ =	swait.ge [sflag:s0], $0x4000  }
0x25e: {  	[sflag:s0] =	ssyncset.done $0x0  }
0x25f: {  	[sflag:s0] =	ssyncadd.s32 $0xFFFFC000;
	s0 =	simm.s32 $0xB  }
0x260: {  	[spmem:s3] =	stream.indirect.scatter.add.f32 [tilespmem:s2], [sflag:$0xC], $0x80, s29, s16, $0xb8;
	[tilespmem:$0x1DC00] =	vst v63  }
0x261: {  	_ =	swait.ge [sflag:s0], $0x4000  }
0x262: {  	s13 =	sld [smem:$0x7EC]  }
0x263: {  	[sflag:s0] =	ssyncset.done $0x0  }
0x264: {  	s15 =	simm.s32 $0x5;
	[sflag:s0] =	ssyncadd.s32 $0xFFFFC000  }
0x265: {  	[tilespmem:s6], [sflag:$0x3] =	stream.linear.gather [hbm4b:s13+s4], $0x4000, $0x38;
	[tilespmem:$0x1DC00] =	vst v63  }
0x266: {  	_ =	swait.ge [sflag:s15], $0x4000  }
0x267: {  	[sflag:s15] =	ssyncset.done $0x0  }
0x268: {  	s1 =	simm.s32 $0xC;
	[sflag:s15] =	ssyncadd.s32 $0xFFFFC000  }
0x269: {  	[spmem:s3] =	stream.indirect.scatter.add.f32 [tilespmem:s7], [sflag:$0xD], $0x80, s10, s16, $0xb8;
	[tilespmem:$0x1DC00] =	vst v63  }
0x26a: {  	_ =	swait.ge [sflag:s1], $0x4000  }
0x26b: {  	s10 =	sld [smem:$0x7ED]  }
0x26c: {  	[sflag:s1] =	ssyncset.done $0x0  }
0x26d: {  	s12 =	simm.s32 $0x6;
	[sflag:s1] =	ssyncadd.s32 $0xFFFFC000  }
0x26e: {  	[tilespmem:s2], [sflag:$0x4] =	stream.linear.gather [hbm4b:s10+s4], $0x4000, $0x38;
	[tilespmem:$0x1DC00] =	vst v63  }
0x26f: {  	_ =	swait.ge [sflag:s12], $0x4000  }
0x270: {  	[sflag:s12] =	ssyncset.done $0x0  }
0x271: {  	s23 =	simm.s32 $0xD;
	[sflag:s12] =	ssyncadd.s32 $0xFFFFC000  }
0x272: {  	[spmem:s3] =	stream.indirect.scatter.add.f32 [tilespmem:s5], [sflag:$0xE], $0x80, s11, s16, $0xb8;
	[tilespmem:$0x1DC00] =	vst v63  }
0x273: {  	_ =	swait.ge [sflag:s23], $0x4000  }
0x274: {  	s13 =	sld [smem:$0x7EE]  }
0x275: {  	[sflag:s23] =	ssyncset.done $0x0  }
0x276: {  	s1 =	simm.s32 $0x7;
	[sflag:s23] =	ssyncadd.s32 $0xFFFFC000  }
0x277: {  	[tilespmem:s7], [sflag:$0x5] =	stream.linear.gather [hbm4b:s13+s4], $0x4000, $0x38;
	[tilespmem:$0x1DC00] =	vst v63  }
0x278: {  	_ =	swait.ge [sflag:s1], $0x4000  }
0x279: {  	[sflag:s1] =	ssyncset.done $0x0  }
0x27a: {  	s22 =	simm.s32 $0xE;
	s18 =	simm.s32 $0x1C300;
	[sflag:s1] =	ssyncadd.s32 $0xFFFFC000  }
0x27b: {  	[spmem:s3] =	stream.indirect.scatter.add.f32 [tilespmem:s19], [sflag:$0xF], $0x80, s18, s16, $0xb8;
	[tilespmem:$0x1DC00] =	vst v63  }
0x27c: {  	_ =	swait.ge [sflag:s22], $0x4000  }
0x27d: {  	s10 =	sld [smem:$0x7EF]  }
0x27e: {  	[sflag:s22] =	ssyncset.done $0x0  }
0x27f: {  	[sflag:s22] =	ssyncadd.s32 $0xFFFFC000  }
0x280: {  	[tilespmem:s5], [sflag:$0x6] =	stream.linear.gather [hbm4b:s10+s4], $0x4000, $0x38;
	[tilespmem:$0x1DC00] =	vst v63  }
0x281: {  	_ =	swait.ge [sflag:s17], $0x4000  }
0x282: {  	[sflag:s17] =	ssyncset.done $0x0  }
0x283: {  	s20 =	simm.s32 $0xF;
	s11 =	simm.s32 $0x1C380;
	[sflag:s17] =	ssyncadd.s32 $0xFFFFC000  }
0x284: {  	[spmem:s3] =	stream.indirect.scatter.add.f32 [tilespmem:s4], [sflag:$0x9], $0x80, s11, s16, $0xb8;
	[tilespmem:$0x1DC00] =	vst v63  }
0x285: {  	_ =	swait.ge [sflag:s20], $0x4000  }
0x286: {  	s13 =	sld [smem:$0x7F0]  }
0x287: {  	[sflag:s20] =	ssyncset.done $0x0  }
0x288: {  	[sflag:s20] =	ssyncadd.s32 $0xFFFFC000  }
0x289: {  	[tilespmem:s19], [sflag:$0x7] =	stream.linear.gather [hbm4b:s13+s4], $0x4000, $0x38;
	[tilespmem:$0x1DC00] =	vst v63  }
0x28a: {  	_ =	swait.ge [sflag:s26], $0x4000  }
0x28b: {  	[sflag:s26] =	ssyncset.done $0x0  }
0x28c: {  	s18 =	simm.s32 $0x1C400;
	[sflag:s26] =	ssyncadd.s32 $0xFFFFC000  }
0x28d: {  	[spmem:s3] =	stream.indirect.scatter.add.f32 [tilespmem:s8], [sflag:$0xA], $0x80, s18, s16, $0xb8;
	[tilespmem:$0x1DC00] =	vst v63  }
0x28e: {  	_ =	swait.ge [sflag:s21], $0x4000  }
0x28f: {  	s13 =	sld [smem:$0x7F1]  }
0x290: {  	[sflag:s21] =	ssyncset.done $0x0  }
0x291: {  	[sflag:s21] =	ssyncadd.s32 $0xFFFFC000  }
0x292: {  	[tilespmem:s4], [sflag:$0x1] =	stream.linear.gather [hbm4b:s13+s4], $0x4000, $0x38;
	[tilespmem:$0x1DC00] =	vst v63  }
0x293: {  	_ =	swait.ge [sflag:s24], $0x4000  }
0x294: {  	[sflag:s24] =	ssyncset.done $0x0  }
0x295: {  	s18 =	simm.s32 $0x1C480;
	[sflag:s24] =	ssyncadd.s32 $0xFFFFC000  }
0x296: {  	[spmem:s3] =	stream.indirect.scatter.add.f32 [tilespmem:s6], [sflag:$0xB], $0x80, s18, s16, $0xb8;
	[tilespmem:$0x1DC00] =	vst v63  }
0x297: {  	_ =	swait.ge [sflag:s9], $0x4000  }
0x298: {  	s13 =	sld [smem:$0x7F2]  }
0x299: {  	[sflag:s9] =	ssyncset.done $0x0  }
0x29a: {  	s15 =	simm.s32 $0x4;
	[sflag:s9] =	ssyncadd.s32 $0xFFFFC000  }
0x29b: {  	[tilespmem:s8], [sflag:$0x2] =	stream.linear.gather [hbm4b:s13+s4], $0x4000, $0x38;
	[tilespmem:$0x1DC00] =	vst v63  }
0x29c: {  	_ =	swait.ge [sflag:s15], $0x4000  }
0x29d: {  	[sflag:s15] =	ssyncset.done $0x0  }
0x29e: {  	s18 =	simm.s32 $0x1C500;
	[sflag:s15] =	ssyncadd.s32 $0xFFFFC000  }
0x29f: {  	[spmem:s3] =	stream.indirect.scatter.add.f32 [tilespmem:s2], [sflag:$0xC], $0x80, s18, s16, $0xb8;
	[tilespmem:$0x1DC00] =	vst v63  }
0x2a0: {  	_ =	swait.ge [sflag:s0], $0x4000  }
0x2a1: {  	s13 =	sld [smem:$0x7F3]  }
0x2a2: {  	[sflag:s0] =	ssyncset.done $0x0  }
0x2a3: {  	s12 =	simm.s32 $0x5;
	[sflag:s0] =	ssyncadd.s32 $0xFFFFC000  }
0x2a4: {  	[tilespmem:s6], [sflag:$0x3] =	stream.linear.gather [hbm4b:s13+s4], $0x4000, $0x38;
	[tilespmem:$0x1DC00] =	vst v63  }
0x2a5: {  	_ =	swait.ge [sflag:s12], $0x4000  }
0x2a6: {  	[sflag:s12] =	ssyncset.done $0x0  }
0x2a7: {  	s23 =	simm.s32 $0xC;
	s18 =	simm.s32 $0x1C580;
	[sflag:s12] =	ssyncadd.s32 $0xFFFFC000  }
0x2a8: {  	[spmem:s3] =	stream.indirect.scatter.add.f32 [tilespmem:s7], [sflag:$0xD], $0x80, s18, s16, $0xb8;
	[tilespmem:$0x1DC00] =	vst v63  }
0x2a9: {  	_ =	swait.ge [sflag:s23], $0x4000  }
0x2aa: {  	s13 =	sld [smem:$0x7F4]  }
0x2ab: {  	[sflag:s23] =	ssyncset.done $0x0  }
0x2ac: {  	s10 =	simm.s32 $0x6;
	[sflag:s23] =	ssyncadd.s32 $0xFFFFC000  }
0x2ad: {  	[tilespmem:s2], [sflag:$0x4] =	stream.linear.gather [hbm4b:s13+s4], $0x4000, $0x38;
	[tilespmem:$0x1DC00] =	vst v63  }
0x2ae: {  	_ =	swait.ge [sflag:s10], $0x4000  }
0x2af: {  	[sflag:s10] =	ssyncset.done $0x0  }
0x2b0: {  	s22 =	simm.s32 $0xD;
	s18 =	simm.s32 $0x1C600;
	[sflag:s10] =	ssyncadd.s32 $0xFFFFC000  }
0x2b1: {  	[spmem:s3] =	stream.indirect.scatter.add.f32 [tilespmem:s5], [sflag:$0xE], $0x80, s18, s16, $0xb8;
	[tilespmem:$0x1DC00] =	vst v63  }
0x2b2: {  	_ =	swait.ge [sflag:s22], $0x4000  }
0x2b3: {  	s13 =	sld [smem:$0x7F5]  }
0x2b4: {  	[sflag:s22] =	ssyncset.done $0x0  }
0x2b5: {  	[sflag:s22] =	ssyncadd.s32 $0xFFFFC000  }
0x2b6: {  	[tilespmem:s7], [sflag:$0x5] =	stream.linear.gather [hbm4b:s13+s4], $0x4000, $0x38;
	[tilespmem:$0x1DC00] =	vst v63  }
0x2b7: {  	_ =	swait.ge [sflag:s1], $0x4000  }
0x2b8: {  	[sflag:s1] =	ssyncset.done $0x0  }
0x2b9: {  	s20 =	simm.s32 $0xE;
	s18 =	simm.s32 $0x1C680;
	[sflag:s1] =	ssyncadd.s32 $0xFFFFC000  }
0x2ba: {  	[spmem:s3] =	stream.indirect.scatter.add.f32 [tilespmem:s19], [sflag:$0xF], $0x80, s18, s16, $0xb8;
	[tilespmem:$0x1DC00] =	vst v63  }
0x2bb: {  	_ =	swait.ge [sflag:s20], $0x4000  }
0x2bc: {  	s13 =	sld [smem:$0x7F6]  }
0x2bd: {  	[sflag:s20] =	ssyncset.done $0x0  }
0x2be: {  	[sflag:s20] =	ssyncadd.s32 $0xFFFFC000  }
0x2bf: {  	[tilespmem:s5], [sflag:$0x6] =	stream.linear.gather [hbm4b:s13+s4], $0x4000, $0x38;
	[tilespmem:$0x1DC00] =	vst v63  }
0x2c0: {  	_ =	swait.ge [sflag:s17], $0x4000  }
0x2c1: {  	[sflag:s17] =	ssyncset.done $0x0  }
0x2c2: {  	s11 =	simm.s32 $0xF;
	s18 =	simm.s32 $0x1C700;
	[sflag:s17] =	ssyncadd.s32 $0xFFFFC000  }
0x2c3: {  	[spmem:s3] =	stream.indirect.scatter.add.f32 [tilespmem:s4], [sflag:$0x9], $0x80, s18, s16, $0xb8;
	[tilespmem:$0x1DC00] =	vst v63  }
0x2c4: {  	_ =	swait.ge [sflag:s11], $0x4000  }
0x2c5: {  	s13 =	sld [smem:$0x7F8]  }
0x2c6: {  	[sflag:s11] =	ssyncset.done $0x0  }
0x2c7: {  	[sflag:s11] =	ssyncadd.s32 $0xFFFFC000  }
0x2c8: {  	[tilespmem:s19], [sflag:$0x7] =	stream.linear.gather [hbm4b:s13+s4], $0x4000, $0x38;
	[tilespmem:$0x1DC00] =	vst v63  }
0x2c9: {  	_ =	swait.ge [sflag:s26], $0x4000  }
0x2ca: {  	[sflag:s26] =	ssyncset.done $0x0  }
0x2cb: {  	s18 =	simm.s32 $0x1C780;
	[sflag:s26] =	ssyncadd.s32 $0xFFFFC000  }
0x2cc: {  	[spmem:s3] =	stream.indirect.scatter.add.f32 [tilespmem:s8], [sflag:$0xA], $0x80, s18, s16, $0xb8;
	[tilespmem:$0x1DC00] =	vst v63  }
0x2cd: {  	_ =	swait.ge [sflag:s21], $0x4000  }
0x2ce: {  	s13 =	sld [smem:$0x7F9]  }
0x2cf: {  	[sflag:s21] =	ssyncset.done $0x0  }
0x2d0: {  	[sflag:s21] =	ssyncadd.s32 $0xFFFFC000  }
0x2d1: {  	[tilespmem:s4], [sflag:$0x1] =	stream.linear.gather [hbm4b:s13+s4], $0x4000, $0x38;
	[tilespmem:$0x1DC00] =	vst v63  }
0x2d2: {  	_ =	swait.ge [sflag:s24], $0x4000  }
0x2d3: {  	[sflag:s24] =	ssyncset.done $0x0  }
0x2d4: {  	s18 =	simm.s32 $0x1C800;
	[sflag:s24] =	ssyncadd.s32 $0xFFFFC000  }
0x2d5: {  	[spmem:s3] =	stream.indirect.scatter.add.f32 [tilespmem:s6], [sflag:$0xB], $0x80, s18, s16, $0xb8;
	[tilespmem:$0x1DC00] =	vst v63  }
0x2d6: {  	_ =	swait.ge [sflag:s9], $0x4000  }
0x2d7: {  	s13 =	sld [smem:$0x7FA]  }
0x2d8: {  	[sflag:s9] =	ssyncset.done $0x0  }
0x2d9: {  	[sflag:s9] =	ssyncadd.s32 $0xFFFFC000  }
0x2da: {  	[tilespmem:s8], [sflag:$0x2] =	stream.linear.gather [hbm4b:s13+s4], $0x4000, $0x38;
	[tilespmem:$0x1DC00] =	vst v63  }
0x2db: {  	_ =	swait.ge [sflag:s15], $0x4000  }
0x2dc: {  	[sflag:s15] =	ssyncset.done $0x0  }
0x2dd: {  	s18 =	simm.s32 $0x1C880;
	[sflag:s15] =	ssyncadd.s32 $0xFFFFC000  }
0x2de: {  	[spmem:s3] =	stream.indirect.scatter.add.f32 [tilespmem:s2], [sflag:$0xC], $0x80, s18, s16, $0xb8;
	[tilespmem:$0x1DC00] =	vst v63  }
0x2df: {  	_ =	swait.ge [sflag:s0], $0x4000  }
0x2e0: {  	s13 =	sld [smem:$0x7FB]  }
0x2e1: {  	[sflag:s0] =	ssyncset.done $0x0  }
0x2e2: {  	[sflag:s0] =	ssyncadd.s32 $0xFFFFC000  }
0x2e3: {  	[tilespmem:s6], [sflag:$0x3] =	stream.linear.gather [hbm4b:s13+s4], $0x4000, $0x38;
	[tilespmem:$0x1DC00] =	vst v63  }
0x2e4: {  	_ =	swait.ge [sflag:s12], $0x4000  }
0x2e5: {  	[sflag:s12] =	ssyncset.done $0x0  }
0x2e6: {  	s18 =	simm.s32 $0x1C900;
	[sflag:s12] =	ssyncadd.s32 $0xFFFFC000  }
0x2e7: {  	[spmem:s3] =	stream.indirect.scatter.add.f32 [tilespmem:s7], [sflag:$0xD], $0x80, s18, s16, $0xb8;
	[tilespmem:$0x1DC00] =	vst v63  }
0x2e8: {  	_ =	swait.ge [sflag:s10], $0x4000  }
0x2e9: {  	[sflag:s10] =	ssyncset.done $0x0  }
0x2ea: {  	s13 =	simm.s32 $0x1C980;
	[sflag:s10] =	ssyncadd.s32 $0xFFFFC000  }
0x2eb: {  	[spmem:s3] =	stream.indirect.scatter.add.f32 [tilespmem:s5], [sflag:$0xE], $0x80, s13, s16, $0xb8;
	[tilespmem:$0x1DC00] =	vst v63  }
0x2ec: {  	_ =	swait.ge [sflag:s1], $0x4000  }
0x2ed: {  	[sflag:s1] =	ssyncset.done $0x0  }
0x2ee: {  	s18 =	simm.s32 $0x1CA00;
	[sflag:s1] =	ssyncadd.s32 $0xFFFFC000  }
0x2ef: {  	[spmem:s3] =	stream.indirect.scatter.add.f32 [tilespmem:s19], [sflag:$0xF], $0x80, s18, s16, $0xb8;
	[tilespmem:$0x1DC00] =	vst v63  }
0x2f0: {  	_ =	swait.ge [sflag:s17], $0x4000  }
0x2f1: {  	[sflag:s17] =	ssyncset.done $0x0  }
0x2f2: {  	s19 =	simm.s32 $0x1CA80;
	[sflag:s17] =	ssyncadd.s32 $0xFFFFC000  }
0x2f3: {  	[spmem:s3] =	stream.indirect.scatter.add.f32 [tilespmem:s4], [sflag:$0x9], $0x80, s19, s16, $0xb8;
	[tilespmem:$0x1DC00] =	vst v63  }
0x2f4: {  	_ =	swait.ge [sflag:s26], $0x4000  }
0x2f5: {  	[sflag:s26] =	ssyncset.done $0x0  }
0x2f6: {  	s5 =	simm.s32 $0x1CB00;
	[sflag:s26] =	ssyncadd.s32 $0xFFFFC000  }
0x2f7: {  	[spmem:s3] =	stream.indirect.scatter.add.f32 [tilespmem:s8], [sflag:$0xA], $0x80, s5, s16, $0xb8;
	[tilespmem:$0x1DC00] =	vst v63  }
0x2f8: {  	_ =	swait.ge [sflag:s24], $0x4000  }
0x2f9: {  	[sflag:s24] =	ssyncset.done $0x0  }
0x2fa: {  	s8 =	simm.s32 $0x1CB80;
	[sflag:s24] =	ssyncadd.s32 $0xFFFFC000  }
0x2fb: {  	[spmem:s3] =	stream.indirect.scatter.add.f32 [tilespmem:s6], [sflag:$0xB], $0x80, s8, s16, $0xb8;
	[tilespmem:$0x1DC00] =	vst v63  }
0x2fc: {  	_ =	swait.ge [sflag:s23], $0x4000  }
0x2fd: {  	[sflag:s23] =	ssyncset.done $0x0  }
0x2fe: {  	[sflag:s23] =	ssyncadd.s32 $0xFFFFC000  }
0x2ff: {  	_ =	swait.ge [sflag:s22], $0x4000  }
0x300: {  	[sflag:s22] =	ssyncset.done $0x0  }
0x301: {  	[sflag:s22] =	ssyncadd.s32 $0xFFFFC000  }
0x302: {  	_ =	swait.ge [sflag:s20], $0x4000  }
0x303: {  	[sflag:s20] =	ssyncset.done $0x0  }
0x304: {  	[sflag:s20] =	ssyncadd.s32 $0xFFFFC000  }
0x305: {  	_ =	swait.ge [sflag:s11], $0x4000  }
0x306: {  	[sflag:s11] =	ssyncset.done $0x0  }
0x307: {  	s9 =	simm.s32 $0x9;
	[sflag:s11] =	ssyncadd.s32 $0xFFFFC000  }
0x308: {  	_ =	swait.ge [sflag:s9], $0x4000  }
0x309: {  	[sflag:s9] =	ssyncset.done $0x0  }
0x30a: {  	s7 =	simm.s32 $0xA;
	[sflag:s9] =	ssyncadd.s32 $0xFFFFC000  }
0x30b: {  	_ =	swait.ge [sflag:s7], $0x4000  }
0x30c: {  	[sflag:s7] =	ssyncset.done $0x0  }
0x30d: {  	[sflag:s7] =	ssyncadd.s32 $0xFFFFC000  }
0x30e: {  	_ =	swait.ge [sflag:s0], $0x4000  }
0x30f: {  	[sflag:s0] =	ssyncset.done $0x0  }
0x310: {  	[sflag:s0] =	ssyncadd.s32 $0xFFFFC000  }
0x311: {  	[bflag:$0x0] =	sbarrier.arrive $0xFFFF  }
0x312: {  	s13 =	sld [smem:$0x7FC]  }
0x313: {  	s19 =	sld [smem:$0x7E1]  }
0x314: {  	p1 =	sne.s32 s14, $0x1  }
.Ltmp2:
0x315: {  	_ = 	snop;
	(pc) =	sbr.rel @p1 .LBB2_4-.Ltmp2, $4  }
0x316: {  	[hbm:s13], [sflag:s19] =	dma.local [spmem:s28], $0x200  }
0x317: {  	s28 =	simm.s32 $0x11  }
0x318: {  	_ =	swait.ge [sflag:s28], $0x200  }
0x319: {  	s14 =	sadd.s32 $0xFFFFFFFF, s14;
	s18 =	rddreg [dreg:$0x5];
	[sflag:s28] =	ssyncset.done $0x0  }
0x31a: {  	s25 =	sld [smem:$0x7FD]  }
0x31b: {  	s5 =	simm.s32 $0x18000;
	s28 =	simm.s32 $0x14000;
	s17 =	simm.s32 $0x10000  }
0x31c: {  	s0 =	simm.s32 $0xC000;
	s30 =	simm.s32 $0x8000;
	s13 =	simm.s32 $0x4000  }
0x31d: {  	s6 =	simm.s32 $0x3;
	s21 =	simm.s32 $0x2;
	s24 =	simm.s32 $0x1  }
.LBB2_6:
0x31e: {  	s8 =	simm.s32 $0x11  }
0x31f: {  	s2 =	rddreg [dreg:$0x6];
	[sflag:s8] =	ssyncadd.s32 @p0 $0xFFFFFE00  }
0x320: {  	[spmem:s25], [sflag:s2] =	dma.local [hbm:s18], $0x200  }
0x321: {  	s2 =	rddreg [dreg:$0x7]  }
0x322: {  	s18 =	simm.s32 $0x1C000;
	s14 =	rddreg [dreg:$0x8]  }
0x323: {  	[tilespmem:s18], [sflag:$0x8] =	stream.linear.gather [hbm4b:s2+s4], $0x80, $0x38;
	[tilespmem:$0x1DC00] =	vst v63  }
0x324: {  	s19 =	simm.s32 $0x1C080;
	s2 =	rddreg [dreg:$0x9]  }
0x325: {  	[tilespmem:s19], [sflag:$0x8] =	stream.linear.gather [hbm4b:s14+s4], $0x80, $0x38;
	[tilespmem:$0x1DC00] =	vst v63  }
0x326: {  	s29 =	simm.s32 $0x1C100;
	s14 =	rddreg [dreg:$0xa]  }
0x327: {  	[tilespmem:s29], [sflag:$0x8] =	stream.linear.gather [hbm4b:s2+s4], $0x80, $0x38;
	[tilespmem:$0x1DC00] =	vst v63  }
0x328: {  	s19 =	simm.s32 $0x1C180;
	s2 =	rddreg [dreg:$0xb]  }
0x329: {  	[tilespmem:s19], [sflag:$0x8] =	stream.linear.gather [hbm4b:s14+s4], $0x80, $0x38;
	[tilespmem:$0x1DC00] =	vst v63  }
0x32a: {  	s14 =	rddreg [dreg:$0xc];
	s19 =	simm.s32 $0x1C200  }
0x32b: {  	[tilespmem:s19], [sflag:$0x8] =	stream.linear.gather [hbm4b:s2+s4], $0x80, $0x38;
	[tilespmem:$0x1DC00] =	vst v63  }
0x32c: {  	s2 =	rddreg [dreg:$0xd];
	s19 =	simm.s32 $0x1C280  }
0x32d: {  	[tilespmem:s19], [sflag:$0x8] =	stream.linear.gather [hbm4b:s14+s4], $0x80, $0x38;
	[tilespmem:$0x1DC00] =	vst v63  }
0x32e: {  	s14 =	rddreg [dreg:$0xe];
	s19 =	simm.s32 $0x1C300  }
0x32f: {  	[tilespmem:s19], [sflag:$0x8] =	stream.linear.gather [hbm4b:s2+s4], $0x80, $0x38;
	[tilespmem:$0x1DC00] =	vst v63  }
0x330: {  	s2 =	rddreg [dreg:$0xf];
	s19 =	simm.s32 $0x1C380  }
0x331: {  	[tilespmem:s19], [sflag:$0x8] =	stream.linear.gather [hbm4b:s14+s4], $0x80, $0x38;
	[tilespmem:$0x1DC00] =	vst v63  }
0x332: {  	s14 =	rddreg [dreg:$0x10];
	s19 =	simm.s32 $0x1C400  }
0x333: {  	[tilespmem:s19], [sflag:$0x8] =	stream.linear.gather [hbm4b:s2+s4], $0x80, $0x38;
	[tilespmem:$0x1DC00] =	vst v63  }
0x334: {  	s2 =	rddreg [dreg:$0x11];
	s19 =	simm.s32 $0x1C480  }
0x335: {  	[tilespmem:s19], [sflag:$0x8] =	stream.linear.gather [hbm4b:s14+s4], $0x80, $0x38;
	[tilespmem:$0x1DC00] =	vst v63  }
0x336: {  	s14 =	rddreg [dreg:$0x12];
	s19 =	simm.s32 $0x1C500  }
0x337: {  	[tilespmem:s19], [sflag:$0x8] =	stream.linear.gather [hbm4b:s2+s4], $0x80, $0x38;
	[tilespmem:$0x1DC00] =	vst v63  }
0x338: {  	s2 =	rddreg [dreg:$0x13];
	s19 =	simm.s32 $0x1C580  }
0x339: {  	[tilespmem:s19], [sflag:$0x8] =	stream.linear.gather [hbm4b:s14+s4], $0x80, $0x38;
	[tilespmem:$0x1DC00] =	vst v63  }
0x33a: {  	s14 =	rddreg [dreg:$0x14];
	s19 =	simm.s32 $0x1C600  }
0x33b: {  	[tilespmem:s19], [sflag:$0x8] =	stream.linear.gather [hbm4b:s2+s4], $0x80, $0x38;
	[tilespmem:$0x1DC00] =	vst v63  }
0x33c: {  	s2 =	rddreg [dreg:$0x15];
	s19 =	simm.s32 $0x1C680  }
0x33d: {  	[tilespmem:s19], [sflag:$0x8] =	stream.linear.gather [hbm4b:s14+s4], $0x80, $0x38;
	[tilespmem:$0x1DC00] =	vst v63  }
0x33e: {  	s14 =	rddreg [dreg:$0x16];
	s19 =	simm.s32 $0x1C700  }
0x33f: {  	[tilespmem:s19], [sflag:$0x8] =	stream.linear.gather [hbm4b:s2+s4], $0x80, $0x38;
	[tilespmem:$0x1DC00] =	vst v63  }
0x340: {  	s2 =	rddreg [dreg:$0x17];
	s19 =	simm.s32 $0x1C780  }
0x341: {  	[tilespmem:s19], [sflag:$0x8] =	stream.linear.gather [hbm4b:s14+s4], $0x80, $0x38;
	[tilespmem:$0x1DC00] =	vst v63  }
0x342: {  	s14 =	rddreg [dreg:$0x18];
	s19 =	simm.s32 $0x1C800  }
0x343: {  	[tilespmem:s19], [sflag:$0x8] =	stream.linear.gather [hbm4b:s2+s4], $0x80, $0x38;
	[tilespmem:$0x1DC00] =	vst v63  }
0x344: {  	s2 =	rddreg [dreg:$0x19];
	s19 =	simm.s32 $0x1C880  }
0x345: {  	[tilespmem:s19], [sflag:$0x8] =	stream.linear.gather [hbm4b:s14+s4], $0x80, $0x38;
	[tilespmem:$0x1DC00] =	vst v63  }
0x346: {  	s14 =	rddreg [dreg:$0x1a];
	s19 =	simm.s32 $0x1C900  }
0x347: {  	[tilespmem:s19], [sflag:$0x8] =	stream.linear.gather [hbm4b:s2+s4], $0x80, $0x38;
	[tilespmem:$0x1DC00] =	vst v63  }
0x348: {  	s2 =	rddreg [dreg:$0x1b];
	s19 =	simm.s32 $0x1C980  }
0x349: {  	[tilespmem:s19], [sflag:$0x8] =	stream.linear.gather [hbm4b:s14+s4], $0x80, $0x38;
	[tilespmem:$0x1DC00] =	vst v63  }
0x34a: {  	s14 =	rddreg [dreg:$0x1c];
	s19 =	simm.s32 $0x1CA00  }
0x34b: {  	[tilespmem:s19], [sflag:$0x8] =	stream.linear.gather [hbm4b:s2+s4], $0x80, $0x38;
	[tilespmem:$0x1DC00] =	vst v63  }
0x34c: {  	s2 =	rddreg [dreg:$0x1d];
	s19 =	simm.s32 $0x1CA80  }
0x34d: {  	[tilespmem:s19], [sflag:$0x8] =	stream.linear.gather [hbm4b:s14+s4], $0x80, $0x38;
	[tilespmem:$0x1DC00] =	vst v63  }
0x34e: {  	s14 =	rddreg [dreg:$0x1e];
	s19 =	simm.s32 $0x1CB00  }
0x34f: {  	[tilespmem:s19], [sflag:$0x8] =	stream.linear.gather [hbm4b:s2+s4], $0x80, $0x38;
	[tilespmem:$0x1DC00] =	vst v63  }
0x350: {  	s2 =	rddreg [dreg:$0x1f];
	s19 =	simm.s32 $0x1CB80  }
0x351: {  	[tilespmem:s19], [sflag:$0x8] =	stream.linear.gather [hbm4b:s14+s4], $0x80, $0x38;
	[tilespmem:$0x1DC00] =	vst v63  }
0x352: {  	s14 =	sld [smem:$0x7E4]  }
0x353: {  	[tilespmem:s4], [sflag:$0x1] =	stream.linear.gather [hbm4b:s2+s4], $0x4000, $0x38;
	[tilespmem:$0x1DC00] =	vst v63  }
0x354: {  	s2 =	sld [smem:$0x7E5]  }
0x355: {  	[tilespmem:s13], [sflag:$0x2] =	stream.linear.gather [hbm4b:s14+s4], $0x4000, $0x38;
	[tilespmem:$0x1DC00] =	vst v63  }
0x356: {  	s14 =	sld [smem:$0x7E6]  }
0x357: {  	[tilespmem:s30], [sflag:$0x3] =	stream.linear.gather [hbm4b:s2+s4], $0x4000, $0x38;
	[tilespmem:$0x1DC00] =	vst v63  }
0x358: {  	s2 =	sld [smem:$0x7E7]  }
0x359: {  	[tilespmem:s0], [sflag:$0x4] =	stream.linear.gather [hbm4b:s14+s4], $0x4000, $0x38;
	[tilespmem:$0x1DC00] =	vst v63  }
0x35a: {  	s14 =	sld [smem:$0x7E8]  }
0x35b: {  	[tilespmem:s17], [sflag:$0x5] =	stream.linear.gather [hbm4b:s2+s4], $0x4000, $0x38;
	[tilespmem:$0x1DC00] =	vst v63  }
0x35c: {  	s2 =	sld [smem:$0x7E9]  }
0x35d: {  	[tilespmem:s28], [sflag:$0x6] =	stream.linear.gather [hbm4b:s14+s4], $0x4000, $0x38;
	[tilespmem:$0x1DC00] =	vst v63  }
0x35e: {  	_ = 	snop  }
0x35f: {  	[tilespmem:s5], [sflag:$0x7] =	stream.linear.gather [hbm4b:s2+s4], $0x4000, $0x38;
	[tilespmem:$0x1DC00] =	vst v63  }
0x360: {  	_ =	swait.ge [sflag:s31], $0x80  }
0x361: {  	[sflag:s31] =	ssyncset.done $0x0  }
0x362: {  	[sflag:s31] =	ssyncadd.s32 $0xFFFFFF80  }
0x363: {  	_ =	swait.ge [sflag:s31], $0x80  }
0x364: {  	[sflag:s31] =	ssyncset.done $0x0  }
0x365: {  	[sflag:s31] =	ssyncadd.s32 $0xFFFFFF80  }
0x366: {  	_ =	swait.ge [sflag:s31], $0x80  }
0x367: {  	[sflag:s31] =	ssyncset.done $0x0  }
0x368: {  	[sflag:s31] =	ssyncadd.s32 $0xFFFFFF80  }
0x369: {  	_ =	swait.ge [sflag:s31], $0x80  }
0x36a: {  	[sflag:s31] =	ssyncset.done $0x0  }
0x36b: {  	[sflag:s31] =	ssyncadd.s32 $0xFFFFFF80  }
0x36c: {  	_ =	swait.ge [sflag:s31], $0x80  }
0x36d: {  	[sflag:s31] =	ssyncset.done $0x0  }
0x36e: {  	[sflag:s31] =	ssyncadd.s32 $0xFFFFFF80  }
0x36f: {  	_ =	swait.ge [sflag:s31], $0x80  }
0x370: {  	[sflag:s31] =	ssyncset.done $0x0  }
0x371: {  	[sflag:s31] =	ssyncadd.s32 $0xFFFFFF80  }
0x372: {  	_ =	swait.ge [sflag:s31], $0x80  }
0x373: {  	[sflag:s31] =	ssyncset.done $0x0  }
0x374: {  	[sflag:s31] =	ssyncadd.s32 $0xFFFFFF80  }
0x375: {  	_ =	swait.ge [sflag:s31], $0x80  }
0x376: {  	[sflag:s31] =	ssyncset.done $0x0  }
0x377: {  	[sflag:s31] =	ssyncadd.s32 $0xFFFFFF80  }
0x378: {  	_ =	swait.ge [sflag:s31], $0x80  }
0x379: {  	[sflag:s31] =	ssyncset.done $0x0  }
0x37a: {  	[sflag:s31] =	ssyncadd.s32 $0xFFFFFF80  }
0x37b: {  	_ =	swait.ge [sflag:s31], $0x80  }
0x37c: {  	[sflag:s31] =	ssyncset.done $0x0  }
0x37d: {  	[sflag:s31] =	ssyncadd.s32 $0xFFFFFF80  }
0x37e: {  	_ =	swait.ge [sflag:s31], $0x80  }
0x37f: {  	[sflag:s31] =	ssyncset.done $0x0  }
0x380: {  	[sflag:s31] =	ssyncadd.s32 $0xFFFFFF80  }
0x381: {  	_ =	swait.ge [sflag:s31], $0x80  }
0x382: {  	[sflag:s31] =	ssyncset.done $0x0  }
0x383: {  	[sflag:s31] =	ssyncadd.s32 $0xFFFFFF80  }
0x384: {  	_ =	swait.ge [sflag:s31], $0x80  }
0x385: {  	[sflag:s31] =	ssyncset.done $0x0  }
0x386: {  	[sflag:s31] =	ssyncadd.s32 $0xFFFFFF80  }
0x387: {  	_ =	swait.ge [sflag:s31], $0x80  }
0x388: {  	[sflag:s31] =	ssyncset.done $0x0  }
0x389: {  	[sflag:s31] =	ssyncadd.s32 $0xFFFFFF80  }
0x38a: {  	_ =	swait.ge [sflag:s31], $0x80  }
0x38b: {  	[sflag:s31] =	ssyncset.done $0x0  }
0x38c: {  	[sflag:s31] =	ssyncadd.s32 $0xFFFFFF80  }
0x38d: {  	_ =	swait.ge [sflag:s31], $0x80  }
0x38e: {  	[sflag:s31] =	ssyncset.done $0x0  }
0x38f: {  	[sflag:s31] =	ssyncadd.s32 $0xFFFFFF80  }
0x390: {  	_ =	swait.ge [sflag:s31], $0x80  }
0x391: {  	[sflag:s31] =	ssyncset.done $0x0  }
0x392: {  	[sflag:s31] =	ssyncadd.s32 $0xFFFFFF80  }
0x393: {  	_ =	swait.ge [sflag:s31], $0x80  }
0x394: {  	[sflag:s31] =	ssyncset.done $0x0  }
0x395: {  	[sflag:s31] =	ssyncadd.s32 $0xFFFFFF80  }
0x396: {  	_ =	swait.ge [sflag:s31], $0x80  }
0x397: {  	[sflag:s31] =	ssyncset.done $0x0  }
0x398: {  	[sflag:s31] =	ssyncadd.s32 $0xFFFFFF80  }
0x399: {  	_ =	swait.ge [sflag:s31], $0x80  }
0x39a: {  	[sflag:s31] =	ssyncset.done $0x0  }
0x39b: {  	[sflag:s31] =	ssyncadd.s32 $0xFFFFFF80  }
0x39c: {  	_ =	swait.ge [sflag:s31], $0x80  }
0x39d: {  	[sflag:s31] =	ssyncset.done $0x0  }
0x39e: {  	[sflag:s31] =	ssyncadd.s32 $0xFFFFFF80  }
0x39f: {  	_ =	swait.ge [sflag:s31], $0x80  }
0x3a0: {  	[sflag:s31] =	ssyncset.done $0x0  }
0x3a1: {  	[sflag:s31] =	ssyncadd.s32 $0xFFFFFF80  }
0x3a2: {  	_ =	swait.ge [sflag:s31], $0x80  }
0x3a3: {  	[sflag:s31] =	ssyncset.done $0x0  }
0x3a4: {  	[sflag:s31] =	ssyncadd.s32 $0xFFFFFF80  }
0x3a5: {  	_ =	swait.ge [sflag:s31], $0x80  }
0x3a6: {  	[sflag:s31] =	ssyncset.done $0x0  }
0x3a7: {  	s14 =	simm.s32 $0x10;
	[sflag:s31] =	ssyncadd.s32 $0xFFFFFF80  }
0x3a8: {  	_ =	swait.ge [sflag:s14], $0x200  }
0x3a9: {  	[sflag:s14] =	ssyncset.done $0x0  }
0x3aa: {  	[sflag:s14] =	ssyncadd.s32 $0xFFFFFE00  }
0x3ab: {  	[bflag:$0x0] =	sbarrier.arrive $0xFFFF  }
0x3ac: {  	_ =	swait.ge [sflag:s24], $0x4000  }
0x3ad: {  	[sflag:s24] =	ssyncset.done $0x0  }
0x3ae: {  	[sflag:s24] =	ssyncadd.s32 $0xFFFFC000  }
0x3af: {  	[spmem:s3] =	stream.indirect.scatter.add.f32 [tilespmem:s4], [sflag:$0x9], $0x80, s18, s16, $0xb8;
	[tilespmem:$0x1DC00] =	vst v63  }
0x3b0: {  	_ =	swait.ge [sflag:s21], $0x4000  }
0x3b1: {  	[sflag:s21] =	ssyncset.done $0x0  }
0x3b2: {  	s26 =	simm.s32 $0x1C080;
	[sflag:s21] =	ssyncadd.s32 $0xFFFFC000  }
0x3b3: {  	[spmem:s3] =	stream.indirect.scatter.add.f32 [tilespmem:s13], [sflag:$0xA], $0x80, s26, s16, $0xb8;
	[tilespmem:$0x1DC00] =	vst v63  }
0x3b4: {  	_ =	swait.ge [sflag:s9], $0x4000  }
0x3b5: {  	s31 =	sld [smem:$0x7EA]  }
0x3b6: {  	[sflag:s9] =	ssyncset.done $0x0  }
0x3b7: {  	[sflag:s9] =	ssyncadd.s32 $0xFFFFC000  }
0x3b8: {  	[tilespmem:s4], [sflag:$0x1] =	stream.linear.gather [hbm4b:s31+s4], $0x4000, $0x38;
	[tilespmem:$0x1DC00] =	vst v63  }
0x3b9: {  	_ =	swait.ge [sflag:s6], $0x4000  }
0x3ba: {  	[sflag:s6] =	ssyncset.done $0x0  }
0x3bb: {  	s29 =	simm.s32 $0x1C100;
	[sflag:s6] =	ssyncadd.s32 $0xFFFFC000  }
0x3bc: {  	[spmem:s3] =	stream.indirect.scatter.add.f32 [tilespmem:s30], [sflag:$0xB], $0x80, s29, s16, $0xb8;
	[tilespmem:$0x1DC00] =	vst v63  }
0x3bd: {  	_ =	swait.ge [sflag:s7], $0x4000  }
0x3be: {  	s6 =	sld [smem:$0x7EB]  }
0x3bf: {  	[sflag:s7] =	ssyncset.done $0x0  }
0x3c0: {  	[sflag:s7] =	ssyncadd.s32 $0xFFFFC000  }
0x3c1: {  	[tilespmem:s13], [sflag:$0x2] =	stream.linear.gather [hbm4b:s6+s4], $0x4000, $0x38;
	[tilespmem:$0x1DC00] =	vst v63  }
0x3c2: {  	_ =	swait.ge [sflag:s15], $0x4000  }
0x3c3: {  	[sflag:s15] =	ssyncset.done $0x0  }
0x3c4: {  	s14 =	simm.s32 $0x1C180;
	s6 =	simm.s32 $0xB;
	[sflag:s15] =	ssyncadd.s32 $0xFFFFC000  }
0x3c5: {  	[spmem:s3] =	stream.indirect.scatter.add.f32 [tilespmem:s0], [sflag:$0xC], $0x80, s14, s16, $0xb8;
	[tilespmem:$0x1DC00] =	vst v63  }
0x3c6: {  	_ =	swait.ge [sflag:s6], $0x4000  }
0x3c7: {  	s18 =	sld [smem:$0x7EC]  }
0x3c8: {  	[sflag:s6] =	ssyncset.done $0x0  }
0x3c9: {  	[sflag:s6] =	ssyncadd.s32 $0xFFFFC000  }
0x3ca: {  	[tilespmem:s30], [sflag:$0x3] =	stream.linear.gather [hbm4b:s18+s4], $0x4000, $0x38;
	[tilespmem:$0x1DC00] =	vst v63  }
0x3cb: {  	_ =	swait.ge [sflag:s12], $0x4000  }
0x3cc: {  	[sflag:s12] =	ssyncset.done $0x0  }
0x3cd: {  	s26 =	simm.s32 $0x1C200;
	[sflag:s12] =	ssyncadd.s32 $0xFFFFC000  }
0x3ce: {  	[spmem:s3] =	stream.indirect.scatter.add.f32 [tilespmem:s17], [sflag:$0xD], $0x80, s26, s16, $0xb8;
	[tilespmem:$0x1DC00] =	vst v63  }
0x3cf: {  	_ =	swait.ge [sflag:s23], $0x4000  }
0x3d0: {  	s29 =	sld [smem:$0x7ED]  }
0x3d1: {  	[sflag:s23] =	ssyncset.done $0x0  }
0x3d2: {  	[sflag:s23] =	ssyncadd.s32 $0xFFFFC000  }
0x3d3: {  	[tilespmem:s0], [sflag:$0x4] =	stream.linear.gather [hbm4b:s29+s4], $0x4000, $0x38;
	[tilespmem:$0x1DC00] =	vst v63  }
0x3d4: {  	_ =	swait.ge [sflag:s10], $0x4000  }
0x3d5: {  	[sflag:s10] =	ssyncset.done $0x0  }
0x3d6: {  	s31 =	simm.s32 $0x1C280;
	[sflag:s10] =	ssyncadd.s32 $0xFFFFC000  }
0x3d7: {  	[spmem:s3] =	stream.indirect.scatter.add.f32 [tilespmem:s28], [sflag:$0xE], $0x80, s31, s16, $0xb8;
	[tilespmem:$0x1DC00] =	vst v63  }
0x3d8: {  	_ =	swait.ge [sflag:s22], $0x4000  }
0x3d9: {  	s18 =	sld [smem:$0x7EE]  }
0x3da: {  	[sflag:s22] =	ssyncset.done $0x0  }
0x3db: {  	[sflag:s22] =	ssyncadd.s32 $0xFFFFC000  }
0x3dc: {  	[tilespmem:s17], [sflag:$0x5] =	stream.linear.gather [hbm4b:s18+s4], $0x4000, $0x38;
	[tilespmem:$0x1DC00] =	vst v63  }
0x3dd: {  	_ =	swait.ge [sflag:s1], $0x4000  }
0x3de: {  	[sflag:s1] =	ssyncset.done $0x0  }
0x3df: {  	s26 =	simm.s32 $0x1C300;
	[sflag:s1] =	ssyncadd.s32 $0xFFFFC000  }
0x3e0: {  	[spmem:s3] =	stream.indirect.scatter.add.f32 [tilespmem:s5], [sflag:$0xF], $0x80, s26, s16, $0xb8;
	[tilespmem:$0x1DC00] =	vst v63  }
0x3e1: {  	_ =	swait.ge [sflag:s20], $0x4000  }
0x3e2: {  	s29 =	sld [smem:$0x7EF]  }
0x3e3: {  	[sflag:s20] =	ssyncset.done $0x0  }
0x3e4: {  	[sflag:s20] =	ssyncadd.s32 $0xFFFFC000  }
0x3e5: {  	[tilespmem:s28], [sflag:$0x6] =	stream.linear.gather [hbm4b:s29+s4], $0x4000, $0x38;
	[tilespmem:$0x1DC00] =	vst v63  }
0x3e6: {  	_ =	swait.ge [sflag:s24], $0x4000  }
0x3e7: {  	[sflag:s24] =	ssyncset.done $0x0  }
0x3e8: {  	s31 =	simm.s32 $0x1C380;
	[sflag:s24] =	ssyncadd.s32 $0xFFFFC000  }
0x3e9: {  	[spmem:s3] =	stream.indirect.scatter.add.f32 [tilespmem:s4], [sflag:$0x9], $0x80, s31, s16, $0xb8;
	[tilespmem:$0x1DC00] =	vst v63  }
0x3ea: {  	_ =	swait.ge [sflag:s11], $0x4000  }
0x3eb: {  	s18 =	sld [smem:$0x7F0]  }
0x3ec: {  	[sflag:s11] =	ssyncset.done $0x0  }
0x3ed: {  	[sflag:s11] =	ssyncadd.s32 $0xFFFFC000  }
0x3ee: {  	[tilespmem:s5], [sflag:$0x7] =	stream.linear.gather [hbm4b:s18+s4], $0x4000, $0x38;
	[tilespmem:$0x1DC00] =	vst v63  }
0x3ef: {  	_ =	swait.ge [sflag:s21], $0x4000  }
0x3f0: {  	[sflag:s21] =	ssyncset.done $0x0  }
0x3f1: {  	s26 =	simm.s32 $0x1C400;
	[sflag:s21] =	ssyncadd.s32 $0xFFFFC000  }
0x3f2: {  	[spmem:s3] =	stream.indirect.scatter.add.f32 [tilespmem:s13], [sflag:$0xA], $0x80, s26, s16, $0xb8;
	[tilespmem:$0x1DC00] =	vst v63  }
0x3f3: {  	_ =	swait.ge [sflag:s9], $0x4000  }
0x3f4: {  	s29 =	sld [smem:$0x7F1]  }
0x3f5: {  	[sflag:s9] =	ssyncset.done $0x0  }
0x3f6: {  	s14 =	simm.s32 $0x3;
	[sflag:s9] =	ssyncadd.s32 $0xFFFFC000  }
0x3f7: {  	[tilespmem:s4], [sflag:$0x1] =	stream.linear.gather [hbm4b:s29+s4], $0x4000, $0x38;
	[tilespmem:$0x1DC00] =	vst v63  }
0x3f8: {  	_ =	swait.ge [sflag:s14], $0x4000  }
0x3f9: {  	[sflag:s14] =	ssyncset.done $0x0  }
0x3fa: {  	s31 =	simm.s32 $0x1C480;
	[sflag:s14] =	ssyncadd.s32 $0xFFFFC000  }
0x3fb: {  	[spmem:s3] =	stream.indirect.scatter.add.f32 [tilespmem:s30], [sflag:$0xB], $0x80, s31, s16, $0xb8;
	[tilespmem:$0x1DC00] =	vst v63  }
0x3fc: {  	_ =	swait.ge [sflag:s7], $0x4000  }
0x3fd: {  	s18 =	sld [smem:$0x7F2]  }
0x3fe: {  	[sflag:s7] =	ssyncset.done $0x0  }
0x3ff: {  	[sflag:s7] =	ssyncadd.s32 $0xFFFFC000  }
0x400: {  	[tilespmem:s13], [sflag:$0x2] =	stream.linear.gather [hbm4b:s18+s4], $0x4000, $0x38;
	[tilespmem:$0x1DC00] =	vst v63  }
0x401: {  	_ =	swait.ge [sflag:s15], $0x4000  }
0x402: {  	[sflag:s15] =	ssyncset.done $0x0  }
0x403: {  	s26 =	simm.s32 $0x1C500;
	[sflag:s15] =	ssyncadd.s32 $0xFFFFC000  }
0x404: {  	[spmem:s3] =	stream.indirect.scatter.add.f32 [tilespmem:s0], [sflag:$0xC], $0x80, s26, s16, $0xb8;
	[tilespmem:$0x1DC00] =	vst v63  }
0x405: {  	_ =	swait.ge [sflag:s6], $0x4000  }
0x406: {  	s29 =	sld [smem:$0x7F3]  }
0x407: {  	[sflag:s6] =	ssyncset.done $0x0  }
0x408: {  	[sflag:s6] =	ssyncadd.s32 $0xFFFFC000  }
0x409: {  	[tilespmem:s30], [sflag:$0x3] =	stream.linear.gather [hbm4b:s29+s4], $0x4000, $0x38;
	[tilespmem:$0x1DC00] =	vst v63  }
0x40a: {  	_ =	swait.ge [sflag:s12], $0x4000  }
0x40b: {  	[sflag:s12] =	ssyncset.done $0x0  }
0x40c: {  	s31 =	simm.s32 $0x1C580;
	[sflag:s12] =	ssyncadd.s32 $0xFFFFC000  }
0x40d: {  	[spmem:s3] =	stream.indirect.scatter.add.f32 [tilespmem:s17], [sflag:$0xD], $0x80, s31, s16, $0xb8;
	[tilespmem:$0x1DC00] =	vst v63  }
0x40e: {  	_ =	swait.ge [sflag:s23], $0x4000  }
0x40f: {  	s18 =	sld [smem:$0x7F4]  }
0x410: {  	[sflag:s23] =	ssyncset.done $0x0  }
0x411: {  	[sflag:s23] =	ssyncadd.s32 $0xFFFFC000  }
0x412: {  	[tilespmem:s0], [sflag:$0x4] =	stream.linear.gather [hbm4b:s18+s4], $0x4000, $0x38;
	[tilespmem:$0x1DC00] =	vst v63  }
0x413: {  	_ =	swait.ge [sflag:s10], $0x4000  }
0x414: {  	[sflag:s10] =	ssyncset.done $0x0  }
0x415: {  	s26 =	simm.s32 $0x1C600;
	[sflag:s10] =	ssyncadd.s32 $0xFFFFC000  }
0x416: {  	[spmem:s3] =	stream.indirect.scatter.add.f32 [tilespmem:s28], [sflag:$0xE], $0x80, s26, s16, $0xb8;
	[tilespmem:$0x1DC00] =	vst v63  }
0x417: {  	_ =	swait.ge [sflag:s22], $0x4000  }
0x418: {  	s29 =	sld [smem:$0x7F5]  }
0x419: {  	[sflag:s22] =	ssyncset.done $0x0  }
0x41a: {  	[sflag:s22] =	ssyncadd.s32 $0xFFFFC000  }
0x41b: {  	[tilespmem:s17], [sflag:$0x5] =	stream.linear.gather [hbm4b:s29+s4], $0x4000, $0x38;
	[tilespmem:$0x1DC00] =	vst v63  }
0x41c: {  	_ =	swait.ge [sflag:s1], $0x4000  }
0x41d: {  	[sflag:s1] =	ssyncset.done $0x0  }
0x41e: {  	s31 =	simm.s32 $0x1C680;
	[sflag:s1] =	ssyncadd.s32 $0xFFFFC000  }
0x41f: {  	[spmem:s3] =	stream.indirect.scatter.add.f32 [tilespmem:s5], [sflag:$0xF], $0x80, s31, s16, $0xb8;
	[tilespmem:$0x1DC00] =	vst v63  }
0x420: {  	_ =	swait.ge [sflag:s20], $0x4000  }
0x421: {  	s18 =	sld [smem:$0x7F6]  }
0x422: {  	[sflag:s20] =	ssyncset.done $0x0  }
0x423: {  	[sflag:s20] =	ssyncadd.s32 $0xFFFFC000  }
0x424: {  	[tilespmem:s28], [sflag:$0x6] =	stream.linear.gather [hbm4b:s18+s4], $0x4000, $0x38;
	[tilespmem:$0x1DC00] =	vst v63  }
0x425: {  	_ =	swait.ge [sflag:s24], $0x4000  }
0x426: {  	[sflag:s24] =	ssyncset.done $0x0  }
0x427: {  	s26 =	simm.s32 $0x1C700;
	[sflag:s24] =	ssyncadd.s32 $0xFFFFC000  }
0x428: {  	[spmem:s3] =	stream.indirect.scatter.add.f32 [tilespmem:s4], [sflag:$0x9], $0x80, s26, s16, $0xb8;
	[tilespmem:$0x1DC00] =	vst v63  }
0x429: {  	_ =	swait.ge [sflag:s11], $0x4000  }
0x42a: {  	s29 =	sld [smem:$0x7F8]  }
0x42b: {  	[sflag:s11] =	ssyncset.done $0x0  }
0x42c: {  	[sflag:s11] =	ssyncadd.s32 $0xFFFFC000  }
0x42d: {  	[tilespmem:s5], [sflag:$0x7] =	stream.linear.gather [hbm4b:s29+s4], $0x4000, $0x38;
	[tilespmem:$0x1DC00] =	vst v63  }
0x42e: {  	_ =	swait.ge [sflag:s21], $0x4000  }
0x42f: {  	[sflag:s21] =	ssyncset.done $0x0  }
0x430: {  	s31 =	simm.s32 $0x1C780;
	[sflag:s21] =	ssyncadd.s32 $0xFFFFC000  }
0x431: {  	[spmem:s3] =	stream.indirect.scatter.add.f32 [tilespmem:s13], [sflag:$0xA], $0x80, s31, s16, $0xb8;
	[tilespmem:$0x1DC00] =	vst v63  }
0x432: {  	_ =	swait.ge [sflag:s9], $0x4000  }
0x433: {  	s18 =	sld [smem:$0x7F9]  }
0x434: {  	[sflag:s9] =	ssyncset.done $0x0  }
0x435: {  	[sflag:s9] =	ssyncadd.s32 $0xFFFFC000  }
0x436: {  	[tilespmem:s4], [sflag:$0x1] =	stream.linear.gather [hbm4b:s18+s4], $0x4000, $0x38;
	[tilespmem:$0x1DC00] =	vst v63  }
0x437: {  	_ =	swait.ge [sflag:s14], $0x4000  }
0x438: {  	[sflag:s14] =	ssyncset.done $0x0  }
0x439: {  	s26 =	simm.s32 $0x1C800;
	[sflag:s14] =	ssyncadd.s32 $0xFFFFC000  }
0x43a: {  	[spmem:s3] =	stream.indirect.scatter.add.f32 [tilespmem:s30], [sflag:$0xB], $0x80, s26, s16, $0xb8;
	[tilespmem:$0x1DC00] =	vst v63  }
0x43b: {  	_ =	swait.ge [sflag:s7], $0x4000  }
0x43c: {  	s29 =	sld [smem:$0x7FA]  }
0x43d: {  	[sflag:s7] =	ssyncset.done $0x0  }
0x43e: {  	[sflag:s7] =	ssyncadd.s32 $0xFFFFC000  }
0x43f: {  	[tilespmem:s13], [sflag:$0x2] =	stream.linear.gather [hbm4b:s29+s4], $0x4000, $0x38;
	[tilespmem:$0x1DC00] =	vst v63  }
0x440: {  	_ =	swait.ge [sflag:s15], $0x4000  }
0x441: {  	[sflag:s15] =	ssyncset.done $0x0  }
0x442: {  	s31 =	simm.s32 $0x1C880;
	[sflag:s15] =	ssyncadd.s32 $0xFFFFC000  }
0x443: {  	[spmem:s3] =	stream.indirect.scatter.add.f32 [tilespmem:s0], [sflag:$0xC], $0x80, s31, s16, $0xb8;
	[tilespmem:$0x1DC00] =	vst v63  }
0x444: {  	_ =	swait.ge [sflag:s6], $0x4000  }
0x445: {  	s2 =	sld [smem:$0x7FB]  }
0x446: {  	[sflag:s6] =	ssyncset.done $0x0  }
0x447: {  	[sflag:s6] =	ssyncadd.s32 $0xFFFFC000  }
0x448: {  	[tilespmem:s30], [sflag:$0x3] =	stream.linear.gather [hbm4b:s2+s4], $0x4000, $0x38;
	[tilespmem:$0x1DC00] =	vst v63  }
0x449: {  	_ =	swait.ge [sflag:s12], $0x4000  }
0x44a: {  	[sflag:s12] =	ssyncset.done $0x0  }
0x44b: {  	s15 =	simm.s32 $0x1C900;
	[sflag:s12] =	ssyncadd.s32 $0xFFFFC000  }
0x44c: {  	[spmem:s3] =	stream.indirect.scatter.add.f32 [tilespmem:s17], [sflag:$0xD], $0x80, s15, s16, $0xb8;
	[tilespmem:$0x1DC00] =	vst v63  }
0x44d: {  	_ =	swait.ge [sflag:s10], $0x4000  }
0x44e: {  	[sflag:s10] =	ssyncset.done $0x0  }
0x44f: {  	s17 =	simm.s32 $0x1C980;
	[sflag:s10] =	ssyncadd.s32 $0xFFFFC000  }
0x450: {  	[spmem:s3] =	stream.indirect.scatter.add.f32 [tilespmem:s28], [sflag:$0xE], $0x80, s17, s16, $0xb8;
	[tilespmem:$0x1DC00] =	vst v63  }
0x451: {  	_ =	swait.ge [sflag:s1], $0x4000  }
0x452: {  	[sflag:s1] =	ssyncset.done $0x0  }
0x453: {  	s18 =	simm.s32 $0x1CA00;
	[sflag:s1] =	ssyncadd.s32 $0xFFFFC000  }
0x454: {  	[spmem:s3] =	stream.indirect.scatter.add.f32 [tilespmem:s5], [sflag:$0xF], $0x80, s18, s16, $0xb8;
	[tilespmem:$0x1DC00] =	vst v63  }
0x455: {  	_ =	swait.ge [sflag:s24], $0x4000  }
0x456: {  	[sflag:s24] =	ssyncset.done $0x0  }
0x457: {  	s26 =	simm.s32 $0x1CA80;
	[sflag:s24] =	ssyncadd.s32 $0xFFFFC000  }
0x458: {  	[spmem:s3] =	stream.indirect.scatter.add.f32 [tilespmem:s4], [sflag:$0x9], $0x80, s26, s16, $0xb8;
	[tilespmem:$0x1DC00] =	vst v63  }
0x459: {  	_ =	swait.ge [sflag:s21], $0x4000  }
0x45a: {  	[sflag:s21] =	ssyncset.done $0x0  }
0x45b: {  	s28 =	simm.s32 $0x1CB00;
	[sflag:s21] =	ssyncadd.s32 $0xFFFFC000  }
0x45c: {  	[spmem:s3] =	stream.indirect.scatter.add.f32 [tilespmem:s13], [sflag:$0xA], $0x80, s28, s16, $0xb8;
	[tilespmem:$0x1DC00] =	vst v63  }
0x45d: {  	_ =	swait.ge [sflag:s14], $0x4000  }
0x45e: {  	[sflag:s14] =	ssyncset.done $0x0  }
0x45f: {  	[sflag:s14] =	ssyncadd.s32 $0xFFFFC000  }
0x460: {  	[spmem:s3] =	stream.indirect.scatter.add.f32 [tilespmem:s30], [sflag:$0xB], $0x80, s19, s16, $0xb8;
	[tilespmem:$0x1DC00] =	vst v63  }
0x461: {  	_ =	swait.ge [sflag:s23], $0x4000  }
0x462: {  	[sflag:s23] =	ssyncset.done $0x0  }
0x463: {  	[sflag:s23] =	ssyncadd.s32 $0xFFFFC000  }
0x464: {  	_ =	swait.ge [sflag:s22], $0x4000  }
0x465: {  	[sflag:s22] =	ssyncset.done $0x0  }
0x466: {  	[sflag:s22] =	ssyncadd.s32 $0xFFFFC000  }
0x467: {  	_ =	swait.ge [sflag:s20], $0x4000  }
0x468: {  	[sflag:s20] =	ssyncset.done $0x0  }
0x469: {  	[sflag:s20] =	ssyncadd.s32 $0xFFFFC000  }
0x46a: {  	_ =	swait.ge [sflag:s11], $0x4000  }
0x46b: {  	[sflag:s11] =	ssyncset.done $0x0  }
0x46c: {  	[sflag:s11] =	ssyncadd.s32 $0xFFFFC000  }
0x46d: {  	_ =	swait.ge [sflag:s9], $0x4000  }
0x46e: {  	[sflag:s9] =	ssyncset.done $0x0  }
0x46f: {  	[sflag:s9] =	ssyncadd.s32 $0xFFFFC000  }
0x470: {  	_ =	swait.ge [sflag:s7], $0x4000  }
0x471: {  	[sflag:s7] =	ssyncset.done $0x0  }
0x472: {  	[sflag:s7] =	ssyncadd.s32 $0xFFFFC000  }
0x473: {  	_ =	swait.ge [sflag:s6], $0x4000  }
0x474: {  	[sflag:s6] =	ssyncset.done $0x0  }
0x475: {  	[sflag:s6] =	ssyncadd.s32 $0xFFFFC000  }
0x476: {  	[bflag:$0x0] =	sbarrier.arrive $0xFFFF  }
0x477: {  	s30 =	sld [smem:$0x7E3]  }
0x478: {  	s29 =	sld [smem:$0x7FC];
	_ =	sdelay $0x1  }
0x479: {  	s1 =	sor.u32 $0x1C11, s30  }
0x47a: {  	[hbm:s29], [sflag:s1] =	dma.local [spmem:s25], $0x200  }
0x47b: {  	_ =	swait.ge [sflag:s8], $0x200  }
0x47c: {  	[sflag:s8] =	ssyncset.done $0x0  }
0x47d: {  	[sflag:s8] =	ssyncadd.s32 $0xFFFFFE00  }
0x47e: {  	_ =	sfence.sel $0x180000  }
0x47f: {  	[bflag:$0x0] =	sbarrier.arrive $0xFFFF  }
0x480: {  	_ =	strace $0x90000047  }
0x481: {  	s31 =	stileid.u32;
	[bflag:$0x2] =	sbarrier.arrive $0xFFFF  }
0x482: {  	p0 =	sne.s32 s31, $0x0;
	s0 =	rddreg [dreg:$0x4]  }
0x483: {  	s0 =	sadd.s32 @!p0 $0x100000, s0  }
0x484: {  	[sflag:s0] =	ssyncadd.tile.s32 @!p0 $0x1;
	_ =	shalt  }
.LBB2_1:
.Ltmp3:
0x485: {  	(pc) =	sbr.rel .LBB2_6-.Ltmp3, $2  }
0x486: {  	_ =	sdelay $0x2  }
0x487: {  	s25 =	sld [smem:$0x7FD]  }
.LBB2_7:
.Ltmp4:
0x488: {  	(pc) =	sbr.rel .LBB2_6-.Ltmp4, $4  }
0x489: {  	s25 =	sld [smem:$0x7FD]  }
0x48a: {  	s5 =	simm.s32 $0x18000;
	s28 =	simm.s32 $0x14000;
	s17 =	simm.s32 $0x10000  }
0x48b: {  	s0 =	simm.s32 $0xC000;
	s30 =	simm.s32 $0x8000;
	s13 =	simm.s32 $0x4000  }
0x48c: {  	s6 =	simm.s32 $0x3;
	s21 =	simm.s32 $0x2;
	s24 =	simm.s32 $0x1  }
.Lfunc_end2:
_tile_overlayer_lowered:
.L_overlay_start_2:
0x48d: {  	(tag) =	ssettag $0x2  }
0x48e: {  	s0 =	rddreg [dreg:$0x0];
	s2 =	stileid.u32  }
0x48f: {  	s1 =	rddreg [dreg:$0x1];
	p0 =	sne.s32 s2, $0x0  }
0x490: {  	s3 =	rddreg [dreg:$0x2];
	[bflag:$0x3] =	sbarrier.arrive $0xFFFF;
	s2 =	simm.s32 @!p0 $0x1C11  }
0x491: {  	[timem:s3], [sflag:s2] =	dma.local @!p0 [hbm:s0], s1  }
0x492: {  	s0 =	simm.s32 @!p0 $0x11  }
0x493: {  	_ =	swait.ge @!p0 [sflag:s0], s1  }
0x494: {  	s1 =	ssub.s32 @!p0 $0x0, s1;
	[sflag:s0] =	ssyncset.done @!p0 $0x0  }
0x495: {  	[sflag:s0] =	ssyncadd.s32 @!p0 s1  }
0x496: {  	[bflag:$0x3] =	sbarrier.arrive $0xFFFF  }
0x497: {  	_ =	shalt  }

</sc_bundles>
